<compile_context>
chip_gen: v7x
topology: tpu7x:2x2x1
jax: 0.10.2.dev20260603
libtpu: 0.0.44.dev20260713+nightly
codegen_flags: <defaults>
</compile_context>

<pallas_src>
import functools

import jax
import jax.numpy as jnp
from jax import lax
from jax.experimental import pallas as pl
from jax.experimental.pallas import tpu as pltpu
from jax.experimental.pallas import tpu_sc as plsc

EMBED_DIM = 64
BATCH = 16384
NUM_CORES = 2
NUM_SUBCORES = 16
NUM_WORKERS = NUM_CORES * NUM_SUBCORES

B_PER_W = 128
B_SC = NUM_WORKERS * B_PER_W
B_TC = BATCH - B_SC
N_SEMS = 8


def _sc_body(idx_hbm, table_hbm, out_hbm, idx_v, rows_v, sems):
    wid = lax.axis_index("s") * NUM_CORES + lax.axis_index("c")
    pltpu.sync_copy(idx_hbm.at[wid], idx_v)
    copies = []
    for g in range(B_PER_W // 16):
        vec = idx_v[pl.ds(g * 16, 16)]
        for k in range(16):
            j = g * 16 + k
            copies.append(
                pltpu.make_async_copy(
                    table_hbm.at[pl.ds(vec[k], 1)],
                    rows_v.at[pl.ds(j, 1)],
                    sems[j % N_SEMS],
                )
            )
    for cp in copies:
        cp.start()
    for cp in copies:
        cp.wait()
    pltpu.sync_copy(rows_v, out_hbm.at[wid])


@functools.partial(
    pl.kernel,
    out_type=jax.ShapeDtypeStruct(
        (NUM_WORKERS, B_PER_W, EMBED_DIM), jnp.float32
    ),
    mesh=plsc.VectorSubcoreMesh(core_axis_name="c", subcore_axis_name="s"),
    scratch_types=[
        pltpu.VMEM((B_PER_W,), jnp.int32),
        pltpu.VMEM((B_PER_W, EMBED_DIM), jnp.float32),
        [pltpu.SemaphoreType.DMA] * N_SEMS,
    ],
    compiler_params=pltpu.CompilerParams(skip_device_barrier=True),
)
def _sc_kernel(idx_hbm, table_hbm, out_hbm, idx_v, rows_v, sems):
    _sc_body(idx_hbm, table_hbm, out_hbm, idx_v, rows_v, sems)


UNROLL = 8


def _tc_body(idx_ref, w_ref, o_ref, sem):
    def issue(j, carry):
        base = j * UNROLL
        for k in range(UNROLL):
            pltpu.make_async_copy(
                w_ref.at[pl.ds(idx_ref[base + k], 1)],
                o_ref.at[pl.ds(base + k, 1)],
                sem,
            ).start()
        return carry

    lax.fori_loop(0, B_TC // UNROLL, issue, 0)
    pltpu.make_async_copy(w_ref.at[pl.ds(0, B_TC)], o_ref, sem).wait()


_tc_kernel = pl.pallas_call(
    _tc_body,
    grid_spec=pltpu.PrefetchScalarGridSpec(
        num_scalar_prefetch=1,
        grid=(1,),
        in_specs=[pl.BlockSpec(memory_space=pltpu.MemorySpace.HBM)],
        out_specs=pl.BlockSpec(memory_space=pltpu.MemorySpace.HBM),
        scratch_shapes=[pltpu.SemaphoreType.DMA],
    ),
    out_shape=jax.ShapeDtypeStruct((B_TC, EMBED_DIM), jnp.float32),
)


def kernel(input_, weight):
    idx = input_.astype(jnp.int32)
    idx_sc = idx[:B_SC].reshape(NUM_WORKERS, B_PER_W)
    idx_tc = idx[B_SC:]
    out_tc = _tc_kernel(idx_tc, weight)
    out_sc = _sc_kernel(idx_sc, weight)
    return jnp.concatenate(
        [out_sc.reshape(B_SC, EMBED_DIM), out_tc], axis=0
    )

# --- scband reference (transcript-rebuilt; emitter-appended) ---
"""Pipeline reference for scband-vocab-parallel-embedding3-d-42640435315420 (READ-ONLY COPY).

The authoritative reference and input builder live on the scoring server;
editing this copy changes nothing except your own understanding.
"""

import jax, jax.numpy as jnp
import numpy as np

NUM_EMBEDDINGS = 1000000
EMBED_DIM = 64
BATCH = 16384

# Single-device simulation: depth=1 => num_embeddings_per_partition = NUM_EMBEDDINGS,
# embed_dim_per_partition = EMBED_DIM, vocab_start_index=0, vocab_end_index=NUM_EMBEDDINGS.
# split_tensor / all_gather_weight_3d / reduce_scatter_tensor_3d are identity ops at depth=1.

def setup_inputs(seed: int = 0) -> dict:
    key = jax.random.key(seed)
    k1, k2 = jax.random.split(key)
    input_ = jax.random.randint(k1, (BATCH,), 0, NUM_EMBEDDINGS, dtype=jnp.int64 if jax.config.jax_enable_x64 else jnp.int32)
    weight = jax.random.normal(k2, (NUM_EMBEDDINGS, EMBED_DIM), dtype=jnp.float32) * 0.02
    return {"input_": input_, "weight": weight}

def reference(input_, weight):
    vocab_start_index = 0
    vocab_end_index = NUM_EMBEDDINGS
    # mask indices outside this partition's vocab range
    input_mask = (input_ < vocab_start_index) | (input_ >= vocab_end_index)
    masked_input = input_ - vocab_start_index
    masked_input = jnp.where(input_mask, 0, masked_input)
    # embedding lookup (gather)
    output_parallel = jnp.take(weight, masked_input, axis=0)
    # zero out rows whose indices were out of range
    output_parallel = jnp.where(input_mask[:, None], 0.0, output_parallel)
    return output_parallel

if __name__ == "__main__":
    import jax
    _d = setup_inputs()
    print(jax.jit(kernel)(*tuple(_d.values())))

</pallas_src>

<mosaic_0001>
#map = affine_map<(d0, d1) -> (0, 0)>
#map1 = affine_map<(d0, d1) -> (0, 0, 0)>
module attributes {stable_mosaic.version = 14 : i64} {
  func.func @_sc_kernel(%arg0: i32, %arg1: i32, %arg2: memref<32x128xi32, #tpu.memory_space<hbm>>, %arg3: memref<1000000x64xf32, #tpu.memory_space<hbm>>, %arg4: memref<32x128x64xf32, #tpu.memory_space<hbm>>, %arg5: memref<128xi32, #tpu.memory_space<vmem>>, %arg6: memref<128x64xf32, #tpu.memory_space<vmem>>, %arg7: memref<!tpu.dma_semaphore, #tpu.memory_space<semaphore_mem>>, %arg8: memref<!tpu.dma_semaphore, #tpu.memory_space<semaphore_mem>>, %arg9: memref<!tpu.dma_semaphore, #tpu.memory_space<semaphore_mem>>, %arg10: memref<!tpu.dma_semaphore, #tpu.memory_space<semaphore_mem>>, %arg11: memref<!tpu.dma_semaphore, #tpu.memory_space<semaphore_mem>>, %arg12: memref<!tpu.dma_semaphore, #tpu.memory_space<semaphore_mem>>, %arg13: memref<!tpu.dma_semaphore, #tpu.memory_space<semaphore_mem>>, %arg14: memref<!tpu.dma_semaphore, #tpu.memory_space<semaphore_mem>>) attributes {dimension_semantics = [#tpu.dimension_semantics<core_parallel>, #tpu.dimension_semantics<subcore_parallel>], iteration_bounds = array<i64: 2, 16>, scalar_prefetch = 0 : i64, scratch_operands = 10 : i64, tpu.core_type = #tpu.core_type<sc_vector_subcore>, window_params = [{transform_indices = #map}, {transform_indices = #map}, {transform_indices = #map1}]} {
    %mul3A = arith.constant 2 : i32
    %mul3A_0 = arith.muli %arg1, %mul3A : i32
    %add3A = arith.addi %mul3A_0, %arg0 : i32
    "tpu.region"() ({
      %run_scoped3A = tpu.sem_alloc : memref<!tpu.dma_semaphore, #tpu.memory_space<semaphore_mem>>
      %dma_start3A_2836 = arith.constant 0 : i32
      %dma_start3A_2837 = tpu.memref_slice %arg2[%add3A, %dma_start3A_2836] : memref<32x128xi32, #tpu.memory_space<hbm>> -> memref<1x128xi32, #tpu.memory_space<hbm>>
      %dma_start3A_2838 = tpu.memref_squeeze %dma_start3A_2837 : memref<1x128xi32, #tpu.memory_space<hbm>> -> memref<128xi32, #tpu.memory_space<hbm>>
      %dma_start3A_2839 = arith.constant 0 : i32
      %dma_start3A_2840 = tpu.memref_slice %arg2[%add3A, %dma_start3A_2839] : memref<32x128xi32, #tpu.memory_space<hbm>> -> memref<1x128xi32, #tpu.memory_space<hbm>>
      %dma_start3A_2841 = tpu.memref_squeeze %dma_start3A_2840 : memref<1x128xi32, #tpu.memory_space<hbm>> -> memref<128xi32, #tpu.memory_space<hbm>>
      tpu.enqueue_dma source(%dma_start3A_2841 : memref<128xi32, #tpu.memory_space<hbm>>) target(%arg5 : memref<128xi32, #tpu.memory_space<vmem>>) target_semaphore(%run_scoped3A : memref<!tpu.dma_semaphore, #tpu.memory_space<semaphore_mem>>)
      %dma_wait3A_2842 = arith.constant 0 : i32
      %dma_wait3A_2843 = tpu.memref_slice %arg2[%add3A, %dma_wait3A_2842] : memref<32x128xi32, #tpu.memory_space<hbm>> -> memref<1x128xi32, #tpu.memory_space<hbm>>
      %dma_wait3A_2844 = tpu.memref_squeeze %dma_wait3A_2843 : memref<1x128xi32, #tpu.memory_space<hbm>> -> memref<128xi32, #tpu.memory_space<hbm>>
      %dma_wait3A_2845 = arith.constant 0 : i32
      %dma_wait3A_2846 = tpu.memref_slice %arg2[%add3A, %dma_wait3A_2845] : memref<32x128xi32, #tpu.memory_space<hbm>> -> memref<1x128xi32, #tpu.memory_space<hbm>>
      %dma_wait3A_2847 = tpu.memref_squeeze %dma_wait3A_2846 : memref<1x128xi32, #tpu.memory_space<hbm>> -> memref<128xi32, #tpu.memory_space<hbm>>
      tpu.wait_dma2 semaphore(%run_scoped3A : memref<!tpu.dma_semaphore, #tpu.memory_space<semaphore_mem>>) src(%dma_wait3A_2847 : memref<128xi32, #tpu.memory_space<hbm>>) dst(%arg5 : memref<128xi32, #tpu.memory_space<vmem>>)
      tpu.yield
    }) : () -> ()
    %get3A = arith.constant 0 : index
    %get3A_1 = tpu.vector_load %arg5[%get3A] {strides = array<i32>} : memref<128xi32, #tpu.memory_space<vmem>>, vector<16xi32>,
    %get3A_2 = vector.shape_cast %get3A_1 : vector<16xi32> to vector<16xi32>
    %slice3A = vector.extract_strided_slice %get3A_2 {offsets = [0], sizes = [1], strides = [1]} : vector<16xi32> to vector<1xi32>
    %squeeze3A = vector.extract %slice3A[0] : i32 from vector<1xi32>
    %slice3A_3 = vector.extract_strided_slice %get3A_2 {offsets = [1], sizes = [1], strides = [1]} : vector<16xi32> to vector<1xi32>
    %squeeze3A_4 = vector.extract %slice3A_3[0] : i32 from vector<1xi32>
    %slice3A_5 = vector.extract_strided_slice %get3A_2 {offsets = [2], sizes = [1], strides = [1]} : vector<16xi32> to vector<1xi32>
    %squeeze3A_6 = vector.extract %slice3A_5[0] : i32 from vector<1xi32>
    %slice3A_7 = vector.extract_strided_slice %get3A_2 {offsets = [3], sizes = [1], strides = [1]} : vector<16xi32> to vector<1xi32>
    %squeeze3A_8 = vector.extract %slice3A_7[0] : i32 from vector<1xi32>
    %slice3A_9 = vector.extract_strided_slice %get3A_2 {offsets = [4], sizes = [1], strides = [1]} : vector<16xi32> to vector<1xi32>
    %squeeze3A_10 = vector.extract %slice3A_9[0] : i32 from vector<1xi32>
    %slice3A_11 = vector.extract_strided_slice %get3A_2 {offsets = [5], sizes = [1], strides = [1]} : vector<16xi32> to vector<1xi32>
    %squeeze3A_12 = vector.extract %slice3A_11[0] : i32 from vector<1xi32>
    %slice3A_13 = vector.extract_strided_slice %get3A_2 {offsets = [6], sizes = [1], strides = [1]} : vector<16xi32> to vector<1xi32>
    %squeeze3A_14 = vector.extract %slice3A_13[0] : i32 from vector<1xi32>
    %slice3A_15 = vector.extract_strided_slice %get3A_2 {offsets = [7], sizes = [1], strides = [1]} : vector<16xi32> to vector<1xi32>
    %squeeze3A_16 = vector.extract %slice3A_15[0] : i32 from vector<1xi32>
    %slice3A_17 = vector.extract_strided_slice %get3A_2 {offsets = [8], sizes = [1], strides = [1]} : vector<16xi32> to vector<1xi32>
    %squeeze3A_18 = vector.extract %slice3A_17[0] : i32 from vector<1xi32>
    %slice3A_19 = vector.extract_strided_slice %get3A_2 {offsets = [9], sizes = [1], strides = [1]} : vector<16xi32> to vector<1xi32>
    %squeeze3A_20 = vector.extract %slice3A_19[0] : i32 from vector<1xi32>
    %slice3A_21 = vector.extract_strided_slice %get3A_2 {offsets = [10], sizes = [1], strides = [1]} : vector<16xi32> to vector<1xi32>
    %squeeze3A_22 = vector.extract %slice3A_21[0] : i32 from vector<1xi32>
    %slice3A_23 = vector.extract_strided_slice %get3A_2 {offsets = [11], sizes = [1], strides = [1]} : vector<16xi32> to vector<1xi32>
    %squeeze3A_24 = vector.extract %slice3A_23[0] : i32 from vector<1xi32>
    %slice3A_25 = vector.extract_strided_slice %get3A_2 {offsets = [12], sizes = [1], strides = [1]} : vector<16xi32> to vector<1xi32>
    %squeeze3A_26 = vector.extract %slice3A_25[0] : i32 from vector<1xi32>
    %slice3A_27 = vector.extract_strided_slice %get3A_2 {offsets = [13], sizes = [1], strides = [1]} : vector<16xi32> to vector<1xi32>
    %squeeze3A_28 = vector.extract %slice3A_27[0] : i32 from vector<1xi32>
    %slice3A_29 = vector.extract_strided_slice %get3A_2 {offsets = [14], sizes = [1], strides = [1]} : vector<16xi32> to vector<1xi32>
    %squeeze3A_30 = vector.extract %slice3A_29[0] : i32 from vector<1xi32>
    %slice3A_31 = vector.extract_strided_slice %get3A_2 {offsets = [15], sizes = [1], strides = [1]} : vector<16xi32> to vector<1xi32>
    %squeeze3A_32 = vector.extract %slice3A_31[0] : i32 from vector<1xi32>
    %get3A_33 = arith.constant 16 : index
    %get3A_34 = tpu.vector_load %arg5[%get3A_33] {strides = array<i32>} : memref<128xi32, #tpu.memory_space<vmem>>, vector<16xi32>,
    %get3A_35 = vector.shape_cast %get3A_34 : vector<16xi32> to vector<16xi32>
    %slice3A_36 = vector.extract_strided_slice %get3A_35 {offsets = [0], sizes = [1], strides = [1]} : vector<16xi32> to vector<1xi32>
    %squeeze3A_37 = vector.extract %slice3A_36[0] : i32 from vector<1xi32>
    %slice3A_38 = vector.extract_strided_slice %get3A_35 {offsets = [1], sizes = [1], strides = [1]} : vector<16xi32> to vector<1xi32>
    %squeeze3A_39 = vector.extract %slice3A_38[0] : i32 from vector<1xi32>
    %slice3A_40 = vector.extract_strided_slice %get3A_35 {offsets = [2], sizes = [1], strides = [1]} : vector<16xi32> to vector<1xi32>
    %squeeze3A_41 = vector.extract %slice3A_40[0] : i32 from vector<1xi32>
    %slice3A_42 = vector.extract_strided_slice %get3A_35 {offsets = [3], sizes = [1], strides = [1]} : vector<16xi32> to vector<1xi32>
    %squeeze3A_43 = vector.extract %slice3A_42[0] : i32 from vector<1xi32>
    %slice3A_44 = vector.extract_strided_slice %get3A_35 {offsets = [4], sizes = [1], strides = [1]} : vector<16xi32> to vector<1xi32>
    %squeeze3A_45 = vector.extract %slice3A_44[0] : i32 from vector<1xi32>
    %slice3A_46 = vector.extract_strided_slice %get3A_35 {offsets = [5], sizes = [1], strides = [1]} : vector<16xi32> to vector<1xi32>
    %squeeze3A_47 = vector.extract %slice3A_46[0] : i32 from vector<1xi32>
    %slice3A_48 = vector.extract_strided_slice %get3A_35 {offsets = [6], sizes = [1], strides = [1]} : vector<16xi32> to vector<1xi32>
    %squeeze3A_49 = vector.extract %slice3A_48[0] : i32 from vector<1xi32>
    %slice3A_50 = vector.extract_strided_slice %get3A_35 {offsets = [7], sizes = [1], strides = [1]} : vector<16xi32> to vector<1xi32>
    %squeeze3A_51 = vector.extract %slice3A_50[0] : i32 from vector<1xi32>
    %slice3A_52 = vector.extract_strided_slice %get3A_35 {offsets = [8], sizes = [1], strides = [1]} : vector<16xi32> to vector<1xi32>
    %squeeze3A_53 = vector.extract %slice3A_52[0] : i32 from vector<1xi32>
    %slice3A_54 = vector.extract_strided_slice %get3A_35 {offsets = [9], sizes = [1], strides = [1]} : vector<16xi32> to vector<1xi32>
    %squeeze3A_55 = vector.extract %slice3A_54[0] : i32 from vector<1xi32>
    %slice3A_56 = vector.extract_strided_slice %get3A_35 {offsets = [10], sizes = [1], strides = [1]} : vector<16xi32> to vector<1xi32>
    %squeeze3A_57 = vector.extract %slice3A_56[0] : i32 from vector<1xi32>
    %slice3A_58 = vector.extract_strided_slice %get3A_35 {offsets = [11], sizes = [1], strides = [1]} : vector<16xi32> to vector<1xi32>
    %squeeze3A_59 = vector.extract %slice3A_58[0] : i32 from vector<1xi32>
    %slice3A_60 = vector.extract_strided_slice %get3A_35 {offsets = [12], sizes = [1], strides = [1]} : vector<16xi32> to vector<1xi32>
    %squeeze3A_61 = vector.extract %slice3A_60[0] : i32 from vector<1xi32>
    %slice3A_62 = vector.extract_strided_slice %get3A_35 {offsets = [13], sizes = [1], strides = [1]} : vector<16xi32> to vector<1xi32>
    %squeeze3A_63 = vector.extract %slice3A_62[0] : i32 from vector<1xi32>
    %slice3A_64 = vector.extract_strided_slice %get3A_35 {offsets = [14], sizes = [1], strides = [1]} : vector<16xi32> to vector<1xi32>
    %squeeze3A_65 = vector.extract %slice3A_64[0] : i32 from vector<1xi32>
    %slice3A_66 = vector.extract_strided_slice %get3A_35 {offsets = [15], sizes = [1], strides = [1]} : vector<16xi32> to vector<1xi32>
    %squeeze3A_67 = vector.extract %slice3A_66[0] : i32 from vector<1xi32>
    %get3A_68 = arith.constant 32 : index
    %get3A_69 = tpu.vector_load %arg5[%get3A_68] {strides = array<i32>} : memref<128xi32, #tpu.memory_space<vmem>>, vector<16xi32>,
    %get3A_70 = vector.shape_cast %get3A_69 : vector<16xi32> to vector<16xi32>
    %slice3A_71 = vector.extract_strided_slice %get3A_70 {offsets = [0], sizes = [1], strides = [1]} : vector<16xi32> to vector<1xi32>
    %squeeze3A_72 = vector.extract %slice3A_71[0] : i32 from vector<1xi32>
    %slice3A_73 = vector.extract_strided_slice %get3A_70 {offsets = [1], sizes = [1], strides = [1]} : vector<16xi32> to vector<1xi32>
    %squeeze3A_74 = vector.extract %slice3A_73[0] : i32 from vector<1xi32>
    %slice3A_75 = vector.extract_strided_slice %get3A_70 {offsets = [2], sizes = [1], strides = [1]} : vector<16xi32> to vector<1xi32>
    %squeeze3A_76 = vector.extract %slice3A_75[0] : i32 from vector<1xi32>
    %slice3A_77 = vector.extract_strided_slice %get3A_70 {offsets = [3], sizes = [1], strides = [1]} : vector<16xi32> to vector<1xi32>
    %squeeze3A_78 = vector.extract %slice3A_77[0] : i32 from vector<1xi32>
    %slice3A_79 = vector.extract_strided_slice %get3A_70 {offsets = [4], sizes = [1], strides = [1]} : vector<16xi32> to vector<1xi32>
    %squeeze3A_80 = vector.extract %slice3A_79[0] : i32 from vector<1xi32>
    %slice3A_81 = vector.extract_strided_slice %get3A_70 {offsets = [5], sizes = [1], strides = [1]} : vector<16xi32> to vector<1xi32>
    %squeeze3A_82 = vector.extract %slice3A_81[0] : i32 from vector<1xi32>
    %slice3A_83 = vector.extract_strided_slice %get3A_70 {offsets = [6], sizes = [1], strides = [1]} : vector<16xi32> to vector<1xi32>
    %squeeze3A_84 = vector.extract %slice3A_83[0] : i32 from vector<1xi32>
    %slice3A_85 = vector.extract_strided_slice %get3A_70 {offsets = [7], sizes = [1], strides = [1]} : vector<16xi32> to vector<1xi32>
    %squeeze3A_86 = vector.extract %slice3A_85[0] : i32 from vector<1xi32>
    %slice3A_87 = vector.extract_strided_slice %get3A_70 {offsets = [8], sizes = [1], strides = [1]} : vector<16xi32> to vector<1xi32>
    %squeeze3A_88 = vector.extract %slice3A_87[0] : i32 from vector<1xi32>
    %slice3A_89 = vector.extract_strided_slice %get3A_70 {offsets = [9], sizes = [1], strides = [1]} : vector<16xi32> to vector<1xi32>
    %squeeze3A_90 = vector.extract %slice3A_89[0] : i32 from vector<1xi32>
    %slice3A_91 = vector.extract_strided_slice %get3A_70 {offsets = [10], sizes = [1], strides = [1]} : vector<16xi32> to vector<1xi32>
    %squeeze3A_92 = vector.extract %slice3A_91[0] : i32 from vector<1xi32>
    %slice3A_93 = vector.extract_strided_slice %get3A_70 {offsets = [11], sizes = [1], strides = [1]} : vector<16xi32> to vector<1xi32>
    %squeeze3A_94 = vector.extract %slice3A_93[0] : i32 from vector<1xi32>
    %slice3A_95 = vector.extract_strided_slice %get3A_70 {offsets = [12], sizes = [1], strides = [1]} : vector<16xi32> to vector<1xi32>
    %squeeze3A_96 = vector.extract %slice3A_95[0] : i32 from vector<1xi32>
    %slice3A_97 = vector.extract_strided_slice %get3A_70 {offsets = [13], sizes = [1], strides = [1]} : vector<16xi32> to vector<1xi32>
    %squeeze3A_98 = vector.extract %slice3A_97[0] : i32 from vector<1xi32>
    %slice3A_99 = vector.extract_strided_slice %get3A_70 {offsets = [14], sizes = [1], strides = [1]} : vector<16xi32> to vector<1xi32>
    %squeeze3A_100 = vector.extract %slice3A_99[0] : i32 from vector<1xi32>
    %slice3A_101 = vector.extract_strided_slice %get3A_70 {offsets = [15], sizes = [1], strides = [1]} : vector<16xi32> to vector<1xi32>
    %squeeze3A_102 = vector.extract %slice3A_101[0] : i32 from vector<1xi32>
    %get3A_103 = arith.constant 48 : index
    %get3A_104 = tpu.vector_load %arg5[%get3A_103] {strides = array<i32>} : memref<128xi32, #tpu.memory_space<vmem>>, vector<16xi32>,
    %get3A_105 = vector.shape_cast %get3A_104 : vector<16xi32> to vector<16xi32>
    %slice3A_106 = vector.extract_strided_slice %get3A_105 {offsets = [0], sizes = [1], strides = [1]} : vector<16xi32> to vector<1xi32>
    %squeeze3A_107 = vector.extract %slice3A_106[0] : i32 from vector<1xi32>
    %slice3A_108 = vector.extract_strided_slice %get3A_105 {offsets = [1], sizes = [1], strides = [1]} : vector<16xi32> to vector<1xi32>
    %squeeze3A_109 = vector.extract %slice3A_108[0] : i32 from vector<1xi32>
    %slice3A_110 = vector.extract_strided_slice %get3A_105 {offsets = [2], sizes = [1], strides = [1]} : vector<16xi32> to vector<1xi32>
    %squeeze3A_111 = vector.extract %slice3A_110[0] : i32 from vector<1xi32>
    %slice3A_112 = vector.extract_strided_slice %get3A_105 {offsets = [3], sizes = [1], strides = [1]} : vector<16xi32> to vector<1xi32>
    %squeeze3A_113 = vector.extract %slice3A_112[0] : i32 from vector<1xi32>
    %slice3A_114 = vector.extract_strided_slice %get3A_105 {offsets = [4], sizes = [1], strides = [1]} : vector<16xi32> to vector<1xi32>
    %squeeze3A_115 = vector.extract %slice3A_114[0] : i32 from vector<1xi32>
    %slice3A_116 = vector.extract_strided_slice %get3A_105 {offsets = [5], sizes = [1], strides = [1]} : vector<16xi32> to vector<1xi32>
    %squeeze3A_117 = vector.extract %slice3A_116[0] : i32 from vector<1xi32>
    %slice3A_118 = vector.extract_strided_slice %get3A_105 {offsets = [6], sizes = [1], strides = [1]} : vector<16xi32> to vector<1xi32>
    %squeeze3A_119 = vector.extract %slice3A_118[0] : i32 from vector<1xi32>
    %slice3A_120 = vector.extract_strided_slice %get3A_105 {offsets = [7], sizes = [1], strides = [1]} : vector<16xi32> to vector<1xi32>
    %squeeze3A_121 = vector.extract %slice3A_120[0] : i32 from vector<1xi32>
    %slice3A_122 = vector.extract_strided_slice %get3A_105 {offsets = [8], sizes = [1], strides = [1]} : vector<16xi32> to vector<1xi32>
    %squeeze3A_123 = vector.extract %slice3A_122[0] : i32 from vector<1xi32>
    %slice3A_124 = vector.extract_strided_slice %get3A_105 {offsets = [9], sizes = [1], strides = [1]} : vector<16xi32> to vector<1xi32>
    %squeeze3A_125 = vector.extract %slice3A_124[0] : i32 from vector<1xi32>
    %slice3A_126 = vector.extract_strided_slice %get3A_105 {offsets = [10], sizes = [1], strides = [1]} : vector<16xi32> to vector<1xi32>
    %squeeze3A_127 = vector.extract %slice3A_126[0] : i32 from vector<1xi32>
    %slice3A_128 = vector.extract_strided_slice %get3A_105 {offsets = [11], sizes = [1], strides = [1]} : vector<16xi32> to vector<1xi32>
    %squeeze3A_129 = vector.extract %slice3A_128[0] : i32 from vector<1xi32>
    %slice3A_130 = vector.extract_strided_slice %get3A_105 {offsets = [12], sizes = [1], strides = [1]} : vector<16xi32> to vector<1xi32>
    %squeeze3A_131 = vector.extract %slice3A_130[0] : i32 from vector<1xi32>
    %slice3A_132 = vector.extract_strided_slice %get3A_105 {offsets = [13], sizes = [1], strides = [1]} : vector<16xi32> to vector<1xi32>
    %squeeze3A_133 = vector.extract %slice3A_132[0] : i32 from vector<1xi32>
    %slice3A_134 = vector.extract_strided_slice %get3A_105 {offsets = [14], sizes = [1], strides = [1]} : vector<16xi32> to vector<1xi32>
    %squeeze3A_135 = vector.extract %slice3A_134[0] : i32 from vector<1xi32>
    %slice3A_136 = vector.extract_strided_slice %get3A_105 {offsets = [15], sizes = [1], strides = [1]} : vector<16xi32> to vector<1xi32>
    %squeeze3A_137 = vector.extract %slice3A_136[0] : i32 from vector<1xi32>
    %get3A_138 = arith.constant 64 : index
    %get3A_139 = tpu.vector_load %arg5[%get3A_138] {strides = array<i32>} : memref<128xi32, #tpu.memory_space<vmem>>, vector<16xi32>,
    %get3A_140 = vector.shape_cast %get3A_139 : vector<16xi32> to vector<16xi32>
    %slice3A_141 = vector.extract_strided_slice %get3A_140 {offsets = [0], sizes = [1], strides = [1]} : vector<16xi32> to vector<1xi32>
    %squeeze3A_142 = vector.extract %slice3A_141[0] : i32 from vector<1xi32>
    %slice3A_143 = vector.extract_strided_slice %get3A_140 {offsets = [1], sizes = [1], strides = [1]} : vector<16xi32> to vector<1xi32>
    %squeeze3A_144 = vector.extract %slice3A_143[0] : i32 from vector<1xi32>
    %slice3A_145 = vector.extract_strided_slice %get3A_140 {offsets = [2], sizes = [1], strides = [1]} : vector<16xi32> to vector<1xi32>
    %squeeze3A_146 = vector.extract %slice3A_145[0] : i32 from vector<1xi32>
    %slice3A_147 = vector.extract_strided_slice %get3A_140 {offsets = [3], sizes = [1], strides = [1]} : vector<16xi32> to vector<1xi32>
    %squeeze3A_148 = vector.extract %slice3A_147[0] : i32 from vector<1xi32>
    %slice3A_149 = vector.extract_strided_slice %get3A_140 {offsets = [4], sizes = [1], strides = [1]} : vector<16xi32> to vector<1xi32>
    %squeeze3A_150 = vector.extract %slice3A_149[0] : i32 from vector<1xi32>
    %slice3A_151 = vector.extract_strided_slice %get3A_140 {offsets = [5], sizes = [1], strides = [1]} : vector<16xi32> to vector<1xi32>
    %squeeze3A_152 = vector.extract %slice3A_151[0] : i32 from vector<1xi32>
    %slice3A_153 = vector.extract_strided_slice %get3A_140 {offsets = [6], sizes = [1], strides = [1]} : vector<16xi32> to vector<1xi32>
    %squeeze3A_154 = vector.extract %slice3A_153[0] : i32 from vector<1xi32>
    %slice3A_155 = vector.extract_strided_slice %get3A_140 {offsets = [7], sizes = [1], strides = [1]} : vector<16xi32> to vector<1xi32>
    %squeeze3A_156 = vector.extract %slice3A_155[0] : i32 from vector<1xi32>
    %slice3A_157 = vector.extract_strided_slice %get3A_140 {offsets = [8], sizes = [1], strides = [1]} : vector<16xi32> to vector<1xi32>
    %squeeze3A_158 = vector.extract %slice3A_157[0] : i32 from vector<1xi32>
    %slice3A_159 = vector.extract_strided_slice %get3A_140 {offsets = [9], sizes = [1], strides = [1]} : vector<16xi32> to vector<1xi32>
    %squeeze3A_160 = vector.extract %slice3A_159[0] : i32 from vector<1xi32>
    %slice3A_161 = vector.extract_strided_slice %get3A_140 {offsets = [10], sizes = [1], strides = [1]} : vector<16xi32> to vector<1xi32>
    %squeeze3A_162 = vector.extract %slice3A_161[0] : i32 from vector<1xi32>
    %slice3A_163 = vector.extract_strided_slice %get3A_140 {offsets = [11], sizes = [1], strides = [1]} : vector<16xi32> to vector<1xi32>
    %squeeze3A_164 = vector.extract %slice3A_163[0] : i32 from vector<1xi32>
    %slice3A_165 = vector.extract_strided_slice %get3A_140 {offsets = [12], sizes = [1], strides = [1]} : vector<16xi32> to vector<1xi32>
    %squeeze3A_166 = vector.extract %slice3A_165[0] : i32 from vector<1xi32>
    %slice3A_167 = vector.extract_strided_slice %get3A_140 {offsets = [13], sizes = [1], strides = [1]} : vector<16xi32> to vector<1xi32>
    %squeeze3A_168 = vector.extract %slice3A_167[0] : i32 from vector<1xi32>
    %slice3A_169 = vector.extract_strided_slice %get3A_140 {offsets = [14], sizes = [1], strides = [1]} : vector<16xi32> to vector<1xi32>
    %squeeze3A_170 = vector.extract %slice3A_169[0] : i32 from vector<1xi32>
    %slice3A_171 = vector.extract_strided_slice %get3A_140 {offsets = [15], sizes = [1], strides = [1]} : vector<16xi32> to vector<1xi32>
    %squeeze3A_172 = vector.extract %slice3A_171[0] : i32 from vector<1xi32>
    %get3A_173 = arith.constant 80 : index
    %get3A_174 = tpu.vector_load %arg5[%get3A_173] {strides = array<i32>} : memref<128xi32, #tpu.memory_space<vmem>>, vector<16xi32>,
    %get3A_175 = vector.shape_cast %get3A_174 : vector<16xi32> to vector<16xi32>
    %slice3A_176 = vector.extract_strided_slice %get3A_175 {offsets = [0], sizes = [1], strides = [1]} : vector<16xi32> to vector<1xi32>
    %squeeze3A_177 = vector.extract %slice3A_176[0] : i32 from vector<1xi32>
    %slice3A_178 = vector.extract_strided_slice %get3A_175 {offsets = [1], sizes = [1], strides = [1]} : vector<16xi32> to vector<1xi32>
    %squeeze3A_179 = vector.extract %slice3A_178[0] : i32 from vector<1xi32>
    %slice3A_180 = vector.extract_strided_slice %get3A_175 {offsets = [2], sizes = [1], strides = [1]} : vector<16xi32> to vector<1xi32>
    %squeeze3A_181 = vector.extract %slice3A_180[0] : i32 from vector<1xi32>
    %slice3A_182 = vector.extract_strided_slice %get3A_175 {offsets = [3], sizes = [1], strides = [1]} : vector<16xi32> to vector<1xi32>
    %squeeze3A_183 = vector.extract %slice3A_182[0] : i32 from vector<1xi32>
    %slice3A_184 = vector.extract_strided_slice %get3A_175 {offsets = [4], sizes = [1], strides = [1]} : vector<16xi32> to vector<1xi32>
    %squeeze3A_185 = vector.extract %slice3A_184[0] : i32 from vector<1xi32>
    %slice3A_186 = vector.extract_strided_slice %get3A_175 {offsets = [5], sizes = [1], strides = [1]} : vector<16xi32> to vector<1xi32>
    %squeeze3A_187 = vector.extract %slice3A_186[0] : i32 from vector<1xi32>
    %slice3A_188 = vector.extract_strided_slice %get3A_175 {offsets = [6], sizes = [1], strides = [1]} : vector<16xi32> to vector<1xi32>
    %squeeze3A_189 = vector.extract %slice3A_188[0] : i32 from vector<1xi32>
    %slice3A_190 = vector.extract_strided_slice %get3A_175 {offsets = [7], sizes = [1], strides = [1]} : vector<16xi32> to vector<1xi32>
    %squeeze3A_191 = vector.extract %slice3A_190[0] : i32 from vector<1xi32>
    %slice3A_192 = vector.extract_strided_slice %get3A_175 {offsets = [8], sizes = [1], strides = [1]} : vector<16xi32> to vector<1xi32>
    %squeeze3A_193 = vector.extract %slice3A_192[0] : i32 from vector<1xi32>
    %slice3A_194 = vector.extract_strided_slice %get3A_175 {offsets = [9], sizes = [1], strides = [1]} : vector<16xi32> to vector<1xi32>
    %squeeze3A_195 = vector.extract %slice3A_194[0] : i32 from vector<1xi32>
    %slice3A_196 = vector.extract_strided_slice %get3A_175 {offsets = [10], sizes = [1], strides = [1]} : vector<16xi32> to vector<1xi32>
    %squeeze3A_197 = vector.extract %slice3A_196[0] : i32 from vector<1xi32>
    %slice3A_198 = vector.extract_strided_slice %get3A_175 {offsets = [11], sizes = [1], strides = [1]} : vector<16xi32> to vector<1xi32>
    %squeeze3A_199 = vector.extract %slice3A_198[0] : i32 from vector<1xi32>
    %slice3A_200 = vector.extract_strided_slice %get3A_175 {offsets = [12], sizes = [1], strides = [1]} : vector<16xi32> to vector<1xi32>
    %squeeze3A_201 = vector.extract %slice3A_200[0] : i32 from vector<1xi32>
    %slice3A_202 = vector.extract_strided_slice %get3A_175 {offsets = [13], sizes = [1], strides = [1]} : vector<16xi32> to vector<1xi32>
    %squeeze3A_203 = vector.extract %slice3A_202[0] : i32 from vector<1xi32>
    %slice3A_204 = vector.extract_strided_slice %get3A_175 {offsets = [14], sizes = [1], strides = [1]} : vector<16xi32> to vector<1xi32>
    %squeeze3A_205 = vector.extract %slice3A_204[0] : i32 from vector<1xi32>
    %slice3A_206 = vector.extract_strided_slice %get3A_175 {offsets = [15], sizes = [1], strides = [1]} : vector<16xi32> to vector<1xi32>
    %squeeze3A_207 = vector.extract %slice3A_206[0] : i32 from vector<1xi32>
    %get3A_208 = arith.constant 96 : index
    %get3A_209 = tpu.vector_load %arg5[%get3A_208] {strides = array<i32>} : memref<128xi32, #tpu.memory_space<vmem>>, vector<16xi32>,
    %get3A_210 = vector.shape_cast %get3A_209 : vector<16xi32> to vector<16xi32>
    %slice3A_211 = vector.extract_strided_slice %get3A_210 {offsets = [0], sizes = [1], strides = [1]} : vector<16xi32> to vector<1xi32>
    %squeeze3A_212 = vector.extract %slice3A_211[0] : i32 from vector<1xi32>
    %slice3A_213 = vector.extract_strided_slice %get3A_210 {offsets = [1], sizes = [1], strides = [1]} : vector<16xi32> to vector<1xi32>
    %squeeze3A_214 = vector.extract %slice3A_213[0] : i32 from vector<1xi32>
    %slice3A_215 = vector.extract_strided_slice %get3A_210 {offsets = [2], sizes = [1], strides = [1]} : vector<16xi32> to vector<1xi32>
    %squeeze3A_216 = vector.extract %slice3A_215[0] : i32 from vector<1xi32>
    %slice3A_217 = vector.extract_strided_slice %get3A_210 {offsets = [3], sizes = [1], strides = [1]} : vector<16xi32> to vector<1xi32>
    %squeeze3A_218 = vector.extract %slice3A_217[0] : i32 from vector<1xi32>
    %slice3A_219 = vector.extract_strided_slice %get3A_210 {offsets = [4], sizes = [1], strides = [1]} : vector<16xi32> to vector<1xi32>
    %squeeze3A_220 = vector.extract %slice3A_219[0] : i32 from vector<1xi32>
    %slice3A_221 = vector.extract_strided_slice %get3A_210 {offsets = [5], sizes = [1], strides = [1]} : vector<16xi32> to vector<1xi32>
    %squeeze3A_222 = vector.extract %slice3A_221[0] : i32 from vector<1xi32>
    %slice3A_223 = vector.extract_strided_slice %get3A_210 {offsets = [6], sizes = [1], strides = [1]} : vector<16xi32> to vector<1xi32>
    %squeeze3A_224 = vector.extract %slice3A_223[0] : i32 from vector<1xi32>
    %slice3A_225 = vector.extract_strided_slice %get3A_210 {offsets = [7], sizes = [1], strides = [1]} : vector<16xi32> to vector<1xi32>
    %squeeze3A_226 = vector.extract %slice3A_225[0] : i32 from vector<1xi32>
    %slice3A_227 = vector.extract_strided_slice %get3A_210 {offsets = [8], sizes = [1], strides = [1]} : vector<16xi32> to vector<1xi32>
    %squeeze3A_228 = vector.extract %slice3A_227[0] : i32 from vector<1xi32>
    %slice3A_229 = vector.extract_strided_slice %get3A_210 {offsets = [9], sizes = [1], strides = [1]} : vector<16xi32> to vector<1xi32>
    %squeeze3A_230 = vector.extract %slice3A_229[0] : i32 from vector<1xi32>
    %slice3A_231 = vector.extract_strided_slice %get3A_210 {offsets = [10], sizes = [1], strides = [1]} : vector<16xi32> to vector<1xi32>
    %squeeze3A_232 = vector.extract %slice3A_231[0] : i32 from vector<1xi32>
    %slice3A_233 = vector.extract_strided_slice %get3A_210 {offsets = [11], sizes = [1], strides = [1]} : vector<16xi32> to vector<1xi32>
    %squeeze3A_234 = vector.extract %slice3A_233[0] : i32 from vector<1xi32>
    %slice3A_235 = vector.extract_strided_slice %get3A_210 {offsets = [12], sizes = [1], strides = [1]} : vector<16xi32> to vector<1xi32>
    %squeeze3A_236 = vector.extract %slice3A_235[0] : i32 from vector<1xi32>
    %slice3A_237 = vector.extract_strided_slice %get3A_210 {offsets = [13], sizes = [1], strides = [1]} : vector<16xi32> to vector<1xi32>
    %squeeze3A_238 = vector.extract %slice3A_237[0] : i32 from vector<1xi32>
    %slice3A_239 = vector.extract_strided_slice %get3A_210 {offsets = [14], sizes = [1], strides = [1]} : vector<16xi32> to vector<1xi32>
    %squeeze3A_240 = vector.extract %slice3A_239[0] : i32 from vector<1xi32>
    %slice3A_241 = vector.extract_strided_slice %get3A_210 {offsets = [15], sizes = [1], strides = [1]} : vector<16xi32> to vector<1xi32>
    %squeeze3A_242 = vector.extract %slice3A_241[0] : i32 from vector<1xi32>
    %get3A_243 = arith.constant 112 : index
    %get3A_244 = tpu.vector_load %arg5[%get3A_243] {strides = array<i32>} : memref<128xi32, #tpu.memory_space<vmem>>, vector<16xi32>,
    %get3A_245 = vector.shape_cast %get3A_244 : vector<16xi32> to vector<16xi32>
    %slice3A_246 = vector.extract_strided_slice %get3A_245 {offsets = [0], sizes = [1], strides = [1]} : vector<16xi32> to vector<1xi32>
    %squeeze3A_247 = vector.extract %slice3A_246[0] : i32 from vector<1xi32>
    %slice3A_248 = vector.extract_strided_slice %get3A_245 {offsets = [1], sizes = [1], strides = [1]} : vector<16xi32> to vector<1xi32>
    %squeeze3A_249 = vector.extract %slice3A_248[0] : i32 from vector<1xi32>
    %slice3A_250 = vector.extract_strided_slice %get3A_245 {offsets = [2], sizes = [1], strides = [1]} : vector<16xi32> to vector<1xi32>
    %squeeze3A_251 = vector.extract %slice3A_250[0] : i32 from vector<1xi32>
    %slice3A_252 = vector.extract_strided_slice %get3A_245 {offsets = [3], sizes = [1], strides = [1]} : vector<16xi32> to vector<1xi32>
    %squeeze3A_253 = vector.extract %slice3A_252[0] : i32 from vector<1xi32>
    %slice3A_254 = vector.extract_strided_slice %get3A_245 {offsets = [4], sizes = [1], strides = [1]} : vector<16xi32> to vector<1xi32>
    %squeeze3A_255 = vector.extract %slice3A_254[0] : i32 from vector<1xi32>
    %slice3A_256 = vector.extract_strided_slice %get3A_245 {offsets = [5], sizes = [1], strides = [1]} : vector<16xi32> to vector<1xi32>
    %squeeze3A_257 = vector.extract %slice3A_256[0] : i32 from vector<1xi32>
    %slice3A_258 = vector.extract_strided_slice %get3A_245 {offsets = [6], sizes = [1], strides = [1]} : vector<16xi32> to vector<1xi32>
    %squeeze3A_259 = vector.extract %slice3A_258[0] : i32 from vector<1xi32>
    %slice3A_260 = vector.extract_strided_slice %get3A_245 {offsets = [7], sizes = [1], strides = [1]} : vector<16xi32> to vector<1xi32>
    %squeeze3A_261 = vector.extract %slice3A_260[0] : i32 from vector<1xi32>
    %slice3A_262 = vector.extract_strided_slice %get3A_245 {offsets = [8], sizes = [1], strides = [1]} : vector<16xi32> to vector<1xi32>
    %squeeze3A_263 = vector.extract %slice3A_262[0] : i32 from vector<1xi32>
    %slice3A_264 = vector.extract_strided_slice %get3A_245 {offsets = [9], sizes = [1], strides = [1]} : vector<16xi32> to vector<1xi32>
    %squeeze3A_265 = vector.extract %slice3A_264[0] : i32 from vector<1xi32>
    %slice3A_266 = vector.extract_strided_slice %get3A_245 {offsets = [10], sizes = [1], strides = [1]} : vector<16xi32> to vector<1xi32>
    %squeeze3A_267 = vector.extract %slice3A_266[0] : i32 from vector<1xi32>
    %slice3A_268 = vector.extract_strided_slice %get3A_245 {offsets = [11], sizes = [1], strides = [1]} : vector<16xi32> to vector<1xi32>
    %squeeze3A_269 = vector.extract %slice3A_268[0] : i32 from vector<1xi32>
    %slice3A_270 = vector.extract_strided_slice %get3A_245 {offsets = [12], sizes = [1], strides = [1]} : vector<16xi32> to vector<1xi32>
    %squeeze3A_271 = vector.extract %slice3A_270[0] : i32 from vector<1xi32>
    %slice3A_272 = vector.extract_strided_slice %get3A_245 {offsets = [13], sizes = [1], strides = [1]} : vector<16xi32> to vector<1xi32>
    %squeeze3A_273 = vector.extract %slice3A_272[0] : i32 from vector<1xi32>
    %slice3A_274 = vector.extract_strided_slice %get3A_245 {offsets = [14], sizes = [1], strides = [1]} : vector<16xi32> to vector<1xi32>
    %squeeze3A_275 = vector.extract %slice3A_274[0] : i32 from vector<1xi32>
    %slice3A_276 = vector.extract_strided_slice %get3A_245 {offsets = [15], sizes = [1], strides = [1]} : vector<16xi32> to vector<1xi32>
    %squeeze3A_277 = vector.extract %slice3A_276[0] : i32 from vector<1xi32>
    %dma_start3A = arith.constant 0 : i32
    %dma_start3A_278 = arith.constant 0 : i32
    %dma_start3A_279 = tpu.memref_slice %arg6[%dma_start3A, %dma_start3A_278] : memref<128x64xf32, #tpu.memory_space<vmem>> -> memref<1x64xf32, #tpu.memory_space<vmem>>
    %dma_start3A_280 = arith.constant 0 : i32
    %dma_start3A_281 = tpu.memref_slice %arg3[%squeeze3A, %dma_start3A_280] : memref<1000000x64xf32, #tpu.memory_space<hbm>> -> memref<1x64xf32, #tpu.memory_space<hbm>>
    %dma_start3A_282 = arith.constant 0 : i32
    %dma_start3A_283 = arith.constant 0 : i32
    %dma_start3A_284 = tpu.memref_slice %arg6[%dma_start3A_282, %dma_start3A_283] : memref<128x64xf32, #tpu.memory_space<vmem>> -> memref<1x64xf32, #tpu.memory_space<vmem>>
    %dma_start3A_285 = arith.constant 0 : i32
    %dma_start3A_286 = tpu.memref_slice %arg3[%squeeze3A, %dma_start3A_285] : memref<1000000x64xf32, #tpu.memory_space<hbm>> -> memref<1x64xf32, #tpu.memory_space<hbm>>
    tpu.enqueue_dma source(%dma_start3A_286 : memref<1x64xf32, #tpu.memory_space<hbm>>) target(%dma_start3A_284 : memref<1x64xf32, #tpu.memory_space<vmem>>) target_semaphore(%arg7 : memref<!tpu.dma_semaphore, #tpu.memory_space<semaphore_mem>>)
    %dma_start3A_287 = arith.constant 1 : i32
    %dma_start3A_288 = arith.constant 0 : i32
    %dma_start3A_289 = tpu.memref_slice %arg6[%dma_start3A_287, %dma_start3A_288] : memref<128x64xf32, #tpu.memory_space<vmem>> -> memref<1x64xf32, #tpu.memory_space<vmem>>
    %dma_start3A_290 = arith.constant 0 : i32
    %dma_start3A_291 = tpu.memref_slice %arg3[%squeeze3A_4, %dma_start3A_290] : memref<1000000x64xf32, #tpu.memory_space<hbm>> -> memref<1x64xf32, #tpu.memory_space<hbm>>
    %dma_start3A_292 = arith.constant 1 : i32
    %dma_start3A_293 = arith.constant 0 : i32
    %dma_start3A_294 = tpu.memref_slice %arg6[%dma_start3A_292, %dma_start3A_293] : memref<128x64xf32, #tpu.memory_space<vmem>> -> memref<1x64xf32, #tpu.memory_space<vmem>>
    %dma_start3A_295 = arith.constant 0 : i32
    %dma_start3A_296 = tpu.memref_slice %arg3[%squeeze3A_4, %dma_start3A_295] : memref<1000000x64xf32, #tpu.memory_space<hbm>> -> memref<1x64xf32, #tpu.memory_space<hbm>>
    tpu.enqueue_dma source(%dma_start3A_296 : memref<1x64xf32, #tpu.memory_space<hbm>>) target(%dma_start3A_294 : memref<1x64xf32, #tpu.memory_space<vmem>>) target_semaphore(%arg8 : memref<!tpu.dma_semaphore, #tpu.memory_space<semaphore_mem>>)
    %dma_start3A_297 = arith.constant 2 : i32
    %dma_start3A_298 = arith.constant 0 : i32
    %dma_start3A_299 = tpu.memref_slice %arg6[%dma_start3A_297, %dma_start3A_298] : memref<128x64xf32, #tpu.memory_space<vmem>> -> memref<1x64xf32, #tpu.memory_space<vmem>>
    %dma_start3A_300 = arith.constant 0 : i32
    %dma_start3A_301 = tpu.memref_slice %arg3[%squeeze3A_6, %dma_start3A_300] : memref<1000000x64xf32, #tpu.memory_space<hbm>> -> memref<1x64xf32, #tpu.memory_space<hbm>>
    %dma_start3A_302 = arith.constant 2 : i32
    %dma_start3A_303 = arith.constant 0 : i32
    %dma_start3A_304 = tpu.memref_slice %arg6[%dma_start3A_302, %dma_start3A_303] : memref<128x64xf32, #tpu.memory_space<vmem>> -> memref<1x64xf32, #tpu.memory_space<vmem>>
    %dma_start3A_305 = arith.constant 0 : i32
    %dma_start3A_306 = tpu.memref_slice %arg3[%squeeze3A_6, %dma_start3A_305] : memref<1000000x64xf32, #tpu.memory_space<hbm>> -> memref<1x64xf32, #tpu.memory_space<hbm>>
    tpu.enqueue_dma source(%dma_start3A_306 : memref<1x64xf32, #tpu.memory_space<hbm>>) target(%dma_start3A_304 : memref<1x64xf32, #tpu.memory_space<vmem>>) target_semaphore(%arg9 : memref<!tpu.dma_semaphore, #tpu.memory_space<semaphore_mem>>)
    %dma_start3A_307 = arith.constant 3 : i32
    %dma_start3A_308 = arith.constant 0 : i32
    %dma_start3A_309 = tpu.memref_slice %arg6[%dma_start3A_307, %dma_start3A_308] : memref<128x64xf32, #tpu.memory_space<vmem>> -> memref<1x64xf32, #tpu.memory_space<vmem>>
    %dma_start3A_310 = arith.constant 0 : i32
    %dma_start3A_311 = tpu.memref_slice %arg3[%squeeze3A_8, %dma_start3A_310] : memref<1000000x64xf32, #tpu.memory_space<hbm>> -> memref<1x64xf32, #tpu.memory_space<hbm>>
    %dma_start3A_312 = arith.constant 3 : i32
    %dma_start3A_313 = arith.constant 0 : i32
    %dma_start3A_314 = tpu.memref_slice %arg6[%dma_start3A_312, %dma_start3A_313] : memref<128x64xf32, #tpu.memory_space<vmem>> -> memref<1x64xf32, #tpu.memory_space<vmem>>
    %dma_start3A_315 = arith.constant 0 : i32
    %dma_start3A_316 = tpu.memref_slice %arg3[%squeeze3A_8, %dma_start3A_315] : memref<1000000x64xf32, #tpu.memory_space<hbm>> -> memref<1x64xf32, #tpu.memory_space<hbm>>
    tpu.enqueue_dma source(%dma_start3A_316 : memref<1x64xf32, #tpu.memory_space<hbm>>) target(%dma_start3A_314 : memref<1x64xf32, #tpu.memory_space<vmem>>) target_semaphore(%arg10 : memref<!tpu.dma_semaphore, #tpu.memory_space<semaphore_mem>>)
    %dma_start3A_317 = arith.constant 4 : i32
    %dma_start3A_318 = arith.constant 0 : i32
    %dma_start3A_319 = tpu.memref_slice %arg6[%dma_start3A_317, %dma_start3A_318] : memref<128x64xf32, #tpu.memory_space<vmem>> -> memref<1x64xf32, #tpu.memory_space<vmem>>
    %dma_start3A_320 = arith.constant 0 : i32
    %dma_start3A_321 = tpu.memref_slice %arg3[%squeeze3A_10, %dma_start3A_320] : memref<1000000x64xf32, #tpu.memory_space<hbm>> -> memref<1x64xf32, #tpu.memory_space<hbm>>
    %dma_start3A_322 = arith.constant 4 : i32
    %dma_start3A_323 = arith.constant 0 : i32
    %dma_start3A_324 = tpu.memref_slice %arg6[%dma_start3A_322, %dma_start3A_323] : memref<128x64xf32, #tpu.memory_space<vmem>> -> memref<1x64xf32, #tpu.memory_space<vmem>>
    %dma_start3A_325 = arith.constant 0 : i32
    %dma_start3A_326 = tpu.memref_slice %arg3[%squeeze3A_10, %dma_start3A_325] : memref<1000000x64xf32, #tpu.memory_space<hbm>> -> memref<1x64xf32, #tpu.memory_space<hbm>>
    tpu.enqueue_dma source(%dma_start3A_326 : memref<1x64xf32, #tpu.memory_space<hbm>>) target(%dma_start3A_324 : memref<1x64xf32, #tpu.memory_space<vmem>>) target_semaphore(%arg11 : memref<!tpu.dma_semaphore, #tpu.memory_space<semaphore_mem>>)
    %dma_start3A_327 = arith.constant 5 : i32
    %dma_start3A_328 = arith.constant 0 : i32
    %dma_start3A_329 = tpu.memref_slice %arg6[%dma_start3A_327, %dma_start3A_328] : memref<128x64xf32, #tpu.memory_space<vmem>> -> memref<1x64xf32, #tpu.memory_space<vmem>>
    %dma_start3A_330 = arith.constant 0 : i32
    %dma_start3A_331 = tpu.memref_slice %arg3[%squeeze3A_12, %dma_start3A_330] : memref<1000000x64xf32, #tpu.memory_space<hbm>> -> memref<1x64xf32, #tpu.memory_space<hbm>>
    %dma_start3A_332 = arith.constant 5 : i32
    %dma_start3A_333 = arith.constant 0 : i32
    %dma_start3A_334 = tpu.memref_slice %arg6[%dma_start3A_332, %dma_start3A_333] : memref<128x64xf32, #tpu.memory_space<vmem>> -> memref<1x64xf32, #tpu.memory_space<vmem>>
    %dma_start3A_335 = arith.constant 0 : i32
    %dma_start3A_336 = tpu.memref_slice %arg3[%squeeze3A_12, %dma_start3A_335] : memref<1000000x64xf32, #tpu.memory_space<hbm>> -> memref<1x64xf32, #tpu.memory_space<hbm>>
    tpu.enqueue_dma source(%dma_start3A_336 : memref<1x64xf32, #tpu.memory_space<hbm>>) target(%dma_start3A_334 : memref<1x64xf32, #tpu.memory_space<vmem>>) target_semaphore(%arg12 : memref<!tpu.dma_semaphore, #tpu.memory_space<semaphore_mem>>)
    %dma_start3A_337 = arith.constant 6 : i32
    %dma_start3A_338 = arith.constant 0 : i32
    %dma_start3A_339 = tpu.memref_slice %arg6[%dma_start3A_337, %dma_start3A_338] : memref<128x64xf32, #tpu.memory_space<vmem>> -> memref<1x64xf32, #tpu.memory_space<vmem>>
    %dma_start3A_340 = arith.constant 0 : i32
    %dma_start3A_341 = tpu.memref_slice %arg3[%squeeze3A_14, %dma_start3A_340] : memref<1000000x64xf32, #tpu.memory_space<hbm>> -> memref<1x64xf32, #tpu.memory_space<hbm>>
    %dma_start3A_342 = arith.constant 6 : i32
    %dma_start3A_343 = arith.constant 0 : i32
    %dma_start3A_344 = tpu.memref_slice %arg6[%dma_start3A_342, %dma_start3A_343] : memref<128x64xf32, #tpu.memory_space<vmem>> -> memref<1x64xf32, #tpu.memory_space<vmem>>
    %dma_start3A_345 = arith.constant 0 : i32
    %dma_start3A_346 = tpu.memref_slice %arg3[%squeeze3A_14, %dma_start3A_345] : memref<1000000x64xf32, #tpu.memory_space<hbm>> -> memref<1x64xf32, #tpu.memory_space<hbm>>
    tpu.enqueue_dma source(%dma_start3A_346 : memref<1x64xf32, #tpu.memory_space<hbm>>) target(%dma_start3A_344 : memref<1x64xf32, #tpu.memory_space<vmem>>) target_semaphore(%arg13 : memref<!tpu.dma_semaphore, #tpu.memory_space<semaphore_mem>>)
    %dma_start3A_347 = arith.constant 7 : i32
    %dma_start3A_348 = arith.constant 0 : i32
    %dma_start3A_349 = tpu.memref_slice %arg6[%dma_start3A_347, %dma_start3A_348] : memref<128x64xf32, #tpu.memory_space<vmem>> -> memref<1x64xf32, #tpu.memory_space<vmem>>
    %dma_start3A_350 = arith.constant 0 : i32
    %dma_start3A_351 = tpu.memref_slice %arg3[%squeeze3A_16, %dma_start3A_350] : memref<1000000x64xf32, #tpu.memory_space<hbm>> -> memref<1x64xf32, #tpu.memory_space<hbm>>
    %dma_start3A_352 = arith.constant 7 : i32
    %dma_start3A_353 = arith.constant 0 : i32
    %dma_start3A_354 = tpu.memref_slice %arg6[%dma_start3A_352, %dma_start3A_353] : memref<128x64xf32, #tpu.memory_space<vmem>> -> memref<1x64xf32, #tpu.memory_space<vmem>>
    %dma_start3A_355 = arith.constant 0 : i32
    %dma_start3A_356 = tpu.memref_slice %arg3[%squeeze3A_16, %dma_start3A_355] : memref<1000000x64xf32, #tpu.memory_space<hbm>> -> memref<1x64xf32, #tpu.memory_space<hbm>>
    tpu.enqueue_dma source(%dma_start3A_356 : memref<1x64xf32, #tpu.memory_space<hbm>>) target(%dma_start3A_354 : memref<1x64xf32, #tpu.memory_space<vmem>>) target_semaphore(%arg14 : memref<!tpu.dma_semaphore, #tpu.memory_space<semaphore_mem>>)
    %dma_start3A_357 = arith.constant 8 : i32
    %dma_start3A_358 = arith.constant 0 : i32
    %dma_start3A_359 = tpu.memref_slice %arg6[%dma_start3A_357, %dma_start3A_358] : memref<128x64xf32, #tpu.memory_space<vmem>> -> memref<1x64xf32, #tpu.memory_space<vmem>>
    %dma_start3A_360 = arith.constant 0 : i32
    %dma_start3A_361 = tpu.memref_slice %arg3[%squeeze3A_18, %dma_start3A_360] : memref<1000000x64xf32, #tpu.memory_space<hbm>> -> memref<1x64xf32, #tpu.memory_space<hbm>>
    %dma_start3A_362 = arith.constant 8 : i32
    %dma_start3A_363 = arith.constant 0 : i32
    %dma_start3A_364 = tpu.memref_slice %arg6[%dma_start3A_362, %dma_start3A_363] : memref<128x64xf32, #tpu.memory_space<vmem>> -> memref<1x64xf32, #tpu.memory_space<vmem>>
    %dma_start3A_365 = arith.constant 0 : i32
    %dma_start3A_366 = tpu.memref_slice %arg3[%squeeze3A_18, %dma_start3A_365] : memref<1000000x64xf32, #tpu.memory_space<hbm>> -> memref<1x64xf32, #tpu.memory_space<hbm>>
    tpu.enqueue_dma source(%dma_start3A_366 : memref<1x64xf32, #tpu.memory_space<hbm>>) target(%dma_start3A_364 : memref<1x64xf32, #tpu.memory_space<vmem>>) target_semaphore(%arg7 : memref<!tpu.dma_semaphore, #tpu.memory_space<semaphore_mem>>)
    %dma_start3A_367 = arith.constant 9 : i32
    %dma_start3A_368 = arith.constant 0 : i32
    %dma_start3A_369 = tpu.memref_slice %arg6[%dma_start3A_367, %dma_start3A_368] : memref<128x64xf32, #tpu.memory_space<vmem>> -> memref<1x64xf32, #tpu.memory_space<vmem>>
    %dma_start3A_370 = arith.constant 0 : i32
    %dma_start3A_371 = tpu.memref_slice %arg3[%squeeze3A_20, %dma_start3A_370] : memref<1000000x64xf32, #tpu.memory_space<hbm>> -> memref<1x64xf32, #tpu.memory_space<hbm>>
    %dma_start3A_372 = arith.constant 9 : i32
    %dma_start3A_373 = arith.constant 0 : i32
    %dma_start3A_374 = tpu.memref_slice %arg6[%dma_start3A_372, %dma_start3A_373] : memref<128x64xf32, #tpu.memory_space<vmem>> -> memref<1x64xf32, #tpu.memory_space<vmem>>
    %dma_start3A_375 = arith.constant 0 : i32
    %dma_start3A_376 = tpu.memref_slice %arg3[%squeeze3A_20, %dma_start3A_375] : memref<1000000x64xf32, #tpu.memory_space<hbm>> -> memref<1x64xf32, #tpu.memory_space<hbm>>
    tpu.enqueue_dma source(%dma_start3A_376 : memref<1x64xf32, #tpu.memory_space<hbm>>) target(%dma_start3A_374 : memref<1x64xf32, #tpu.memory_space<vmem>>) target_semaphore(%arg8 : memref<!tpu.dma_semaphore, #tpu.memory_space<semaphore_mem>>)
    %dma_start3A_377 = arith.constant 10 : i32
    %dma_start3A_378 = arith.constant 0 : i32
    %dma_start3A_379 = tpu.memref_slice %arg6[%dma_start3A_377, %dma_start3A_378] : memref<128x64xf32, #tpu.memory_space<vmem>> -> memref<1x64xf32, #tpu.memory_space<vmem>>
    %dma_start3A_380 = arith.constant 0 : i32
    %dma_start3A_381 = tpu.memref_slice %arg3[%squeeze3A_22, %dma_start3A_380] : memref<1000000x64xf32, #tpu.memory_space<hbm>> -> memref<1x64xf32, #tpu.memory_space<hbm>>
    %dma_start3A_382 = arith.constant 10 : i32
    %dma_start3A_383 = arith.constant 0 : i32
    %dma_start3A_384 = tpu.memref_slice %arg6[%dma_start3A_382, %dma_start3A_383] : memref<128x64xf32, #tpu.memory_space<vmem>> -> memref<1x64xf32, #tpu.memory_space<vmem>>
    %dma_start3A_385 = arith.constant 0 : i32
    %dma_start3A_386 = tpu.memref_slice %arg3[%squeeze3A_22, %dma_start3A_385] : memref<1000000x64xf32, #tpu.memory_space<hbm>> -> memref<1x64xf32, #tpu.memory_space<hbm>>
    tpu.enqueue_dma source(%dma_start3A_386 : memref<1x64xf32, #tpu.memory_space<hbm>>) target(%dma_start3A_384 : memref<1x64xf32, #tpu.memory_space<vmem>>) target_semaphore(%arg9 : memref<!tpu.dma_semaphore, #tpu.memory_space<semaphore_mem>>)
    %dma_start3A_387 = arith.constant 11 : i32
    %dma_start3A_388 = arith.constant 0 : i32
    %dma_start3A_389 = tpu.memref_slice %arg6[%dma_start3A_387, %dma_start3A_388] : memref<128x64xf32, #tpu.memory_space<vmem>> -> memref<1x64xf32, #tpu.memory_space<vmem>>
    %dma_start3A_390 = arith.constant 0 : i32
    %dma_start3A_391 = tpu.memref_slice %arg3[%squeeze3A_24, %dma_start3A_390] : memref<1000000x64xf32, #tpu.memory_space<hbm>> -> memref<1x64xf32, #tpu.memory_space<hbm>>
    %dma_start3A_392 = arith.constant 11 : i32
    %dma_start3A_393 = arith.constant 0 : i32
    %dma_start3A_394 = tpu.memref_slice %arg6[%dma_start3A_392, %dma_start3A_393] : memref<128x64xf32, #tpu.memory_space<vmem>> -> memref<1x64xf32, #tpu.memory_space<vmem>>
    %dma_start3A_395 = arith.constant 0 : i32
    %dma_start3A_396 = tpu.memref_slice %arg3[%squeeze3A_24, %dma_start3A_395] : memref<1000000x64xf32, #tpu.memory_space<hbm>> -> memref<1x64xf32, #tpu.memory_space<hbm>>
    tpu.enqueue_dma source(%dma_start3A_396 : memref<1x64xf32, #tpu.memory_space<hbm>>) target(%dma_start3A_394 : memref<1x64xf32, #tpu.memory_space<vmem>>) target_semaphore(%arg10 : memref<!tpu.dma_semaphore, #tpu.memory_space<semaphore_mem>>)
    %dma_start3A_397 = arith.constant 12 : i32
    %dma_start3A_398 = arith.constant 0 : i32
    %dma_start3A_399 = tpu.memref_slice %arg6[%dma_start3A_397, %dma_start3A_398] : memref<128x64xf32, #tpu.memory_space<vmem>> -> memref<1x64xf32, #tpu.memory_space<vmem>>
    %dma_start3A_400 = arith.constant 0 : i32
    %dma_start3A_401 = tpu.memref_slice %arg3[%squeeze3A_26, %dma_start3A_400] : memref<1000000x64xf32, #tpu.memory_space<hbm>> -> memref<1x64xf32, #tpu.memory_space<hbm>>
    %dma_start3A_402 = arith.constant 12 : i32
    %dma_start3A_403 = arith.constant 0 : i32
    %dma_start3A_404 = tpu.memref_slice %arg6[%dma_start3A_402, %dma_start3A_403] : memref<128x64xf32, #tpu.memory_space<vmem>> -> memref<1x64xf32, #tpu.memory_space<vmem>>
    %dma_start3A_405 = arith.constant 0 : i32
    %dma_start3A_406 = tpu.memref_slice %arg3[%squeeze3A_26, %dma_start3A_405] : memref<1000000x64xf32, #tpu.memory_space<hbm>> -> memref<1x64xf32, #tpu.memory_space<hbm>>
    tpu.enqueue_dma source(%dma_start3A_406 : memref<1x64xf32, #tpu.memory_space<hbm>>) target(%dma_start3A_404 : memref<1x64xf32, #tpu.memory_space<vmem>>) target_semaphore(%arg11 : memref<!tpu.dma_semaphore, #tpu.memory_space<semaphore_mem>>)
    %dma_start3A_407 = arith.constant 13 : i32
    %dma_start3A_408 = arith.constant 0 : i32
    %dma_start3A_409 = tpu.memref_slice %arg6[%dma_start3A_407, %dma_start3A_408] : memref<128x64xf32, #tpu.memory_space<vmem>> -> memref<1x64xf32, #tpu.memory_space<vmem>>
    %dma_start3A_410 = arith.constant 0 : i32
    %dma_start3A_411 = tpu.memref_slice %arg3[%squeeze3A_28, %dma_start3A_410] : memref<1000000x64xf32, #tpu.memory_space<hbm>> -> memref<1x64xf32, #tpu.memory_space<hbm>>
    %dma_start3A_412 = arith.constant 13 : i32
    %dma_start3A_413 = arith.constant 0 : i32
    %dma_start3A_414 = tpu.memref_slice %arg6[%dma_start3A_412, %dma_start3A_413] : memref<128x64xf32, #tpu.memory_space<vmem>> -> memref<1x64xf32, #tpu.memory_space<vmem>>
    %dma_start3A_415 = arith.constant 0 : i32
    %dma_start3A_416 = tpu.memref_slice %arg3[%squeeze3A_28, %dma_start3A_415] : memref<1000000x64xf32, #tpu.memory_space<hbm>> -> memref<1x64xf32, #tpu.memory_space<hbm>>
    tpu.enqueue_dma source(%dma_start3A_416 : memref<1x64xf32, #tpu.memory_space<hbm>>) target(%dma_start3A_414 : memref<1x64xf32, #tpu.memory_space<vmem>>) target_semaphore(%arg12 : memref<!tpu.dma_semaphore, #tpu.memory_space<semaphore_mem>>)
    %dma_start3A_417 = arith.constant 14 : i32
    %dma_start3A_418 = arith.constant 0 : i32
    %dma_start3A_419 = tpu.memref_slice %arg6[%dma_start3A_417, %dma_start3A_418] : memref<128x64xf32, #tpu.memory_space<vmem>> -> memref<1x64xf32, #tpu.memory_space<vmem>>
    %dma_start3A_420 = arith.constant 0 : i32
    %dma_start3A_421 = tpu.memref_slice %arg3[%squeeze3A_30, %dma_start3A_420] : memref<1000000x64xf32, #tpu.memory_space<hbm>> -> memref<1x64xf32, #tpu.memory_space<hbm>>
    %dma_start3A_422 = arith.constant 14 : i32
    %dma_start3A_423 = arith.constant 0 : i32
    %dma_start3A_424 = tpu.memref_slice %arg6[%dma_start3A_422, %dma_start3A_423] : memref<128x64xf32, #tpu.memory_space<vmem>> -> memref<1x64xf32, #tpu.memory_space<vmem>>
    %dma_start3A_425 = arith.constant 0 : i32
    %dma_start3A_426 = tpu.memref_slice %arg3[%squeeze3A_30, %dma_start3A_425] : memref<1000000x64xf32, #tpu.memory_space<hbm>> -> memref<1x64xf32, #tpu.memory_space<hbm>>
    tpu.enqueue_dma source(%dma_start3A_426 : memref<1x64xf32, #tpu.memory_space<hbm>>) target(%dma_start3A_424 : memref<1x64xf32, #tpu.memory_space<vmem>>) target_semaphore(%arg13 : memref<!tpu.dma_semaphore, #tpu.memory_space<semaphore_mem>>)
    %dma_start3A_427 = arith.constant 15 : i32
    %dma_start3A_428 = arith.constant 0 : i32
    %dma_start3A_429 = tpu.memref_slice %arg6[%dma_start3A_427, %dma_start3A_428] : memref<128x64xf32, #tpu.memory_space<vmem>> -> memref<1x64xf32, #tpu.memory_space<vmem>>
    %dma_start3A_430 = arith.constant 0 : i32
    %dma_start3A_431 = tpu.memref_slice %arg3[%squeeze3A_32, %dma_start3A_430] : memref<1000000x64xf32, #tpu.memory_space<hbm>> -> memref<1x64xf32, #tpu.memory_space<hbm>>
    %dma_start3A_432 = arith.constant 15 : i32
    %dma_start3A_433 = arith.constant 0 : i32
    %dma_start3A_434 = tpu.memref_slice %arg6[%dma_start3A_432, %dma_start3A_433] : memref<128x64xf32, #tpu.memory_space<vmem>> -> memref<1x64xf32, #tpu.memory_space<vmem>>
    %dma_start3A_435 = arith.constant 0 : i32
    %dma_start3A_436 = tpu.memref_slice %arg3[%squeeze3A_32, %dma_start3A_435] : memref<1000000x64xf32, #tpu.memory_space<hbm>> -> memref<1x64xf32, #tpu.memory_space<hbm>>
    tpu.enqueue_dma source(%dma_start3A_436 : memref<1x64xf32, #tpu.memory_space<hbm>>) target(%dma_start3A_434 : memref<1x64xf32, #tpu.memory_space<vmem>>) target_semaphore(%arg14 : memref<!tpu.dma_semaphore, #tpu.memory_space<semaphore_mem>>)
    %dma_start3A_437 = arith.constant 16 : i32
    %dma_start3A_438 = arith.constant 0 : i32
    %dma_start3A_439 = tpu.memref_slice %arg6[%dma_start3A_437, %dma_start3A_438] : memref<128x64xf32, #tpu.memory_space<vmem>> -> memref<1x64xf32, #tpu.memory_space<vmem>>
    %dma_start3A_440 = arith.constant 0 : i32
    %dma_start3A_441 = tpu.memref_slice %arg3[%squeeze3A_37, %dma_start3A_440] : memref<1000000x64xf32, #tpu.memory_space<hbm>> -> memref<1x64xf32, #tpu.memory_space<hbm>>
    %dma_start3A_442 = arith.constant 16 : i32
    %dma_start3A_443 = arith.constant 0 : i32
    %dma_start3A_444 = tpu.memref_slice %arg6[%dma_start3A_442, %dma_start3A_443] : memref<128x64xf32, #tpu.memory_space<vmem>> -> memref<1x64xf32, #tpu.memory_space<vmem>>
    %dma_start3A_445 = arith.constant 0 : i32
    %dma_start3A_446 = tpu.memref_slice %arg3[%squeeze3A_37, %dma_start3A_445] : memref<1000000x64xf32, #tpu.memory_space<hbm>> -> memref<1x64xf32, #tpu.memory_space<hbm>>
    tpu.enqueue_dma source(%dma_start3A_446 : memref<1x64xf32, #tpu.memory_space<hbm>>) target(%dma_start3A_444 : memref<1x64xf32, #tpu.memory_space<vmem>>) target_semaphore(%arg7 : memref<!tpu.dma_semaphore, #tpu.memory_space<semaphore_mem>>)
    %dma_start3A_447 = arith.constant 17 : i32
    %dma_start3A_448 = arith.constant 0 : i32
    %dma_start3A_449 = tpu.memref_slice %arg6[%dma_start3A_447, %dma_start3A_448] : memref<128x64xf32, #tpu.memory_space<vmem>> -> memref<1x64xf32, #tpu.memory_space<vmem>>
    %dma_start3A_450 = arith.constant 0 : i32
    %dma_start3A_451 = tpu.memref_slice %arg3[%squeeze3A_39, %dma_start3A_450] : memref<1000000x64xf32, #tpu.memory_space<hbm>> -> memref<1x64xf32, #tpu.memory_space<hbm>>
    %dma_start3A_452 = arith.constant 17 : i32
    %dma_start3A_453 = arith.constant 0 : i32
    %dma_start3A_454 = tpu.memref_slice %arg6[%dma_start3A_452, %dma_start3A_453] : memref<128x64xf32, #tpu.memory_space<vmem>> -> memref<1x64xf32, #tpu.memory_space<vmem>>
    %dma_start3A_455 = arith.constant 0 : i32
    %dma_start3A_456 = tpu.memref_slice %arg3[%squeeze3A_39, %dma_start3A_455] : memref<1000000x64xf32, #tpu.memory_space<hbm>> -> memref<1x64xf32, #tpu.memory_space<hbm>>
    tpu.enqueue_dma source(%dma_start3A_456 : memref<1x64xf32, #tpu.memory_space<hbm>>) target(%dma_start3A_454 : memref<1x64xf32, #tpu.memory_space<vmem>>) target_semaphore(%arg8 : memref<!tpu.dma_semaphore, #tpu.memory_space<semaphore_mem>>)
    %dma_start3A_457 = arith.constant 18 : i32
    %dma_start3A_458 = arith.constant 0 : i32
    %dma_start3A_459 = tpu.memref_slice %arg6[%dma_start3A_457, %dma_start3A_458] : memref<128x64xf32, #tpu.memory_space<vmem>> -> memref<1x64xf32, #tpu.memory_space<vmem>>
    %dma_start3A_460 = arith.constant 0 : i32
    %dma_start3A_461 = tpu.memref_slice %arg3[%squeeze3A_41, %dma_start3A_460] : memref<1000000x64xf32, #tpu.memory_space<hbm>> -> memref<1x64xf32, #tpu.memory_space<hbm>>
    %dma_start3A_462 = arith.constant 18 : i32
    %dma_start3A_463 = arith.constant 0 : i32
    %dma_start3A_464 = tpu.memref_slice %arg6[%dma_start3A_462, %dma_start3A_463] : memref<128x64xf32, #tpu.memory_space<vmem>> -> memref<1x64xf32, #tpu.memory_space<vmem>>
    %dma_start3A_465 = arith.constant 0 : i32
    %dma_start3A_466 = tpu.memref_slice %arg3[%squeeze3A_41, %dma_start3A_465] : memref<1000000x64xf32, #tpu.memory_space<hbm>> -> memref<1x64xf32, #tpu.memory_space<hbm>>
    tpu.enqueue_dma source(%dma_start3A_466 : memref<1x64xf32, #tpu.memory_space<hbm>>) target(%dma_start3A_464 : memref<1x64xf32, #tpu.memory_space<vmem>>) target_semaphore(%arg9 : memref<!tpu.dma_semaphore, #tpu.memory_space<semaphore_mem>>)
    %dma_start3A_467 = arith.constant 19 : i32
    %dma_start3A_468 = arith.constant 0 : i32
    %dma_start3A_469 = tpu.memref_slice %arg6[%dma_start3A_467, %dma_start3A_468] : memref<128x64xf32, #tpu.memory_space<vmem>> -> memref<1x64xf32, #tpu.memory_space<vmem>>
    %dma_start3A_470 = arith.constant 0 : i32
    %dma_start3A_471 = tpu.memref_slice %arg3[%squeeze3A_43, %dma_start3A_470] : memref<1000000x64xf32, #tpu.memory_space<hbm>> -> memref<1x64xf32, #tpu.memory_space<hbm>>
    %dma_start3A_472 = arith.constant 19 : i32
    %dma_start3A_473 = arith.constant 0 : i32
    %dma_start3A_474 = tpu.memref_slice %arg6[%dma_start3A_472, %dma_start3A_473] : memref<128x64xf32, #tpu.memory_space<vmem>> -> memref<1x64xf32, #tpu.memory_space<vmem>>
    %dma_start3A_475 = arith.constant 0 : i32
    %dma_start3A_476 = tpu.memref_slice %arg3[%squeeze3A_43, %dma_start3A_475] : memref<1000000x64xf32, #tpu.memory_space<hbm>> -> memref<1x64xf32, #tpu.memory_space<hbm>>
    tpu.enqueue_dma source(%dma_start3A_476 : memref<1x64xf32, #tpu.memory_space<hbm>>) target(%dma_start3A_474 : memref<1x64xf32, #tpu.memory_space<vmem>>) target_semaphore(%arg10 : memref<!tpu.dma_semaphore, #tpu.memory_space<semaphore_mem>>)
    %dma_start3A_477 = arith.constant 20 : i32
    %dma_start3A_478 = arith.constant 0 : i32
    %dma_start3A_479 = tpu.memref_slice %arg6[%dma_start3A_477, %dma_start3A_478] : memref<128x64xf32, #tpu.memory_space<vmem>> -> memref<1x64xf32, #tpu.memory_space<vmem>>
    %dma_start3A_480 = arith.constant 0 : i32
    %dma_start3A_481 = tpu.memref_slice %arg3[%squeeze3A_45, %dma_start3A_480] : memref<1000000x64xf32, #tpu.memory_space<hbm>> -> memref<1x64xf32, #tpu.memory_space<hbm>>
    %dma_start3A_482 = arith.constant 20 : i32
    %dma_start3A_483 = arith.constant 0 : i32
    %dma_start3A_484 = tpu.memref_slice %arg6[%dma_start3A_482, %dma_start3A_483] : memref<128x64xf32, #tpu.memory_space<vmem>> -> memref<1x64xf32, #tpu.memory_space<vmem>>
    %dma_start3A_485 = arith.constant 0 : i32
    %dma_start3A_486 = tpu.memref_slice %arg3[%squeeze3A_45, %dma_start3A_485] : memref<1000000x64xf32, #tpu.memory_space<hbm>> -> memref<1x64xf32, #tpu.memory_space<hbm>>
    tpu.enqueue_dma source(%dma_start3A_486 : memref<1x64xf32, #tpu.memory_space<hbm>>) target(%dma_start3A_484 : memref<1x64xf32, #tpu.memory_space<vmem>>) target_semaphore(%arg11 : memref<!tpu.dma_semaphore, #tpu.memory_space<semaphore_mem>>)
    %dma_start3A_487 = arith.constant 21 : i32
    %dma_start3A_488 = arith.constant 0 : i32
    %dma_start3A_489 = tpu.memref_slice %arg6[%dma_start3A_487, %dma_start3A_488] : memref<128x64xf32, #tpu.memory_space<vmem>> -> memref<1x64xf32, #tpu.memory_space<vmem>>
    %dma_start3A_490 = arith.constant 0 : i32
    %dma_start3A_491 = tpu.memref_slice %arg3[%squeeze3A_47, %dma_start3A_490] : memref<1000000x64xf32, #tpu.memory_space<hbm>> -> memref<1x64xf32, #tpu.memory_space<hbm>>
    %dma_start3A_492 = arith.constant 21 : i32
    %dma_start3A_493 = arith.constant 0 : i32
    %dma_start3A_494 = tpu.memref_slice %arg6[%dma_start3A_492, %dma_start3A_493] : memref<128x64xf32, #tpu.memory_space<vmem>> -> memref<1x64xf32, #tpu.memory_space<vmem>>
    %dma_start3A_495 = arith.constant 0 : i32
    %dma_start3A_496 = tpu.memref_slice %arg3[%squeeze3A_47, %dma_start3A_495] : memref<1000000x64xf32, #tpu.memory_space<hbm>> -> memref<1x64xf32, #tpu.memory_space<hbm>>
    tpu.enqueue_dma source(%dma_start3A_496 : memref<1x64xf32, #tpu.memory_space<hbm>>) target(%dma_start3A_494 : memref<1x64xf32, #tpu.memory_space<vmem>>) target_semaphore(%arg12 : memref<!tpu.dma_semaphore, #tpu.memory_space<semaphore_mem>>)
    %dma_start3A_497 = arith.constant 22 : i32
    %dma_start3A_498 = arith.constant 0 : i32
    %dma_start3A_499 = tpu.memref_slice %arg6[%dma_start3A_497, %dma_start3A_498] : memref<128x64xf32, #tpu.memory_space<vmem>> -> memref<1x64xf32, #tpu.memory_space<vmem>>
    %dma_start3A_500 = arith.constant 0 : i32
    %dma_start3A_501 = tpu.memref_slice %arg3[%squeeze3A_49, %dma_start3A_500] : memref<1000000x64xf32, #tpu.memory_space<hbm>> -> memref<1x64xf32, #tpu.memory_space<hbm>>
    %dma_start3A_502 = arith.constant 22 : i32
    %dma_start3A_503 = arith.constant 0 : i32
    %dma_start3A_504 = tpu.memref_slice %arg6[%dma_start3A_502, %dma_start3A_503] : memref<128x64xf32, #tpu.memory_space<vmem>> -> memref<1x64xf32, #tpu.memory_space<vmem>>
    %dma_start3A_505 = arith.constant 0 : i32
    %dma_start3A_506 = tpu.memref_slice %arg3[%squeeze3A_49, %dma_start3A_505] : memref<1000000x64xf32, #tpu.memory_space<hbm>> -> memref<1x64xf32, #tpu.memory_space<hbm>>
    tpu.enqueue_dma source(%dma_start3A_506 : memref<1x64xf32, #tpu.memory_space<hbm>>) target(%dma_start3A_504 : memref<1x64xf32, #tpu.memory_space<vmem>>) target_semaphore(%arg13 : memref<!tpu.dma_semaphore, #tpu.memory_space<semaphore_mem>>)
    %dma_start3A_507 = arith.constant 23 : i32
    %dma_start3A_508 = arith.constant 0 : i32
    %dma_start3A_509 = tpu.memref_slice %arg6[%dma_start3A_507, %dma_start3A_508] : memref<128x64xf32, #tpu.memory_space<vmem>> -> memref<1x64xf32, #tpu.memory_space<vmem>>
    %dma_start3A_510 = arith.constant 0 : i32
    %dma_start3A_511 = tpu.memref_slice %arg3[%squeeze3A_51, %dma_start3A_510] : memref<1000000x64xf32, #tpu.memory_space<hbm>> -> memref<1x64xf32, #tpu.memory_space<hbm>>
    %dma_start3A_512 = arith.constant 23 : i32
    %dma_start3A_513 = arith.constant 0 : i32
    %dma_start3A_514 = tpu.memref_slice %arg6[%dma_start3A_512, %dma_start3A_513] : memref<128x64xf32, #tpu.memory_space<vmem>> -> memref<1x64xf32, #tpu.memory_space<vmem>>
    %dma_start3A_515 = arith.constant 0 : i32
    %dma_start3A_516 = tpu.memref_slice %arg3[%squeeze3A_51, %dma_start3A_515] : memref<1000000x64xf32, #tpu.memory_space<hbm>> -> memref<1x64xf32, #tpu.memory_space<hbm>>
    tpu.enqueue_dma source(%dma_start3A_516 : memref<1x64xf32, #tpu.memory_space<hbm>>) target(%dma_start3A_514 : memref<1x64xf32, #tpu.memory_space<vmem>>) target_semaphore(%arg14 : memref<!tpu.dma_semaphore, #tpu.memory_space<semaphore_mem>>)
    %dma_start3A_517 = arith.constant 24 : i32
    %dma_start3A_518 = arith.constant 0 : i32
    %dma_start3A_519 = tpu.memref_slice %arg6[%dma_start3A_517, %dma_start3A_518] : memref<128x64xf32, #tpu.memory_space<vmem>> -> memref<1x64xf32, #tpu.memory_space<vmem>>
    %dma_start3A_520 = arith.constant 0 : i32
    %dma_start3A_521 = tpu.memref_slice %arg3[%squeeze3A_53, %dma_start3A_520] : memref<1000000x64xf32, #tpu.memory_space<hbm>> -> memref<1x64xf32, #tpu.memory_space<hbm>>
    %dma_start3A_522 = arith.constant 24 : i32
    %dma_start3A_523 = arith.constant 0 : i32
    %dma_start3A_524 = tpu.memref_slice %arg6[%dma_start3A_522, %dma_start3A_523] : memref<128x64xf32, #tpu.memory_space<vmem>> -> memref<1x64xf32, #tpu.memory_space<vmem>>
    %dma_start3A_525 = arith.constant 0 : i32
    %dma_start3A_526 = tpu.memref_slice %arg3[%squeeze3A_53, %dma_start3A_525] : memref<1000000x64xf32, #tpu.memory_space<hbm>> -> memref<1x64xf32, #tpu.memory_space<hbm>>
    tpu.enqueue_dma source(%dma_start3A_526 : memref<1x64xf32, #tpu.memory_space<hbm>>) target(%dma_start3A_524 : memref<1x64xf32, #tpu.memory_space<vmem>>) target_semaphore(%arg7 : memref<!tpu.dma_semaphore, #tpu.memory_space<semaphore_mem>>)
    %dma_start3A_527 = arith.constant 25 : i32
    %dma_start3A_528 = arith.constant 0 : i32
    %dma_start3A_529 = tpu.memref_slice %arg6[%dma_start3A_527, %dma_start3A_528] : memref<128x64xf32, #tpu.memory_space<vmem>> -> memref<1x64xf32, #tpu.memory_space<vmem>>
    %dma_start3A_530 = arith.constant 0 : i32
    %dma_start3A_531 = tpu.memref_slice %arg3[%squeeze3A_55, %dma_start3A_530] : memref<1000000x64xf32, #tpu.memory_space<hbm>> -> memref<1x64xf32, #tpu.memory_space<hbm>>
    %dma_start3A_532 = arith.constant 25 : i32
    %dma_start3A_533 = arith.constant 0 : i32
    %dma_start3A_534 = tpu.memref_slice %arg6[%dma_start3A_532, %dma_start3A_533] : memref<128x64xf32, #tpu.memory_space<vmem>> -> memref<1x64xf32, #tpu.memory_space<vmem>>
    %dma_start3A_535 = arith.constant 0 : i32
    %dma_start3A_536 = tpu.memref_slice %arg3[%squeeze3A_55, %dma_start3A_535] : memref<1000000x64xf32, #tpu.memory_space<hbm>> -> memref<1x64xf32, #tpu.memory_space<hbm>>
    tpu.enqueue_dma source(%dma_start3A_536 : memref<1x64xf32, #tpu.memory_space<hbm>>) target(%dma_start3A_534 : memref<1x64xf32, #tpu.memory_space<vmem>>) target_semaphore(%arg8 : memref<!tpu.dma_semaphore, #tpu.memory_space<semaphore_mem>>)
    %dma_start3A_537 = arith.constant 26 : i32
    %dma_start3A_538 = arith.constant 0 : i32
    %dma_start3A_539 = tpu.memref_slice %arg6[%dma_start3A_537, %dma_start3A_538] : memref<128x64xf32, #tpu.memory_space<vmem>> -> memref<1x64xf32, #tpu.memory_space<vmem>>
    %dma_start3A_540 = arith.constant 0 : i32
    %dma_start3A_541 = tpu.memref_slice %arg3[%squeeze3A_57, %dma_start3A_540] : memref<1000000x64xf32, #tpu.memory_space<hbm>> -> memref<1x64xf32, #tpu.memory_space<hbm>>
    %dma_start3A_542 = arith.constant 26 : i32
    %dma_start3A_543 = arith.constant 0 : i32
    %dma_start3A_544 = tpu.memref_slice %arg6[%dma_start3A_542, %dma_start3A_543] : memref<128x64xf32, #tpu.memory_space<vmem>> -> memref<1x64xf32, #tpu.memory_space<vmem>>
    %dma_start3A_545 = arith.constant 0 : i32
    %dma_start3A_546 = tpu.memref_slice %arg3[%squeeze3A_57, %dma_start3A_545] : memref<1000000x64xf32, #tpu.memory_space<hbm>> -> memref<1x64xf32, #tpu.memory_space<hbm>>
    tpu.enqueue_dma source(%dma_start3A_546 : memref<1x64xf32, #tpu.memory_space<hbm>>) target(%dma_start3A_544 : memref<1x64xf32, #tpu.memory_space<vmem>>) target_semaphore(%arg9 : memref<!tpu.dma_semaphore, #tpu.memory_space<semaphore_mem>>)
    %dma_start3A_547 = arith.constant 27 : i32
    %dma_start3A_548 = arith.constant 0 : i32
    %dma_start3A_549 = tpu.memref_slice %arg6[%dma_start3A_547, %dma_start3A_548] : memref<128x64xf32, #tpu.memory_space<vmem>> -> memref<1x64xf32, #tpu.memory_space<vmem>>
    %dma_start3A_550 = arith.constant 0 : i32
    %dma_start3A_551 = tpu.memref_slice %arg3[%squeeze3A_59, %dma_start3A_550] : memref<1000000x64xf32, #tpu.memory_space<hbm>> -> memref<1x64xf32, #tpu.memory_space<hbm>>
    %dma_start3A_552 = arith.constant 27 : i32
    %dma_start3A_553 = arith.constant 0 : i32
    %dma_start3A_554 = tpu.memref_slice %arg6[%dma_start3A_552, %dma_start3A_553] : memref<128x64xf32, #tpu.memory_space<vmem>> -> memref<1x64xf32, #tpu.memory_space<vmem>>
    %dma_start3A_555 = arith.constant 0 : i32
    %dma_start3A_556 = tpu.memref_slice %arg3[%squeeze3A_59, %dma_start3A_555] : memref<1000000x64xf32, #tpu.memory_space<hbm>> -> memref<1x64xf32, #tpu.memory_space<hbm>>
    tpu.enqueue_dma source(%dma_start3A_556 : memref<1x64xf32, #tpu.memory_space<hbm>>) target(%dma_start3A_554 : memref<1x64xf32, #tpu.memory_space<vmem>>) target_semaphore(%arg10 : memref<!tpu.dma_semaphore, #tpu.memory_space<semaphore_mem>>)
    %dma_start3A_557 = arith.constant 28 : i32
    %dma_start3A_558 = arith.constant 0 : i32
    %dma_start3A_559 = tpu.memref_slice %arg6[%dma_start3A_557, %dma_start3A_558] : memref<128x64xf32, #tpu.memory_space<vmem>> -> memref<1x64xf32, #tpu.memory_space<vmem>>
    %dma_start3A_560 = arith.constant 0 : i32
    %dma_start3A_561 = tpu.memref_slice %arg3[%squeeze3A_61, %dma_start3A_560] : memref<1000000x64xf32, #tpu.memory_space<hbm>> -> memref<1x64xf32, #tpu.memory_space<hbm>>
    %dma_start3A_562 = arith.constant 28 : i32
    %dma_start3A_563 = arith.constant 0 : i32
    %dma_start3A_564 = tpu.memref_slice %arg6[%dma_start3A_562, %dma_start3A_563] : memref<128x64xf32, #tpu.memory_space<vmem>> -> memref<1x64xf32, #tpu.memory_space<vmem>>
    %dma_start3A_565 = arith.constant 0 : i32
    %dma_start3A_566 = tpu.memref_slice %arg3[%squeeze3A_61, %dma_start3A_565] : memref<1000000x64xf32, #tpu.memory_space<hbm>> -> memref<1x64xf32, #tpu.memory_space<hbm>>
    tpu.enqueue_dma source(%dma_start3A_566 : memref<1x64xf32, #tpu.memory_space<hbm>>) target(%dma_start3A_564 : memref<1x64xf32, #tpu.memory_space<vmem>>) target_semaphore(%arg11 : memref<!tpu.dma_semaphore, #tpu.memory_space<semaphore_mem>>)
    %dma_start3A_567 = arith.constant 29 : i32
    %dma_start3A_568 = arith.constant 0 : i32
    %dma_start3A_569 = tpu.memref_slice %arg6[%dma_start3A_567, %dma_start3A_568] : memref<128x64xf32, #tpu.memory_space<vmem>> -> memref<1x64xf32, #tpu.memory_space<vmem>>
    %dma_start3A_570 = arith.constant 0 : i32
    %dma_start3A_571 = tpu.memref_slice %arg3[%squeeze3A_63, %dma_start3A_570] : memref<1000000x64xf32, #tpu.memory_space<hbm>> -> memref<1x64xf32, #tpu.memory_space<hbm>>
    %dma_start3A_572 = arith.constant 29 : i32
    %dma_start3A_573 = arith.constant 0 : i32
    %dma_start3A_574 = tpu.memref_slice %arg6[%dma_start3A_572, %dma_start3A_573] : memref<128x64xf32, #tpu.memory_space<vmem>> -> memref<1x64xf32, #tpu.memory_space<vmem>>
    %dma_start3A_575 = arith.constant 0 : i32
    %dma_start3A_576 = tpu.memref_slice %arg3[%squeeze3A_63, %dma_start3A_575] : memref<1000000x64xf32, #tpu.memory_space<hbm>> -> memref<1x64xf32, #tpu.memory_space<hbm>>
    tpu.enqueue_dma source(%dma_start3A_576 : memref<1x64xf32, #tpu.memory_space<hbm>>) target(%dma_start3A_574 : memref<1x64xf32, #tpu.memory_space<vmem>>) target_semaphore(%arg12 : memref<!tpu.dma_semaphore, #tpu.memory_space<semaphore_mem>>)
    %dma_start3A_577 = arith.constant 30 : i32
    %dma_start3A_578 = arith.constant 0 : i32
    %dma_start3A_579 = tpu.memref_slice %arg6[%dma_start3A_577, %dma_start3A_578] : memref<128x64xf32, #tpu.memory_space<vmem>> -> memref<1x64xf32, #tpu.memory_space<vmem>>
    %dma_start3A_580 = arith.constant 0 : i32
    %dma_start3A_581 = tpu.memref_slice %arg3[%squeeze3A_65, %dma_start3A_580] : memref<1000000x64xf32, #tpu.memory_space<hbm>> -> memref<1x64xf32, #tpu.memory_space<hbm>>
    %dma_start3A_582 = arith.constant 30 : i32
    %dma_start3A_583 = arith.constant 0 : i32
    %dma_start3A_584 = tpu.memref_slice %arg6[%dma_start3A_582, %dma_start3A_583] : memref<128x64xf32, #tpu.memory_space<vmem>> -> memref<1x64xf32, #tpu.memory_space<vmem>>
    %dma_start3A_585 = arith.constant 0 : i32
    %dma_start3A_586 = tpu.memref_slice %arg3[%squeeze3A_65, %dma_start3A_585] : memref<1000000x64xf32, #tpu.memory_space<hbm>> -> memref<1x64xf32, #tpu.memory_space<hbm>>
    tpu.enqueue_dma source(%dma_start3A_586 : memref<1x64xf32, #tpu.memory_space<hbm>>) target(%dma_start3A_584 : memref<1x64xf32, #tpu.memory_space<vmem>>) target_semaphore(%arg13 : memref<!tpu.dma_semaphore, #tpu.memory_space<semaphore_mem>>)
    %dma_start3A_587 = arith.constant 31 : i32
    %dma_start3A_588 = arith.constant 0 : i32
    %dma_start3A_589 = tpu.memref_slice %arg6[%dma_start3A_587, %dma_start3A_588] : memref<128x64xf32, #tpu.memory_space<vmem>> -> memref<1x64xf32, #tpu.memory_space<vmem>>
    %dma_start3A_590 = arith.constant 0 : i32
    %dma_start3A_591 = tpu.memref_slice %arg3[%squeeze3A_67, %dma_start3A_590] : memref<1000000x64xf32, #tpu.memory_space<hbm>> -> memref<1x64xf32, #tpu.memory_space<hbm>>
    %dma_start3A_592 = arith.constant 31 : i32
    %dma_start3A_593 = arith.constant 0 : i32
    %dma_start3A_594 = tpu.memref_slice %arg6[%dma_start3A_592, %dma_start3A_593] : memref<128x64xf32, #tpu.memory_space<vmem>> -> memref<1x64xf32, #tpu.memory_space<vmem>>
    %dma_start3A_595 = arith.constant 0 : i32
    %dma_start3A_596 = tpu.memref_slice %arg3[%squeeze3A_67, %dma_start3A_595] : memref<1000000x64xf32, #tpu.memory_space<hbm>> -> memref<1x64xf32, #tpu.memory_space<hbm>>
    tpu.enqueue_dma source(%dma_start3A_596 : memref<1x64xf32, #tpu.memory_space<hbm>>) target(%dma_start3A_594 : memref<1x64xf32, #tpu.memory_space<vmem>>) target_semaphore(%arg14 : memref<!tpu.dma_semaphore, #tpu.memory_space<semaphore_mem>>)
    %dma_start3A_597 = arith.constant 32 : i32
    %dma_start3A_598 = arith.constant 0 : i32
    %dma_start3A_599 = tpu.memref_slice %arg6[%dma_start3A_597, %dma_start3A_598] : memref<128x64xf32, #tpu.memory_space<vmem>> -> memref<1x64xf32, #tpu.memory_space<vmem>>
    %dma_start3A_600 = arith.constant 0 : i32
    %dma_start3A_601 = tpu.memref_slice %arg3[%squeeze3A_72, %dma_start3A_600] : memref<1000000x64xf32, #tpu.memory_space<hbm>> -> memref<1x64xf32, #tpu.memory_space<hbm>>
    %dma_start3A_602 = arith.constant 32 : i32
    %dma_start3A_603 = arith.constant 0 : i32
    %dma_start3A_604 = tpu.memref_slice %arg6[%dma_start3A_602, %dma_start3A_603] : memref<128x64xf32, #tpu.memory_space<vmem>> -> memref<1x64xf32, #tpu.memory_space<vmem>>
    %dma_start3A_605 = arith.constant 0 : i32
    %dma_start3A_606 = tpu.memref_slice %arg3[%squeeze3A_72, %dma_start3A_605] : memref<1000000x64xf32, #tpu.memory_space<hbm>> -> memref<1x64xf32, #tpu.memory_space<hbm>>
    tpu.enqueue_dma source(%dma_start3A_606 : memref<1x64xf32, #tpu.memory_space<hbm>>) target(%dma_start3A_604 : memref<1x64xf32, #tpu.memory_space<vmem>>) target_semaphore(%arg7 : memref<!tpu.dma_semaphore, #tpu.memory_space<semaphore_mem>>)
    %dma_start3A_607 = arith.constant 33 : i32
    %dma_start3A_608 = arith.constant 0 : i32
    %dma_start3A_609 = tpu.memref_slice %arg6[%dma_start3A_607, %dma_start3A_608] : memref<128x64xf32, #tpu.memory_space<vmem>> -> memref<1x64xf32, #tpu.memory_space<vmem>>
    %dma_start3A_610 = arith.constant 0 : i32
    %dma_start3A_611 = tpu.memref_slice %arg3[%squeeze3A_74, %dma_start3A_610] : memref<1000000x64xf32, #tpu.memory_space<hbm>> -> memref<1x64xf32, #tpu.memory_space<hbm>>
    %dma_start3A_612 = arith.constant 33 : i32
    %dma_start3A_613 = arith.constant 0 : i32
    %dma_start3A_614 = tpu.memref_slice %arg6[%dma_start3A_612, %dma_start3A_613] : memref<128x64xf32, #tpu.memory_space<vmem>> -> memref<1x64xf32, #tpu.memory_space<vmem>>
    %dma_start3A_615 = arith.constant 0 : i32
    %dma_start3A_616 = tpu.memref_slice %arg3[%squeeze3A_74, %dma_start3A_615] : memref<1000000x64xf32, #tpu.memory_space<hbm>> -> memref<1x64xf32, #tpu.memory_space<hbm>>
    tpu.enqueue_dma source(%dma_start3A_616 : memref<1x64xf32, #tpu.memory_space<hbm>>) target(%dma_start3A_614 : memref<1x64xf32, #tpu.memory_space<vmem>>) target_semaphore(%arg8 : memref<!tpu.dma_semaphore, #tpu.memory_space<semaphore_mem>>)
    %dma_start3A_617 = arith.constant 34 : i32
    %dma_start3A_618 = arith.constant 0 : i32
    %dma_start3A_619 = tpu.memref_slice %arg6[%dma_start3A_617, %dma_start3A_618] : memref<128x64xf32, #tpu.memory_space<vmem>> -> memref<1x64xf32, #tpu.memory_space<vmem>>
    %dma_start3A_620 = arith.constant 0 : i32
    %dma_start3A_621 = tpu.memref_slice %arg3[%squeeze3A_76, %dma_start3A_620] : memref<1000000x64xf32, #tpu.memory_space<hbm>> -> memref<1x64xf32, #tpu.memory_space<hbm>>
    %dma_start3A_622 = arith.constant 34 : i32
    %dma_start3A_623 = arith.constant 0 : i32
    %dma_start3A_624 = tpu.memref_slice %arg6[%dma_start3A_622, %dma_start3A_623] : memref<128x64xf32, #tpu.memory_space<vmem>> -> memref<1x64xf32, #tpu.memory_space<vmem>>
    %dma_start3A_625 = arith.constant 0 : i32
    %dma_start3A_626 = tpu.memref_slice %arg3[%squeeze3A_76, %dma_start3A_625] : memref<1000000x64xf32, #tpu.memory_space<hbm>> -> memref<1x64xf32, #tpu.memory_space<hbm>>
    tpu.enqueue_dma source(%dma_start3A_626 : memref<1x64xf32, #tpu.memory_space<hbm>>) target(%dma_start3A_624 : memref<1x64xf32, #tpu.memory_space<vmem>>) target_semaphore(%arg9 : memref<!tpu.dma_semaphore, #tpu.memory_space<semaphore_mem>>)
    %dma_start3A_627 = arith.constant 35 : i32
    %dma_start3A_628 = arith.constant 0 : i32
    %dma_start3A_629 = tpu.memref_slice %arg6[%dma_start3A_627, %dma_start3A_628] : memref<128x64xf32, #tpu.memory_space<vmem>> -> memref<1x64xf32, #tpu.memory_space<vmem>>
    %dma_start3A_630 = arith.constant 0 : i32
    %dma_start3A_631 = tpu.memref_slice %arg3[%squeeze3A_78, %dma_start3A_630] : memref<1000000x64xf32, #tpu.memory_space<hbm>> -> memref<1x64xf32, #tpu.memory_space<hbm>>
    %dma_start3A_632 = arith.constant 35 : i32
    %dma_start3A_633 = arith.constant 0 : i32
    %dma_start3A_634 = tpu.memref_slice %arg6[%dma_start3A_632, %dma_start3A_633] : memref<128x64xf32, #tpu.memory_space<vmem>> -> memref<1x64xf32, #tpu.memory_space<vmem>>
    %dma_start3A_635 = arith.constant 0 : i32
    %dma_start3A_636 = tpu.memref_slice %arg3[%squeeze3A_78, %dma_start3A_635] : memref<1000000x64xf32, #tpu.memory_space<hbm>> -> memref<1x64xf32, #tpu.memory_space<hbm>>
    tpu.enqueue_dma source(%dma_start3A_636 : memref<1x64xf32, #tpu.memory_space<hbm>>) target(%dma_start3A_634 : memref<1x64xf32, #tpu.memory_space<vmem>>) target_semaphore(%arg10 : memref<!tpu.dma_semaphore, #tpu.memory_space<semaphore_mem>>)
    %dma_start3A_637 = arith.constant 36 : i32
    %dma_start3A_638 = arith.constant 0 : i32
    %dma_start3A_639 = tpu.memref_slice %arg6[%dma_start3A_637, %dma_start3A_638] : memref<128x64xf32, #tpu.memory_space<vmem>> -> memref<1x64xf32, #tpu.memory_space<vmem>>
    %dma_start3A_640 = arith.constant 0 : i32
    %dma_start3A_641 = tpu.memref_slice %arg3[%squeeze3A_80, %dma_start3A_640] : memref<1000000x64xf32, #tpu.memory_space<hbm>> -> memref<1x64xf32, #tpu.memory_space<hbm>>
    %dma_start3A_642 = arith.constant 36 : i32
    %dma_start3A_643 = arith.constant 0 : i32
    %dma_start3A_644 = tpu.memref_slice %arg6[%dma_start3A_642, %dma_start3A_643] : memref<128x64xf32, #tpu.memory_space<vmem>> -> memref<1x64xf32, #tpu.memory_space<vmem>>
    %dma_start3A_645 = arith.constant 0 : i32
    %dma_start3A_646 = tpu.memref_slice %arg3[%squeeze3A_80, %dma_start3A_645] : memref<1000000x64xf32, #tpu.memory_space<hbm>> -> memref<1x64xf32, #tpu.memory_space<hbm>>
    tpu.enqueue_dma source(%dma_start3A_646 : memref<1x64xf32, #tpu.memory_space<hbm>>) target(%dma_start3A_644 : memref<1x64xf32, #tpu.memory_space<vmem>>) target_semaphore(%arg11 : memref<!tpu.dma_semaphore, #tpu.memory_space<semaphore_mem>>)
    %dma_start3A_647 = arith.constant 37 : i32
    %dma_start3A_648 = arith.constant 0 : i32
    %dma_start3A_649 = tpu.memref_slice %arg6[%dma_start3A_647, %dma_start3A_648] : memref<128x64xf32, #tpu.memory_space<vmem>> -> memref<1x64xf32, #tpu.memory_space<vmem>>
    %dma_start3A_650 = arith.constant 0 : i32
    %dma_start3A_651 = tpu.memref_slice %arg3[%squeeze3A_82, %dma_start3A_650] : memref<1000000x64xf32, #tpu.memory_space<hbm>> -> memref<1x64xf32, #tpu.memory_space<hbm>>
    %dma_start3A_652 = arith.constant 37 : i32
    %dma_start3A_653 = arith.constant 0 : i32
    %dma_start3A_654 = tpu.memref_slice %arg6[%dma_start3A_652, %dma_start3A_653] : memref<128x64xf32, #tpu.memory_space<vmem>> -> memref<1x64xf32, #tpu.memory_space<vmem>>
    %dma_start3A_655 = arith.constant 0 : i32
    %dma_start3A_656 = tpu.memref_slice %arg3[%squeeze3A_82, %dma_start3A_655] : memref<1000000x64xf32, #tpu.memory_space<hbm>> -> memref<1x64xf32, #tpu.memory_space<hbm>>
    tpu.enqueue_dma source(%dma_start3A_656 : memref<1x64xf32, #tpu.memory_space<hbm>>) target(%dma_start3A_654 : memref<1x64xf32, #tpu.memory_space<vmem>>) target_semaphore(%arg12 : memref<!tpu.dma_semaphore, #tpu.memory_space<semaphore_mem>>)
    %dma_start3A_657 = arith.constant 38 : i32
    %dma_start3A_658 = arith.constant 0 : i32
    %dma_start3A_659 = tpu.memref_slice %arg6[%dma_start3A_657, %dma_start3A_658] : memref<128x64xf32, #tpu.memory_space<vmem>> -> memref<1x64xf32, #tpu.memory_space<vmem>>
    %dma_start3A_660 = arith.constant 0 : i32
    %dma_start3A_661 = tpu.memref_slice %arg3[%squeeze3A_84, %dma_start3A_660] : memref<1000000x64xf32, #tpu.memory_space<hbm>> -> memref<1x64xf32, #tpu.memory_space<hbm>>
    %dma_start3A_662 = arith.constant 38 : i32
    %dma_start3A_663 = arith.constant 0 : i32
    %dma_start3A_664 = tpu.memref_slice %arg6[%dma_start3A_662, %dma_start3A_663] : memref<128x64xf32, #tpu.memory_space<vmem>> -> memref<1x64xf32, #tpu.memory_space<vmem>>
    %dma_start3A_665 = arith.constant 0 : i32
    %dma_start3A_666 = tpu.memref_slice %arg3[%squeeze3A_84, %dma_start3A_665] : memref<1000000x64xf32, #tpu.memory_space<hbm>> -> memref<1x64xf32, #tpu.memory_space<hbm>>
    tpu.enqueue_dma source(%dma_start3A_666 : memref<1x64xf32, #tpu.memory_space<hbm>>) target(%dma_start3A_664 : memref<1x64xf32, #tpu.memory_space<vmem>>) target_semaphore(%arg13 : memref<!tpu.dma_semaphore, #tpu.memory_space<semaphore_mem>>)
    %dma_start3A_667 = arith.constant 39 : i32
    %dma_start3A_668 = arith.constant 0 : i32
    %dma_start3A_669 = tpu.memref_slice %arg6[%dma_start3A_667, %dma_start3A_668] : memref<128x64xf32, #tpu.memory_space<vmem>> -> memref<1x64xf32, #tpu.memory_space<vmem>>
    %dma_start3A_670 = arith.constant 0 : i32
    %dma_start3A_671 = tpu.memref_slice %arg3[%squeeze3A_86, %dma_start3A_670] : memref<1000000x64xf32, #tpu.memory_space<hbm>> -> memref<1x64xf32, #tpu.memory_space<hbm>>
    %dma_start3A_672 = arith.constant 39 : i32
    %dma_start3A_673 = arith.constant 0 : i32
    %dma_start3A_674 = tpu.memref_slice %arg6[%dma_start3A_672, %dma_start3A_673] : memref<128x64xf32, #tpu.memory_space<vmem>> -> memref<1x64xf32, #tpu.memory_space<vmem>>
    %dma_start3A_675 = arith.constant 0 : i32
    %dma_start3A_676 = tpu.memref_slice %arg3[%squeeze3A_86, %dma_start3A_675] : memref<1000000x64xf32, #tpu.memory_space<hbm>> -> memref<1x64xf32, #tpu.memory_space<hbm>>
    tpu.enqueue_dma source(%dma_start3A_676 : memref<1x64xf32, #tpu.memory_space<hbm>>) target(%dma_start3A_674 : memref<1x64xf32, #tpu.memory_space<vmem>>) target_semaphore(%arg14 : memref<!tpu.dma_semaphore, #tpu.memory_space<semaphore_mem>>)
    %dma_start3A_677 = arith.constant 40 : i32
    %dma_start3A_678 = arith.constant 0 : i32
    %dma_start3A_679 = tpu.memref_slice %arg6[%dma_start3A_677, %dma_start3A_678] : memref<128x64xf32, #tpu.memory_space<vmem>> -> memref<1x64xf32, #tpu.memory_space<vmem>>
    %dma_start3A_680 = arith.constant 0 : i32
    %dma_start3A_681 = tpu.memref_slice %arg3[%squeeze3A_88, %dma_start3A_680] : memref<1000000x64xf32, #tpu.memory_space<hbm>> -> memref<1x64xf32, #tpu.memory_space<hbm>>
    %dma_start3A_682 = arith.constant 40 : i32
    %dma_start3A_683 = arith.constant 0 : i32
    %dma_start3A_684 = tpu.memref_slice %arg6[%dma_start3A_682, %dma_start3A_683] : memref<128x64xf32, #tpu.memory_space<vmem>> -> memref<1x64xf32, #tpu.memory_space<vmem>>
    %dma_start3A_685 = arith.constant 0 : i32
    %dma_start3A_686 = tpu.memref_slice %arg3[%squeeze3A_88, %dma_start3A_685] : memref<1000000x64xf32, #tpu.memory_space<hbm>> -> memref<1x64xf32, #tpu.memory_space<hbm>>
    tpu.enqueue_dma source(%dma_start3A_686 : memref<1x64xf32, #tpu.memory_space<hbm>>) target(%dma_start3A_684 : memref<1x64xf32, #tpu.memory_space<vmem>>) target_semaphore(%arg7 : memref<!tpu.dma_semaphore, #tpu.memory_space<semaphore_mem>>)
    %dma_start3A_687 = arith.constant 41 : i32
    %dma_start3A_688 = arith.constant 0 : i32
    %dma_start3A_689 = tpu.memref_slice %arg6[%dma_start3A_687, %dma_start3A_688] : memref<128x64xf32, #tpu.memory_space<vmem>> -> memref<1x64xf32, #tpu.memory_space<vmem>>
    %dma_start3A_690 = arith.constant 0 : i32
    %dma_start3A_691 = tpu.memref_slice %arg3[%squeeze3A_90, %dma_start3A_690] : memref<1000000x64xf32, #tpu.memory_space<hbm>> -> memref<1x64xf32, #tpu.memory_space<hbm>>
    %dma_start3A_692 = arith.constant 41 : i32
    %dma_start3A_693 = arith.constant 0 : i32
    %dma_start3A_694 = tpu.memref_slice %arg6[%dma_start3A_692, %dma_start3A_693] : memref<128x64xf32, #tpu.memory_space<vmem>> -> memref<1x64xf32, #tpu.memory_space<vmem>>
    %dma_start3A_695 = arith.constant 0 : i32
    %dma_start3A_696 = tpu.memref_slice %arg3[%squeeze3A_90, %dma_start3A_695] : memref<1000000x64xf32, #tpu.memory_space<hbm>> -> memref<1x64xf32, #tpu.memory_space<hbm>>
    tpu.enqueue_dma source(%dma_start3A_696 : memref<1x64xf32, #tpu.memory_space<hbm>>) target(%dma_start3A_694 : memref<1x64xf32, #tpu.memory_space<vmem>>) target_semaphore(%arg8 : memref<!tpu.dma_semaphore, #tpu.memory_space<semaphore_mem>>)
    %dma_start3A_697 = arith.constant 42 : i32
    %dma_start3A_698 = arith.constant 0 : i32
    %dma_start3A_699 = tpu.memref_slice %arg6[%dma_start3A_697, %dma_start3A_698] : memref<128x64xf32, #tpu.memory_space<vmem>> -> memref<1x64xf32, #tpu.memory_space<vmem>>
    %dma_start3A_700 = arith.constant 0 : i32
    %dma_start3A_701 = tpu.memref_slice %arg3[%squeeze3A_92, %dma_start3A_700] : memref<1000000x64xf32, #tpu.memory_space<hbm>> -> memref<1x64xf32, #tpu.memory_space<hbm>>
    %dma_start3A_702 = arith.constant 42 : i32
    %dma_start3A_703 = arith.constant 0 : i32
    %dma_start3A_704 = tpu.memref_slice %arg6[%dma_start3A_702, %dma_start3A_703] : memref<128x64xf32, #tpu.memory_space<vmem>> -> memref<1x64xf32, #tpu.memory_space<vmem>>
    %dma_start3A_705 = arith.constant 0 : i32
    %dma_start3A_706 = tpu.memref_slice %arg3[%squeeze3A_92, %dma_start3A_705] : memref<1000000x64xf32, #tpu.memory_space<hbm>> -> memref<1x64xf32, #tpu.memory_space<hbm>>
    tpu.enqueue_dma source(%dma_start3A_706 : memref<1x64xf32, #tpu.memory_space<hbm>>) target(%dma_start3A_704 : memref<1x64xf32, #tpu.memory_space<vmem>>) target_semaphore(%arg9 : memref<!tpu.dma_semaphore, #tpu.memory_space<semaphore_mem>>)
    %dma_start3A_707 = arith.constant 43 : i32
    %dma_start3A_708 = arith.constant 0 : i32
    %dma_start3A_709 = tpu.memref_slice %arg6[%dma_start3A_707, %dma_start3A_708] : memref<128x64xf32, #tpu.memory_space<vmem>> -> memref<1x64xf32, #tpu.memory_space<vmem>>
    %dma_start3A_710 = arith.constant 0 : i32
    %dma_start3A_711 = tpu.memref_slice %arg3[%squeeze3A_94, %dma_start3A_710] : memref<1000000x64xf32, #tpu.memory_space<hbm>> -> memref<1x64xf32, #tpu.memory_space<hbm>>
    %dma_start3A_712 = arith.constant 43 : i32
    %dma_start3A_713 = arith.constant 0 : i32
    %dma_start3A_714 = tpu.memref_slice %arg6[%dma_start3A_712, %dma_start3A_713] : memref<128x64xf32, #tpu.memory_space<vmem>> -> memref<1x64xf32, #tpu.memory_space<vmem>>
    %dma_start3A_715 = arith.constant 0 : i32
    %dma_start3A_716 = tpu.memref_slice %arg3[%squeeze3A_94, %dma_start3A_715] : memref<1000000x64xf32, #tpu.memory_space<hbm>> -> memref<1x64xf32, #tpu.memory_space<hbm>>
    tpu.enqueue_dma source(%dma_start3A_716 : memref<1x64xf32, #tpu.memory_space<hbm>>) target(%dma_start3A_714 : memref<1x64xf32, #tpu.memory_space<vmem>>) target_semaphore(%arg10 : memref<!tpu.dma_semaphore, #tpu.memory_space<semaphore_mem>>)
    %dma_start3A_717 = arith.constant 44 : i32
    %dma_start3A_718 = arith.constant 0 : i32
    %dma_start3A_719 = tpu.memref_slice %arg6[%dma_start3A_717, %dma_start3A_718] : memref<128x64xf32, #tpu.memory_space<vmem>> -> memref<1x64xf32, #tpu.memory_space<vmem>>
    %dma_start3A_720 = arith.constant 0 : i32
    %dma_start3A_721 = tpu.memref_slice %arg3[%squeeze3A_96, %dma_start3A_720] : memref<1000000x64xf32, #tpu.memory_space<hbm>> -> memref<1x64xf32, #tpu.memory_space<hbm>>
    %dma_start3A_722 = arith.constant 44 : i32
    %dma_start3A_723 = arith.constant 0 : i32
    %dma_start3A_724 = tpu.memref_slice %arg6[%dma_start3A_722, %dma_start3A_723] : memref<128x64xf32, #tpu.memory_space<vmem>> -> memref<1x64xf32, #tpu.memory_space<vmem>>
    %dma_start3A_725 = arith.constant 0 : i32
    %dma_start3A_726 = tpu.memref_slice %arg3[%squeeze3A_96, %dma_start3A_725] : memref<1000000x64xf32, #tpu.memory_space<hbm>> -> memref<1x64xf32, #tpu.memory_space<hbm>>
    tpu.enqueue_dma source(%dma_start3A_726 : memref<1x64xf32, #tpu.memory_space<hbm>>) target(%dma_start3A_724 : memref<1x64xf32, #tpu.memory_space<vmem>>) target_semaphore(%arg11 : memref<!tpu.dma_semaphore, #tpu.memory_space<semaphore_mem>>)
    %dma_start3A_727 = arith.constant 45 : i32
    %dma_start3A_728 = arith.constant 0 : i32
    %dma_start3A_729 = tpu.memref_slice %arg6[%dma_start3A_727, %dma_start3A_728] : memref<128x64xf32, #tpu.memory_space<vmem>> -> memref<1x64xf32, #tpu.memory_space<vmem>>
    %dma_start3A_730 = arith.constant 0 : i32
    %dma_start3A_731 = tpu.memref_slice %arg3[%squeeze3A_98, %dma_start3A_730] : memref<1000000x64xf32, #tpu.memory_space<hbm>> -> memref<1x64xf32, #tpu.memory_space<hbm>>
    %dma_start3A_732 = arith.constant 45 : i32
    %dma_start3A_733 = arith.constant 0 : i32
    %dma_start3A_734 = tpu.memref_slice %arg6[%dma_start3A_732, %dma_start3A_733] : memref<128x64xf32, #tpu.memory_space<vmem>> -> memref<1x64xf32, #tpu.memory_space<vmem>>
    %dma_start3A_735 = arith.constant 0 : i32
    %dma_start3A_736 = tpu.memref_slice %arg3[%squeeze3A_98, %dma_start3A_735] : memref<1000000x64xf32, #tpu.memory_space<hbm>> -> memref<1x64xf32, #tpu.memory_space<hbm>>
    tpu.enqueue_dma source(%dma_start3A_736 : memref<1x64xf32, #tpu.memory_space<hbm>>) target(%dma_start3A_734 : memref<1x64xf32, #tpu.memory_space<vmem>>) target_semaphore(%arg12 : memref<!tpu.dma_semaphore, #tpu.memory_space<semaphore_mem>>)
    %dma_start3A_737 = arith.constant 46 : i32
    %dma_start3A_738 = arith.constant 0 : i32
    %dma_start3A_739 = tpu.memref_slice %arg6[%dma_start3A_737, %dma_start3A_738] : memref<128x64xf32, #tpu.memory_space<vmem>> -> memref<1x64xf32, #tpu.memory_space<vmem>>
    %dma_start3A_740 = arith.constant 0 : i32
    %dma_start3A_741 = tpu.memref_slice %arg3[%squeeze3A_100, %dma_start3A_740] : memref<1000000x64xf32, #tpu.memory_space<hbm>> -> memref<1x64xf32, #tpu.memory_space<hbm>>
    %dma_start3A_742 = arith.constant 46 : i32
    %dma_start3A_743 = arith.constant 0 : i32
    %dma_start3A_744 = tpu.memref_slice %arg6[%dma_start3A_742, %dma_start3A_743] : memref<128x64xf32, #tpu.memory_space<vmem>> -> memref<1x64xf32, #tpu.memory_space<vmem>>
    %dma_start3A_745 = arith.constant 0 : i32
    %dma_start3A_746 = tpu.memref_slice %arg3[%squeeze3A_100, %dma_start3A_745] : memref<1000000x64xf32, #tpu.memory_space<hbm>> -> memref<1x64xf32, #tpu.memory_space<hbm>>
    tpu.enqueue_dma source(%dma_start3A_746 : memref<1x64xf32, #tpu.memory_space<hbm>>) target(%dma_start3A_744 : memref<1x64xf32, #tpu.memory_space<vmem>>) target_semaphore(%arg13 : memref<!tpu.dma_semaphore, #tpu.memory_space<semaphore_mem>>)
    %dma_start3A_747 = arith.constant 47 : i32
    %dma_start3A_748 = arith.constant 0 : i32
    %dma_start3A_749 = tpu.memref_slice %arg6[%dma_start3A_747, %dma_start3A_748] : memref<128x64xf32, #tpu.memory_space<vmem>> -> memref<1x64xf32, #tpu.memory_space<vmem>>
    %dma_start3A_750 = arith.constant 0 : i32
    %dma_start3A_751 = tpu.memref_slice %arg3[%squeeze3A_102, %dma_start3A_750] : memref<1000000x64xf32, #tpu.memory_space<hbm>> -> memref<1x64xf32, #tpu.memory_space<hbm>>
    %dma_start3A_752 = arith.constant 47 : i32
    %dma_start3A_753 = arith.constant 0 : i32
    %dma_start3A_754 = tpu.memref_slice %arg6[%dma_start3A_752, %dma_start3A_753] : memref<128x64xf32, #tpu.memory_space<vmem>> -> memref<1x64xf32, #tpu.memory_space<vmem>>
    %dma_start3A_755 = arith.constant 0 : i32
    %dma_start3A_756 = tpu.memref_slice %arg3[%squeeze3A_102, %dma_start3A_755] : memref<1000000x64xf32, #tpu.memory_space<hbm>> -> memref<1x64xf32, #tpu.memory_space<hbm>>
    tpu.enqueue_dma source(%dma_start3A_756 : memref<1x64xf32, #tpu.memory_space<hbm>>) target(%dma_start3A_754 : memref<1x64xf32, #tpu.memory_space<vmem>>) target_semaphore(%arg14 : memref<!tpu.dma_semaphore, #tpu.memory_space<semaphore_mem>>)
    %dma_start3A_757 = arith.constant 48 : i32
    %dma_start3A_758 = arith.constant 0 : i32
    %dma_start3A_759 = tpu.memref_slice %arg6[%dma_start3A_757, %dma_start3A_758] : memref<128x64xf32, #tpu.memory_space<vmem>> -> memref<1x64xf32, #tpu.memory_space<vmem>>
    %dma_start3A_760 = arith.constant 0 : i32
    %dma_start3A_761 = tpu.memref_slice %arg3[%squeeze3A_107, %dma_start3A_760] : memref<1000000x64xf32, #tpu.memory_space<hbm>> -> memref<1x64xf32, #tpu.memory_space<hbm>>
    %dma_start3A_762 = arith.constant 48 : i32
    %dma_start3A_763 = arith.constant 0 : i32
    %dma_start3A_764 = tpu.memref_slice %arg6[%dma_start3A_762, %dma_start3A_763] : memref<128x64xf32, #tpu.memory_space<vmem>> -> memref<1x64xf32, #tpu.memory_space<vmem>>
    %dma_start3A_765 = arith.constant 0 : i32
    %dma_start3A_766 = tpu.memref_slice %arg3[%squeeze3A_107, %dma_start3A_765] : memref<1000000x64xf32, #tpu.memory_space<hbm>> -> memref<1x64xf32, #tpu.memory_space<hbm>>
    tpu.enqueue_dma source(%dma_start3A_766 : memref<1x64xf32, #tpu.memory_space<hbm>>) target(%dma_start3A_764 : memref<1x64xf32, #tpu.memory_space<vmem>>) target_semaphore(%arg7 : memref<!tpu.dma_semaphore, #tpu.memory_space<semaphore_mem>>)
    %dma_start3A_767 = arith.constant 49 : i32
    %dma_start3A_768 = arith.constant 0 : i32
    %dma_start3A_769 = tpu.memref_slice %arg6[%dma_start3A_767, %dma_start3A_768] : memref<128x64xf32, #tpu.memory_space<vmem>> -> memref<1x64xf32, #tpu.memory_space<vmem>>
    %dma_start3A_770 = arith.constant 0 : i32
    %dma_start3A_771 = tpu.memref_slice %arg3[%squeeze3A_109, %dma_start3A_770] : memref<1000000x64xf32, #tpu.memory_space<hbm>> -> memref<1x64xf32, #tpu.memory_space<hbm>>
    %dma_start3A_772 = arith.constant 49 : i32
    %dma_start3A_773 = arith.constant 0 : i32
    %dma_start3A_774 = tpu.memref_slice %arg6[%dma_start3A_772, %dma_start3A_773] : memref<128x64xf32, #tpu.memory_space<vmem>> -> memref<1x64xf32, #tpu.memory_space<vmem>>
    %dma_start3A_775 = arith.constant 0 : i32
    %dma_start3A_776 = tpu.memref_slice %arg3[%squeeze3A_109, %dma_start3A_775] : memref<1000000x64xf32, #tpu.memory_space<hbm>> -> memref<1x64xf32, #tpu.memory_space<hbm>>
    tpu.enqueue_dma source(%dma_start3A_776 : memref<1x64xf32, #tpu.memory_space<hbm>>) target(%dma_start3A_774 : memref<1x64xf32, #tpu.memory_space<vmem>>) target_semaphore(%arg8 : memref<!tpu.dma_semaphore, #tpu.memory_space<semaphore_mem>>)
    %dma_start3A_777 = arith.constant 50 : i32
    %dma_start3A_778 = arith.constant 0 : i32
    %dma_start3A_779 = tpu.memref_slice %arg6[%dma_start3A_777, %dma_start3A_778] : memref<128x64xf32, #tpu.memory_space<vmem>> -> memref<1x64xf32, #tpu.memory_space<vmem>>
    %dma_start3A_780 = arith.constant 0 : i32
    %dma_start3A_781 = tpu.memref_slice %arg3[%squeeze3A_111, %dma_start3A_780] : memref<1000000x64xf32, #tpu.memory_space<hbm>> -> memref<1x64xf32, #tpu.memory_space<hbm>>
    %dma_start3A_782 = arith.constant 50 : i32
    %dma_start3A_783 = arith.constant 0 : i32
    %dma_start3A_784 = tpu.memref_slice %arg6[%dma_start3A_782, %dma_start3A_783] : memref<128x64xf32, #tpu.memory_space<vmem>> -> memref<1x64xf32, #tpu.memory_space<vmem>>
    %dma_start3A_785 = arith.constant 0 : i32
    %dma_start3A_786 = tpu.memref_slice %arg3[%squeeze3A_111, %dma_start3A_785] : memref<1000000x64xf32, #tpu.memory_space<hbm>> -> memref<1x64xf32, #tpu.memory_space<hbm>>
    tpu.enqueue_dma source(%dma_start3A_786 : memref<1x64xf32, #tpu.memory_space<hbm>>) target(%dma_start3A_784 : memref<1x64xf32, #tpu.memory_space<vmem>>) target_semaphore(%arg9 : memref<!tpu.dma_semaphore, #tpu.memory_space<semaphore_mem>>)
    %dma_start3A_787 = arith.constant 51 : i32
    %dma_start3A_788 = arith.constant 0 : i32
    %dma_start3A_789 = tpu.memref_slice %arg6[%dma_start3A_787, %dma_start3A_788] : memref<128x64xf32, #tpu.memory_space<vmem>> -> memref<1x64xf32, #tpu.memory_space<vmem>>
    %dma_start3A_790 = arith.constant 0 : i32
    %dma_start3A_791 = tpu.memref_slice %arg3[%squeeze3A_113, %dma_start3A_790] : memref<1000000x64xf32, #tpu.memory_space<hbm>> -> memref<1x64xf32, #tpu.memory_space<hbm>>
    %dma_start3A_792 = arith.constant 51 : i32
    %dma_start3A_793 = arith.constant 0 : i32
    %dma_start3A_794 = tpu.memref_slice %arg6[%dma_start3A_792, %dma_start3A_793] : memref<128x64xf32, #tpu.memory_space<vmem>> -> memref<1x64xf32, #tpu.memory_space<vmem>>
    %dma_start3A_795 = arith.constant 0 : i32
    %dma_start3A_796 = tpu.memref_slice %arg3[%squeeze3A_113, %dma_start3A_795] : memref<1000000x64xf32, #tpu.memory_space<hbm>> -> memref<1x64xf32, #tpu.memory_space<hbm>>
    tpu.enqueue_dma source(%dma_start3A_796 : memref<1x64xf32, #tpu.memory_space<hbm>>) target(%dma_start3A_794 : memref<1x64xf32, #tpu.memory_space<vmem>>) target_semaphore(%arg10 : memref<!tpu.dma_semaphore, #tpu.memory_space<semaphore_mem>>)
    %dma_start3A_797 = arith.constant 52 : i32
    %dma_start3A_798 = arith.constant 0 : i32
    %dma_start3A_799 = tpu.memref_slice %arg6[%dma_start3A_797, %dma_start3A_798] : memref<128x64xf32, #tpu.memory_space<vmem>> -> memref<1x64xf32, #tpu.memory_space<vmem>>
    %dma_start3A_800 = arith.constant 0 : i32
    %dma_start3A_801 = tpu.memref_slice %arg3[%squeeze3A_115, %dma_start3A_800] : memref<1000000x64xf32, #tpu.memory_space<hbm>> -> memref<1x64xf32, #tpu.memory_space<hbm>>
    %dma_start3A_802 = arith.constant 52 : i32
    %dma_start3A_803 = arith.constant 0 : i32
    %dma_start3A_804 = tpu.memref_slice %arg6[%dma_start3A_802, %dma_start3A_803] : memref<128x64xf32, #tpu.memory_space<vmem>> -> memref<1x64xf32, #tpu.memory_space<vmem>>
    %dma_start3A_805 = arith.constant 0 : i32
    %dma_start3A_806 = tpu.memref_slice %arg3[%squeeze3A_115, %dma_start3A_805] : memref<1000000x64xf32, #tpu.memory_space<hbm>> -> memref<1x64xf32, #tpu.memory_space<hbm>>
    tpu.enqueue_dma source(%dma_start3A_806 : memref<1x64xf32, #tpu.memory_space<hbm>>) target(%dma_start3A_804 : memref<1x64xf32, #tpu.memory_space<vmem>>) target_semaphore(%arg11 : memref<!tpu.dma_semaphore, #tpu.memory_space<semaphore_mem>>)
    %dma_start3A_807 = arith.constant 53 : i32
    %dma_start3A_808 = arith.constant 0 : i32
    %dma_start3A_809 = tpu.memref_slice %arg6[%dma_start3A_807, %dma_start3A_808] : memref<128x64xf32, #tpu.memory_space<vmem>> -> memref<1x64xf32, #tpu.memory_space<vmem>>
    %dma_start3A_810 = arith.constant 0 : i32
    %dma_start3A_811 = tpu.memref_slice %arg3[%squeeze3A_117, %dma_start3A_810] : memref<1000000x64xf32, #tpu.memory_space<hbm>> -> memref<1x64xf32, #tpu.memory_space<hbm>>
    %dma_start3A_812 = arith.constant 53 : i32
    %dma_start3A_813 = arith.constant 0 : i32
    %dma_start3A_814 = tpu.memref_slice %arg6[%dma_start3A_812, %dma_start3A_813] : memref<128x64xf32, #tpu.memory_space<vmem>> -> memref<1x64xf32, #tpu.memory_space<vmem>>
    %dma_start3A_815 = arith.constant 0 : i32
    %dma_start3A_816 = tpu.memref_slice %arg3[%squeeze3A_117, %dma_start3A_815] : memref<1000000x64xf32, #tpu.memory_space<hbm>> -> memref<1x64xf32, #tpu.memory_space<hbm>>
    tpu.enqueue_dma source(%dma_start3A_816 : memref<1x64xf32, #tpu.memory_space<hbm>>) target(%dma_start3A_814 : memref<1x64xf32, #tpu.memory_space<vmem>>) target_semaphore(%arg12 : memref<!tpu.dma_semaphore, #tpu.memory_space<semaphore_mem>>)
    %dma_start3A_817 = arith.constant 54 : i32
    %dma_start3A_818 = arith.constant 0 : i32
    %dma_start3A_819 = tpu.memref_slice %arg6[%dma_start3A_817, %dma_start3A_818] : memref<128x64xf32, #tpu.memory_space<vmem>> -> memref<1x64xf32, #tpu.memory_space<vmem>>
    %dma_start3A_820 = arith.constant 0 : i32
    %dma_start3A_821 = tpu.memref_slice %arg3[%squeeze3A_119, %dma_start3A_820] : memref<1000000x64xf32, #tpu.memory_space<hbm>> -> memref<1x64xf32, #tpu.memory_space<hbm>>
    %dma_start3A_822 = arith.constant 54 : i32
    %dma_start3A_823 = arith.constant 0 : i32
    %dma_start3A_824 = tpu.memref_slice %arg6[%dma_start3A_822, %dma_start3A_823] : memref<128x64xf32, #tpu.memory_space<vmem>> -> memref<1x64xf32, #tpu.memory_space<vmem>>
    %dma_start3A_825 = arith.constant 0 : i32
    %dma_start3A_826 = tpu.memref_slice %arg3[%squeeze3A_119, %dma_start3A_825] : memref<1000000x64xf32, #tpu.memory_space<hbm>> -> memref<1x64xf32, #tpu.memory_space<hbm>>
    tpu.enqueue_dma source(%dma_start3A_826 : memref<1x64xf32, #tpu.memory_space<hbm>>) target(%dma_start3A_824 : memref<1x64xf32, #tpu.memory_space<vmem>>) target_semaphore(%arg13 : memref<!tpu.dma_semaphore, #tpu.memory_space<semaphore_mem>>)
    %dma_start3A_827 = arith.constant 55 : i32
    %dma_start3A_828 = arith.constant 0 : i32
    %dma_start3A_829 = tpu.memref_slice %arg6[%dma_start3A_827, %dma_start3A_828] : memref<128x64xf32, #tpu.memory_space<vmem>> -> memref<1x64xf32, #tpu.memory_space<vmem>>
    %dma_start3A_830 = arith.constant 0 : i32
    %dma_start3A_831 = tpu.memref_slice %arg3[%squeeze3A_121, %dma_start3A_830] : memref<1000000x64xf32, #tpu.memory_space<hbm>> -> memref<1x64xf32, #tpu.memory_space<hbm>>
    %dma_start3A_832 = arith.constant 55 : i32
    %dma_start3A_833 = arith.constant 0 : i32
    %dma_start3A_834 = tpu.memref_slice %arg6[%dma_start3A_832, %dma_start3A_833] : memref<128x64xf32, #tpu.memory_space<vmem>> -> memref<1x64xf32, #tpu.memory_space<vmem>>
    %dma_start3A_835 = arith.constant 0 : i32
    %dma_start3A_836 = tpu.memref_slice %arg3[%squeeze3A_121, %dma_start3A_835] : memref<1000000x64xf32, #tpu.memory_space<hbm>> -> memref<1x64xf32, #tpu.memory_space<hbm>>
    tpu.enqueue_dma source(%dma_start3A_836 : memref<1x64xf32, #tpu.memory_space<hbm>>) target(%dma_start3A_834 : memref<1x64xf32, #tpu.memory_space<vmem>>) target_semaphore(%arg14 : memref<!tpu.dma_semaphore, #tpu.memory_space<semaphore_mem>>)
    %dma_start3A_837 = arith.constant 56 : i32
    %dma_start3A_838 = arith.constant 0 : i32
    %dma_start3A_839 = tpu.memref_slice %arg6[%dma_start3A_837, %dma_start3A_838] : memref<128x64xf32, #tpu.memory_space<vmem>> -> memref<1x64xf32, #tpu.memory_space<vmem>>
    %dma_start3A_840 = arith.constant 0 : i32
    %dma_start3A_841 = tpu.memref_slice %arg3[%squeeze3A_123, %dma_start3A_840] : memref<1000000x64xf32, #tpu.memory_space<hbm>> -> memref<1x64xf32, #tpu.memory_space<hbm>>
    %dma_start3A_842 = arith.constant 56 : i32
    %dma_start3A_843 = arith.constant 0 : i32
    %dma_start3A_844 = tpu.memref_slice %arg6[%dma_start3A_842, %dma_start3A_843] : memref<128x64xf32, #tpu.memory_space<vmem>> -> memref<1x64xf32, #tpu.memory_space<vmem>>
    %dma_start3A_845 = arith.constant 0 : i32
    %dma_start3A_846 = tpu.memref_slice %arg3[%squeeze3A_123, %dma_start3A_845] : memref<1000000x64xf32, #tpu.memory_space<hbm>> -> memref<1x64xf32, #tpu.memory_space<hbm>>
    tpu.enqueue_dma source(%dma_start3A_846 : memref<1x64xf32, #tpu.memory_space<hbm>>) target(%dma_start3A_844 : memref<1x64xf32, #tpu.memory_space<vmem>>) target_semaphore(%arg7 : memref<!tpu.dma_semaphore, #tpu.memory_space<semaphore_mem>>)
    %dma_start3A_847 = arith.constant 57 : i32
    %dma_start3A_848 = arith.constant 0 : i32
    %dma_start3A_849 = tpu.memref_slice %arg6[%dma_start3A_847, %dma_start3A_848] : memref<128x64xf32, #tpu.memory_space<vmem>> -> memref<1x64xf32, #tpu.memory_space<vmem>>
    %dma_start3A_850 = arith.constant 0 : i32
    %dma_start3A_851 = tpu.memref_slice %arg3[%squeeze3A_125, %dma_start3A_850] : memref<1000000x64xf32, #tpu.memory_space<hbm>> -> memref<1x64xf32, #tpu.memory_space<hbm>>
    %dma_start3A_852 = arith.constant 57 : i32
    %dma_start3A_853 = arith.constant 0 : i32
    %dma_start3A_854 = tpu.memref_slice %arg6[%dma_start3A_852, %dma_start3A_853] : memref<128x64xf32, #tpu.memory_space<vmem>> -> memref<1x64xf32, #tpu.memory_space<vmem>>
    %dma_start3A_855 = arith.constant 0 : i32
    %dma_start3A_856 = tpu.memref_slice %arg3[%squeeze3A_125, %dma_start3A_855] : memref<1000000x64xf32, #tpu.memory_space<hbm>> -> memref<1x64xf32, #tpu.memory_space<hbm>>
    tpu.enqueue_dma source(%dma_start3A_856 : memref<1x64xf32, #tpu.memory_space<hbm>>) target(%dma_start3A_854 : memref<1x64xf32, #tpu.memory_space<vmem>>) target_semaphore(%arg8 : memref<!tpu.dma_semaphore, #tpu.memory_space<semaphore_mem>>)
    %dma_start3A_857 = arith.constant 58 : i32
    %dma_start3A_858 = arith.constant 0 : i32
    %dma_start3A_859 = tpu.memref_slice %arg6[%dma_start3A_857, %dma_start3A_858] : memref<128x64xf32, #tpu.memory_space<vmem>> -> memref<1x64xf32, #tpu.memory_space<vmem>>
    %dma_start3A_860 = arith.constant 0 : i32
    %dma_start3A_861 = tpu.memref_slice %arg3[%squeeze3A_127, %dma_start3A_860] : memref<1000000x64xf32, #tpu.memory_space<hbm>> -> memref<1x64xf32, #tpu.memory_space<hbm>>
    %dma_start3A_862 = arith.constant 58 : i32
    %dma_start3A_863 = arith.constant 0 : i32
    %dma_start3A_864 = tpu.memref_slice %arg6[%dma_start3A_862, %dma_start3A_863] : memref<128x64xf32, #tpu.memory_space<vmem>> -> memref<1x64xf32, #tpu.memory_space<vmem>>
    %dma_start3A_865 = arith.constant 0 : i32
    %dma_start3A_866 = tpu.memref_slice %arg3[%squeeze3A_127, %dma_start3A_865] : memref<1000000x64xf32, #tpu.memory_space<hbm>> -> memref<1x64xf32, #tpu.memory_space<hbm>>
    tpu.enqueue_dma source(%dma_start3A_866 : memref<1x64xf32, #tpu.memory_space<hbm>>) target(%dma_start3A_864 : memref<1x64xf32, #tpu.memory_space<vmem>>) target_semaphore(%arg9 : memref<!tpu.dma_semaphore, #tpu.memory_space<semaphore_mem>>)
    %dma_start3A_867 = arith.constant 59 : i32
    %dma_start3A_868 = arith.constant 0 : i32
    %dma_start3A_869 = tpu.memref_slice %arg6[%dma_start3A_867, %dma_start3A_868] : memref<128x64xf32, #tpu.memory_space<vmem>> -> memref<1x64xf32, #tpu.memory_space<vmem>>
    %dma_start3A_870 = arith.constant 0 : i32
    %dma_start3A_871 = tpu.memref_slice %arg3[%squeeze3A_129, %dma_start3A_870] : memref<1000000x64xf32, #tpu.memory_space<hbm>> -> memref<1x64xf32, #tpu.memory_space<hbm>>
    %dma_start3A_872 = arith.constant 59 : i32
    %dma_start3A_873 = arith.constant 0 : i32
    %dma_start3A_874 = tpu.memref_slice %arg6[%dma_start3A_872, %dma_start3A_873] : memref<128x64xf32, #tpu.memory_space<vmem>> -> memref<1x64xf32, #tpu.memory_space<vmem>>
    %dma_start3A_875 = arith.constant 0 : i32
    %dma_start3A_876 = tpu.memref_slice %arg3[%squeeze3A_129, %dma_start3A_875] : memref<1000000x64xf32, #tpu.memory_space<hbm>> -> memref<1x64xf32, #tpu.memory_space<hbm>>
    tpu.enqueue_dma source(%dma_start3A_876 : memref<1x64xf32, #tpu.memory_space<hbm>>) target(%dma_start3A_874 : memref<1x64xf32, #tpu.memory_space<vmem>>) target_semaphore(%arg10 : memref<!tpu.dma_semaphore, #tpu.memory_space<semaphore_mem>>)
    %dma_start3A_877 = arith.constant 60 : i32
    %dma_start3A_878 = arith.constant 0 : i32
    %dma_start3A_879 = tpu.memref_slice %arg6[%dma_start3A_877, %dma_start3A_878] : memref<128x64xf32, #tpu.memory_space<vmem>> -> memref<1x64xf32, #tpu.memory_space<vmem>>
    %dma_start3A_880 = arith.constant 0 : i32
    %dma_start3A_881 = tpu.memref_slice %arg3[%squeeze3A_131, %dma_start3A_880] : memref<1000000x64xf32, #tpu.memory_space<hbm>> -> memref<1x64xf32, #tpu.memory_space<hbm>>
    %dma_start3A_882 = arith.constant 60 : i32
    %dma_start3A_883 = arith.constant 0 : i32
    %dma_start3A_884 = tpu.memref_slice %arg6[%dma_start3A_882, %dma_start3A_883] : memref<128x64xf32, #tpu.memory_space<vmem>> -> memref<1x64xf32, #tpu.memory_space<vmem>>
    %dma_start3A_885 = arith.constant 0 : i32
    %dma_start3A_886 = tpu.memref_slice %arg3[%squeeze3A_131, %dma_start3A_885] : memref<1000000x64xf32, #tpu.memory_space<hbm>> -> memref<1x64xf32, #tpu.memory_space<hbm>>
    tpu.enqueue_dma source(%dma_start3A_886 : memref<1x64xf32, #tpu.memory_space<hbm>>) target(%dma_start3A_884 : memref<1x64xf32, #tpu.memory_space<vmem>>) target_semaphore(%arg11 : memref<!tpu.dma_semaphore, #tpu.memory_space<semaphore_mem>>)
    %dma_start3A_887 = arith.constant 61 : i32
    %dma_start3A_888 = arith.constant 0 : i32
    %dma_start3A_889 = tpu.memref_slice %arg6[%dma_start3A_887, %dma_start3A_888] : memref<128x64xf32, #tpu.memory_space<vmem>> -> memref<1x64xf32, #tpu.memory_space<vmem>>
    %dma_start3A_890 = arith.constant 0 : i32
    %dma_start3A_891 = tpu.memref_slice %arg3[%squeeze3A_133, %dma_start3A_890] : memref<1000000x64xf32, #tpu.memory_space<hbm>> -> memref<1x64xf32, #tpu.memory_space<hbm>>
    %dma_start3A_892 = arith.constant 61 : i32
    %dma_start3A_893 = arith.constant 0 : i32
    %dma_start3A_894 = tpu.memref_slice %arg6[%dma_start3A_892, %dma_start3A_893] : memref<128x64xf32, #tpu.memory_space<vmem>> -> memref<1x64xf32, #tpu.memory_space<vmem>>
    %dma_start3A_895 = arith.constant 0 : i32
    %dma_start3A_896 = tpu.memref_slice %arg3[%squeeze3A_133, %dma_start3A_895] : memref<1000000x64xf32, #tpu.memory_space<hbm>> -> memref<1x64xf32, #tpu.memory_space<hbm>>
    tpu.enqueue_dma source(%dma_start3A_896 : memref<1x64xf32, #tpu.memory_space<hbm>>) target(%dma_start3A_894 : memref<1x64xf32, #tpu.memory_space<vmem>>) target_semaphore(%arg12 : memref<!tpu.dma_semaphore, #tpu.memory_space<semaphore_mem>>)
    %dma_start3A_897 = arith.constant 62 : i32
    %dma_start3A_898 = arith.constant 0 : i32
    %dma_start3A_899 = tpu.memref_slice %arg6[%dma_start3A_897, %dma_start3A_898] : memref<128x64xf32, #tpu.memory_space<vmem>> -> memref<1x64xf32, #tpu.memory_space<vmem>>
    %dma_start3A_900 = arith.constant 0 : i32
    %dma_start3A_901 = tpu.memref_slice %arg3[%squeeze3A_135, %dma_start3A_900] : memref<1000000x64xf32, #tpu.memory_space<hbm>> -> memref<1x64xf32, #tpu.memory_space<hbm>>
    %dma_start3A_902 = arith.constant 62 : i32
    %dma_start3A_903 = arith.constant 0 : i32
    %dma_start3A_904 = tpu.memref_slice %arg6[%dma_start3A_902, %dma_start3A_903] : memref<128x64xf32, #tpu.memory_space<vmem>> -> memref<1x64xf32, #tpu.memory_space<vmem>>
    %dma_start3A_905 = arith.constant 0 : i32
    %dma_start3A_906 = tpu.memref_slice %arg3[%squeeze3A_135, %dma_start3A_905] : memref<1000000x64xf32, #tpu.memory_space<hbm>> -> memref<1x64xf32, #tpu.memory_space<hbm>>
    tpu.enqueue_dma source(%dma_start3A_906 : memref<1x64xf32, #tpu.memory_space<hbm>>) target(%dma_start3A_904 : memref<1x64xf32, #tpu.memory_space<vmem>>) target_semaphore(%arg13 : memref<!tpu.dma_semaphore, #tpu.memory_space<semaphore_mem>>)
    %dma_start3A_907 = arith.constant 63 : i32
    %dma_start3A_908 = arith.constant 0 : i32
    %dma_start3A_909 = tpu.memref_slice %arg6[%dma_start3A_907, %dma_start3A_908] : memref<128x64xf32, #tpu.memory_space<vmem>> -> memref<1x64xf32, #tpu.memory_space<vmem>>
    %dma_start3A_910 = arith.constant 0 : i32
    %dma_start3A_911 = tpu.memref_slice %arg3[%squeeze3A_137, %dma_start3A_910] : memref<1000000x64xf32, #tpu.memory_space<hbm>> -> memref<1x64xf32, #tpu.memory_space<hbm>>
    %dma_start3A_912 = arith.constant 63 : i32
    %dma_start3A_913 = arith.constant 0 : i32
    %dma_start3A_914 = tpu.memref_slice %arg6[%dma_start3A_912, %dma_start3A_913] : memref<128x64xf32, #tpu.memory_space<vmem>> -> memref<1x64xf32, #tpu.memory_space<vmem>>
    %dma_start3A_915 = arith.constant 0 : i32
    %dma_start3A_916 = tpu.memref_slice %arg3[%squeeze3A_137, %dma_start3A_915] : memref<1000000x64xf32, #tpu.memory_space<hbm>> -> memref<1x64xf32, #tpu.memory_space<hbm>>
    tpu.enqueue_dma source(%dma_start3A_916 : memref<1x64xf32, #tpu.memory_space<hbm>>) target(%dma_start3A_914 : memref<1x64xf32, #tpu.memory_space<vmem>>) target_semaphore(%arg14 : memref<!tpu.dma_semaphore, #tpu.memory_space<semaphore_mem>>)
    %dma_start3A_917 = arith.constant 64 : i32
    %dma_start3A_918 = arith.constant 0 : i32
    %dma_start3A_919 = tpu.memref_slice %arg6[%dma_start3A_917, %dma_start3A_918] : memref<128x64xf32, #tpu.memory_space<vmem>> -> memref<1x64xf32, #tpu.memory_space<vmem>>
    %dma_start3A_920 = arith.constant 0 : i32
    %dma_start3A_921 = tpu.memref_slice %arg3[%squeeze3A_142, %dma_start3A_920] : memref<1000000x64xf32, #tpu.memory_space<hbm>> -> memref<1x64xf32, #tpu.memory_space<hbm>>
    %dma_start3A_922 = arith.constant 64 : i32
    %dma_start3A_923 = arith.constant 0 : i32
    %dma_start3A_924 = tpu.memref_slice %arg6[%dma_start3A_922, %dma_start3A_923] : memref<128x64xf32, #tpu.memory_space<vmem>> -> memref<1x64xf32, #tpu.memory_space<vmem>>
    %dma_start3A_925 = arith.constant 0 : i32
    %dma_start3A_926 = tpu.memref_slice %arg3[%squeeze3A_142, %dma_start3A_925] : memref<1000000x64xf32, #tpu.memory_space<hbm>> -> memref<1x64xf32, #tpu.memory_space<hbm>>
    tpu.enqueue_dma source(%dma_start3A_926 : memref<1x64xf32, #tpu.memory_space<hbm>>) target(%dma_start3A_924 : memref<1x64xf32, #tpu.memory_space<vmem>>) target_semaphore(%arg7 : memref<!tpu.dma_semaphore, #tpu.memory_space<semaphore_mem>>)
    %dma_start3A_927 = arith.constant 65 : i32
    %dma_start3A_928 = arith.constant 0 : i32
    %dma_start3A_929 = tpu.memref_slice %arg6[%dma_start3A_927, %dma_start3A_928] : memref<128x64xf32, #tpu.memory_space<vmem>> -> memref<1x64xf32, #tpu.memory_space<vmem>>
    %dma_start3A_930 = arith.constant 0 : i32
    %dma_start3A_931 = tpu.memref_slice %arg3[%squeeze3A_144, %dma_start3A_930] : memref<1000000x64xf32, #tpu.memory_space<hbm>> -> memref<1x64xf32, #tpu.memory_space<hbm>>
    %dma_start3A_932 = arith.constant 65 : i32
    %dma_start3A_933 = arith.constant 0 : i32
    %dma_start3A_934 = tpu.memref_slice %arg6[%dma_start3A_932, %dma_start3A_933] : memref<128x64xf32, #tpu.memory_space<vmem>> -> memref<1x64xf32, #tpu.memory_space<vmem>>
    %dma_start3A_935 = arith.constant 0 : i32
    %dma_start3A_936 = tpu.memref_slice %arg3[%squeeze3A_144, %dma_start3A_935] : memref<1000000x64xf32, #tpu.memory_space<hbm>> -> memref<1x64xf32, #tpu.memory_space<hbm>>
    tpu.enqueue_dma source(%dma_start3A_936 : memref<1x64xf32, #tpu.memory_space<hbm>>) target(%dma_start3A_934 : memref<1x64xf32, #tpu.memory_space<vmem>>) target_semaphore(%arg8 : memref<!tpu.dma_semaphore, #tpu.memory_space<semaphore_mem>>)
    %dma_start3A_937 = arith.constant 66 : i32
    %dma_start3A_938 = arith.constant 0 : i32
    %dma_start3A_939 = tpu.memref_slice %arg6[%dma_start3A_937, %dma_start3A_938] : memref<128x64xf32, #tpu.memory_space<vmem>> -> memref<1x64xf32, #tpu.memory_space<vmem>>
    %dma_start3A_940 = arith.constant 0 : i32
    %dma_start3A_941 = tpu.memref_slice %arg3[%squeeze3A_146, %dma_start3A_940] : memref<1000000x64xf32, #tpu.memory_space<hbm>> -> memref<1x64xf32, #tpu.memory_space<hbm>>
    %dma_start3A_942 = arith.constant 66 : i32
    %dma_start3A_943 = arith.constant 0 : i32
    %dma_start3A_944 = tpu.memref_slice %arg6[%dma_start3A_942, %dma_start3A_943] : memref<128x64xf32, #tpu.memory_space<vmem>> -> memref<1x64xf32, #tpu.memory_space<vmem>>
    %dma_start3A_945 = arith.constant 0 : i32
    %dma_start3A_946 = tpu.memref_slice %arg3[%squeeze3A_146, %dma_start3A_945] : memref<1000000x64xf32, #tpu.memory_space<hbm>> -> memref<1x64xf32, #tpu.memory_space<hbm>>
    tpu.enqueue_dma source(%dma_start3A_946 : memref<1x64xf32, #tpu.memory_space<hbm>>) target(%dma_start3A_944 : memref<1x64xf32, #tpu.memory_space<vmem>>) target_semaphore(%arg9 : memref<!tpu.dma_semaphore, #tpu.memory_space<semaphore_mem>>)
    %dma_start3A_947 = arith.constant 67 : i32
    %dma_start3A_948 = arith.constant 0 : i32
    %dma_start3A_949 = tpu.memref_slice %arg6[%dma_start3A_947, %dma_start3A_948] : memref<128x64xf32, #tpu.memory_space<vmem>> -> memref<1x64xf32, #tpu.memory_space<vmem>>
    %dma_start3A_950 = arith.constant 0 : i32
    %dma_start3A_951 = tpu.memref_slice %arg3[%squeeze3A_148, %dma_start3A_950] : memref<1000000x64xf32, #tpu.memory_space<hbm>> -> memref<1x64xf32, #tpu.memory_space<hbm>>
    %dma_start3A_952 = arith.constant 67 : i32
    %dma_start3A_953 = arith.constant 0 : i32
    %dma_start3A_954 = tpu.memref_slice %arg6[%dma_start3A_952, %dma_start3A_953] : memref<128x64xf32, #tpu.memory_space<vmem>> -> memref<1x64xf32, #tpu.memory_space<vmem>>
    %dma_start3A_955 = arith.constant 0 : i32
    %dma_start3A_956 = tpu.memref_slice %arg3[%squeeze3A_148, %dma_start3A_955] : memref<1000000x64xf32, #tpu.memory_space<hbm>> -> memref<1x64xf32, #tpu.memory_space<hbm>>
    tpu.enqueue_dma source(%dma_start3A_956 : memref<1x64xf32, #tpu.memory_space<hbm>>) target(%dma_start3A_954 : memref<1x64xf32, #tpu.memory_space<vmem>>) target_semaphore(%arg10 : memref<!tpu.dma_semaphore, #tpu.memory_space<semaphore_mem>>)
    %dma_start3A_957 = arith.constant 68 : i32
    %dma_start3A_958 = arith.constant 0 : i32
    %dma_start3A_959 = tpu.memref_slice %arg6[%dma_start3A_957, %dma_start3A_958] : memref<128x64xf32, #tpu.memory_space<vmem>> -> memref<1x64xf32, #tpu.memory_space<vmem>>
    %dma_start3A_960 = arith.constant 0 : i32
    %dma_start3A_961 = tpu.memref_slice %arg3[%squeeze3A_150, %dma_start3A_960] : memref<1000000x64xf32, #tpu.memory_space<hbm>> -> memref<1x64xf32, #tpu.memory_space<hbm>>
    %dma_start3A_962 = arith.constant 68 : i32
    %dma_start3A_963 = arith.constant 0 : i32
    %dma_start3A_964 = tpu.memref_slice %arg6[%dma_start3A_962, %dma_start3A_963] : memref<128x64xf32, #tpu.memory_space<vmem>> -> memref<1x64xf32, #tpu.memory_space<vmem>>
    %dma_start3A_965 = arith.constant 0 : i32
    %dma_start3A_966 = tpu.memref_slice %arg3[%squeeze3A_150, %dma_start3A_965] : memref<1000000x64xf32, #tpu.memory_space<hbm>> -> memref<1x64xf32, #tpu.memory_space<hbm>>
    tpu.enqueue_dma source(%dma_start3A_966 : memref<1x64xf32, #tpu.memory_space<hbm>>) target(%dma_start3A_964 : memref<1x64xf32, #tpu.memory_space<vmem>>) target_semaphore(%arg11 : memref<!tpu.dma_semaphore, #tpu.memory_space<semaphore_mem>>)
    %dma_start3A_967 = arith.constant 69 : i32
    %dma_start3A_968 = arith.constant 0 : i32
    %dma_start3A_969 = tpu.memref_slice %arg6[%dma_start3A_967, %dma_start3A_968] : memref<128x64xf32, #tpu.memory_space<vmem>> -> memref<1x64xf32, #tpu.memory_space<vmem>>
    %dma_start3A_970 = arith.constant 0 : i32
    %dma_start3A_971 = tpu.memref_slice %arg3[%squeeze3A_152, %dma_start3A_970] : memref<1000000x64xf32, #tpu.memory_space<hbm>> -> memref<1x64xf32, #tpu.memory_space<hbm>>
    %dma_start3A_972 = arith.constant 69 : i32
    %dma_start3A_973 = arith.constant 0 : i32
    %dma_start3A_974 = tpu.memref_slice %arg6[%dma_start3A_972, %dma_start3A_973] : memref<128x64xf32, #tpu.memory_space<vmem>> -> memref<1x64xf32, #tpu.memory_space<vmem>>
    %dma_start3A_975 = arith.constant 0 : i32
    %dma_start3A_976 = tpu.memref_slice %arg3[%squeeze3A_152, %dma_start3A_975] : memref<1000000x64xf32, #tpu.memory_space<hbm>> -> memref<1x64xf32, #tpu.memory_space<hbm>>
    tpu.enqueue_dma source(%dma_start3A_976 : memref<1x64xf32, #tpu.memory_space<hbm>>) target(%dma_start3A_974 : memref<1x64xf32, #tpu.memory_space<vmem>>) target_semaphore(%arg12 : memref<!tpu.dma_semaphore, #tpu.memory_space<semaphore_mem>>)
    %dma_start3A_977 = arith.constant 70 : i32
    %dma_start3A_978 = arith.constant 0 : i32
    %dma_start3A_979 = tpu.memref_slice %arg6[%dma_start3A_977, %dma_start3A_978] : memref<128x64xf32, #tpu.memory_space<vmem>> -> memref<1x64xf32, #tpu.memory_space<vmem>>
    %dma_start3A_980 = arith.constant 0 : i32
    %dma_start3A_981 = tpu.memref_slice %arg3[%squeeze3A_154, %dma_start3A_980] : memref<1000000x64xf32, #tpu.memory_space<hbm>> -> memref<1x64xf32, #tpu.memory_space<hbm>>
    %dma_start3A_982 = arith.constant 70 : i32
    %dma_start3A_983 = arith.constant 0 : i32
    %dma_start3A_984 = tpu.memref_slice %arg6[%dma_start3A_982, %dma_start3A_983] : memref<128x64xf32, #tpu.memory_space<vmem>> -> memref<1x64xf32, #tpu.memory_space<vmem>>
    %dma_start3A_985 = arith.constant 0 : i32
    %dma_start3A_986 = tpu.memref_slice %arg3[%squeeze3A_154, %dma_start3A_985] : memref<1000000x64xf32, #tpu.memory_space<hbm>> -> memref<1x64xf32, #tpu.memory_space<hbm>>
    tpu.enqueue_dma source(%dma_start3A_986 : memref<1x64xf32, #tpu.memory_space<hbm>>) target(%dma_start3A_984 : memref<1x64xf32, #tpu.memory_space<vmem>>) target_semaphore(%arg13 : memref<!tpu.dma_semaphore, #tpu.memory_space<semaphore_mem>>)
    %dma_start3A_987 = arith.constant 71 : i32
    %dma_start3A_988 = arith.constant 0 : i32
    %dma_start3A_989 = tpu.memref_slice %arg6[%dma_start3A_987, %dma_start3A_988] : memref<128x64xf32, #tpu.memory_space<vmem>> -> memref<1x64xf32, #tpu.memory_space<vmem>>
    %dma_start3A_990 = arith.constant 0 : i32
    %dma_start3A_991 = tpu.memref_slice %arg3[%squeeze3A_156, %dma_start3A_990] : memref<1000000x64xf32, #tpu.memory_space<hbm>> -> memref<1x64xf32, #tpu.memory_space<hbm>>
    %dma_start3A_992 = arith.constant 71 : i32
    %dma_start3A_993 = arith.constant 0 : i32
    %dma_start3A_994 = tpu.memref_slice %arg6[%dma_start3A_992, %dma_start3A_993] : memref<128x64xf32, #tpu.memory_space<vmem>> -> memref<1x64xf32, #tpu.memory_space<vmem>>
    %dma_start3A_995 = arith.constant 0 : i32
    %dma_start3A_996 = tpu.memref_slice %arg3[%squeeze3A_156, %dma_start3A_995] : memref<1000000x64xf32, #tpu.memory_space<hbm>> -> memref<1x64xf32, #tpu.memory_space<hbm>>
    tpu.enqueue_dma source(%dma_start3A_996 : memref<1x64xf32, #tpu.memory_space<hbm>>) target(%dma_start3A_994 : memref<1x64xf32, #tpu.memory_space<vmem>>) target_semaphore(%arg14 : memref<!tpu.dma_semaphore, #tpu.memory_space<semaphore_mem>>)
    %dma_start3A_997 = arith.constant 72 : i32
    %dma_start3A_998 = arith.constant 0 : i32
    %dma_start3A_999 = tpu.memref_slice %arg6[%dma_start3A_997, %dma_start3A_998] : memref<128x64xf32, #tpu.memory_space<vmem>> -> memref<1x64xf32, #tpu.memory_space<vmem>>
    %dma_start3A_1000 = arith.constant 0 : i32
    %dma_start3A_1001 = tpu.memref_slice %arg3[%squeeze3A_158, %dma_start3A_1000] : memref<1000000x64xf32, #tpu.memory_space<hbm>> -> memref<1x64xf32, #tpu.memory_space<hbm>>
    %dma_start3A_1002 = arith.constant 72 : i32
    %dma_start3A_1003 = arith.constant 0 : i32
    %dma_start3A_1004 = tpu.memref_slice %arg6[%dma_start3A_1002, %dma_start3A_1003] : memref<128x64xf32, #tpu.memory_space<vmem>> -> memref<1x64xf32, #tpu.memory_space<vmem>>
    %dma_start3A_1005 = arith.constant 0 : i32
    %dma_start3A_1006 = tpu.memref_slice %arg3[%squeeze3A_158, %dma_start3A_1005] : memref<1000000x64xf32, #tpu.memory_space<hbm>> -> memref<1x64xf32, #tpu.memory_space<hbm>>
    tpu.enqueue_dma source(%dma_start3A_1006 : memref<1x64xf32, #tpu.memory_space<hbm>>) target(%dma_start3A_1004 : memref<1x64xf32, #tpu.memory_space<vmem>>) target_semaphore(%arg7 : memref<!tpu.dma_semaphore, #tpu.memory_space<semaphore_mem>>)
    %dma_start3A_1007 = arith.constant 73 : i32
    %dma_start3A_1008 = arith.constant 0 : i32
    %dma_start3A_1009 = tpu.memref_slice %arg6[%dma_start3A_1007, %dma_start3A_1008] : memref<128x64xf32, #tpu.memory_space<vmem>> -> memref<1x64xf32, #tpu.memory_space<vmem>>
    %dma_start3A_1010 = arith.constant 0 : i32
    %dma_start3A_1011 = tpu.memref_slice %arg3[%squeeze3A_160, %dma_start3A_1010] : memref<1000000x64xf32, #tpu.memory_space<hbm>> -> memref<1x64xf32, #tpu.memory_space<hbm>>
    %dma_start3A_1012 = arith.constant 73 : i32
    %dma_start3A_1013 = arith.constant 0 : i32
    %dma_start3A_1014 = tpu.memref_slice %arg6[%dma_start3A_1012, %dma_start3A_1013] : memref<128x64xf32, #tpu.memory_space<vmem>> -> memref<1x64xf32, #tpu.memory_space<vmem>>
    %dma_start3A_1015 = arith.constant 0 : i32
    %dma_start3A_1016 = tpu.memref_slice %arg3[%squeeze3A_160, %dma_start3A_1015] : memref<1000000x64xf32, #tpu.memory_space<hbm>> -> memref<1x64xf32, #tpu.memory_space<hbm>>
    tpu.enqueue_dma source(%dma_start3A_1016 : memref<1x64xf32, #tpu.memory_space<hbm>>) target(%dma_start3A_1014 : memref<1x64xf32, #tpu.memory_space<vmem>>) target_semaphore(%arg8 : memref<!tpu.dma_semaphore, #tpu.memory_space<semaphore_mem>>)
    %dma_start3A_1017 = arith.constant 74 : i32
    %dma_start3A_1018 = arith.constant 0 : i32
    %dma_start3A_1019 = tpu.memref_slice %arg6[%dma_start3A_1017, %dma_start3A_1018] : memref<128x64xf32, #tpu.memory_space<vmem>> -> memref<1x64xf32, #tpu.memory_space<vmem>>
    %dma_start3A_1020 = arith.constant 0 : i32
    %dma_start3A_1021 = tpu.memref_slice %arg3[%squeeze3A_162, %dma_start3A_1020] : memref<1000000x64xf32, #tpu.memory_space<hbm>> -> memref<1x64xf32, #tpu.memory_space<hbm>>
    %dma_start3A_1022 = arith.constant 74 : i32
    %dma_start3A_1023 = arith.constant 0 : i32
    %dma_start3A_1024 = tpu.memref_slice %arg6[%dma_start3A_1022, %dma_start3A_1023] : memref<128x64xf32, #tpu.memory_space<vmem>> -> memref<1x64xf32, #tpu.memory_space<vmem>>
    %dma_start3A_1025 = arith.constant 0 : i32
    %dma_start3A_1026 = tpu.memref_slice %arg3[%squeeze3A_162, %dma_start3A_1025] : memref<1000000x64xf32, #tpu.memory_space<hbm>> -> memref<1x64xf32, #tpu.memory_space<hbm>>
    tpu.enqueue_dma source(%dma_start3A_1026 : memref<1x64xf32, #tpu.memory_space<hbm>>) target(%dma_start3A_1024 : memref<1x64xf32, #tpu.memory_space<vmem>>) target_semaphore(%arg9 : memref<!tpu.dma_semaphore, #tpu.memory_space<semaphore_mem>>)
    %dma_start3A_1027 = arith.constant 75 : i32
    %dma_start3A_1028 = arith.constant 0 : i32
    %dma_start3A_1029 = tpu.memref_slice %arg6[%dma_start3A_1027, %dma_start3A_1028] : memref<128x64xf32, #tpu.memory_space<vmem>> -> memref<1x64xf32, #tpu.memory_space<vmem>>
    %dma_start3A_1030 = arith.constant 0 : i32
    %dma_start3A_1031 = tpu.memref_slice %arg3[%squeeze3A_164, %dma_start3A_1030] : memref<1000000x64xf32, #tpu.memory_space<hbm>> -> memref<1x64xf32, #tpu.memory_space<hbm>>
    %dma_start3A_1032 = arith.constant 75 : i32
    %dma_start3A_1033 = arith.constant 0 : i32
    %dma_start3A_1034 = tpu.memref_slice %arg6[%dma_start3A_1032, %dma_start3A_1033] : memref<128x64xf32, #tpu.memory_space<vmem>> -> memref<1x64xf32, #tpu.memory_space<vmem>>
    %dma_start3A_1035 = arith.constant 0 : i32
    %dma_start3A_1036 = tpu.memref_slice %arg3[%squeeze3A_164, %dma_start3A_1035] : memref<1000000x64xf32, #tpu.memory_space<hbm>> -> memref<1x64xf32, #tpu.memory_space<hbm>>
    tpu.enqueue_dma source(%dma_start3A_1036 : memref<1x64xf32, #tpu.memory_space<hbm>>) target(%dma_start3A_1034 : memref<1x64xf32, #tpu.memory_space<vmem>>) target_semaphore(%arg10 : memref<!tpu.dma_semaphore, #tpu.memory_space<semaphore_mem>>)
    %dma_start3A_1037 = arith.constant 76 : i32
    %dma_start3A_1038 = arith.constant 0 : i32
    %dma_start3A_1039 = tpu.memref_slice %arg6[%dma_start3A_1037, %dma_start3A_1038] : memref<128x64xf32, #tpu.memory_space<vmem>> -> memref<1x64xf32, #tpu.memory_space<vmem>>
    %dma_start3A_1040 = arith.constant 0 : i32
    %dma_start3A_1041 = tpu.memref_slice %arg3[%squeeze3A_166, %dma_start3A_1040] : memref<1000000x64xf32, #tpu.memory_space<hbm>> -> memref<1x64xf32, #tpu.memory_space<hbm>>
    %dma_start3A_1042 = arith.constant 76 : i32
    %dma_start3A_1043 = arith.constant 0 : i32
    %dma_start3A_1044 = tpu.memref_slice %arg6[%dma_start3A_1042, %dma_start3A_1043] : memref<128x64xf32, #tpu.memory_space<vmem>> -> memref<1x64xf32, #tpu.memory_space<vmem>>
    %dma_start3A_1045 = arith.constant 0 : i32
    %dma_start3A_1046 = tpu.memref_slice %arg3[%squeeze3A_166, %dma_start3A_1045] : memref<1000000x64xf32, #tpu.memory_space<hbm>> -> memref<1x64xf32, #tpu.memory_space<hbm>>
    tpu.enqueue_dma source(%dma_start3A_1046 : memref<1x64xf32, #tpu.memory_space<hbm>>) target(%dma_start3A_1044 : memref<1x64xf32, #tpu.memory_space<vmem>>) target_semaphore(%arg11 : memref<!tpu.dma_semaphore, #tpu.memory_space<semaphore_mem>>)
    %dma_start3A_1047 = arith.constant 77 : i32
    %dma_start3A_1048 = arith.constant 0 : i32
    %dma_start3A_1049 = tpu.memref_slice %arg6[%dma_start3A_1047, %dma_start3A_1048] : memref<128x64xf32, #tpu.memory_space<vmem>> -> memref<1x64xf32, #tpu.memory_space<vmem>>
    %dma_start3A_1050 = arith.constant 0 : i32
    %dma_start3A_1051 = tpu.memref_slice %arg3[%squeeze3A_168, %dma_start3A_1050] : memref<1000000x64xf32, #tpu.memory_space<hbm>> -> memref<1x64xf32, #tpu.memory_space<hbm>>
    %dma_start3A_1052 = arith.constant 77 : i32
    %dma_start3A_1053 = arith.constant 0 : i32
    %dma_start3A_1054 = tpu.memref_slice %arg6[%dma_start3A_1052, %dma_start3A_1053] : memref<128x64xf32, #tpu.memory_space<vmem>> -> memref<1x64xf32, #tpu.memory_space<vmem>>
    %dma_start3A_1055 = arith.constant 0 : i32
    %dma_start3A_1056 = tpu.memref_slice %arg3[%squeeze3A_168, %dma_start3A_1055] : memref<1000000x64xf32, #tpu.memory_space<hbm>> -> memref<1x64xf32, #tpu.memory_space<hbm>>
    tpu.enqueue_dma source(%dma_start3A_1056 : memref<1x64xf32, #tpu.memory_space<hbm>>) target(%dma_start3A_1054 : memref<1x64xf32, #tpu.memory_space<vmem>>) target_semaphore(%arg12 : memref<!tpu.dma_semaphore, #tpu.memory_space<semaphore_mem>>)
    %dma_start3A_1057 = arith.constant 78 : i32
    %dma_start3A_1058 = arith.constant 0 : i32
    %dma_start3A_1059 = tpu.memref_slice %arg6[%dma_start3A_1057, %dma_start3A_1058] : memref<128x64xf32, #tpu.memory_space<vmem>> -> memref<1x64xf32, #tpu.memory_space<vmem>>
    %dma_start3A_1060 = arith.constant 0 : i32
    %dma_start3A_1061 = tpu.memref_slice %arg3[%squeeze3A_170, %dma_start3A_1060] : memref<1000000x64xf32, #tpu.memory_space<hbm>> -> memref<1x64xf32, #tpu.memory_space<hbm>>
    %dma_start3A_1062 = arith.constant 78 : i32
    %dma_start3A_1063 = arith.constant 0 : i32
    %dma_start3A_1064 = tpu.memref_slice %arg6[%dma_start3A_1062, %dma_start3A_1063] : memref<128x64xf32, #tpu.memory_space<vmem>> -> memref<1x64xf32, #tpu.memory_space<vmem>>
    %dma_start3A_1065 = arith.constant 0 : i32
    %dma_start3A_1066 = tpu.memref_slice %arg3[%squeeze3A_170, %dma_start3A_1065] : memref<1000000x64xf32, #tpu.memory_space<hbm>> -> memref<1x64xf32, #tpu.memory_space<hbm>>
    tpu.enqueue_dma source(%dma_start3A_1066 : memref<1x64xf32, #tpu.memory_space<hbm>>) target(%dma_start3A_1064 : memref<1x64xf32, #tpu.memory_space<vmem>>) target_semaphore(%arg13 : memref<!tpu.dma_semaphore, #tpu.memory_space<semaphore_mem>>)
    %dma_start3A_1067 = arith.constant 79 : i32
    %dma_start3A_1068 = arith.constant 0 : i32
    %dma_start3A_1069 = tpu.memref_slice %arg6[%dma_start3A_1067, %dma_start3A_1068] : memref<128x64xf32, #tpu.memory_space<vmem>> -> memref<1x64xf32, #tpu.memory_space<vmem>>
    %dma_start3A_1070 = arith.constant 0 : i32
    %dma_start3A_1071 = tpu.memref_slice %arg3[%squeeze3A_172, %dma_start3A_1070] : memref<1000000x64xf32, #tpu.memory_space<hbm>> -> memref<1x64xf32, #tpu.memory_space<hbm>>
    %dma_start3A_1072 = arith.constant 79 : i32
    %dma_start3A_1073 = arith.constant 0 : i32
    %dma_start3A_1074 = tpu.memref_slice %arg6[%dma_start3A_1072, %dma_start3A_1073] : memref<128x64xf32, #tpu.memory_space<vmem>> -> memref<1x64xf32, #tpu.memory_space<vmem>>
    %dma_start3A_1075 = arith.constant 0 : i32
    %dma_start3A_1076 = tpu.memref_slice %arg3[%squeeze3A_172, %dma_start3A_1075] : memref<1000000x64xf32, #tpu.memory_space<hbm>> -> memref<1x64xf32, #tpu.memory_space<hbm>>
    tpu.enqueue_dma source(%dma_start3A_1076 : memref<1x64xf32, #tpu.memory_space<hbm>>) target(%dma_start3A_1074 : memref<1x64xf32, #tpu.memory_space<vmem>>) target_semaphore(%arg14 : memref<!tpu.dma_semaphore, #tpu.memory_space<semaphore_mem>>)
    %dma_start3A_1077 = arith.constant 80 : i32
    %dma_start3A_1078 = arith.constant 0 : i32
    %dma_start3A_1079 = tpu.memref_slice %arg6[%dma_start3A_1077, %dma_start3A_1078] : memref<128x64xf32, #tpu.memory_space<vmem>> -> memref<1x64xf32, #tpu.memory_space<vmem>>
    %dma_start3A_1080 = arith.constant 0 : i32
    %dma_start3A_1081 = tpu.memref_slice %arg3[%squeeze3A_177, %dma_start3A_1080] : memref<1000000x64xf32, #tpu.memory_space<hbm>> -> memref<1x64xf32, #tpu.memory_space<hbm>>
    %dma_start3A_1082 = arith.constant 80 : i32
    %dma_start3A_1083 = arith.constant 0 : i32
    %dma_start3A_1084 = tpu.memref_slice %arg6[%dma_start3A_1082, %dma_start3A_1083] : memref<128x64xf32, #tpu.memory_space<vmem>> -> memref<1x64xf32, #tpu.memory_space<vmem>>
    %dma_start3A_1085 = arith.constant 0 : i32
    %dma_start3A_1086 = tpu.memref_slice %arg3[%squeeze3A_177, %dma_start3A_1085] : memref<1000000x64xf32, #tpu.memory_space<hbm>> -> memref<1x64xf32, #tpu.memory_space<hbm>>
    tpu.enqueue_dma source(%dma_start3A_1086 : memref<1x64xf32, #tpu.memory_space<hbm>>) target(%dma_start3A_1084 : memref<1x64xf32, #tpu.memory_space<vmem>>) target_semaphore(%arg7 : memref<!tpu.dma_semaphore, #tpu.memory_space<semaphore_mem>>)
    %dma_start3A_1087 = arith.constant 81 : i32
    %dma_start3A_1088 = arith.constant 0 : i32
    %dma_start3A_1089 = tpu.memref_slice %arg6[%dma_start3A_1087, %dma_start3A_1088] : memref<128x64xf32, #tpu.memory_space<vmem>> -> memref<1x64xf32, #tpu.memory_space<vmem>>
    %dma_start3A_1090 = arith.constant 0 : i32
    %dma_start3A_1091 = tpu.memref_slice %arg3[%squeeze3A_179, %dma_start3A_1090] : memref<1000000x64xf32, #tpu.memory_space<hbm>> -> memref<1x64xf32, #tpu.memory_space<hbm>>
    %dma_start3A_1092 = arith.constant 81 : i32
    %dma_start3A_1093 = arith.constant 0 : i32
    %dma_start3A_1094 = tpu.memref_slice %arg6[%dma_start3A_1092, %dma_start3A_1093] : memref<128x64xf32, #tpu.memory_space<vmem>> -> memref<1x64xf32, #tpu.memory_space<vmem>>
    %dma_start3A_1095 = arith.constant 0 : i32
    %dma_start3A_1096 = tpu.memref_slice %arg3[%squeeze3A_179, %dma_start3A_1095] : memref<1000000x64xf32, #tpu.memory_space<hbm>> -> memref<1x64xf32, #tpu.memory_space<hbm>>
    tpu.enqueue_dma source(%dma_start3A_1096 : memref<1x64xf32, #tpu.memory_space<hbm>>) target(%dma_start3A_1094 : memref<1x64xf32, #tpu.memory_space<vmem>>) target_semaphore(%arg8 : memref<!tpu.dma_semaphore, #tpu.memory_space<semaphore_mem>>)
    %dma_start3A_1097 = arith.constant 82 : i32
    %dma_start3A_1098 = arith.constant 0 : i32
    %dma_start3A_1099 = tpu.memref_slice %arg6[%dma_start3A_1097, %dma_start3A_1098] : memref<128x64xf32, #tpu.memory_space<vmem>> -> memref<1x64xf32, #tpu.memory_space<vmem>>
    %dma_start3A_1100 = arith.constant 0 : i32
    %dma_start3A_1101 = tpu.memref_slice %arg3[%squeeze3A_181, %dma_start3A_1100] : memref<1000000x64xf32, #tpu.memory_space<hbm>> -> memref<1x64xf32, #tpu.memory_space<hbm>>
    %dma_start3A_1102 = arith.constant 82 : i32
    %dma_start3A_1103 = arith.constant 0 : i32
    %dma_start3A_1104 = tpu.memref_slice %arg6[%dma_start3A_1102, %dma_start3A_1103] : memref<128x64xf32, #tpu.memory_space<vmem>> -> memref<1x64xf32, #tpu.memory_space<vmem>>
    %dma_start3A_1105 = arith.constant 0 : i32
    %dma_start3A_1106 = tpu.memref_slice %arg3[%squeeze3A_181, %dma_start3A_1105] : memref<1000000x64xf32, #tpu.memory_space<hbm>> -> memref<1x64xf32, #tpu.memory_space<hbm>>
    tpu.enqueue_dma source(%dma_start3A_1106 : memref<1x64xf32, #tpu.memory_space<hbm>>) target(%dma_start3A_1104 : memref<1x64xf32, #tpu.memory_space<vmem>>) target_semaphore(%arg9 : memref<!tpu.dma_semaphore, #tpu.memory_space<semaphore_mem>>)
    %dma_start3A_1107 = arith.constant 83 : i32
    %dma_start3A_1108 = arith.constant 0 : i32
    %dma_start3A_1109 = tpu.memref_slice %arg6[%dma_start3A_1107, %dma_start3A_1108] : memref<128x64xf32, #tpu.memory_space<vmem>> -> memref<1x64xf32, #tpu.memory_space<vmem>>
    %dma_start3A_1110 = arith.constant 0 : i32
    %dma_start3A_1111 = tpu.memref_slice %arg3[%squeeze3A_183, %dma_start3A_1110] : memref<1000000x64xf32, #tpu.memory_space<hbm>> -> memref<1x64xf32, #tpu.memory_space<hbm>>
    %dma_start3A_1112 = arith.constant 83 : i32
    %dma_start3A_1113 = arith.constant 0 : i32
    %dma_start3A_1114 = tpu.memref_slice %arg6[%dma_start3A_1112, %dma_start3A_1113] : memref<128x64xf32, #tpu.memory_space<vmem>> -> memref<1x64xf32, #tpu.memory_space<vmem>>
    %dma_start3A_1115 = arith.constant 0 : i32
    %dma_start3A_1116 = tpu.memref_slice %arg3[%squeeze3A_183, %dma_start3A_1115] : memref<1000000x64xf32, #tpu.memory_space<hbm>> -> memref<1x64xf32, #tpu.memory_space<hbm>>
    tpu.enqueue_dma source(%dma_start3A_1116 : memref<1x64xf32, #tpu.memory_space<hbm>>) target(%dma_start3A_1114 : memref<1x64xf32, #tpu.memory_space<vmem>>) target_semaphore(%arg10 : memref<!tpu.dma_semaphore, #tpu.memory_space<semaphore_mem>>)
    %dma_start3A_1117 = arith.constant 84 : i32
    %dma_start3A_1118 = arith.constant 0 : i32
    %dma_start3A_1119 = tpu.memref_slice %arg6[%dma_start3A_1117, %dma_start3A_1118] : memref<128x64xf32, #tpu.memory_space<vmem>> -> memref<1x64xf32, #tpu.memory_space<vmem>>
    %dma_start3A_1120 = arith.constant 0 : i32
    %dma_start3A_1121 = tpu.memref_slice %arg3[%squeeze3A_185, %dma_start3A_1120] : memref<1000000x64xf32, #tpu.memory_space<hbm>> -> memref<1x64xf32, #tpu.memory_space<hbm>>
    %dma_start3A_1122 = arith.constant 84 : i32
    %dma_start3A_1123 = arith.constant 0 : i32
    %dma_start3A_1124 = tpu.memref_slice %arg6[%dma_start3A_1122, %dma_start3A_1123] : memref<128x64xf32, #tpu.memory_space<vmem>> -> memref<1x64xf32, #tpu.memory_space<vmem>>
    %dma_start3A_1125 = arith.constant 0 : i32
    %dma_start3A_1126 = tpu.memref_slice %arg3[%squeeze3A_185, %dma_start3A_1125] : memref<1000000x64xf32, #tpu.memory_space<hbm>> -> memref<1x64xf32, #tpu.memory_space<hbm>>
    tpu.enqueue_dma source(%dma_start3A_1126 : memref<1x64xf32, #tpu.memory_space<hbm>>) target(%dma_start3A_1124 : memref<1x64xf32, #tpu.memory_space<vmem>>) target_semaphore(%arg11 : memref<!tpu.dma_semaphore, #tpu.memory_space<semaphore_mem>>)
    %dma_start3A_1127 = arith.constant 85 : i32
    %dma_start3A_1128 = arith.constant 0 : i32
    %dma_start3A_1129 = tpu.memref_slice %arg6[%dma_start3A_1127, %dma_start3A_1128] : memref<128x64xf32, #tpu.memory_space<vmem>> -> memref<1x64xf32, #tpu.memory_space<vmem>>
    %dma_start3A_1130 = arith.constant 0 : i32
    %dma_start3A_1131 = tpu.memref_slice %arg3[%squeeze3A_187, %dma_start3A_1130] : memref<1000000x64xf32, #tpu.memory_space<hbm>> -> memref<1x64xf32, #tpu.memory_space<hbm>>
    %dma_start3A_1132 = arith.constant 85 : i32
    %dma_start3A_1133 = arith.constant 0 : i32
    %dma_start3A_1134 = tpu.memref_slice %arg6[%dma_start3A_1132, %dma_start3A_1133] : memref<128x64xf32, #tpu.memory_space<vmem>> -> memref<1x64xf32, #tpu.memory_space<vmem>>
    %dma_start3A_1135 = arith.constant 0 : i32
    %dma_start3A_1136 = tpu.memref_slice %arg3[%squeeze3A_187, %dma_start3A_1135] : memref<1000000x64xf32, #tpu.memory_space<hbm>> -> memref<1x64xf32, #tpu.memory_space<hbm>>
    tpu.enqueue_dma source(%dma_start3A_1136 : memref<1x64xf32, #tpu.memory_space<hbm>>) target(%dma_start3A_1134 : memref<1x64xf32, #tpu.memory_space<vmem>>) target_semaphore(%arg12 : memref<!tpu.dma_semaphore, #tpu.memory_space<semaphore_mem>>)
    %dma_start3A_1137 = arith.constant 86 : i32
    %dma_start3A_1138 = arith.constant 0 : i32
    %dma_start3A_1139 = tpu.memref_slice %arg6[%dma_start3A_1137, %dma_start3A_1138] : memref<128x64xf32, #tpu.memory_space<vmem>> -> memref<1x64xf32, #tpu.memory_space<vmem>>
    %dma_start3A_1140 = arith.constant 0 : i32
    %dma_start3A_1141 = tpu.memref_slice %arg3[%squeeze3A_189, %dma_start3A_1140] : memref<1000000x64xf32, #tpu.memory_space<hbm>> -> memref<1x64xf32, #tpu.memory_space<hbm>>
    %dma_start3A_1142 = arith.constant 86 : i32
    %dma_start3A_1143 = arith.constant 0 : i32
    %dma_start3A_1144 = tpu.memref_slice %arg6[%dma_start3A_1142, %dma_start3A_1143] : memref<128x64xf32, #tpu.memory_space<vmem>> -> memref<1x64xf32, #tpu.memory_space<vmem>>
    %dma_start3A_1145 = arith.constant 0 : i32
    %dma_start3A_1146 = tpu.memref_slice %arg3[%squeeze3A_189, %dma_start3A_1145] : memref<1000000x64xf32, #tpu.memory_space<hbm>> -> memref<1x64xf32, #tpu.memory_space<hbm>>
    tpu.enqueue_dma source(%dma_start3A_1146 : memref<1x64xf32, #tpu.memory_space<hbm>>) target(%dma_start3A_1144 : memref<1x64xf32, #tpu.memory_space<vmem>>) target_semaphore(%arg13 : memref<!tpu.dma_semaphore, #tpu.memory_space<semaphore_mem>>)
    %dma_start3A_1147 = arith.constant 87 : i32
    %dma_start3A_1148 = arith.constant 0 : i32
    %dma_start3A_1149 = tpu.memref_slice %arg6[%dma_start3A_1147, %dma_start3A_1148] : memref<128x64xf32, #tpu.memory_space<vmem>> -> memref<1x64xf32, #tpu.memory_space<vmem>>
    %dma_start3A_1150 = arith.constant 0 : i32
    %dma_start3A_1151 = tpu.memref_slice %arg3[%squeeze3A_191, %dma_start3A_1150] : memref<1000000x64xf32, #tpu.memory_space<hbm>> -> memref<1x64xf32, #tpu.memory_space<hbm>>
    %dma_start3A_1152 = arith.constant 87 : i32
    %dma_start3A_1153 = arith.constant 0 : i32
    %dma_start3A_1154 = tpu.memref_slice %arg6[%dma_start3A_1152, %dma_start3A_1153] : memref<128x64xf32, #tpu.memory_space<vmem>> -> memref<1x64xf32, #tpu.memory_space<vmem>>
    %dma_start3A_1155 = arith.constant 0 : i32
    %dma_start3A_1156 = tpu.memref_slice %arg3[%squeeze3A_191, %dma_start3A_1155] : memref<1000000x64xf32, #tpu.memory_space<hbm>> -> memref<1x64xf32, #tpu.memory_space<hbm>>
    tpu.enqueue_dma source(%dma_start3A_1156 : memref<1x64xf32, #tpu.memory_space<hbm>>) target(%dma_start3A_1154 : memref<1x64xf32, #tpu.memory_space<vmem>>) target_semaphore(%arg14 : memref<!tpu.dma_semaphore, #tpu.memory_space<semaphore_mem>>)
    %dma_start3A_1157 = arith.constant 88 : i32
    %dma_start3A_1158 = arith.constant 0 : i32
    %dma_start3A_1159 = tpu.memref_slice %arg6[%dma_start3A_1157, %dma_start3A_1158] : memref<128x64xf32, #tpu.memory_space<vmem>> -> memref<1x64xf32, #tpu.memory_space<vmem>>
    %dma_start3A_1160 = arith.constant 0 : i32
    %dma_start3A_1161 = tpu.memref_slice %arg3[%squeeze3A_193, %dma_start3A_1160] : memref<1000000x64xf32, #tpu.memory_space<hbm>> -> memref<1x64xf32, #tpu.memory_space<hbm>>
    %dma_start3A_1162 = arith.constant 88 : i32
    %dma_start3A_1163 = arith.constant 0 : i32
    %dma_start3A_1164 = tpu.memref_slice %arg6[%dma_start3A_1162, %dma_start3A_1163] : memref<128x64xf32, #tpu.memory_space<vmem>> -> memref<1x64xf32, #tpu.memory_space<vmem>>
    %dma_start3A_1165 = arith.constant 0 : i32
    %dma_start3A_1166 = tpu.memref_slice %arg3[%squeeze3A_193, %dma_start3A_1165] : memref<1000000x64xf32, #tpu.memory_space<hbm>> -> memref<1x64xf32, #tpu.memory_space<hbm>>
    tpu.enqueue_dma source(%dma_start3A_1166 : memref<1x64xf32, #tpu.memory_space<hbm>>) target(%dma_start3A_1164 : memref<1x64xf32, #tpu.memory_space<vmem>>) target_semaphore(%arg7 : memref<!tpu.dma_semaphore, #tpu.memory_space<semaphore_mem>>)
    %dma_start3A_1167 = arith.constant 89 : i32
    %dma_start3A_1168 = arith.constant 0 : i32
    %dma_start3A_1169 = tpu.memref_slice %arg6[%dma_start3A_1167, %dma_start3A_1168] : memref<128x64xf32, #tpu.memory_space<vmem>> -> memref<1x64xf32, #tpu.memory_space<vmem>>
    %dma_start3A_1170 = arith.constant 0 : i32
    %dma_start3A_1171 = tpu.memref_slice %arg3[%squeeze3A_195, %dma_start3A_1170] : memref<1000000x64xf32, #tpu.memory_space<hbm>> -> memref<1x64xf32, #tpu.memory_space<hbm>>
    %dma_start3A_1172 = arith.constant 89 : i32
    %dma_start3A_1173 = arith.constant 0 : i32
    %dma_start3A_1174 = tpu.memref_slice %arg6[%dma_start3A_1172, %dma_start3A_1173] : memref<128x64xf32, #tpu.memory_space<vmem>> -> memref<1x64xf32, #tpu.memory_space<vmem>>
    %dma_start3A_1175 = arith.constant 0 : i32
    %dma_start3A_1176 = tpu.memref_slice %arg3[%squeeze3A_195, %dma_start3A_1175] : memref<1000000x64xf32, #tpu.memory_space<hbm>> -> memref<1x64xf32, #tpu.memory_space<hbm>>
    tpu.enqueue_dma source(%dma_start3A_1176 : memref<1x64xf32, #tpu.memory_space<hbm>>) target(%dma_start3A_1174 : memref<1x64xf32, #tpu.memory_space<vmem>>) target_semaphore(%arg8 : memref<!tpu.dma_semaphore, #tpu.memory_space<semaphore_mem>>)
    %dma_start3A_1177 = arith.constant 90 : i32
    %dma_start3A_1178 = arith.constant 0 : i32
    %dma_start3A_1179 = tpu.memref_slice %arg6[%dma_start3A_1177, %dma_start3A_1178] : memref<128x64xf32, #tpu.memory_space<vmem>> -> memref<1x64xf32, #tpu.memory_space<vmem>>
    %dma_start3A_1180 = arith.constant 0 : i32
    %dma_start3A_1181 = tpu.memref_slice %arg3[%squeeze3A_197, %dma_start3A_1180] : memref<1000000x64xf32, #tpu.memory_space<hbm>> -> memref<1x64xf32, #tpu.memory_space<hbm>>
    %dma_start3A_1182 = arith.constant 90 : i32
    %dma_start3A_1183 = arith.constant 0 : i32
    %dma_start3A_1184 = tpu.memref_slice %arg6[%dma_start3A_1182, %dma_start3A_1183] : memref<128x64xf32, #tpu.memory_space<vmem>> -> memref<1x64xf32, #tpu.memory_space<vmem>>
    %dma_start3A_1185 = arith.constant 0 : i32
    %dma_start3A_1186 = tpu.memref_slice %arg3[%squeeze3A_197, %dma_start3A_1185] : memref<1000000x64xf32, #tpu.memory_space<hbm>> -> memref<1x64xf32, #tpu.memory_space<hbm>>
    tpu.enqueue_dma source(%dma_start3A_1186 : memref<1x64xf32, #tpu.memory_space<hbm>>) target(%dma_start3A_1184 : memref<1x64xf32, #tpu.memory_space<vmem>>) target_semaphore(%arg9 : memref<!tpu.dma_semaphore, #tpu.memory_space<semaphore_mem>>)
    %dma_start3A_1187 = arith.constant 91 : i32
    %dma_start3A_1188 = arith.constant 0 : i32
    %dma_start3A_1189 = tpu.memref_slice %arg6[%dma_start3A_1187, %dma_start3A_1188] : memref<128x64xf32, #tpu.memory_space<vmem>> -> memref<1x64xf32, #tpu.memory_space<vmem>>
    %dma_start3A_1190 = arith.constant 0 : i32
    %dma_start3A_1191 = tpu.memref_slice %arg3[%squeeze3A_199, %dma_start3A_1190] : memref<1000000x64xf32, #tpu.memory_space<hbm>> -> memref<1x64xf32, #tpu.memory_space<hbm>>
    %dma_start3A_1192 = arith.constant 91 : i32
    %dma_start3A_1193 = arith.constant 0 : i32
    %dma_start3A_1194 = tpu.memref_slice %arg6[%dma_start3A_1192, %dma_start3A_1193] : memref<128x64xf32, #tpu.memory_space<vmem>> -> memref<1x64xf32, #tpu.memory_space<vmem>>
    %dma_start3A_1195 = arith.constant 0 : i32
    %dma_start3A_1196 = tpu.memref_slice %arg3[%squeeze3A_199, %dma_start3A_1195] : memref<1000000x64xf32, #tpu.memory_space<hbm>> -> memref<1x64xf32, #tpu.memory_space<hbm>>
    tpu.enqueue_dma source(%dma_start3A_1196 : memref<1x64xf32, #tpu.memory_space<hbm>>) target(%dma_start3A_1194 : memref<1x64xf32, #tpu.memory_space<vmem>>) target_semaphore(%arg10 : memref<!tpu.dma_semaphore, #tpu.memory_space<semaphore_mem>>)
    %dma_start3A_1197 = arith.constant 92 : i32
    %dma_start3A_1198 = arith.constant 0 : i32
    %dma_start3A_1199 = tpu.memref_slice %arg6[%dma_start3A_1197, %dma_start3A_1198] : memref<128x64xf32, #tpu.memory_space<vmem>> -> memref<1x64xf32, #tpu.memory_space<vmem>>
    %dma_start3A_1200 = arith.constant 0 : i32
    %dma_start3A_1201 = tpu.memref_slice %arg3[%squeeze3A_201, %dma_start3A_1200] : memref<1000000x64xf32, #tpu.memory_space<hbm>> -> memref<1x64xf32, #tpu.memory_space<hbm>>
    %dma_start3A_1202 = arith.constant 92 : i32
    %dma_start3A_1203 = arith.constant 0 : i32
    %dma_start3A_1204 = tpu.memref_slice %arg6[%dma_start3A_1202, %dma_start3A_1203] : memref<128x64xf32, #tpu.memory_space<vmem>> -> memref<1x64xf32, #tpu.memory_space<vmem>>
    %dma_start3A_1205 = arith.constant 0 : i32
    %dma_start3A_1206 = tpu.memref_slice %arg3[%squeeze3A_201, %dma_start3A_1205] : memref<1000000x64xf32, #tpu.memory_space<hbm>> -> memref<1x64xf32, #tpu.memory_space<hbm>>
    tpu.enqueue_dma source(%dma_start3A_1206 : memref<1x64xf32, #tpu.memory_space<hbm>>) target(%dma_start3A_1204 : memref<1x64xf32, #tpu.memory_space<vmem>>) target_semaphore(%arg11 : memref<!tpu.dma_semaphore, #tpu.memory_space<semaphore_mem>>)
    %dma_start3A_1207 = arith.constant 93 : i32
    %dma_start3A_1208 = arith.constant 0 : i32
    %dma_start3A_1209 = tpu.memref_slice %arg6[%dma_start3A_1207, %dma_start3A_1208] : memref<128x64xf32, #tpu.memory_space<vmem>> -> memref<1x64xf32, #tpu.memory_space<vmem>>
    %dma_start3A_1210 = arith.constant 0 : i32
    %dma_start3A_1211 = tpu.memref_slice %arg3[%squeeze3A_203, %dma_start3A_1210] : memref<1000000x64xf32, #tpu.memory_space<hbm>> -> memref<1x64xf32, #tpu.memory_space<hbm>>
    %dma_start3A_1212 = arith.constant 93 : i32
    %dma_start3A_1213 = arith.constant 0 : i32
    %dma_start3A_1214 = tpu.memref_slice %arg6[%dma_start3A_1212, %dma_start3A_1213] : memref<128x64xf32, #tpu.memory_space<vmem>> -> memref<1x64xf32, #tpu.memory_space<vmem>>
    %dma_start3A_1215 = arith.constant 0 : i32
    %dma_start3A_1216 = tpu.memref_slice %arg3[%squeeze3A_203, %dma_start3A_1215] : memref<1000000x64xf32, #tpu.memory_space<hbm>> -> memref<1x64xf32, #tpu.memory_space<hbm>>
    tpu.enqueue_dma source(%dma_start3A_1216 : memref<1x64xf32, #tpu.memory_space<hbm>>) target(%dma_start3A_1214 : memref<1x64xf32, #tpu.memory_space<vmem>>) target_semaphore(%arg12 : memref<!tpu.dma_semaphore, #tpu.memory_space<semaphore_mem>>)
    %dma_start3A_1217 = arith.constant 94 : i32
    %dma_start3A_1218 = arith.constant 0 : i32
    %dma_start3A_1219 = tpu.memref_slice %arg6[%dma_start3A_1217, %dma_start3A_1218] : memref<128x64xf32, #tpu.memory_space<vmem>> -> memref<1x64xf32, #tpu.memory_space<vmem>>
    %dma_start3A_1220 = arith.constant 0 : i32
    %dma_start3A_1221 = tpu.memref_slice %arg3[%squeeze3A_205, %dma_start3A_1220] : memref<1000000x64xf32, #tpu.memory_space<hbm>> -> memref<1x64xf32, #tpu.memory_space<hbm>>
    %dma_start3A_1222 = arith.constant 94 : i32
    %dma_start3A_1223 = arith.constant 0 : i32
    %dma_start3A_1224 = tpu.memref_slice %arg6[%dma_start3A_1222, %dma_start3A_1223] : memref<128x64xf32, #tpu.memory_space<vmem>> -> memref<1x64xf32, #tpu.memory_space<vmem>>
    %dma_start3A_1225 = arith.constant 0 : i32
    %dma_start3A_1226 = tpu.memref_slice %arg3[%squeeze3A_205, %dma_start3A_1225] : memref<1000000x64xf32, #tpu.memory_space<hbm>> -> memref<1x64xf32, #tpu.memory_space<hbm>>
    tpu.enqueue_dma source(%dma_start3A_1226 : memref<1x64xf32, #tpu.memory_space<hbm>>) target(%dma_start3A_1224 : memref<1x64xf32, #tpu.memory_space<vmem>>) target_semaphore(%arg13 : memref<!tpu.dma_semaphore, #tpu.memory_space<semaphore_mem>>)
    %dma_start3A_1227 = arith.constant 95 : i32
    %dma_start3A_1228 = arith.constant 0 : i32
    %dma_start3A_1229 = tpu.memref_slice %arg6[%dma_start3A_1227, %dma_start3A_1228] : memref<128x64xf32, #tpu.memory_space<vmem>> -> memref<1x64xf32, #tpu.memory_space<vmem>>
    %dma_start3A_1230 = arith.constant 0 : i32
    %dma_start3A_1231 = tpu.memref_slice %arg3[%squeeze3A_207, %dma_start3A_1230] : memref<1000000x64xf32, #tpu.memory_space<hbm>> -> memref<1x64xf32, #tpu.memory_space<hbm>>
    %dma_start3A_1232 = arith.constant 95 : i32
    %dma_start3A_1233 = arith.constant 0 : i32
    %dma_start3A_1234 = tpu.memref_slice %arg6[%dma_start3A_1232, %dma_start3A_1233] : memref<128x64xf32, #tpu.memory_space<vmem>> -> memref<1x64xf32, #tpu.memory_space<vmem>>
    %dma_start3A_1235 = arith.constant 0 : i32
    %dma_start3A_1236 = tpu.memref_slice %arg3[%squeeze3A_207, %dma_start3A_1235] : memref<1000000x64xf32, #tpu.memory_space<hbm>> -> memref<1x64xf32, #tpu.memory_space<hbm>>
    tpu.enqueue_dma source(%dma_start3A_1236 : memref<1x64xf32, #tpu.memory_space<hbm>>) target(%dma_start3A_1234 : memref<1x64xf32, #tpu.memory_space<vmem>>) target_semaphore(%arg14 : memref<!tpu.dma_semaphore, #tpu.memory_space<semaphore_mem>>)
    %dma_start3A_1237 = arith.constant 96 : i32
    %dma_start3A_1238 = arith.constant 0 : i32
    %dma_start3A_1239 = tpu.memref_slice %arg6[%dma_start3A_1237, %dma_start3A_1238] : memref<128x64xf32, #tpu.memory_space<vmem>> -> memref<1x64xf32, #tpu.memory_space<vmem>>
    %dma_start3A_1240 = arith.constant 0 : i32
    %dma_start3A_1241 = tpu.memref_slice %arg3[%squeeze3A_212, %dma_start3A_1240] : memref<1000000x64xf32, #tpu.memory_space<hbm>> -> memref<1x64xf32, #tpu.memory_space<hbm>>
    %dma_start3A_1242 = arith.constant 96 : i32
    %dma_start3A_1243 = arith.constant 0 : i32
    %dma_start3A_1244 = tpu.memref_slice %arg6[%dma_start3A_1242, %dma_start3A_1243] : memref<128x64xf32, #tpu.memory_space<vmem>> -> memref<1x64xf32, #tpu.memory_space<vmem>>
    %dma_start3A_1245 = arith.constant 0 : i32
    %dma_start3A_1246 = tpu.memref_slice %arg3[%squeeze3A_212, %dma_start3A_1245] : memref<1000000x64xf32, #tpu.memory_space<hbm>> -> memref<1x64xf32, #tpu.memory_space<hbm>>
    tpu.enqueue_dma source(%dma_start3A_1246 : memref<1x64xf32, #tpu.memory_space<hbm>>) target(%dma_start3A_1244 : memref<1x64xf32, #tpu.memory_space<vmem>>) target_semaphore(%arg7 : memref<!tpu.dma_semaphore, #tpu.memory_space<semaphore_mem>>)
    %dma_start3A_1247 = arith.constant 97 : i32
    %dma_start3A_1248 = arith.constant 0 : i32
    %dma_start3A_1249 = tpu.memref_slice %arg6[%dma_start3A_1247, %dma_start3A_1248] : memref<128x64xf32, #tpu.memory_space<vmem>> -> memref<1x64xf32, #tpu.memory_space<vmem>>
    %dma_start3A_1250 = arith.constant 0 : i32
    %dma_start3A_1251 = tpu.memref_slice %arg3[%squeeze3A_214, %dma_start3A_1250] : memref<1000000x64xf32, #tpu.memory_space<hbm>> -> memref<1x64xf32, #tpu.memory_space<hbm>>
    %dma_start3A_1252 = arith.constant 97 : i32
    %dma_start3A_1253 = arith.constant 0 : i32
    %dma_start3A_1254 = tpu.memref_slice %arg6[%dma_start3A_1252, %dma_start3A_1253] : memref<128x64xf32, #tpu.memory_space<vmem>> -> memref<1x64xf32, #tpu.memory_space<vmem>>
    %dma_start3A_1255 = arith.constant 0 : i32
    %dma_start3A_1256 = tpu.memref_slice %arg3[%squeeze3A_214, %dma_start3A_1255] : memref<1000000x64xf32, #tpu.memory_space<hbm>> -> memref<1x64xf32, #tpu.memory_space<hbm>>
    tpu.enqueue_dma source(%dma_start3A_1256 : memref<1x64xf32, #tpu.memory_space<hbm>>) target(%dma_start3A_1254 : memref<1x64xf32, #tpu.memory_space<vmem>>) target_semaphore(%arg8 : memref<!tpu.dma_semaphore, #tpu.memory_space<semaphore_mem>>)
    %dma_start3A_1257 = arith.constant 98 : i32
    %dma_start3A_1258 = arith.constant 0 : i32
    %dma_start3A_1259 = tpu.memref_slice %arg6[%dma_start3A_1257, %dma_start3A_1258] : memref<128x64xf32, #tpu.memory_space<vmem>> -> memref<1x64xf32, #tpu.memory_space<vmem>>
    %dma_start3A_1260 = arith.constant 0 : i32
    %dma_start3A_1261 = tpu.memref_slice %arg3[%squeeze3A_216, %dma_start3A_1260] : memref<1000000x64xf32, #tpu.memory_space<hbm>> -> memref<1x64xf32, #tpu.memory_space<hbm>>
    %dma_start3A_1262 = arith.constant 98 : i32
    %dma_start3A_1263 = arith.constant 0 : i32
    %dma_start3A_1264 = tpu.memref_slice %arg6[%dma_start3A_1262, %dma_start3A_1263] : memref<128x64xf32, #tpu.memory_space<vmem>> -> memref<1x64xf32, #tpu.memory_space<vmem>>
    %dma_start3A_1265 = arith.constant 0 : i32
    %dma_start3A_1266 = tpu.memref_slice %arg3[%squeeze3A_216, %dma_start3A_1265] : memref<1000000x64xf32, #tpu.memory_space<hbm>> -> memref<1x64xf32, #tpu.memory_space<hbm>>
    tpu.enqueue_dma source(%dma_start3A_1266 : memref<1x64xf32, #tpu.memory_space<hbm>>) target(%dma_start3A_1264 : memref<1x64xf32, #tpu.memory_space<vmem>>) target_semaphore(%arg9 : memref<!tpu.dma_semaphore, #tpu.memory_space<semaphore_mem>>)
    %dma_start3A_1267 = arith.constant 99 : i32
    %dma_start3A_1268 = arith.constant 0 : i32
    %dma_start3A_1269 = tpu.memref_slice %arg6[%dma_start3A_1267, %dma_start3A_1268] : memref<128x64xf32, #tpu.memory_space<vmem>> -> memref<1x64xf32, #tpu.memory_space<vmem>>
    %dma_start3A_1270 = arith.constant 0 : i32
    %dma_start3A_1271 = tpu.memref_slice %arg3[%squeeze3A_218, %dma_start3A_1270] : memref<1000000x64xf32, #tpu.memory_space<hbm>> -> memref<1x64xf32, #tpu.memory_space<hbm>>
    %dma_start3A_1272 = arith.constant 99 : i32
    %dma_start3A_1273 = arith.constant 0 : i32
    %dma_start3A_1274 = tpu.memref_slice %arg6[%dma_start3A_1272, %dma_start3A_1273] : memref<128x64xf32, #tpu.memory_space<vmem>> -> memref<1x64xf32, #tpu.memory_space<vmem>>
    %dma_start3A_1275 = arith.constant 0 : i32
    %dma_start3A_1276 = tpu.memref_slice %arg3[%squeeze3A_218, %dma_start3A_1275] : memref<1000000x64xf32, #tpu.memory_space<hbm>> -> memref<1x64xf32, #tpu.memory_space<hbm>>
    tpu.enqueue_dma source(%dma_start3A_1276 : memref<1x64xf32, #tpu.memory_space<hbm>>) target(%dma_start3A_1274 : memref<1x64xf32, #tpu.memory_space<vmem>>) target_semaphore(%arg10 : memref<!tpu.dma_semaphore, #tpu.memory_space<semaphore_mem>>)
    %dma_start3A_1277 = arith.constant 100 : i32
    %dma_start3A_1278 = arith.constant 0 : i32
    %dma_start3A_1279 = tpu.memref_slice %arg6[%dma_start3A_1277, %dma_start3A_1278] : memref<128x64xf32, #tpu.memory_space<vmem>> -> memref<1x64xf32, #tpu.memory_space<vmem>>
    %dma_start3A_1280 = arith.constant 0 : i32
    %dma_start3A_1281 = tpu.memref_slice %arg3[%squeeze3A_220, %dma_start3A_1280] : memref<1000000x64xf32, #tpu.memory_space<hbm>> -> memref<1x64xf32, #tpu.memory_space<hbm>>
    %dma_start3A_1282 = arith.constant 100 : i32
    %dma_start3A_1283 = arith.constant 0 : i32
    %dma_start3A_1284 = tpu.memref_slice %arg6[%dma_start3A_1282, %dma_start3A_1283] : memref<128x64xf32, #tpu.memory_space<vmem>> -> memref<1x64xf32, #tpu.memory_space<vmem>>
    %dma_start3A_1285 = arith.constant 0 : i32
    %dma_start3A_1286 = tpu.memref_slice %arg3[%squeeze3A_220, %dma_start3A_1285] : memref<1000000x64xf32, #tpu.memory_space<hbm>> -> memref<1x64xf32, #tpu.memory_space<hbm>>
    tpu.enqueue_dma source(%dma_start3A_1286 : memref<1x64xf32, #tpu.memory_space<hbm>>) target(%dma_start3A_1284 : memref<1x64xf32, #tpu.memory_space<vmem>>) target_semaphore(%arg11 : memref<!tpu.dma_semaphore, #tpu.memory_space<semaphore_mem>>)
    %dma_start3A_1287 = arith.constant 101 : i32
    %dma_start3A_1288 = arith.constant 0 : i32
    %dma_start3A_1289 = tpu.memref_slice %arg6[%dma_start3A_1287, %dma_start3A_1288] : memref<128x64xf32, #tpu.memory_space<vmem>> -> memref<1x64xf32, #tpu.memory_space<vmem>>
    %dma_start3A_1290 = arith.constant 0 : i32
    %dma_start3A_1291 = tpu.memref_slice %arg3[%squeeze3A_222, %dma_start3A_1290] : memref<1000000x64xf32, #tpu.memory_space<hbm>> -> memref<1x64xf32, #tpu.memory_space<hbm>>
    %dma_start3A_1292 = arith.constant 101 : i32
    %dma_start3A_1293 = arith.constant 0 : i32
    %dma_start3A_1294 = tpu.memref_slice %arg6[%dma_start3A_1292, %dma_start3A_1293] : memref<128x64xf32, #tpu.memory_space<vmem>> -> memref<1x64xf32, #tpu.memory_space<vmem>>
    %dma_start3A_1295 = arith.constant 0 : i32
    %dma_start3A_1296 = tpu.memref_slice %arg3[%squeeze3A_222, %dma_start3A_1295] : memref<1000000x64xf32, #tpu.memory_space<hbm>> -> memref<1x64xf32, #tpu.memory_space<hbm>>
    tpu.enqueue_dma source(%dma_start3A_1296 : memref<1x64xf32, #tpu.memory_space<hbm>>) target(%dma_start3A_1294 : memref<1x64xf32, #tpu.memory_space<vmem>>) target_semaphore(%arg12 : memref<!tpu.dma_semaphore, #tpu.memory_space<semaphore_mem>>)
    %dma_start3A_1297 = arith.constant 102 : i32
    %dma_start3A_1298 = arith.constant 0 : i32
    %dma_start3A_1299 = tpu.memref_slice %arg6[%dma_start3A_1297, %dma_start3A_1298] : memref<128x64xf32, #tpu.memory_space<vmem>> -> memref<1x64xf32, #tpu.memory_space<vmem>>
    %dma_start3A_1300 = arith.constant 0 : i32
    %dma_start3A_1301 = tpu.memref_slice %arg3[%squeeze3A_224, %dma_start3A_1300] : memref<1000000x64xf32, #tpu.memory_space<hbm>> -> memref<1x64xf32, #tpu.memory_space<hbm>>
    %dma_start3A_1302 = arith.constant 102 : i32
    %dma_start3A_1303 = arith.constant 0 : i32
    %dma_start3A_1304 = tpu.memref_slice %arg6[%dma_start3A_1302, %dma_start3A_1303] : memref<128x64xf32, #tpu.memory_space<vmem>> -> memref<1x64xf32, #tpu.memory_space<vmem>>
    %dma_start3A_1305 = arith.constant 0 : i32
    %dma_start3A_1306 = tpu.memref_slice %arg3[%squeeze3A_224, %dma_start3A_1305] : memref<1000000x64xf32, #tpu.memory_space<hbm>> -> memref<1x64xf32, #tpu.memory_space<hbm>>
    tpu.enqueue_dma source(%dma_start3A_1306 : memref<1x64xf32, #tpu.memory_space<hbm>>) target(%dma_start3A_1304 : memref<1x64xf32, #tpu.memory_space<vmem>>) target_semaphore(%arg13 : memref<!tpu.dma_semaphore, #tpu.memory_space<semaphore_mem>>)
    %dma_start3A_1307 = arith.constant 103 : i32
    %dma_start3A_1308 = arith.constant 0 : i32
    %dma_start3A_1309 = tpu.memref_slice %arg6[%dma_start3A_1307, %dma_start3A_1308] : memref<128x64xf32, #tpu.memory_space<vmem>> -> memref<1x64xf32, #tpu.memory_space<vmem>>
    %dma_start3A_1310 = arith.constant 0 : i32
    %dma_start3A_1311 = tpu.memref_slice %arg3[%squeeze3A_226, %dma_start3A_1310] : memref<1000000x64xf32, #tpu.memory_space<hbm>> -> memref<1x64xf32, #tpu.memory_space<hbm>>
    %dma_start3A_1312 = arith.constant 103 : i32
    %dma_start3A_1313 = arith.constant 0 : i32
    %dma_start3A_1314 = tpu.memref_slice %arg6[%dma_start3A_1312, %dma_start3A_1313] : memref<128x64xf32, #tpu.memory_space<vmem>> -> memref<1x64xf32, #tpu.memory_space<vmem>>
    %dma_start3A_1315 = arith.constant 0 : i32
    %dma_start3A_1316 = tpu.memref_slice %arg3[%squeeze3A_226, %dma_start3A_1315] : memref<1000000x64xf32, #tpu.memory_space<hbm>> -> memref<1x64xf32, #tpu.memory_space<hbm>>
    tpu.enqueue_dma source(%dma_start3A_1316 : memref<1x64xf32, #tpu.memory_space<hbm>>) target(%dma_start3A_1314 : memref<1x64xf32, #tpu.memory_space<vmem>>) target_semaphore(%arg14 : memref<!tpu.dma_semaphore, #tpu.memory_space<semaphore_mem>>)
    %dma_start3A_1317 = arith.constant 104 : i32
    %dma_start3A_1318 = arith.constant 0 : i32
    %dma_start3A_1319 = tpu.memref_slice %arg6[%dma_start3A_1317, %dma_start3A_1318] : memref<128x64xf32, #tpu.memory_space<vmem>> -> memref<1x64xf32, #tpu.memory_space<vmem>>
    %dma_start3A_1320 = arith.constant 0 : i32
    %dma_start3A_1321 = tpu.memref_slice %arg3[%squeeze3A_228, %dma_start3A_1320] : memref<1000000x64xf32, #tpu.memory_space<hbm>> -> memref<1x64xf32, #tpu.memory_space<hbm>>
    %dma_start3A_1322 = arith.constant 104 : i32
    %dma_start3A_1323 = arith.constant 0 : i32
    %dma_start3A_1324 = tpu.memref_slice %arg6[%dma_start3A_1322, %dma_start3A_1323] : memref<128x64xf32, #tpu.memory_space<vmem>> -> memref<1x64xf32, #tpu.memory_space<vmem>>
    %dma_start3A_1325 = arith.constant 0 : i32
    %dma_start3A_1326 = tpu.memref_slice %arg3[%squeeze3A_228, %dma_start3A_1325] : memref<1000000x64xf32, #tpu.memory_space<hbm>> -> memref<1x64xf32, #tpu.memory_space<hbm>>
    tpu.enqueue_dma source(%dma_start3A_1326 : memref<1x64xf32, #tpu.memory_space<hbm>>) target(%dma_start3A_1324 : memref<1x64xf32, #tpu.memory_space<vmem>>) target_semaphore(%arg7 : memref<!tpu.dma_semaphore, #tpu.memory_space<semaphore_mem>>)
    %dma_start3A_1327 = arith.constant 105 : i32
    %dma_start3A_1328 = arith.constant 0 : i32
    %dma_start3A_1329 = tpu.memref_slice %arg6[%dma_start3A_1327, %dma_start3A_1328] : memref<128x64xf32, #tpu.memory_space<vmem>> -> memref<1x64xf32, #tpu.memory_space<vmem>>
    %dma_start3A_1330 = arith.constant 0 : i32
    %dma_start3A_1331 = tpu.memref_slice %arg3[%squeeze3A_230, %dma_start3A_1330] : memref<1000000x64xf32, #tpu.memory_space<hbm>> -> memref<1x64xf32, #tpu.memory_space<hbm>>
    %dma_start3A_1332 = arith.constant 105 : i32
    %dma_start3A_1333 = arith.constant 0 : i32
    %dma_start3A_1334 = tpu.memref_slice %arg6[%dma_start3A_1332, %dma_start3A_1333] : memref<128x64xf32, #tpu.memory_space<vmem>> -> memref<1x64xf32, #tpu.memory_space<vmem>>
    %dma_start3A_1335 = arith.constant 0 : i32
    %dma_start3A_1336 = tpu.memref_slice %arg3[%squeeze3A_230, %dma_start3A_1335] : memref<1000000x64xf32, #tpu.memory_space<hbm>> -> memref<1x64xf32, #tpu.memory_space<hbm>>
    tpu.enqueue_dma source(%dma_start3A_1336 : memref<1x64xf32, #tpu.memory_space<hbm>>) target(%dma_start3A_1334 : memref<1x64xf32, #tpu.memory_space<vmem>>) target_semaphore(%arg8 : memref<!tpu.dma_semaphore, #tpu.memory_space<semaphore_mem>>)
    %dma_start3A_1337 = arith.constant 106 : i32
    %dma_start3A_1338 = arith.constant 0 : i32
    %dma_start3A_1339 = tpu.memref_slice %arg6[%dma_start3A_1337, %dma_start3A_1338] : memref<128x64xf32, #tpu.memory_space<vmem>> -> memref<1x64xf32, #tpu.memory_space<vmem>>
    %dma_start3A_1340 = arith.constant 0 : i32
    %dma_start3A_1341 = tpu.memref_slice %arg3[%squeeze3A_232, %dma_start3A_1340] : memref<1000000x64xf32, #tpu.memory_space<hbm>> -> memref<1x64xf32, #tpu.memory_space<hbm>>
    %dma_start3A_1342 = arith.constant 106 : i32
    %dma_start3A_1343 = arith.constant 0 : i32
    %dma_start3A_1344 = tpu.memref_slice %arg6[%dma_start3A_1342, %dma_start3A_1343] : memref<128x64xf32, #tpu.memory_space<vmem>> -> memref<1x64xf32, #tpu.memory_space<vmem>>
    %dma_start3A_1345 = arith.constant 0 : i32
    %dma_start3A_1346 = tpu.memref_slice %arg3[%squeeze3A_232, %dma_start3A_1345] : memref<1000000x64xf32, #tpu.memory_space<hbm>> -> memref<1x64xf32, #tpu.memory_space<hbm>>
    tpu.enqueue_dma source(%dma_start3A_1346 : memref<1x64xf32, #tpu.memory_space<hbm>>) target(%dma_start3A_1344 : memref<1x64xf32, #tpu.memory_space<vmem>>) target_semaphore(%arg9 : memref<!tpu.dma_semaphore, #tpu.memory_space<semaphore_mem>>)
    %dma_start3A_1347 = arith.constant 107 : i32
    %dma_start3A_1348 = arith.constant 0 : i32
    %dma_start3A_1349 = tpu.memref_slice %arg6[%dma_start3A_1347, %dma_start3A_1348] : memref<128x64xf32, #tpu.memory_space<vmem>> -> memref<1x64xf32, #tpu.memory_space<vmem>>
    %dma_start3A_1350 = arith.constant 0 : i32
    %dma_start3A_1351 = tpu.memref_slice %arg3[%squeeze3A_234, %dma_start3A_1350] : memref<1000000x64xf32, #tpu.memory_space<hbm>> -> memref<1x64xf32, #tpu.memory_space<hbm>>
    %dma_start3A_1352 = arith.constant 107 : i32
    %dma_start3A_1353 = arith.constant 0 : i32
    %dma_start3A_1354 = tpu.memref_slice %arg6[%dma_start3A_1352, %dma_start3A_1353] : memref<128x64xf32, #tpu.memory_space<vmem>> -> memref<1x64xf32, #tpu.memory_space<vmem>>
    %dma_start3A_1355 = arith.constant 0 : i32
    %dma_start3A_1356 = tpu.memref_slice %arg3[%squeeze3A_234, %dma_start3A_1355] : memref<1000000x64xf32, #tpu.memory_space<hbm>> -> memref<1x64xf32, #tpu.memory_space<hbm>>
    tpu.enqueue_dma source(%dma_start3A_1356 : memref<1x64xf32, #tpu.memory_space<hbm>>) target(%dma_start3A_1354 : memref<1x64xf32, #tpu.memory_space<vmem>>) target_semaphore(%arg10 : memref<!tpu.dma_semaphore, #tpu.memory_space<semaphore_mem>>)
    %dma_start3A_1357 = arith.constant 108 : i32
    %dma_start3A_1358 = arith.constant 0 : i32
    %dma_start3A_1359 = tpu.memref_slice %arg6[%dma_start3A_1357, %dma_start3A_1358] : memref<128x64xf32, #tpu.memory_space<vmem>> -> memref<1x64xf32, #tpu.memory_space<vmem>>
    %dma_start3A_1360 = arith.constant 0 : i32
    %dma_start3A_1361 = tpu.memref_slice %arg3[%squeeze3A_236, %dma_start3A_1360] : memref<1000000x64xf32, #tpu.memory_space<hbm>> -> memref<1x64xf32, #tpu.memory_space<hbm>>
    %dma_start3A_1362 = arith.constant 108 : i32
    %dma_start3A_1363 = arith.constant 0 : i32
    %dma_start3A_1364 = tpu.memref_slice %arg6[%dma_start3A_1362, %dma_start3A_1363] : memref<128x64xf32, #tpu.memory_space<vmem>> -> memref<1x64xf32, #tpu.memory_space<vmem>>
    %dma_start3A_1365 = arith.constant 0 : i32
    %dma_start3A_1366 = tpu.memref_slice %arg3[%squeeze3A_236, %dma_start3A_1365] : memref<1000000x64xf32, #tpu.memory_space<hbm>> -> memref<1x64xf32, #tpu.memory_space<hbm>>
    tpu.enqueue_dma source(%dma_start3A_1366 : memref<1x64xf32, #tpu.memory_space<hbm>>) target(%dma_start3A_1364 : memref<1x64xf32, #tpu.memory_space<vmem>>) target_semaphore(%arg11 : memref<!tpu.dma_semaphore, #tpu.memory_space<semaphore_mem>>)
    %dma_start3A_1367 = arith.constant 109 : i32
    %dma_start3A_1368 = arith.constant 0 : i32
    %dma_start3A_1369 = tpu.memref_slice %arg6[%dma_start3A_1367, %dma_start3A_1368] : memref<128x64xf32, #tpu.memory_space<vmem>> -> memref<1x64xf32, #tpu.memory_space<vmem>>
    %dma_start3A_1370 = arith.constant 0 : i32
    %dma_start3A_1371 = tpu.memref_slice %arg3[%squeeze3A_238, %dma_start3A_1370] : memref<1000000x64xf32, #tpu.memory_space<hbm>> -> memref<1x64xf32, #tpu.memory_space<hbm>>
    %dma_start3A_1372 = arith.constant 109 : i32
    %dma_start3A_1373 = arith.constant 0 : i32
    %dma_start3A_1374 = tpu.memref_slice %arg6[%dma_start3A_1372, %dma_start3A_1373] : memref<128x64xf32, #tpu.memory_space<vmem>> -> memref<1x64xf32, #tpu.memory_space<vmem>>
    %dma_start3A_1375 = arith.constant 0 : i32
    %dma_start3A_1376 = tpu.memref_slice %arg3[%squeeze3A_238, %dma_start3A_1375] : memref<1000000x64xf32, #tpu.memory_space<hbm>> -> memref<1x64xf32, #tpu.memory_space<hbm>>
    tpu.enqueue_dma source(%dma_start3A_1376 : memref<1x64xf32, #tpu.memory_space<hbm>>) target(%dma_start3A_1374 : memref<1x64xf32, #tpu.memory_space<vmem>>) target_semaphore(%arg12 : memref<!tpu.dma_semaphore, #tpu.memory_space<semaphore_mem>>)
    %dma_start3A_1377 = arith.constant 110 : i32
    %dma_start3A_1378 = arith.constant 0 : i32
    %dma_start3A_1379 = tpu.memref_slice %arg6[%dma_start3A_1377, %dma_start3A_1378] : memref<128x64xf32, #tpu.memory_space<vmem>> -> memref<1x64xf32, #tpu.memory_space<vmem>>
    %dma_start3A_1380 = arith.constant 0 : i32
    %dma_start3A_1381 = tpu.memref_slice %arg3[%squeeze3A_240, %dma_start3A_1380] : memref<1000000x64xf32, #tpu.memory_space<hbm>> -> memref<1x64xf32, #tpu.memory_space<hbm>>
    %dma_start3A_1382 = arith.constant 110 : i32
    %dma_start3A_1383 = arith.constant 0 : i32
    %dma_start3A_1384 = tpu.memref_slice %arg6[%dma_start3A_1382, %dma_start3A_1383] : memref<128x64xf32, #tpu.memory_space<vmem>> -> memref<1x64xf32, #tpu.memory_space<vmem>>
    %dma_start3A_1385 = arith.constant 0 : i32
    %dma_start3A_1386 = tpu.memref_slice %arg3[%squeeze3A_240, %dma_start3A_1385] : memref<1000000x64xf32, #tpu.memory_space<hbm>> -> memref<1x64xf32, #tpu.memory_space<hbm>>
    tpu.enqueue_dma source(%dma_start3A_1386 : memref<1x64xf32, #tpu.memory_space<hbm>>) target(%dma_start3A_1384 : memref<1x64xf32, #tpu.memory_space<vmem>>) target_semaphore(%arg13 : memref<!tpu.dma_semaphore, #tpu.memory_space<semaphore_mem>>)
    %dma_start3A_1387 = arith.constant 111 : i32
    %dma_start3A_1388 = arith.constant 0 : i32
    %dma_start3A_1389 = tpu.memref_slice %arg6[%dma_start3A_1387, %dma_start3A_1388] : memref<128x64xf32, #tpu.memory_space<vmem>> -> memref<1x64xf32, #tpu.memory_space<vmem>>
    %dma_start3A_1390 = arith.constant 0 : i32
    %dma_start3A_1391 = tpu.memref_slice %arg3[%squeeze3A_242, %dma_start3A_1390] : memref<1000000x64xf32, #tpu.memory_space<hbm>> -> memref<1x64xf32, #tpu.memory_space<hbm>>
    %dma_start3A_1392 = arith.constant 111 : i32
    %dma_start3A_1393 = arith.constant 0 : i32
    %dma_start3A_1394 = tpu.memref_slice %arg6[%dma_start3A_1392, %dma_start3A_1393] : memref<128x64xf32, #tpu.memory_space<vmem>> -> memref<1x64xf32, #tpu.memory_space<vmem>>
    %dma_start3A_1395 = arith.constant 0 : i32
    %dma_start3A_1396 = tpu.memref_slice %arg3[%squeeze3A_242, %dma_start3A_1395] : memref<1000000x64xf32, #tpu.memory_space<hbm>> -> memref<1x64xf32, #tpu.memory_space<hbm>>
    tpu.enqueue_dma source(%dma_start3A_1396 : memref<1x64xf32, #tpu.memory_space<hbm>>) target(%dma_start3A_1394 : memref<1x64xf32, #tpu.memory_space<vmem>>) target_semaphore(%arg14 : memref<!tpu.dma_semaphore, #tpu.memory_space<semaphore_mem>>)
    %dma_start3A_1397 = arith.constant 112 : i32
    %dma_start3A_1398 = arith.constant 0 : i32
    %dma_start3A_1399 = tpu.memref_slice %arg6[%dma_start3A_1397, %dma_start3A_1398] : memref<128x64xf32, #tpu.memory_space<vmem>> -> memref<1x64xf32, #tpu.memory_space<vmem>>
    %dma_start3A_1400 = arith.constant 0 : i32
    %dma_start3A_1401 = tpu.memref_slice %arg3[%squeeze3A_247, %dma_start3A_1400] : memref<1000000x64xf32, #tpu.memory_space<hbm>> -> memref<1x64xf32, #tpu.memory_space<hbm>>
    %dma_start3A_1402 = arith.constant 112 : i32
    %dma_start3A_1403 = arith.constant 0 : i32
    %dma_start3A_1404 = tpu.memref_slice %arg6[%dma_start3A_1402, %dma_start3A_1403] : memref<128x64xf32, #tpu.memory_space<vmem>> -> memref<1x64xf32, #tpu.memory_space<vmem>>
    %dma_start3A_1405 = arith.constant 0 : i32
    %dma_start3A_1406 = tpu.memref_slice %arg3[%squeeze3A_247, %dma_start3A_1405] : memref<1000000x64xf32, #tpu.memory_space<hbm>> -> memref<1x64xf32, #tpu.memory_space<hbm>>
    tpu.enqueue_dma source(%dma_start3A_1406 : memref<1x64xf32, #tpu.memory_space<hbm>>) target(%dma_start3A_1404 : memref<1x64xf32, #tpu.memory_space<vmem>>) target_semaphore(%arg7 : memref<!tpu.dma_semaphore, #tpu.memory_space<semaphore_mem>>)
    %dma_start3A_1407 = arith.constant 113 : i32
    %dma_start3A_1408 = arith.constant 0 : i32
    %dma_start3A_1409 = tpu.memref_slice %arg6[%dma_start3A_1407, %dma_start3A_1408] : memref<128x64xf32, #tpu.memory_space<vmem>> -> memref<1x64xf32, #tpu.memory_space<vmem>>
    %dma_start3A_1410 = arith.constant 0 : i32
    %dma_start3A_1411 = tpu.memref_slice %arg3[%squeeze3A_249, %dma_start3A_1410] : memref<1000000x64xf32, #tpu.memory_space<hbm>> -> memref<1x64xf32, #tpu.memory_space<hbm>>
    %dma_start3A_1412 = arith.constant 113 : i32
    %dma_start3A_1413 = arith.constant 0 : i32
    %dma_start3A_1414 = tpu.memref_slice %arg6[%dma_start3A_1412, %dma_start3A_1413] : memref<128x64xf32, #tpu.memory_space<vmem>> -> memref<1x64xf32, #tpu.memory_space<vmem>>
    %dma_start3A_1415 = arith.constant 0 : i32
    %dma_start3A_1416 = tpu.memref_slice %arg3[%squeeze3A_249, %dma_start3A_1415] : memref<1000000x64xf32, #tpu.memory_space<hbm>> -> memref<1x64xf32, #tpu.memory_space<hbm>>
    tpu.enqueue_dma source(%dma_start3A_1416 : memref<1x64xf32, #tpu.memory_space<hbm>>) target(%dma_start3A_1414 : memref<1x64xf32, #tpu.memory_space<vmem>>) target_semaphore(%arg8 : memref<!tpu.dma_semaphore, #tpu.memory_space<semaphore_mem>>)
    %dma_start3A_1417 = arith.constant 114 : i32
    %dma_start3A_1418 = arith.constant 0 : i32
    %dma_start3A_1419 = tpu.memref_slice %arg6[%dma_start3A_1417, %dma_start3A_1418] : memref<128x64xf32, #tpu.memory_space<vmem>> -> memref<1x64xf32, #tpu.memory_space<vmem>>
    %dma_start3A_1420 = arith.constant 0 : i32
    %dma_start3A_1421 = tpu.memref_slice %arg3[%squeeze3A_251, %dma_start3A_1420] : memref<1000000x64xf32, #tpu.memory_space<hbm>> -> memref<1x64xf32, #tpu.memory_space<hbm>>
    %dma_start3A_1422 = arith.constant 114 : i32
    %dma_start3A_1423 = arith.constant 0 : i32
    %dma_start3A_1424 = tpu.memref_slice %arg6[%dma_start3A_1422, %dma_start3A_1423] : memref<128x64xf32, #tpu.memory_space<vmem>> -> memref<1x64xf32, #tpu.memory_space<vmem>>
    %dma_start3A_1425 = arith.constant 0 : i32
    %dma_start3A_1426 = tpu.memref_slice %arg3[%squeeze3A_251, %dma_start3A_1425] : memref<1000000x64xf32, #tpu.memory_space<hbm>> -> memref<1x64xf32, #tpu.memory_space<hbm>>
    tpu.enqueue_dma source(%dma_start3A_1426 : memref<1x64xf32, #tpu.memory_space<hbm>>) target(%dma_start3A_1424 : memref<1x64xf32, #tpu.memory_space<vmem>>) target_semaphore(%arg9 : memref<!tpu.dma_semaphore, #tpu.memory_space<semaphore_mem>>)
    %dma_start3A_1427 = arith.constant 115 : i32
    %dma_start3A_1428 = arith.constant 0 : i32
    %dma_start3A_1429 = tpu.memref_slice %arg6[%dma_start3A_1427, %dma_start3A_1428] : memref<128x64xf32, #tpu.memory_space<vmem>> -> memref<1x64xf32, #tpu.memory_space<vmem>>
    %dma_start3A_1430 = arith.constant 0 : i32
    %dma_start3A_1431 = tpu.memref_slice %arg3[%squeeze3A_253, %dma_start3A_1430] : memref<1000000x64xf32, #tpu.memory_space<hbm>> -> memref<1x64xf32, #tpu.memory_space<hbm>>
    %dma_start3A_1432 = arith.constant 115 : i32
    %dma_start3A_1433 = arith.constant 0 : i32
    %dma_start3A_1434 = tpu.memref_slice %arg6[%dma_start3A_1432, %dma_start3A_1433] : memref<128x64xf32, #tpu.memory_space<vmem>> -> memref<1x64xf32, #tpu.memory_space<vmem>>
    %dma_start3A_1435 = arith.constant 0 : i32
    %dma_start3A_1436 = tpu.memref_slice %arg3[%squeeze3A_253, %dma_start3A_1435] : memref<1000000x64xf32, #tpu.memory_space<hbm>> -> memref<1x64xf32, #tpu.memory_space<hbm>>
    tpu.enqueue_dma source(%dma_start3A_1436 : memref<1x64xf32, #tpu.memory_space<hbm>>) target(%dma_start3A_1434 : memref<1x64xf32, #tpu.memory_space<vmem>>) target_semaphore(%arg10 : memref<!tpu.dma_semaphore, #tpu.memory_space<semaphore_mem>>)
    %dma_start3A_1437 = arith.constant 116 : i32
    %dma_start3A_1438 = arith.constant 0 : i32
    %dma_start3A_1439 = tpu.memref_slice %arg6[%dma_start3A_1437, %dma_start3A_1438] : memref<128x64xf32, #tpu.memory_space<vmem>> -> memref<1x64xf32, #tpu.memory_space<vmem>>
    %dma_start3A_1440 = arith.constant 0 : i32
    %dma_start3A_1441 = tpu.memref_slice %arg3[%squeeze3A_255, %dma_start3A_1440] : memref<1000000x64xf32, #tpu.memory_space<hbm>> -> memref<1x64xf32, #tpu.memory_space<hbm>>
    %dma_start3A_1442 = arith.constant 116 : i32
    %dma_start3A_1443 = arith.constant 0 : i32
    %dma_start3A_1444 = tpu.memref_slice %arg6[%dma_start3A_1442, %dma_start3A_1443] : memref<128x64xf32, #tpu.memory_space<vmem>> -> memref<1x64xf32, #tpu.memory_space<vmem>>
    %dma_start3A_1445 = arith.constant 0 : i32
    %dma_start3A_1446 = tpu.memref_slice %arg3[%squeeze3A_255, %dma_start3A_1445] : memref<1000000x64xf32, #tpu.memory_space<hbm>> -> memref<1x64xf32, #tpu.memory_space<hbm>>
    tpu.enqueue_dma source(%dma_start3A_1446 : memref<1x64xf32, #tpu.memory_space<hbm>>) target(%dma_start3A_1444 : memref<1x64xf32, #tpu.memory_space<vmem>>) target_semaphore(%arg11 : memref<!tpu.dma_semaphore, #tpu.memory_space<semaphore_mem>>)
    %dma_start3A_1447 = arith.constant 117 : i32
    %dma_start3A_1448 = arith.constant 0 : i32
    %dma_start3A_1449 = tpu.memref_slice %arg6[%dma_start3A_1447, %dma_start3A_1448] : memref<128x64xf32, #tpu.memory_space<vmem>> -> memref<1x64xf32, #tpu.memory_space<vmem>>
    %dma_start3A_1450 = arith.constant 0 : i32
    %dma_start3A_1451 = tpu.memref_slice %arg3[%squeeze3A_257, %dma_start3A_1450] : memref<1000000x64xf32, #tpu.memory_space<hbm>> -> memref<1x64xf32, #tpu.memory_space<hbm>>
    %dma_start3A_1452 = arith.constant 117 : i32
    %dma_start3A_1453 = arith.constant 0 : i32
    %dma_start3A_1454 = tpu.memref_slice %arg6[%dma_start3A_1452, %dma_start3A_1453] : memref<128x64xf32, #tpu.memory_space<vmem>> -> memref<1x64xf32, #tpu.memory_space<vmem>>
    %dma_start3A_1455 = arith.constant 0 : i32
    %dma_start3A_1456 = tpu.memref_slice %arg3[%squeeze3A_257, %dma_start3A_1455] : memref<1000000x64xf32, #tpu.memory_space<hbm>> -> memref<1x64xf32, #tpu.memory_space<hbm>>
    tpu.enqueue_dma source(%dma_start3A_1456 : memref<1x64xf32, #tpu.memory_space<hbm>>) target(%dma_start3A_1454 : memref<1x64xf32, #tpu.memory_space<vmem>>) target_semaphore(%arg12 : memref<!tpu.dma_semaphore, #tpu.memory_space<semaphore_mem>>)
    %dma_start3A_1457 = arith.constant 118 : i32
    %dma_start3A_1458 = arith.constant 0 : i32
    %dma_start3A_1459 = tpu.memref_slice %arg6[%dma_start3A_1457, %dma_start3A_1458] : memref<128x64xf32, #tpu.memory_space<vmem>> -> memref<1x64xf32, #tpu.memory_space<vmem>>
    %dma_start3A_1460 = arith.constant 0 : i32
    %dma_start3A_1461 = tpu.memref_slice %arg3[%squeeze3A_259, %dma_start3A_1460] : memref<1000000x64xf32, #tpu.memory_space<hbm>> -> memref<1x64xf32, #tpu.memory_space<hbm>>
    %dma_start3A_1462 = arith.constant 118 : i32
    %dma_start3A_1463 = arith.constant 0 : i32
    %dma_start3A_1464 = tpu.memref_slice %arg6[%dma_start3A_1462, %dma_start3A_1463] : memref<128x64xf32, #tpu.memory_space<vmem>> -> memref<1x64xf32, #tpu.memory_space<vmem>>
    %dma_start3A_1465 = arith.constant 0 : i32
    %dma_start3A_1466 = tpu.memref_slice %arg3[%squeeze3A_259, %dma_start3A_1465] : memref<1000000x64xf32, #tpu.memory_space<hbm>> -> memref<1x64xf32, #tpu.memory_space<hbm>>
    tpu.enqueue_dma source(%dma_start3A_1466 : memref<1x64xf32, #tpu.memory_space<hbm>>) target(%dma_start3A_1464 : memref<1x64xf32, #tpu.memory_space<vmem>>) target_semaphore(%arg13 : memref<!tpu.dma_semaphore, #tpu.memory_space<semaphore_mem>>)
    %dma_start3A_1467 = arith.constant 119 : i32
    %dma_start3A_1468 = arith.constant 0 : i32
    %dma_start3A_1469 = tpu.memref_slice %arg6[%dma_start3A_1467, %dma_start3A_1468] : memref<128x64xf32, #tpu.memory_space<vmem>> -> memref<1x64xf32, #tpu.memory_space<vmem>>
    %dma_start3A_1470 = arith.constant 0 : i32
    %dma_start3A_1471 = tpu.memref_slice %arg3[%squeeze3A_261, %dma_start3A_1470] : memref<1000000x64xf32, #tpu.memory_space<hbm>> -> memref<1x64xf32, #tpu.memory_space<hbm>>
    %dma_start3A_1472 = arith.constant 119 : i32
    %dma_start3A_1473 = arith.constant 0 : i32
    %dma_start3A_1474 = tpu.memref_slice %arg6[%dma_start3A_1472, %dma_start3A_1473] : memref<128x64xf32, #tpu.memory_space<vmem>> -> memref<1x64xf32, #tpu.memory_space<vmem>>
    %dma_start3A_1475 = arith.constant 0 : i32
    %dma_start3A_1476 = tpu.memref_slice %arg3[%squeeze3A_261, %dma_start3A_1475] : memref<1000000x64xf32, #tpu.memory_space<hbm>> -> memref<1x64xf32, #tpu.memory_space<hbm>>
    tpu.enqueue_dma source(%dma_start3A_1476 : memref<1x64xf32, #tpu.memory_space<hbm>>) target(%dma_start3A_1474 : memref<1x64xf32, #tpu.memory_space<vmem>>) target_semaphore(%arg14 : memref<!tpu.dma_semaphore, #tpu.memory_space<semaphore_mem>>)
    %dma_start3A_1477 = arith.constant 120 : i32
    %dma_start3A_1478 = arith.constant 0 : i32
    %dma_start3A_1479 = tpu.memref_slice %arg6[%dma_start3A_1477, %dma_start3A_1478] : memref<128x64xf32, #tpu.memory_space<vmem>> -> memref<1x64xf32, #tpu.memory_space<vmem>>
    %dma_start3A_1480 = arith.constant 0 : i32
    %dma_start3A_1481 = tpu.memref_slice %arg3[%squeeze3A_263, %dma_start3A_1480] : memref<1000000x64xf32, #tpu.memory_space<hbm>> -> memref<1x64xf32, #tpu.memory_space<hbm>>
    %dma_start3A_1482 = arith.constant 120 : i32
    %dma_start3A_1483 = arith.constant 0 : i32
    %dma_start3A_1484 = tpu.memref_slice %arg6[%dma_start3A_1482, %dma_start3A_1483] : memref<128x64xf32, #tpu.memory_space<vmem>> -> memref<1x64xf32, #tpu.memory_space<vmem>>
    %dma_start3A_1485 = arith.constant 0 : i32
    %dma_start3A_1486 = tpu.memref_slice %arg3[%squeeze3A_263, %dma_start3A_1485] : memref<1000000x64xf32, #tpu.memory_space<hbm>> -> memref<1x64xf32, #tpu.memory_space<hbm>>
    tpu.enqueue_dma source(%dma_start3A_1486 : memref<1x64xf32, #tpu.memory_space<hbm>>) target(%dma_start3A_1484 : memref<1x64xf32, #tpu.memory_space<vmem>>) target_semaphore(%arg7 : memref<!tpu.dma_semaphore, #tpu.memory_space<semaphore_mem>>)
    %dma_start3A_1487 = arith.constant 121 : i32
    %dma_start3A_1488 = arith.constant 0 : i32
    %dma_start3A_1489 = tpu.memref_slice %arg6[%dma_start3A_1487, %dma_start3A_1488] : memref<128x64xf32, #tpu.memory_space<vmem>> -> memref<1x64xf32, #tpu.memory_space<vmem>>
    %dma_start3A_1490 = arith.constant 0 : i32
    %dma_start3A_1491 = tpu.memref_slice %arg3[%squeeze3A_265, %dma_start3A_1490] : memref<1000000x64xf32, #tpu.memory_space<hbm>> -> memref<1x64xf32, #tpu.memory_space<hbm>>
    %dma_start3A_1492 = arith.constant 121 : i32
    %dma_start3A_1493 = arith.constant 0 : i32
    %dma_start3A_1494 = tpu.memref_slice %arg6[%dma_start3A_1492, %dma_start3A_1493] : memref<128x64xf32, #tpu.memory_space<vmem>> -> memref<1x64xf32, #tpu.memory_space<vmem>>
    %dma_start3A_1495 = arith.constant 0 : i32
    %dma_start3A_1496 = tpu.memref_slice %arg3[%squeeze3A_265, %dma_start3A_1495] : memref<1000000x64xf32, #tpu.memory_space<hbm>> -> memref<1x64xf32, #tpu.memory_space<hbm>>
    tpu.enqueue_dma source(%dma_start3A_1496 : memref<1x64xf32, #tpu.memory_space<hbm>>) target(%dma_start3A_1494 : memref<1x64xf32, #tpu.memory_space<vmem>>) target_semaphore(%arg8 : memref<!tpu.dma_semaphore, #tpu.memory_space<semaphore_mem>>)
    %dma_start3A_1497 = arith.constant 122 : i32
    %dma_start3A_1498 = arith.constant 0 : i32
    %dma_start3A_1499 = tpu.memref_slice %arg6[%dma_start3A_1497, %dma_start3A_1498] : memref<128x64xf32, #tpu.memory_space<vmem>> -> memref<1x64xf32, #tpu.memory_space<vmem>>
    %dma_start3A_1500 = arith.constant 0 : i32
    %dma_start3A_1501 = tpu.memref_slice %arg3[%squeeze3A_267, %dma_start3A_1500] : memref<1000000x64xf32, #tpu.memory_space<hbm>> -> memref<1x64xf32, #tpu.memory_space<hbm>>
    %dma_start3A_1502 = arith.constant 122 : i32
    %dma_start3A_1503 = arith.constant 0 : i32
    %dma_start3A_1504 = tpu.memref_slice %arg6[%dma_start3A_1502, %dma_start3A_1503] : memref<128x64xf32, #tpu.memory_space<vmem>> -> memref<1x64xf32, #tpu.memory_space<vmem>>
    %dma_start3A_1505 = arith.constant 0 : i32
    %dma_start3A_1506 = tpu.memref_slice %arg3[%squeeze3A_267, %dma_start3A_1505] : memref<1000000x64xf32, #tpu.memory_space<hbm>> -> memref<1x64xf32, #tpu.memory_space<hbm>>
    tpu.enqueue_dma source(%dma_start3A_1506 : memref<1x64xf32, #tpu.memory_space<hbm>>) target(%dma_start3A_1504 : memref<1x64xf32, #tpu.memory_space<vmem>>) target_semaphore(%arg9 : memref<!tpu.dma_semaphore, #tpu.memory_space<semaphore_mem>>)
    %dma_start3A_1507 = arith.constant 123 : i32
    %dma_start3A_1508 = arith.constant 0 : i32
    %dma_start3A_1509 = tpu.memref_slice %arg6[%dma_start3A_1507, %dma_start3A_1508] : memref<128x64xf32, #tpu.memory_space<vmem>> -> memref<1x64xf32, #tpu.memory_space<vmem>>
    %dma_start3A_1510 = arith.constant 0 : i32
    %dma_start3A_1511 = tpu.memref_slice %arg3[%squeeze3A_269, %dma_start3A_1510] : memref<1000000x64xf32, #tpu.memory_space<hbm>> -> memref<1x64xf32, #tpu.memory_space<hbm>>
    %dma_start3A_1512 = arith.constant 123 : i32
    %dma_start3A_1513 = arith.constant 0 : i32
    %dma_start3A_1514 = tpu.memref_slice %arg6[%dma_start3A_1512, %dma_start3A_1513] : memref<128x64xf32, #tpu.memory_space<vmem>> -> memref<1x64xf32, #tpu.memory_space<vmem>>
    %dma_start3A_1515 = arith.constant 0 : i32
    %dma_start3A_1516 = tpu.memref_slice %arg3[%squeeze3A_269, %dma_start3A_1515] : memref<1000000x64xf32, #tpu.memory_space<hbm>> -> memref<1x64xf32, #tpu.memory_space<hbm>>
    tpu.enqueue_dma source(%dma_start3A_1516 : memref<1x64xf32, #tpu.memory_space<hbm>>) target(%dma_start3A_1514 : memref<1x64xf32, #tpu.memory_space<vmem>>) target_semaphore(%arg10 : memref<!tpu.dma_semaphore, #tpu.memory_space<semaphore_mem>>)
    %dma_start3A_1517 = arith.constant 124 : i32
    %dma_start3A_1518 = arith.constant 0 : i32
    %dma_start3A_1519 = tpu.memref_slice %arg6[%dma_start3A_1517, %dma_start3A_1518] : memref<128x64xf32, #tpu.memory_space<vmem>> -> memref<1x64xf32, #tpu.memory_space<vmem>>
    %dma_start3A_1520 = arith.constant 0 : i32
    %dma_start3A_1521 = tpu.memref_slice %arg3[%squeeze3A_271, %dma_start3A_1520] : memref<1000000x64xf32, #tpu.memory_space<hbm>> -> memref<1x64xf32, #tpu.memory_space<hbm>>
    %dma_start3A_1522 = arith.constant 124 : i32
    %dma_start3A_1523 = arith.constant 0 : i32
    %dma_start3A_1524 = tpu.memref_slice %arg6[%dma_start3A_1522, %dma_start3A_1523] : memref<128x64xf32, #tpu.memory_space<vmem>> -> memref<1x64xf32, #tpu.memory_space<vmem>>
    %dma_start3A_1525 = arith.constant 0 : i32
    %dma_start3A_1526 = tpu.memref_slice %arg3[%squeeze3A_271, %dma_start3A_1525] : memref<1000000x64xf32, #tpu.memory_space<hbm>> -> memref<1x64xf32, #tpu.memory_space<hbm>>
    tpu.enqueue_dma source(%dma_start3A_1526 : memref<1x64xf32, #tpu.memory_space<hbm>>) target(%dma_start3A_1524 : memref<1x64xf32, #tpu.memory_space<vmem>>) target_semaphore(%arg11 : memref<!tpu.dma_semaphore, #tpu.memory_space<semaphore_mem>>)
    %dma_start3A_1527 = arith.constant 125 : i32
    %dma_start3A_1528 = arith.constant 0 : i32
    %dma_start3A_1529 = tpu.memref_slice %arg6[%dma_start3A_1527, %dma_start3A_1528] : memref<128x64xf32, #tpu.memory_space<vmem>> -> memref<1x64xf32, #tpu.memory_space<vmem>>
    %dma_start3A_1530 = arith.constant 0 : i32
    %dma_start3A_1531 = tpu.memref_slice %arg3[%squeeze3A_273, %dma_start3A_1530] : memref<1000000x64xf32, #tpu.memory_space<hbm>> -> memref<1x64xf32, #tpu.memory_space<hbm>>
    %dma_start3A_1532 = arith.constant 125 : i32
    %dma_start3A_1533 = arith.constant 0 : i32
    %dma_start3A_1534 = tpu.memref_slice %arg6[%dma_start3A_1532, %dma_start3A_1533] : memref<128x64xf32, #tpu.memory_space<vmem>> -> memref<1x64xf32, #tpu.memory_space<vmem>>
    %dma_start3A_1535 = arith.constant 0 : i32
    %dma_start3A_1536 = tpu.memref_slice %arg3[%squeeze3A_273, %dma_start3A_1535] : memref<1000000x64xf32, #tpu.memory_space<hbm>> -> memref<1x64xf32, #tpu.memory_space<hbm>>
    tpu.enqueue_dma source(%dma_start3A_1536 : memref<1x64xf32, #tpu.memory_space<hbm>>) target(%dma_start3A_1534 : memref<1x64xf32, #tpu.memory_space<vmem>>) target_semaphore(%arg12 : memref<!tpu.dma_semaphore, #tpu.memory_space<semaphore_mem>>)
    %dma_start3A_1537 = arith.constant 126 : i32
    %dma_start3A_1538 = arith.constant 0 : i32
    %dma_start3A_1539 = tpu.memref_slice %arg6[%dma_start3A_1537, %dma_start3A_1538] : memref<128x64xf32, #tpu.memory_space<vmem>> -> memref<1x64xf32, #tpu.memory_space<vmem>>
    %dma_start3A_1540 = arith.constant 0 : i32
    %dma_start3A_1541 = tpu.memref_slice %arg3[%squeeze3A_275, %dma_start3A_1540] : memref<1000000x64xf32, #tpu.memory_space<hbm>> -> memref<1x64xf32, #tpu.memory_space<hbm>>
    %dma_start3A_1542 = arith.constant 126 : i32
    %dma_start3A_1543 = arith.constant 0 : i32
    %dma_start3A_1544 = tpu.memref_slice %arg6[%dma_start3A_1542, %dma_start3A_1543] : memref<128x64xf32, #tpu.memory_space<vmem>> -> memref<1x64xf32, #tpu.memory_space<vmem>>
    %dma_start3A_1545 = arith.constant 0 : i32
    %dma_start3A_1546 = tpu.memref_slice %arg3[%squeeze3A_275, %dma_start3A_1545] : memref<1000000x64xf32, #tpu.memory_space<hbm>> -> memref<1x64xf32, #tpu.memory_space<hbm>>
    tpu.enqueue_dma source(%dma_start3A_1546 : memref<1x64xf32, #tpu.memory_space<hbm>>) target(%dma_start3A_1544 : memref<1x64xf32, #tpu.memory_space<vmem>>) target_semaphore(%arg13 : memref<!tpu.dma_semaphore, #tpu.memory_space<semaphore_mem>>)
    %dma_start3A_1547 = arith.constant 127 : i32
    %dma_start3A_1548 = arith.constant 0 : i32
    %dma_start3A_1549 = tpu.memref_slice %arg6[%dma_start3A_1547, %dma_start3A_1548] : memref<128x64xf32, #tpu.memory_space<vmem>> -> memref<1x64xf32, #tpu.memory_space<vmem>>
    %dma_start3A_1550 = arith.constant 0 : i32
    %dma_start3A_1551 = tpu.memref_slice %arg3[%squeeze3A_277, %dma_start3A_1550] : memref<1000000x64xf32, #tpu.memory_space<hbm>> -> memref<1x64xf32, #tpu.memory_space<hbm>>
    %dma_start3A_1552 = arith.constant 127 : i32
    %dma_start3A_1553 = arith.constant 0 : i32
    %dma_start3A_1554 = tpu.memref_slice %arg6[%dma_start3A_1552, %dma_start3A_1553] : memref<128x64xf32, #tpu.memory_space<vmem>> -> memref<1x64xf32, #tpu.memory_space<vmem>>
    %dma_start3A_1555 = arith.constant 0 : i32
    %dma_start3A_1556 = tpu.memref_slice %arg3[%squeeze3A_277, %dma_start3A_1555] : memref<1000000x64xf32, #tpu.memory_space<hbm>> -> memref<1x64xf32, #tpu.memory_space<hbm>>
    tpu.enqueue_dma source(%dma_start3A_1556 : memref<1x64xf32, #tpu.memory_space<hbm>>) target(%dma_start3A_1554 : memref<1x64xf32, #tpu.memory_space<vmem>>) target_semaphore(%arg14 : memref<!tpu.dma_semaphore, #tpu.memory_space<semaphore_mem>>)
    %dma_wait3A = arith.constant 0 : i32
    %dma_wait3A_1557 = arith.constant 0 : i32
    %dma_wait3A_1558 = tpu.memref_slice %arg6[%dma_wait3A, %dma_wait3A_1557] : memref<128x64xf32, #tpu.memory_space<vmem>> -> memref<1x64xf32, #tpu.memory_space<vmem>>
    %dma_wait3A_1559 = arith.constant 0 : i32
    %dma_wait3A_1560 = tpu.memref_slice %arg3[%squeeze3A, %dma_wait3A_1559] : memref<1000000x64xf32, #tpu.memory_space<hbm>> -> memref<1x64xf32, #tpu.memory_space<hbm>>
    %dma_wait3A_1561 = arith.constant 0 : i32
    %dma_wait3A_1562 = arith.constant 0 : i32
    %dma_wait3A_1563 = tpu.memref_slice %arg6[%dma_wait3A_1561, %dma_wait3A_1562] : memref<128x64xf32, #tpu.memory_space<vmem>> -> memref<1x64xf32, #tpu.memory_space<vmem>>
    %dma_wait3A_1564 = arith.constant 0 : i32
    %dma_wait3A_1565 = tpu.memref_slice %arg3[%squeeze3A, %dma_wait3A_1564] : memref<1000000x64xf32, #tpu.memory_space<hbm>> -> memref<1x64xf32, #tpu.memory_space<hbm>>
    tpu.wait_dma2 semaphore(%arg7 : memref<!tpu.dma_semaphore, #tpu.memory_space<semaphore_mem>>) src(%dma_wait3A_1565 : memref<1x64xf32, #tpu.memory_space<hbm>>) dst(%dma_wait3A_1563 : memref<1x64xf32, #tpu.memory_space<vmem>>)
    %dma_wait3A_1566 = arith.constant 1 : i32
    %dma_wait3A_1567 = arith.constant 0 : i32
    %dma_wait3A_1568 = tpu.memref_slice %arg6[%dma_wait3A_1566, %dma_wait3A_1567] : memref<128x64xf32, #tpu.memory_space<vmem>> -> memref<1x64xf32, #tpu.memory_space<vmem>>
    %dma_wait3A_1569 = arith.constant 0 : i32
    %dma_wait3A_1570 = tpu.memref_slice %arg3[%squeeze3A_4, %dma_wait3A_1569] : memref<1000000x64xf32, #tpu.memory_space<hbm>> -> memref<1x64xf32, #tpu.memory_space<hbm>>
    %dma_wait3A_1571 = arith.constant 1 : i32
    %dma_wait3A_1572 = arith.constant 0 : i32
    %dma_wait3A_1573 = tpu.memref_slice %arg6[%dma_wait3A_1571, %dma_wait3A_1572] : memref<128x64xf32, #tpu.memory_space<vmem>> -> memref<1x64xf32, #tpu.memory_space<vmem>>
    %dma_wait3A_1574 = arith.constant 0 : i32
    %dma_wait3A_1575 = tpu.memref_slice %arg3[%squeeze3A_4, %dma_wait3A_1574] : memref<1000000x64xf32, #tpu.memory_space<hbm>> -> memref<1x64xf32, #tpu.memory_space<hbm>>
    tpu.wait_dma2 semaphore(%arg8 : memref<!tpu.dma_semaphore, #tpu.memory_space<semaphore_mem>>) src(%dma_wait3A_1575 : memref<1x64xf32, #tpu.memory_space<hbm>>) dst(%dma_wait3A_1573 : memref<1x64xf32, #tpu.memory_space<vmem>>)
    %dma_wait3A_1576 = arith.constant 2 : i32
    %dma_wait3A_1577 = arith.constant 0 : i32
    %dma_wait3A_1578 = tpu.memref_slice %arg6[%dma_wait3A_1576, %dma_wait3A_1577] : memref<128x64xf32, #tpu.memory_space<vmem>> -> memref<1x64xf32, #tpu.memory_space<vmem>>
    %dma_wait3A_1579 = arith.constant 0 : i32
    %dma_wait3A_1580 = tpu.memref_slice %arg3[%squeeze3A_6, %dma_wait3A_1579] : memref<1000000x64xf32, #tpu.memory_space<hbm>> -> memref<1x64xf32, #tpu.memory_space<hbm>>
    %dma_wait3A_1581 = arith.constant 2 : i32
    %dma_wait3A_1582 = arith.constant 0 : i32
    %dma_wait3A_1583 = tpu.memref_slice %arg6[%dma_wait3A_1581, %dma_wait3A_1582] : memref<128x64xf32, #tpu.memory_space<vmem>> -> memref<1x64xf32, #tpu.memory_space<vmem>>
    %dma_wait3A_1584 = arith.constant 0 : i32
    %dma_wait3A_1585 = tpu.memref_slice %arg3[%squeeze3A_6, %dma_wait3A_1584] : memref<1000000x64xf32, #tpu.memory_space<hbm>> -> memref<1x64xf32, #tpu.memory_space<hbm>>
    tpu.wait_dma2 semaphore(%arg9 : memref<!tpu.dma_semaphore, #tpu.memory_space<semaphore_mem>>) src(%dma_wait3A_1585 : memref<1x64xf32, #tpu.memory_space<hbm>>) dst(%dma_wait3A_1583 : memref<1x64xf32, #tpu.memory_space<vmem>>)
    %dma_wait3A_1586 = arith.constant 3 : i32
    %dma_wait3A_1587 = arith.constant 0 : i32
    %dma_wait3A_1588 = tpu.memref_slice %arg6[%dma_wait3A_1586, %dma_wait3A_1587] : memref<128x64xf32, #tpu.memory_space<vmem>> -> memref<1x64xf32, #tpu.memory_space<vmem>>
    %dma_wait3A_1589 = arith.constant 0 : i32
    %dma_wait3A_1590 = tpu.memref_slice %arg3[%squeeze3A_8, %dma_wait3A_1589] : memref<1000000x64xf32, #tpu.memory_space<hbm>> -> memref<1x64xf32, #tpu.memory_space<hbm>>
    %dma_wait3A_1591 = arith.constant 3 : i32
    %dma_wait3A_1592 = arith.constant 0 : i32
    %dma_wait3A_1593 = tpu.memref_slice %arg6[%dma_wait3A_1591, %dma_wait3A_1592] : memref<128x64xf32, #tpu.memory_space<vmem>> -> memref<1x64xf32, #tpu.memory_space<vmem>>
    %dma_wait3A_1594 = arith.constant 0 : i32
    %dma_wait3A_1595 = tpu.memref_slice %arg3[%squeeze3A_8, %dma_wait3A_1594] : memref<1000000x64xf32, #tpu.memory_space<hbm>> -> memref<1x64xf32, #tpu.memory_space<hbm>>
    tpu.wait_dma2 semaphore(%arg10 : memref<!tpu.dma_semaphore, #tpu.memory_space<semaphore_mem>>) src(%dma_wait3A_1595 : memref<1x64xf32, #tpu.memory_space<hbm>>) dst(%dma_wait3A_1593 : memref<1x64xf32, #tpu.memory_space<vmem>>)
    %dma_wait3A_1596 = arith.constant 4 : i32
    %dma_wait3A_1597 = arith.constant 0 : i32
    %dma_wait3A_1598 = tpu.memref_slice %arg6[%dma_wait3A_1596, %dma_wait3A_1597] : memref<128x64xf32, #tpu.memory_space<vmem>> -> memref<1x64xf32, #tpu.memory_space<vmem>>
    %dma_wait3A_1599 = arith.constant 0 : i32
    %dma_wait3A_1600 = tpu.memref_slice %arg3[%squeeze3A_10, %dma_wait3A_1599] : memref<1000000x64xf32, #tpu.memory_space<hbm>> -> memref<1x64xf32, #tpu.memory_space<hbm>>
    %dma_wait3A_1601 = arith.constant 4 : i32
    %dma_wait3A_1602 = arith.constant 0 : i32
    %dma_wait3A_1603 = tpu.memref_slice %arg6[%dma_wait3A_1601, %dma_wait3A_1602] : memref<128x64xf32, #tpu.memory_space<vmem>> -> memref<1x64xf32, #tpu.memory_space<vmem>>
    %dma_wait3A_1604 = arith.constant 0 : i32
    %dma_wait3A_1605 = tpu.memref_slice %arg3[%squeeze3A_10, %dma_wait3A_1604] : memref<1000000x64xf32, #tpu.memory_space<hbm>> -> memref<1x64xf32, #tpu.memory_space<hbm>>
    tpu.wait_dma2 semaphore(%arg11 : memref<!tpu.dma_semaphore, #tpu.memory_space<semaphore_mem>>) src(%dma_wait3A_1605 : memref<1x64xf32, #tpu.memory_space<hbm>>) dst(%dma_wait3A_1603 : memref<1x64xf32, #tpu.memory_space<vmem>>)
    %dma_wait3A_1606 = arith.constant 5 : i32
    %dma_wait3A_1607 = arith.constant 0 : i32
    %dma_wait3A_1608 = tpu.memref_slice %arg6[%dma_wait3A_1606, %dma_wait3A_1607] : memref<128x64xf32, #tpu.memory_space<vmem>> -> memref<1x64xf32, #tpu.memory_space<vmem>>
    %dma_wait3A_1609 = arith.constant 0 : i32
    %dma_wait3A_1610 = tpu.memref_slice %arg3[%squeeze3A_12, %dma_wait3A_1609] : memref<1000000x64xf32, #tpu.memory_space<hbm>> -> memref<1x64xf32, #tpu.memory_space<hbm>>
    %dma_wait3A_1611 = arith.constant 5 : i32
    %dma_wait3A_1612 = arith.constant 0 : i32
    %dma_wait3A_1613 = tpu.memref_slice %arg6[%dma_wait3A_1611, %dma_wait3A_1612] : memref<128x64xf32, #tpu.memory_space<vmem>> -> memref<1x64xf32, #tpu.memory_space<vmem>>
    %dma_wait3A_1614 = arith.constant 0 : i32
    %dma_wait3A_1615 = tpu.memref_slice %arg3[%squeeze3A_12, %dma_wait3A_1614] : memref<1000000x64xf32, #tpu.memory_space<hbm>> -> memref<1x64xf32, #tpu.memory_space<hbm>>
    tpu.wait_dma2 semaphore(%arg12 : memref<!tpu.dma_semaphore, #tpu.memory_space<semaphore_mem>>) src(%dma_wait3A_1615 : memref<1x64xf32, #tpu.memory_space<hbm>>) dst(%dma_wait3A_1613 : memref<1x64xf32, #tpu.memory_space<vmem>>)
    %dma_wait3A_1616 = arith.constant 6 : i32
    %dma_wait3A_1617 = arith.constant 0 : i32
    %dma_wait3A_1618 = tpu.memref_slice %arg6[%dma_wait3A_1616, %dma_wait3A_1617] : memref<128x64xf32, #tpu.memory_space<vmem>> -> memref<1x64xf32, #tpu.memory_space<vmem>>
    %dma_wait3A_1619 = arith.constant 0 : i32
    %dma_wait3A_1620 = tpu.memref_slice %arg3[%squeeze3A_14, %dma_wait3A_1619] : memref<1000000x64xf32, #tpu.memory_space<hbm>> -> memref<1x64xf32, #tpu.memory_space<hbm>>
    %dma_wait3A_1621 = arith.constant 6 : i32
    %dma_wait3A_1622 = arith.constant 0 : i32
    %dma_wait3A_1623 = tpu.memref_slice %arg6[%dma_wait3A_1621, %dma_wait3A_1622] : memref<128x64xf32, #tpu.memory_space<vmem>> -> memref<1x64xf32, #tpu.memory_space<vmem>>
    %dma_wait3A_1624 = arith.constant 0 : i32
    %dma_wait3A_1625 = tpu.memref_slice %arg3[%squeeze3A_14, %dma_wait3A_1624] : memref<1000000x64xf32, #tpu.memory_space<hbm>> -> memref<1x64xf32, #tpu.memory_space<hbm>>
    tpu.wait_dma2 semaphore(%arg13 : memref<!tpu.dma_semaphore, #tpu.memory_space<semaphore_mem>>) src(%dma_wait3A_1625 : memref<1x64xf32, #tpu.memory_space<hbm>>) dst(%dma_wait3A_1623 : memref<1x64xf32, #tpu.memory_space<vmem>>)
    %dma_wait3A_1626 = arith.constant 7 : i32
    %dma_wait3A_1627 = arith.constant 0 : i32
    %dma_wait3A_1628 = tpu.memref_slice %arg6[%dma_wait3A_1626, %dma_wait3A_1627] : memref<128x64xf32, #tpu.memory_space<vmem>> -> memref<1x64xf32, #tpu.memory_space<vmem>>
    %dma_wait3A_1629 = arith.constant 0 : i32
    %dma_wait3A_1630 = tpu.memref_slice %arg3[%squeeze3A_16, %dma_wait3A_1629] : memref<1000000x64xf32, #tpu.memory_space<hbm>> -> memref<1x64xf32, #tpu.memory_space<hbm>>
    %dma_wait3A_1631 = arith.constant 7 : i32
    %dma_wait3A_1632 = arith.constant 0 : i32
    %dma_wait3A_1633 = tpu.memref_slice %arg6[%dma_wait3A_1631, %dma_wait3A_1632] : memref<128x64xf32, #tpu.memory_space<vmem>> -> memref<1x64xf32, #tpu.memory_space<vmem>>
    %dma_wait3A_1634 = arith.constant 0 : i32
    %dma_wait3A_1635 = tpu.memref_slice %arg3[%squeeze3A_16, %dma_wait3A_1634] : memref<1000000x64xf32, #tpu.memory_space<hbm>> -> memref<1x64xf32, #tpu.memory_space<hbm>>
    tpu.wait_dma2 semaphore(%arg14 : memref<!tpu.dma_semaphore, #tpu.memory_space<semaphore_mem>>) src(%dma_wait3A_1635 : memref<1x64xf32, #tpu.memory_space<hbm>>) dst(%dma_wait3A_1633 : memref<1x64xf32, #tpu.memory_space<vmem>>)
    %dma_wait3A_1636 = arith.constant 8 : i32
    %dma_wait3A_1637 = arith.constant 0 : i32
    %dma_wait3A_1638 = tpu.memref_slice %arg6[%dma_wait3A_1636, %dma_wait3A_1637] : memref<128x64xf32, #tpu.memory_space<vmem>> -> memref<1x64xf32, #tpu.memory_space<vmem>>
    %dma_wait3A_1639 = arith.constant 0 : i32
    %dma_wait3A_1640 = tpu.memref_slice %arg3[%squeeze3A_18, %dma_wait3A_1639] : memref<1000000x64xf32, #tpu.memory_space<hbm>> -> memref<1x64xf32, #tpu.memory_space<hbm>>
    %dma_wait3A_1641 = arith.constant 8 : i32
    %dma_wait3A_1642 = arith.constant 0 : i32
    %dma_wait3A_1643 = tpu.memref_slice %arg6[%dma_wait3A_1641, %dma_wait3A_1642] : memref<128x64xf32, #tpu.memory_space<vmem>> -> memref<1x64xf32, #tpu.memory_space<vmem>>
    %dma_wait3A_1644 = arith.constant 0 : i32
    %dma_wait3A_1645 = tpu.memref_slice %arg3[%squeeze3A_18, %dma_wait3A_1644] : memref<1000000x64xf32, #tpu.memory_space<hbm>> -> memref<1x64xf32, #tpu.memory_space<hbm>>
    tpu.wait_dma2 semaphore(%arg7 : memref<!tpu.dma_semaphore, #tpu.memory_space<semaphore_mem>>) src(%dma_wait3A_1645 : memref<1x64xf32, #tpu.memory_space<hbm>>) dst(%dma_wait3A_1643 : memref<1x64xf32, #tpu.memory_space<vmem>>)
    %dma_wait3A_1646 = arith.constant 9 : i32
    %dma_wait3A_1647 = arith.constant 0 : i32
    %dma_wait3A_1648 = tpu.memref_slice %arg6[%dma_wait3A_1646, %dma_wait3A_1647] : memref<128x64xf32, #tpu.memory_space<vmem>> -> memref<1x64xf32, #tpu.memory_space<vmem>>
    %dma_wait3A_1649 = arith.constant 0 : i32
    %dma_wait3A_1650 = tpu.memref_slice %arg3[%squeeze3A_20, %dma_wait3A_1649] : memref<1000000x64xf32, #tpu.memory_space<hbm>> -> memref<1x64xf32, #tpu.memory_space<hbm>>
    %dma_wait3A_1651 = arith.constant 9 : i32
    %dma_wait3A_1652 = arith.constant 0 : i32
    %dma_wait3A_1653 = tpu.memref_slice %arg6[%dma_wait3A_1651, %dma_wait3A_1652] : memref<128x64xf32, #tpu.memory_space<vmem>> -> memref<1x64xf32, #tpu.memory_space<vmem>>
    %dma_wait3A_1654 = arith.constant 0 : i32
    %dma_wait3A_1655 = tpu.memref_slice %arg3[%squeeze3A_20, %dma_wait3A_1654] : memref<1000000x64xf32, #tpu.memory_space<hbm>> -> memref<1x64xf32, #tpu.memory_space<hbm>>
    tpu.wait_dma2 semaphore(%arg8 : memref<!tpu.dma_semaphore, #tpu.memory_space<semaphore_mem>>) src(%dma_wait3A_1655 : memref<1x64xf32, #tpu.memory_space<hbm>>) dst(%dma_wait3A_1653 : memref<1x64xf32, #tpu.memory_space<vmem>>)
    %dma_wait3A_1656 = arith.constant 10 : i32
    %dma_wait3A_1657 = arith.constant 0 : i32
    %dma_wait3A_1658 = tpu.memref_slice %arg6[%dma_wait3A_1656, %dma_wait3A_1657] : memref<128x64xf32, #tpu.memory_space<vmem>> -> memref<1x64xf32, #tpu.memory_space<vmem>>
    %dma_wait3A_1659 = arith.constant 0 : i32
    %dma_wait3A_1660 = tpu.memref_slice %arg3[%squeeze3A_22, %dma_wait3A_1659] : memref<1000000x64xf32, #tpu.memory_space<hbm>> -> memref<1x64xf32, #tpu.memory_space<hbm>>
    %dma_wait3A_1661 = arith.constant 10 : i32
    %dma_wait3A_1662 = arith.constant 0 : i32
    %dma_wait3A_1663 = tpu.memref_slice %arg6[%dma_wait3A_1661, %dma_wait3A_1662] : memref<128x64xf32, #tpu.memory_space<vmem>> -> memref<1x64xf32, #tpu.memory_space<vmem>>
    %dma_wait3A_1664 = arith.constant 0 : i32
    %dma_wait3A_1665 = tpu.memref_slice %arg3[%squeeze3A_22, %dma_wait3A_1664] : memref<1000000x64xf32, #tpu.memory_space<hbm>> -> memref<1x64xf32, #tpu.memory_space<hbm>>
    tpu.wait_dma2 semaphore(%arg9 : memref<!tpu.dma_semaphore, #tpu.memory_space<semaphore_mem>>) src(%dma_wait3A_1665 : memref<1x64xf32, #tpu.memory_space<hbm>>) dst(%dma_wait3A_1663 : memref<1x64xf32, #tpu.memory_space<vmem>>)
    %dma_wait3A_1666 = arith.constant 11 : i32
    %dma_wait3A_1667 = arith.constant 0 : i32
    %dma_wait3A_1668 = tpu.memref_slice %arg6[%dma_wait3A_1666, %dma_wait3A_1667] : memref<128x64xf32, #tpu.memory_space<vmem>> -> memref<1x64xf32, #tpu.memory_space<vmem>>
    %dma_wait3A_1669 = arith.constant 0 : i32
    %dma_wait3A_1670 = tpu.memref_slice %arg3[%squeeze3A_24, %dma_wait3A_1669] : memref<1000000x64xf32, #tpu.memory_space<hbm>> -> memref<1x64xf32, #tpu.memory_space<hbm>>
    %dma_wait3A_1671 = arith.constant 11 : i32
    %dma_wait3A_1672 = arith.constant 0 : i32
    %dma_wait3A_1673 = tpu.memref_slice %arg6[%dma_wait3A_1671, %dma_wait3A_1672] : memref<128x64xf32, #tpu.memory_space<vmem>> -> memref<1x64xf32, #tpu.memory_space<vmem>>
    %dma_wait3A_1674 = arith.constant 0 : i32
    %dma_wait3A_1675 = tpu.memref_slice %arg3[%squeeze3A_24, %dma_wait3A_1674] : memref<1000000x64xf32, #tpu.memory_space<hbm>> -> memref<1x64xf32, #tpu.memory_space<hbm>>
    tpu.wait_dma2 semaphore(%arg10 : memref<!tpu.dma_semaphore, #tpu.memory_space<semaphore_mem>>) src(%dma_wait3A_1675 : memref<1x64xf32, #tpu.memory_space<hbm>>) dst(%dma_wait3A_1673 : memref<1x64xf32, #tpu.memory_space<vmem>>)
    %dma_wait3A_1676 = arith.constant 12 : i32
    %dma_wait3A_1677 = arith.constant 0 : i32
    %dma_wait3A_1678 = tpu.memref_slice %arg6[%dma_wait3A_1676, %dma_wait3A_1677] : memref<128x64xf32, #tpu.memory_space<vmem>> -> memref<1x64xf32, #tpu.memory_space<vmem>>
    %dma_wait3A_1679 = arith.constant 0 : i32
    %dma_wait3A_1680 = tpu.memref_slice %arg3[%squeeze3A_26, %dma_wait3A_1679] : memref<1000000x64xf32, #tpu.memory_space<hbm>> -> memref<1x64xf32, #tpu.memory_space<hbm>>
    %dma_wait3A_1681 = arith.constant 12 : i32
    %dma_wait3A_1682 = arith.constant 0 : i32
    %dma_wait3A_1683 = tpu.memref_slice %arg6[%dma_wait3A_1681, %dma_wait3A_1682] : memref<128x64xf32, #tpu.memory_space<vmem>> -> memref<1x64xf32, #tpu.memory_space<vmem>>
    %dma_wait3A_1684 = arith.constant 0 : i32
    %dma_wait3A_1685 = tpu.memref_slice %arg3[%squeeze3A_26, %dma_wait3A_1684] : memref<1000000x64xf32, #tpu.memory_space<hbm>> -> memref<1x64xf32, #tpu.memory_space<hbm>>
    tpu.wait_dma2 semaphore(%arg11 : memref<!tpu.dma_semaphore, #tpu.memory_space<semaphore_mem>>) src(%dma_wait3A_1685 : memref<1x64xf32, #tpu.memory_space<hbm>>) dst(%dma_wait3A_1683 : memref<1x64xf32, #tpu.memory_space<vmem>>)
    %dma_wait3A_1686 = arith.constant 13 : i32
    %dma_wait3A_1687 = arith.constant 0 : i32
    %dma_wait3A_1688 = tpu.memref_slice %arg6[%dma_wait3A_1686, %dma_wait3A_1687] : memref<128x64xf32, #tpu.memory_space<vmem>> -> memref<1x64xf32, #tpu.memory_space<vmem>>
    %dma_wait3A_1689 = arith.constant 0 : i32
    %dma_wait3A_1690 = tpu.memref_slice %arg3[%squeeze3A_28, %dma_wait3A_1689] : memref<1000000x64xf32, #tpu.memory_space<hbm>> -> memref<1x64xf32, #tpu.memory_space<hbm>>
    %dma_wait3A_1691 = arith.constant 13 : i32
    %dma_wait3A_1692 = arith.constant 0 : i32
    %dma_wait3A_1693 = tpu.memref_slice %arg6[%dma_wait3A_1691, %dma_wait3A_1692] : memref<128x64xf32, #tpu.memory_space<vmem>> -> memref<1x64xf32, #tpu.memory_space<vmem>>
    %dma_wait3A_1694 = arith.constant 0 : i32
    %dma_wait3A_1695 = tpu.memref_slice %arg3[%squeeze3A_28, %dma_wait3A_1694] : memref<1000000x64xf32, #tpu.memory_space<hbm>> -> memref<1x64xf32, #tpu.memory_space<hbm>>
    tpu.wait_dma2 semaphore(%arg12 : memref<!tpu.dma_semaphore, #tpu.memory_space<semaphore_mem>>) src(%dma_wait3A_1695 : memref<1x64xf32, #tpu.memory_space<hbm>>) dst(%dma_wait3A_1693 : memref<1x64xf32, #tpu.memory_space<vmem>>)
    %dma_wait3A_1696 = arith.constant 14 : i32
    %dma_wait3A_1697 = arith.constant 0 : i32
    %dma_wait3A_1698 = tpu.memref_slice %arg6[%dma_wait3A_1696, %dma_wait3A_1697] : memref<128x64xf32, #tpu.memory_space<vmem>> -> memref<1x64xf32, #tpu.memory_space<vmem>>
    %dma_wait3A_1699 = arith.constant 0 : i32
    %dma_wait3A_1700 = tpu.memref_slice %arg3[%squeeze3A_30, %dma_wait3A_1699] : memref<1000000x64xf32, #tpu.memory_space<hbm>> -> memref<1x64xf32, #tpu.memory_space<hbm>>
    %dma_wait3A_1701 = arith.constant 14 : i32
    %dma_wait3A_1702 = arith.constant 0 : i32
    %dma_wait3A_1703 = tpu.memref_slice %arg6[%dma_wait3A_1701, %dma_wait3A_1702] : memref<128x64xf32, #tpu.memory_space<vmem>> -> memref<1x64xf32, #tpu.memory_space<vmem>>
    %dma_wait3A_1704 = arith.constant 0 : i32
    %dma_wait3A_1705 = tpu.memref_slice %arg3[%squeeze3A_30, %dma_wait3A_1704] : memref<1000000x64xf32, #tpu.memory_space<hbm>> -> memref<1x64xf32, #tpu.memory_space<hbm>>
    tpu.wait_dma2 semaphore(%arg13 : memref<!tpu.dma_semaphore, #tpu.memory_space<semaphore_mem>>) src(%dma_wait3A_1705 : memref<1x64xf32, #tpu.memory_space<hbm>>) dst(%dma_wait3A_1703 : memref<1x64xf32, #tpu.memory_space<vmem>>)
    %dma_wait3A_1706 = arith.constant 15 : i32
    %dma_wait3A_1707 = arith.constant 0 : i32
    %dma_wait3A_1708 = tpu.memref_slice %arg6[%dma_wait3A_1706, %dma_wait3A_1707] : memref<128x64xf32, #tpu.memory_space<vmem>> -> memref<1x64xf32, #tpu.memory_space<vmem>>
    %dma_wait3A_1709 = arith.constant 0 : i32
    %dma_wait3A_1710 = tpu.memref_slice %arg3[%squeeze3A_32, %dma_wait3A_1709] : memref<1000000x64xf32, #tpu.memory_space<hbm>> -> memref<1x64xf32, #tpu.memory_space<hbm>>
    %dma_wait3A_1711 = arith.constant 15 : i32
    %dma_wait3A_1712 = arith.constant 0 : i32
    %dma_wait3A_1713 = tpu.memref_slice %arg6[%dma_wait3A_1711, %dma_wait3A_1712] : memref<128x64xf32, #tpu.memory_space<vmem>> -> memref<1x64xf32, #tpu.memory_space<vmem>>
    %dma_wait3A_1714 = arith.constant 0 : i32
    %dma_wait3A_1715 = tpu.memref_slice %arg3[%squeeze3A_32, %dma_wait3A_1714] : memref<1000000x64xf32, #tpu.memory_space<hbm>> -> memref<1x64xf32, #tpu.memory_space<hbm>>
    tpu.wait_dma2 semaphore(%arg14 : memref<!tpu.dma_semaphore, #tpu.memory_space<semaphore_mem>>) src(%dma_wait3A_1715 : memref<1x64xf32, #tpu.memory_space<hbm>>) dst(%dma_wait3A_1713 : memref<1x64xf32, #tpu.memory_space<vmem>>)
    %dma_wait3A_1716 = arith.constant 16 : i32
    %dma_wait3A_1717 = arith.constant 0 : i32
    %dma_wait3A_1718 = tpu.memref_slice %arg6[%dma_wait3A_1716, %dma_wait3A_1717] : memref<128x64xf32, #tpu.memory_space<vmem>> -> memref<1x64xf32, #tpu.memory_space<vmem>>
    %dma_wait3A_1719 = arith.constant 0 : i32
    %dma_wait3A_1720 = tpu.memref_slice %arg3[%squeeze3A_37, %dma_wait3A_1719] : memref<1000000x64xf32, #tpu.memory_space<hbm>> -> memref<1x64xf32, #tpu.memory_space<hbm>>
    %dma_wait3A_1721 = arith.constant 16 : i32
    %dma_wait3A_1722 = arith.constant 0 : i32
    %dma_wait3A_1723 = tpu.memref_slice %arg6[%dma_wait3A_1721, %dma_wait3A_1722] : memref<128x64xf32, #tpu.memory_space<vmem>> -> memref<1x64xf32, #tpu.memory_space<vmem>>
    %dma_wait3A_1724 = arith.constant 0 : i32
    %dma_wait3A_1725 = tpu.memref_slice %arg3[%squeeze3A_37, %dma_wait3A_1724] : memref<1000000x64xf32, #tpu.memory_space<hbm>> -> memref<1x64xf32, #tpu.memory_space<hbm>>
    tpu.wait_dma2 semaphore(%arg7 : memref<!tpu.dma_semaphore, #tpu.memory_space<semaphore_mem>>) src(%dma_wait3A_1725 : memref<1x64xf32, #tpu.memory_space<hbm>>) dst(%dma_wait3A_1723 : memref<1x64xf32, #tpu.memory_space<vmem>>)
    %dma_wait3A_1726 = arith.constant 17 : i32
    %dma_wait3A_1727 = arith.constant 0 : i32
    %dma_wait3A_1728 = tpu.memref_slice %arg6[%dma_wait3A_1726, %dma_wait3A_1727] : memref<128x64xf32, #tpu.memory_space<vmem>> -> memref<1x64xf32, #tpu.memory_space<vmem>>
    %dma_wait3A_1729 = arith.constant 0 : i32
    %dma_wait3A_1730 = tpu.memref_slice %arg3[%squeeze3A_39, %dma_wait3A_1729] : memref<1000000x64xf32, #tpu.memory_space<hbm>> -> memref<1x64xf32, #tpu.memory_space<hbm>>
    %dma_wait3A_1731 = arith.constant 17 : i32
    %dma_wait3A_1732 = arith.constant 0 : i32
    %dma_wait3A_1733 = tpu.memref_slice %arg6[%dma_wait3A_1731, %dma_wait3A_1732] : memref<128x64xf32, #tpu.memory_space<vmem>> -> memref<1x64xf32, #tpu.memory_space<vmem>>
    %dma_wait3A_1734 = arith.constant 0 : i32
    %dma_wait3A_1735 = tpu.memref_slice %arg3[%squeeze3A_39, %dma_wait3A_1734] : memref<1000000x64xf32, #tpu.memory_space<hbm>> -> memref<1x64xf32, #tpu.memory_space<hbm>>
    tpu.wait_dma2 semaphore(%arg8 : memref<!tpu.dma_semaphore, #tpu.memory_space<semaphore_mem>>) src(%dma_wait3A_1735 : memref<1x64xf32, #tpu.memory_space<hbm>>) dst(%dma_wait3A_1733 : memref<1x64xf32, #tpu.memory_space<vmem>>)
    %dma_wait3A_1736 = arith.constant 18 : i32
    %dma_wait3A_1737 = arith.constant 0 : i32
    %dma_wait3A_1738 = tpu.memref_slice %arg6[%dma_wait3A_1736, %dma_wait3A_1737] : memref<128x64xf32, #tpu.memory_space<vmem>> -> memref<1x64xf32, #tpu.memory_space<vmem>>
    %dma_wait3A_1739 = arith.constant 0 : i32
    %dma_wait3A_1740 = tpu.memref_slice %arg3[%squeeze3A_41, %dma_wait3A_1739] : memref<1000000x64xf32, #tpu.memory_space<hbm>> -> memref<1x64xf32, #tpu.memory_space<hbm>>
    %dma_wait3A_1741 = arith.constant 18 : i32
    %dma_wait3A_1742 = arith.constant 0 : i32
    %dma_wait3A_1743 = tpu.memref_slice %arg6[%dma_wait3A_1741, %dma_wait3A_1742] : memref<128x64xf32, #tpu.memory_space<vmem>> -> memref<1x64xf32, #tpu.memory_space<vmem>>
    %dma_wait3A_1744 = arith.constant 0 : i32
    %dma_wait3A_1745 = tpu.memref_slice %arg3[%squeeze3A_41, %dma_wait3A_1744] : memref<1000000x64xf32, #tpu.memory_space<hbm>> -> memref<1x64xf32, #tpu.memory_space<hbm>>
    tpu.wait_dma2 semaphore(%arg9 : memref<!tpu.dma_semaphore, #tpu.memory_space<semaphore_mem>>) src(%dma_wait3A_1745 : memref<1x64xf32, #tpu.memory_space<hbm>>) dst(%dma_wait3A_1743 : memref<1x64xf32, #tpu.memory_space<vmem>>)
    %dma_wait3A_1746 = arith.constant 19 : i32
    %dma_wait3A_1747 = arith.constant 0 : i32
    %dma_wait3A_1748 = tpu.memref_slice %arg6[%dma_wait3A_1746, %dma_wait3A_1747] : memref<128x64xf32, #tpu.memory_space<vmem>> -> memref<1x64xf32, #tpu.memory_space<vmem>>
    %dma_wait3A_1749 = arith.constant 0 : i32
    %dma_wait3A_1750 = tpu.memref_slice %arg3[%squeeze3A_43, %dma_wait3A_1749] : memref<1000000x64xf32, #tpu.memory_space<hbm>> -> memref<1x64xf32, #tpu.memory_space<hbm>>
    %dma_wait3A_1751 = arith.constant 19 : i32
    %dma_wait3A_1752 = arith.constant 0 : i32
    %dma_wait3A_1753 = tpu.memref_slice %arg6[%dma_wait3A_1751, %dma_wait3A_1752] : memref<128x64xf32, #tpu.memory_space<vmem>> -> memref<1x64xf32, #tpu.memory_space<vmem>>
    %dma_wait3A_1754 = arith.constant 0 : i32
    %dma_wait3A_1755 = tpu.memref_slice %arg3[%squeeze3A_43, %dma_wait3A_1754] : memref<1000000x64xf32, #tpu.memory_space<hbm>> -> memref<1x64xf32, #tpu.memory_space<hbm>>
    tpu.wait_dma2 semaphore(%arg10 : memref<!tpu.dma_semaphore, #tpu.memory_space<semaphore_mem>>) src(%dma_wait3A_1755 : memref<1x64xf32, #tpu.memory_space<hbm>>) dst(%dma_wait3A_1753 : memref<1x64xf32, #tpu.memory_space<vmem>>)
    %dma_wait3A_1756 = arith.constant 20 : i32
    %dma_wait3A_1757 = arith.constant 0 : i32
    %dma_wait3A_1758 = tpu.memref_slice %arg6[%dma_wait3A_1756, %dma_wait3A_1757] : memref<128x64xf32, #tpu.memory_space<vmem>> -> memref<1x64xf32, #tpu.memory_space<vmem>>
    %dma_wait3A_1759 = arith.constant 0 : i32
    %dma_wait3A_1760 = tpu.memref_slice %arg3[%squeeze3A_45, %dma_wait3A_1759] : memref<1000000x64xf32, #tpu.memory_space<hbm>> -> memref<1x64xf32, #tpu.memory_space<hbm>>
    %dma_wait3A_1761 = arith.constant 20 : i32
    %dma_wait3A_1762 = arith.constant 0 : i32
    %dma_wait3A_1763 = tpu.memref_slice %arg6[%dma_wait3A_1761, %dma_wait3A_1762] : memref<128x64xf32, #tpu.memory_space<vmem>> -> memref<1x64xf32, #tpu.memory_space<vmem>>
    %dma_wait3A_1764 = arith.constant 0 : i32
    %dma_wait3A_1765 = tpu.memref_slice %arg3[%squeeze3A_45, %dma_wait3A_1764] : memref<1000000x64xf32, #tpu.memory_space<hbm>> -> memref<1x64xf32, #tpu.memory_space<hbm>>
    tpu.wait_dma2 semaphore(%arg11 : memref<!tpu.dma_semaphore, #tpu.memory_space<semaphore_mem>>) src(%dma_wait3A_1765 : memref<1x64xf32, #tpu.memory_space<hbm>>) dst(%dma_wait3A_1763 : memref<1x64xf32, #tpu.memory_space<vmem>>)
    %dma_wait3A_1766 = arith.constant 21 : i32
    %dma_wait3A_1767 = arith.constant 0 : i32
    %dma_wait3A_1768 = tpu.memref_slice %arg6[%dma_wait3A_1766, %dma_wait3A_1767] : memref<128x64xf32, #tpu.memory_space<vmem>> -> memref<1x64xf32, #tpu.memory_space<vmem>>
    %dma_wait3A_1769 = arith.constant 0 : i32
    %dma_wait3A_1770 = tpu.memref_slice %arg3[%squeeze3A_47, %dma_wait3A_1769] : memref<1000000x64xf32, #tpu.memory_space<hbm>> -> memref<1x64xf32, #tpu.memory_space<hbm>>
    %dma_wait3A_1771 = arith.constant 21 : i32
    %dma_wait3A_1772 = arith.constant 0 : i32
    %dma_wait3A_1773 = tpu.memref_slice %arg6[%dma_wait3A_1771, %dma_wait3A_1772] : memref<128x64xf32, #tpu.memory_space<vmem>> -> memref<1x64xf32, #tpu.memory_space<vmem>>
    %dma_wait3A_1774 = arith.constant 0 : i32
    %dma_wait3A_1775 = tpu.memref_slice %arg3[%squeeze3A_47, %dma_wait3A_1774] : memref<1000000x64xf32, #tpu.memory_space<hbm>> -> memref<1x64xf32, #tpu.memory_space<hbm>>
    tpu.wait_dma2 semaphore(%arg12 : memref<!tpu.dma_semaphore, #tpu.memory_space<semaphore_mem>>) src(%dma_wait3A_1775 : memref<1x64xf32, #tpu.memory_space<hbm>>) dst(%dma_wait3A_1773 : memref<1x64xf32, #tpu.memory_space<vmem>>)
    %dma_wait3A_1776 = arith.constant 22 : i32
    %dma_wait3A_1777 = arith.constant 0 : i32
    %dma_wait3A_1778 = tpu.memref_slice %arg6[%dma_wait3A_1776, %dma_wait3A_1777] : memref<128x64xf32, #tpu.memory_space<vmem>> -> memref<1x64xf32, #tpu.memory_space<vmem>>
    %dma_wait3A_1779 = arith.constant 0 : i32
    %dma_wait3A_1780 = tpu.memref_slice %arg3[%squeeze3A_49, %dma_wait3A_1779] : memref<1000000x64xf32, #tpu.memory_space<hbm>> -> memref<1x64xf32, #tpu.memory_space<hbm>>
    %dma_wait3A_1781 = arith.constant 22 : i32
    %dma_wait3A_1782 = arith.constant 0 : i32
    %dma_wait3A_1783 = tpu.memref_slice %arg6[%dma_wait3A_1781, %dma_wait3A_1782] : memref<128x64xf32, #tpu.memory_space<vmem>> -> memref<1x64xf32, #tpu.memory_space<vmem>>
    %dma_wait3A_1784 = arith.constant 0 : i32
    %dma_wait3A_1785 = tpu.memref_slice %arg3[%squeeze3A_49, %dma_wait3A_1784] : memref<1000000x64xf32, #tpu.memory_space<hbm>> -> memref<1x64xf32, #tpu.memory_space<hbm>>
    tpu.wait_dma2 semaphore(%arg13 : memref<!tpu.dma_semaphore, #tpu.memory_space<semaphore_mem>>) src(%dma_wait3A_1785 : memref<1x64xf32, #tpu.memory_space<hbm>>) dst(%dma_wait3A_1783 : memref<1x64xf32, #tpu.memory_space<vmem>>)
    %dma_wait3A_1786 = arith.constant 23 : i32
    %dma_wait3A_1787 = arith.constant 0 : i32
    %dma_wait3A_1788 = tpu.memref_slice %arg6[%dma_wait3A_1786, %dma_wait3A_1787] : memref<128x64xf32, #tpu.memory_space<vmem>> -> memref<1x64xf32, #tpu.memory_space<vmem>>
    %dma_wait3A_1789 = arith.constant 0 : i32
    %dma_wait3A_1790 = tpu.memref_slice %arg3[%squeeze3A_51, %dma_wait3A_1789] : memref<1000000x64xf32, #tpu.memory_space<hbm>> -> memref<1x64xf32, #tpu.memory_space<hbm>>
    %dma_wait3A_1791 = arith.constant 23 : i32
    %dma_wait3A_1792 = arith.constant 0 : i32
    %dma_wait3A_1793 = tpu.memref_slice %arg6[%dma_wait3A_1791, %dma_wait3A_1792] : memref<128x64xf32, #tpu.memory_space<vmem>> -> memref<1x64xf32, #tpu.memory_space<vmem>>
    %dma_wait3A_1794 = arith.constant 0 : i32
    %dma_wait3A_1795 = tpu.memref_slice %arg3[%squeeze3A_51, %dma_wait3A_1794] : memref<1000000x64xf32, #tpu.memory_space<hbm>> -> memref<1x64xf32, #tpu.memory_space<hbm>>
    tpu.wait_dma2 semaphore(%arg14 : memref<!tpu.dma_semaphore, #tpu.memory_space<semaphore_mem>>) src(%dma_wait3A_1795 : memref<1x64xf32, #tpu.memory_space<hbm>>) dst(%dma_wait3A_1793 : memref<1x64xf32, #tpu.memory_space<vmem>>)
    %dma_wait3A_1796 = arith.constant 24 : i32
    %dma_wait3A_1797 = arith.constant 0 : i32
    %dma_wait3A_1798 = tpu.memref_slice %arg6[%dma_wait3A_1796, %dma_wait3A_1797] : memref<128x64xf32, #tpu.memory_space<vmem>> -> memref<1x64xf32, #tpu.memory_space<vmem>>
    %dma_wait3A_1799 = arith.constant 0 : i32
    %dma_wait3A_1800 = tpu.memref_slice %arg3[%squeeze3A_53, %dma_wait3A_1799] : memref<1000000x64xf32, #tpu.memory_space<hbm>> -> memref<1x64xf32, #tpu.memory_space<hbm>>
    %dma_wait3A_1801 = arith.constant 24 : i32
    %dma_wait3A_1802 = arith.constant 0 : i32
    %dma_wait3A_1803 = tpu.memref_slice %arg6[%dma_wait3A_1801, %dma_wait3A_1802] : memref<128x64xf32, #tpu.memory_space<vmem>> -> memref<1x64xf32, #tpu.memory_space<vmem>>
    %dma_wait3A_1804 = arith.constant 0 : i32
    %dma_wait3A_1805 = tpu.memref_slice %arg3[%squeeze3A_53, %dma_wait3A_1804] : memref<1000000x64xf32, #tpu.memory_space<hbm>> -> memref<1x64xf32, #tpu.memory_space<hbm>>
    tpu.wait_dma2 semaphore(%arg7 : memref<!tpu.dma_semaphore, #tpu.memory_space<semaphore_mem>>) src(%dma_wait3A_1805 : memref<1x64xf32, #tpu.memory_space<hbm>>) dst(%dma_wait3A_1803 : memref<1x64xf32, #tpu.memory_space<vmem>>)
    %dma_wait3A_1806 = arith.constant 25 : i32
    %dma_wait3A_1807 = arith.constant 0 : i32
    %dma_wait3A_1808 = tpu.memref_slice %arg6[%dma_wait3A_1806, %dma_wait3A_1807] : memref<128x64xf32, #tpu.memory_space<vmem>> -> memref<1x64xf32, #tpu.memory_space<vmem>>
    %dma_wait3A_1809 = arith.constant 0 : i32
    %dma_wait3A_1810 = tpu.memref_slice %arg3[%squeeze3A_55, %dma_wait3A_1809] : memref<1000000x64xf32, #tpu.memory_space<hbm>> -> memref<1x64xf32, #tpu.memory_space<hbm>>
    %dma_wait3A_1811 = arith.constant 25 : i32
    %dma_wait3A_1812 = arith.constant 0 : i32
    %dma_wait3A_1813 = tpu.memref_slice %arg6[%dma_wait3A_1811, %dma_wait3A_1812] : memref<128x64xf32, #tpu.memory_space<vmem>> -> memref<1x64xf32, #tpu.memory_space<vmem>>
    %dma_wait3A_1814 = arith.constant 0 : i32
    %dma_wait3A_1815 = tpu.memref_slice %arg3[%squeeze3A_55, %dma_wait3A_1814] : memref<1000000x64xf32, #tpu.memory_space<hbm>> -> memref<1x64xf32, #tpu.memory_space<hbm>>
    tpu.wait_dma2 semaphore(%arg8 : memref<!tpu.dma_semaphore, #tpu.memory_space<semaphore_mem>>) src(%dma_wait3A_1815 : memref<1x64xf32, #tpu.memory_space<hbm>>) dst(%dma_wait3A_1813 : memref<1x64xf32, #tpu.memory_space<vmem>>)
    %dma_wait3A_1816 = arith.constant 26 : i32
    %dma_wait3A_1817 = arith.constant 0 : i32
    %dma_wait3A_1818 = tpu.memref_slice %arg6[%dma_wait3A_1816, %dma_wait3A_1817] : memref<128x64xf32, #tpu.memory_space<vmem>> -> memref<1x64xf32, #tpu.memory_space<vmem>>
    %dma_wait3A_1819 = arith.constant 0 : i32
    %dma_wait3A_1820 = tpu.memref_slice %arg3[%squeeze3A_57, %dma_wait3A_1819] : memref<1000000x64xf32, #tpu.memory_space<hbm>> -> memref<1x64xf32, #tpu.memory_space<hbm>>
    %dma_wait3A_1821 = arith.constant 26 : i32
    %dma_wait3A_1822 = arith.constant 0 : i32
    %dma_wait3A_1823 = tpu.memref_slice %arg6[%dma_wait3A_1821, %dma_wait3A_1822] : memref<128x64xf32, #tpu.memory_space<vmem>> -> memref<1x64xf32, #tpu.memory_space<vmem>>
    %dma_wait3A_1824 = arith.constant 0 : i32
    %dma_wait3A_1825 = tpu.memref_slice %arg3[%squeeze3A_57, %dma_wait3A_1824] : memref<1000000x64xf32, #tpu.memory_space<hbm>> -> memref<1x64xf32, #tpu.memory_space<hbm>>
    tpu.wait_dma2 semaphore(%arg9 : memref<!tpu.dma_semaphore, #tpu.memory_space<semaphore_mem>>) src(%dma_wait3A_1825 : memref<1x64xf32, #tpu.memory_space<hbm>>) dst(%dma_wait3A_1823 : memref<1x64xf32, #tpu.memory_space<vmem>>)
    %dma_wait3A_1826 = arith.constant 27 : i32
    %dma_wait3A_1827 = arith.constant 0 : i32
    %dma_wait3A_1828 = tpu.memref_slice %arg6[%dma_wait3A_1826, %dma_wait3A_1827] : memref<128x64xf32, #tpu.memory_space<vmem>> -> memref<1x64xf32, #tpu.memory_space<vmem>>
    %dma_wait3A_1829 = arith.constant 0 : i32
    %dma_wait3A_1830 = tpu.memref_slice %arg3[%squeeze3A_59, %dma_wait3A_1829] : memref<1000000x64xf32, #tpu.memory_space<hbm>> -> memref<1x64xf32, #tpu.memory_space<hbm>>
    %dma_wait3A_1831 = arith.constant 27 : i32
    %dma_wait3A_1832 = arith.constant 0 : i32
    %dma_wait3A_1833 = tpu.memref_slice %arg6[%dma_wait3A_1831, %dma_wait3A_1832] : memref<128x64xf32, #tpu.memory_space<vmem>> -> memref<1x64xf32, #tpu.memory_space<vmem>>
    %dma_wait3A_1834 = arith.constant 0 : i32
    %dma_wait3A_1835 = tpu.memref_slice %arg3[%squeeze3A_59, %dma_wait3A_1834] : memref<1000000x64xf32, #tpu.memory_space<hbm>> -> memref<1x64xf32, #tpu.memory_space<hbm>>
    tpu.wait_dma2 semaphore(%arg10 : memref<!tpu.dma_semaphore, #tpu.memory_space<semaphore_mem>>) src(%dma_wait3A_1835 : memref<1x64xf32, #tpu.memory_space<hbm>>) dst(%dma_wait3A_1833 : memref<1x64xf32, #tpu.memory_space<vmem>>)
    %dma_wait3A_1836 = arith.constant 28 : i32
    %dma_wait3A_1837 = arith.constant 0 : i32
    %dma_wait3A_1838 = tpu.memref_slice %arg6[%dma_wait3A_1836, %dma_wait3A_1837] : memref<128x64xf32, #tpu.memory_space<vmem>> -> memref<1x64xf32, #tpu.memory_space<vmem>>
    %dma_wait3A_1839 = arith.constant 0 : i32
    %dma_wait3A_1840 = tpu.memref_slice %arg3[%squeeze3A_61, %dma_wait3A_1839] : memref<1000000x64xf32, #tpu.memory_space<hbm>> -> memref<1x64xf32, #tpu.memory_space<hbm>>
    %dma_wait3A_1841 = arith.constant 28 : i32
    %dma_wait3A_1842 = arith.constant 0 : i32
    %dma_wait3A_1843 = tpu.memref_slice %arg6[%dma_wait3A_1841, %dma_wait3A_1842] : memref<128x64xf32, #tpu.memory_space<vmem>> -> memref<1x64xf32, #tpu.memory_space<vmem>>
    %dma_wait3A_1844 = arith.constant 0 : i32
    %dma_wait3A_1845 = tpu.memref_slice %arg3[%squeeze3A_61, %dma_wait3A_1844] : memref<1000000x64xf32, #tpu.memory_space<hbm>> -> memref<1x64xf32, #tpu.memory_space<hbm>>
    tpu.wait_dma2 semaphore(%arg11 : memref<!tpu.dma_semaphore, #tpu.memory_space<semaphore_mem>>) src(%dma_wait3A_1845 : memref<1x64xf32, #tpu.memory_space<hbm>>) dst(%dma_wait3A_1843 : memref<1x64xf32, #tpu.memory_space<vmem>>)
    %dma_wait3A_1846 = arith.constant 29 : i32
    %dma_wait3A_1847 = arith.constant 0 : i32
    %dma_wait3A_1848 = tpu.memref_slice %arg6[%dma_wait3A_1846, %dma_wait3A_1847] : memref<128x64xf32, #tpu.memory_space<vmem>> -> memref<1x64xf32, #tpu.memory_space<vmem>>
    %dma_wait3A_1849 = arith.constant 0 : i32
    %dma_wait3A_1850 = tpu.memref_slice %arg3[%squeeze3A_63, %dma_wait3A_1849] : memref<1000000x64xf32, #tpu.memory_space<hbm>> -> memref<1x64xf32, #tpu.memory_space<hbm>>
    %dma_wait3A_1851 = arith.constant 29 : i32
    %dma_wait3A_1852 = arith.constant 0 : i32
    %dma_wait3A_1853 = tpu.memref_slice %arg6[%dma_wait3A_1851, %dma_wait3A_1852] : memref<128x64xf32, #tpu.memory_space<vmem>> -> memref<1x64xf32, #tpu.memory_space<vmem>>
    %dma_wait3A_1854 = arith.constant 0 : i32
    %dma_wait3A_1855 = tpu.memref_slice %arg3[%squeeze3A_63, %dma_wait3A_1854] : memref<1000000x64xf32, #tpu.memory_space<hbm>> -> memref<1x64xf32, #tpu.memory_space<hbm>>
    tpu.wait_dma2 semaphore(%arg12 : memref<!tpu.dma_semaphore, #tpu.memory_space<semaphore_mem>>) src(%dma_wait3A_1855 : memref<1x64xf32, #tpu.memory_space<hbm>>) dst(%dma_wait3A_1853 : memref<1x64xf32, #tpu.memory_space<vmem>>)
    %dma_wait3A_1856 = arith.constant 30 : i32
    %dma_wait3A_1857 = arith.constant 0 : i32
    %dma_wait3A_1858 = tpu.memref_slice %arg6[%dma_wait3A_1856, %dma_wait3A_1857] : memref<128x64xf32, #tpu.memory_space<vmem>> -> memref<1x64xf32, #tpu.memory_space<vmem>>
    %dma_wait3A_1859 = arith.constant 0 : i32
    %dma_wait3A_1860 = tpu.memref_slice %arg3[%squeeze3A_65, %dma_wait3A_1859] : memref<1000000x64xf32, #tpu.memory_space<hbm>> -> memref<1x64xf32, #tpu.memory_space<hbm>>
    %dma_wait3A_1861 = arith.constant 30 : i32
    %dma_wait3A_1862 = arith.constant 0 : i32
    %dma_wait3A_1863 = tpu.memref_slice %arg6[%dma_wait3A_1861, %dma_wait3A_1862] : memref<128x64xf32, #tpu.memory_space<vmem>> -> memref<1x64xf32, #tpu.memory_space<vmem>>
    %dma_wait3A_1864 = arith.constant 0 : i32
    %dma_wait3A_1865 = tpu.memref_slice %arg3[%squeeze3A_65, %dma_wait3A_1864] : memref<1000000x64xf32, #tpu.memory_space<hbm>> -> memref<1x64xf32, #tpu.memory_space<hbm>>
    tpu.wait_dma2 semaphore(%arg13 : memref<!tpu.dma_semaphore, #tpu.memory_space<semaphore_mem>>) src(%dma_wait3A_1865 : memref<1x64xf32, #tpu.memory_space<hbm>>) dst(%dma_wait3A_1863 : memref<1x64xf32, #tpu.memory_space<vmem>>)
    %dma_wait3A_1866 = arith.constant 31 : i32
    %dma_wait3A_1867 = arith.constant 0 : i32
    %dma_wait3A_1868 = tpu.memref_slice %arg6[%dma_wait3A_1866, %dma_wait3A_1867] : memref<128x64xf32, #tpu.memory_space<vmem>> -> memref<1x64xf32, #tpu.memory_space<vmem>>
    %dma_wait3A_1869 = arith.constant 0 : i32
    %dma_wait3A_1870 = tpu.memref_slice %arg3[%squeeze3A_67, %dma_wait3A_1869] : memref<1000000x64xf32, #tpu.memory_space<hbm>> -> memref<1x64xf32, #tpu.memory_space<hbm>>
    %dma_wait3A_1871 = arith.constant 31 : i32
    %dma_wait3A_1872 = arith.constant 0 : i32
    %dma_wait3A_1873 = tpu.memref_slice %arg6[%dma_wait3A_1871, %dma_wait3A_1872] : memref<128x64xf32, #tpu.memory_space<vmem>> -> memref<1x64xf32, #tpu.memory_space<vmem>>
    %dma_wait3A_1874 = arith.constant 0 : i32
    %dma_wait3A_1875 = tpu.memref_slice %arg3[%squeeze3A_67, %dma_wait3A_1874] : memref<1000000x64xf32, #tpu.memory_space<hbm>> -> memref<1x64xf32, #tpu.memory_space<hbm>>
    tpu.wait_dma2 semaphore(%arg14 : memref<!tpu.dma_semaphore, #tpu.memory_space<semaphore_mem>>) src(%dma_wait3A_1875 : memref<1x64xf32, #tpu.memory_space<hbm>>) dst(%dma_wait3A_1873 : memref<1x64xf32, #tpu.memory_space<vmem>>)
    %dma_wait3A_1876 = arith.constant 32 : i32
    %dma_wait3A_1877 = arith.constant 0 : i32
    %dma_wait3A_1878 = tpu.memref_slice %arg6[%dma_wait3A_1876, %dma_wait3A_1877] : memref<128x64xf32, #tpu.memory_space<vmem>> -> memref<1x64xf32, #tpu.memory_space<vmem>>
    %dma_wait3A_1879 = arith.constant 0 : i32
    %dma_wait3A_1880 = tpu.memref_slice %arg3[%squeeze3A_72, %dma_wait3A_1879] : memref<1000000x64xf32, #tpu.memory_space<hbm>> -> memref<1x64xf32, #tpu.memory_space<hbm>>
    %dma_wait3A_1881 = arith.constant 32 : i32
    %dma_wait3A_1882 = arith.constant 0 : i32
    %dma_wait3A_1883 = tpu.memref_slice %arg6[%dma_wait3A_1881, %dma_wait3A_1882] : memref<128x64xf32, #tpu.memory_space<vmem>> -> memref<1x64xf32, #tpu.memory_space<vmem>>
    %dma_wait3A_1884 = arith.constant 0 : i32
    %dma_wait3A_1885 = tpu.memref_slice %arg3[%squeeze3A_72, %dma_wait3A_1884] : memref<1000000x64xf32, #tpu.memory_space<hbm>> -> memref<1x64xf32, #tpu.memory_space<hbm>>
    tpu.wait_dma2 semaphore(%arg7 : memref<!tpu.dma_semaphore, #tpu.memory_space<semaphore_mem>>) src(%dma_wait3A_1885 : memref<1x64xf32, #tpu.memory_space<hbm>>) dst(%dma_wait3A_1883 : memref<1x64xf32, #tpu.memory_space<vmem>>)
    %dma_wait3A_1886 = arith.constant 33 : i32
    %dma_wait3A_1887 = arith.constant 0 : i32
    %dma_wait3A_1888 = tpu.memref_slice %arg6[%dma_wait3A_1886, %dma_wait3A_1887] : memref<128x64xf32, #tpu.memory_space<vmem>> -> memref<1x64xf32, #tpu.memory_space<vmem>>
    %dma_wait3A_1889 = arith.constant 0 : i32
    %dma_wait3A_1890 = tpu.memref_slice %arg3[%squeeze3A_74, %dma_wait3A_1889] : memref<1000000x64xf32, #tpu.memory_space<hbm>> -> memref<1x64xf32, #tpu.memory_space<hbm>>
    %dma_wait3A_1891 = arith.constant 33 : i32
    %dma_wait3A_1892 = arith.constant 0 : i32
    %dma_wait3A_1893 = tpu.memref_slice %arg6[%dma_wait3A_1891, %dma_wait3A_1892] : memref<128x64xf32, #tpu.memory_space<vmem>> -> memref<1x64xf32, #tpu.memory_space<vmem>>
    %dma_wait3A_1894 = arith.constant 0 : i32
    %dma_wait3A_1895 = tpu.memref_slice %arg3[%squeeze3A_74, %dma_wait3A_1894] : memref<1000000x64xf32, #tpu.memory_space<hbm>> -> memref<1x64xf32, #tpu.memory_space<hbm>>
    tpu.wait_dma2 semaphore(%arg8 : memref<!tpu.dma_semaphore, #tpu.memory_space<semaphore_mem>>) src(%dma_wait3A_1895 : memref<1x64xf32, #tpu.memory_space<hbm>>) dst(%dma_wait3A_1893 : memref<1x64xf32, #tpu.memory_space<vmem>>)
    %dma_wait3A_1896 = arith.constant 34 : i32
    %dma_wait3A_1897 = arith.constant 0 : i32
    %dma_wait3A_1898 = tpu.memref_slice %arg6[%dma_wait3A_1896, %dma_wait3A_1897] : memref<128x64xf32, #tpu.memory_space<vmem>> -> memref<1x64xf32, #tpu.memory_space<vmem>>
    %dma_wait3A_1899 = arith.constant 0 : i32
    %dma_wait3A_1900 = tpu.memref_slice %arg3[%squeeze3A_76, %dma_wait3A_1899] : memref<1000000x64xf32, #tpu.memory_space<hbm>> -> memref<1x64xf32, #tpu.memory_space<hbm>>
    %dma_wait3A_1901 = arith.constant 34 : i32
    %dma_wait3A_1902 = arith.constant 0 : i32
    %dma_wait3A_1903 = tpu.memref_slice %arg6[%dma_wait3A_1901, %dma_wait3A_1902] : memref<128x64xf32, #tpu.memory_space<vmem>> -> memref<1x64xf32, #tpu.memory_space<vmem>>
    %dma_wait3A_1904 = arith.constant 0 : i32
    %dma_wait3A_1905 = tpu.memref_slice %arg3[%squeeze3A_76, %dma_wait3A_1904] : memref<1000000x64xf32, #tpu.memory_space<hbm>> -> memref<1x64xf32, #tpu.memory_space<hbm>>
    tpu.wait_dma2 semaphore(%arg9 : memref<!tpu.dma_semaphore, #tpu.memory_space<semaphore_mem>>) src(%dma_wait3A_1905 : memref<1x64xf32, #tpu.memory_space<hbm>>) dst(%dma_wait3A_1903 : memref<1x64xf32, #tpu.memory_space<vmem>>)
    %dma_wait3A_1906 = arith.constant 35 : i32
    %dma_wait3A_1907 = arith.constant 0 : i32
    %dma_wait3A_1908 = tpu.memref_slice %arg6[%dma_wait3A_1906, %dma_wait3A_1907] : memref<128x64xf32, #tpu.memory_space<vmem>> -> memref<1x64xf32, #tpu.memory_space<vmem>>
    %dma_wait3A_1909 = arith.constant 0 : i32
    %dma_wait3A_1910 = tpu.memref_slice %arg3[%squeeze3A_78, %dma_wait3A_1909] : memref<1000000x64xf32, #tpu.memory_space<hbm>> -> memref<1x64xf32, #tpu.memory_space<hbm>>
    %dma_wait3A_1911 = arith.constant 35 : i32
    %dma_wait3A_1912 = arith.constant 0 : i32
    %dma_wait3A_1913 = tpu.memref_slice %arg6[%dma_wait3A_1911, %dma_wait3A_1912] : memref<128x64xf32, #tpu.memory_space<vmem>> -> memref<1x64xf32, #tpu.memory_space<vmem>>
    %dma_wait3A_1914 = arith.constant 0 : i32
    %dma_wait3A_1915 = tpu.memref_slice %arg3[%squeeze3A_78, %dma_wait3A_1914] : memref<1000000x64xf32, #tpu.memory_space<hbm>> -> memref<1x64xf32, #tpu.memory_space<hbm>>
    tpu.wait_dma2 semaphore(%arg10 : memref<!tpu.dma_semaphore, #tpu.memory_space<semaphore_mem>>) src(%dma_wait3A_1915 : memref<1x64xf32, #tpu.memory_space<hbm>>) dst(%dma_wait3A_1913 : memref<1x64xf32, #tpu.memory_space<vmem>>)
    %dma_wait3A_1916 = arith.constant 36 : i32
    %dma_wait3A_1917 = arith.constant 0 : i32
    %dma_wait3A_1918 = tpu.memref_slice %arg6[%dma_wait3A_1916, %dma_wait3A_1917] : memref<128x64xf32, #tpu.memory_space<vmem>> -> memref<1x64xf32, #tpu.memory_space<vmem>>
    %dma_wait3A_1919 = arith.constant 0 : i32
    %dma_wait3A_1920 = tpu.memref_slice %arg3[%squeeze3A_80, %dma_wait3A_1919] : memref<1000000x64xf32, #tpu.memory_space<hbm>> -> memref<1x64xf32, #tpu.memory_space<hbm>>
    %dma_wait3A_1921 = arith.constant 36 : i32
    %dma_wait3A_1922 = arith.constant 0 : i32
    %dma_wait3A_1923 = tpu.memref_slice %arg6[%dma_wait3A_1921, %dma_wait3A_1922] : memref<128x64xf32, #tpu.memory_space<vmem>> -> memref<1x64xf32, #tpu.memory_space<vmem>>
    %dma_wait3A_1924 = arith.constant 0 : i32
    %dma_wait3A_1925 = tpu.memref_slice %arg3[%squeeze3A_80, %dma_wait3A_1924] : memref<1000000x64xf32, #tpu.memory_space<hbm>> -> memref<1x64xf32, #tpu.memory_space<hbm>>
    tpu.wait_dma2 semaphore(%arg11 : memref<!tpu.dma_semaphore, #tpu.memory_space<semaphore_mem>>) src(%dma_wait3A_1925 : memref<1x64xf32, #tpu.memory_space<hbm>>) dst(%dma_wait3A_1923 : memref<1x64xf32, #tpu.memory_space<vmem>>)
    %dma_wait3A_1926 = arith.constant 37 : i32
    %dma_wait3A_1927 = arith.constant 0 : i32
    %dma_wait3A_1928 = tpu.memref_slice %arg6[%dma_wait3A_1926, %dma_wait3A_1927] : memref<128x64xf32, #tpu.memory_space<vmem>> -> memref<1x64xf32, #tpu.memory_space<vmem>>
    %dma_wait3A_1929 = arith.constant 0 : i32
    %dma_wait3A_1930 = tpu.memref_slice %arg3[%squeeze3A_82, %dma_wait3A_1929] : memref<1000000x64xf32, #tpu.memory_space<hbm>> -> memref<1x64xf32, #tpu.memory_space<hbm>>
    %dma_wait3A_1931 = arith.constant 37 : i32
    %dma_wait3A_1932 = arith.constant 0 : i32
    %dma_wait3A_1933 = tpu.memref_slice %arg6[%dma_wait3A_1931, %dma_wait3A_1932] : memref<128x64xf32, #tpu.memory_space<vmem>> -> memref<1x64xf32, #tpu.memory_space<vmem>>
    %dma_wait3A_1934 = arith.constant 0 : i32
    %dma_wait3A_1935 = tpu.memref_slice %arg3[%squeeze3A_82, %dma_wait3A_1934] : memref<1000000x64xf32, #tpu.memory_space<hbm>> -> memref<1x64xf32, #tpu.memory_space<hbm>>
    tpu.wait_dma2 semaphore(%arg12 : memref<!tpu.dma_semaphore, #tpu.memory_space<semaphore_mem>>) src(%dma_wait3A_1935 : memref<1x64xf32, #tpu.memory_space<hbm>>) dst(%dma_wait3A_1933 : memref<1x64xf32, #tpu.memory_space<vmem>>)
    %dma_wait3A_1936 = arith.constant 38 : i32
    %dma_wait3A_1937 = arith.constant 0 : i32
    %dma_wait3A_1938 = tpu.memref_slice %arg6[%dma_wait3A_1936, %dma_wait3A_1937] : memref<128x64xf32, #tpu.memory_space<vmem>> -> memref<1x64xf32, #tpu.memory_space<vmem>>
    %dma_wait3A_1939 = arith.constant 0 : i32
    %dma_wait3A_1940 = tpu.memref_slice %arg3[%squeeze3A_84, %dma_wait3A_1939] : memref<1000000x64xf32, #tpu.memory_space<hbm>> -> memref<1x64xf32, #tpu.memory_space<hbm>>
    %dma_wait3A_1941 = arith.constant 38 : i32
    %dma_wait3A_1942 = arith.constant 0 : i32
    %dma_wait3A_1943 = tpu.memref_slice %arg6[%dma_wait3A_1941, %dma_wait3A_1942] : memref<128x64xf32, #tpu.memory_space<vmem>> -> memref<1x64xf32, #tpu.memory_space<vmem>>
    %dma_wait3A_1944 = arith.constant 0 : i32
    %dma_wait3A_1945 = tpu.memref_slice %arg3[%squeeze3A_84, %dma_wait3A_1944] : memref<1000000x64xf32, #tpu.memory_space<hbm>> -> memref<1x64xf32, #tpu.memory_space<hbm>>
    tpu.wait_dma2 semaphore(%arg13 : memref<!tpu.dma_semaphore, #tpu.memory_space<semaphore_mem>>) src(%dma_wait3A_1945 : memref<1x64xf32, #tpu.memory_space<hbm>>) dst(%dma_wait3A_1943 : memref<1x64xf32, #tpu.memory_space<vmem>>)
    %dma_wait3A_1946 = arith.constant 39 : i32
    %dma_wait3A_1947 = arith.constant 0 : i32
    %dma_wait3A_1948 = tpu.memref_slice %arg6[%dma_wait3A_1946, %dma_wait3A_1947] : memref<128x64xf32, #tpu.memory_space<vmem>> -> memref<1x64xf32, #tpu.memory_space<vmem>>
    %dma_wait3A_1949 = arith.constant 0 : i32
    %dma_wait3A_1950 = tpu.memref_slice %arg3[%squeeze3A_86, %dma_wait3A_1949] : memref<1000000x64xf32, #tpu.memory_space<hbm>> -> memref<1x64xf32, #tpu.memory_space<hbm>>
    %dma_wait3A_1951 = arith.constant 39 : i32
    %dma_wait3A_1952 = arith.constant 0 : i32
    %dma_wait3A_1953 = tpu.memref_slice %arg6[%dma_wait3A_1951, %dma_wait3A_1952] : memref<128x64xf32, #tpu.memory_space<vmem>> -> memref<1x64xf32, #tpu.memory_space<vmem>>
    %dma_wait3A_1954 = arith.constant 0 : i32
    %dma_wait3A_1955 = tpu.memref_slice %arg3[%squeeze3A_86, %dma_wait3A_1954] : memref<1000000x64xf32, #tpu.memory_space<hbm>> -> memref<1x64xf32, #tpu.memory_space<hbm>>
    tpu.wait_dma2 semaphore(%arg14 : memref<!tpu.dma_semaphore, #tpu.memory_space<semaphore_mem>>) src(%dma_wait3A_1955 : memref<1x64xf32, #tpu.memory_space<hbm>>) dst(%dma_wait3A_1953 : memref<1x64xf32, #tpu.memory_space<vmem>>)
    %dma_wait3A_1956 = arith.constant 40 : i32
    %dma_wait3A_1957 = arith.constant 0 : i32
    %dma_wait3A_1958 = tpu.memref_slice %arg6[%dma_wait3A_1956, %dma_wait3A_1957] : memref<128x64xf32, #tpu.memory_space<vmem>> -> memref<1x64xf32, #tpu.memory_space<vmem>>
    %dma_wait3A_1959 = arith.constant 0 : i32
    %dma_wait3A_1960 = tpu.memref_slice %arg3[%squeeze3A_88, %dma_wait3A_1959] : memref<1000000x64xf32, #tpu.memory_space<hbm>> -> memref<1x64xf32, #tpu.memory_space<hbm>>
    %dma_wait3A_1961 = arith.constant 40 : i32
    %dma_wait3A_1962 = arith.constant 0 : i32
    %dma_wait3A_1963 = tpu.memref_slice %arg6[%dma_wait3A_1961, %dma_wait3A_1962] : memref<128x64xf32, #tpu.memory_space<vmem>> -> memref<1x64xf32, #tpu.memory_space<vmem>>
    %dma_wait3A_1964 = arith.constant 0 : i32
    %dma_wait3A_1965 = tpu.memref_slice %arg3[%squeeze3A_88, %dma_wait3A_1964] : memref<1000000x64xf32, #tpu.memory_space<hbm>> -> memref<1x64xf32, #tpu.memory_space<hbm>>
    tpu.wait_dma2 semaphore(%arg7 : memref<!tpu.dma_semaphore, #tpu.memory_space<semaphore_mem>>) src(%dma_wait3A_1965 : memref<1x64xf32, #tpu.memory_space<hbm>>) dst(%dma_wait3A_1963 : memref<1x64xf32, #tpu.memory_space<vmem>>)
    %dma_wait3A_1966 = arith.constant 41 : i32
    %dma_wait3A_1967 = arith.constant 0 : i32
    %dma_wait3A_1968 = tpu.memref_slice %arg6[%dma_wait3A_1966, %dma_wait3A_1967] : memref<128x64xf32, #tpu.memory_space<vmem>> -> memref<1x64xf32, #tpu.memory_space<vmem>>
    %dma_wait3A_1969 = arith.constant 0 : i32
    %dma_wait3A_1970 = tpu.memref_slice %arg3[%squeeze3A_90, %dma_wait3A_1969] : memref<1000000x64xf32, #tpu.memory_space<hbm>> -> memref<1x64xf32, #tpu.memory_space<hbm>>
    %dma_wait3A_1971 = arith.constant 41 : i32
    %dma_wait3A_1972 = arith.constant 0 : i32
    %dma_wait3A_1973 = tpu.memref_slice %arg6[%dma_wait3A_1971, %dma_wait3A_1972] : memref<128x64xf32, #tpu.memory_space<vmem>> -> memref<1x64xf32, #tpu.memory_space<vmem>>
    %dma_wait3A_1974 = arith.constant 0 : i32
    %dma_wait3A_1975 = tpu.memref_slice %arg3[%squeeze3A_90, %dma_wait3A_1974] : memref<1000000x64xf32, #tpu.memory_space<hbm>> -> memref<1x64xf32, #tpu.memory_space<hbm>>
    tpu.wait_dma2 semaphore(%arg8 : memref<!tpu.dma_semaphore, #tpu.memory_space<semaphore_mem>>) src(%dma_wait3A_1975 : memref<1x64xf32, #tpu.memory_space<hbm>>) dst(%dma_wait3A_1973 : memref<1x64xf32, #tpu.memory_space<vmem>>)
    %dma_wait3A_1976 = arith.constant 42 : i32
    %dma_wait3A_1977 = arith.constant 0 : i32
    %dma_wait3A_1978 = tpu.memref_slice %arg6[%dma_wait3A_1976, %dma_wait3A_1977] : memref<128x64xf32, #tpu.memory_space<vmem>> -> memref<1x64xf32, #tpu.memory_space<vmem>>
    %dma_wait3A_1979 = arith.constant 0 : i32
    %dma_wait3A_1980 = tpu.memref_slice %arg3[%squeeze3A_92, %dma_wait3A_1979] : memref<1000000x64xf32, #tpu.memory_space<hbm>> -> memref<1x64xf32, #tpu.memory_space<hbm>>
    %dma_wait3A_1981 = arith.constant 42 : i32
    %dma_wait3A_1982 = arith.constant 0 : i32
    %dma_wait3A_1983 = tpu.memref_slice %arg6[%dma_wait3A_1981, %dma_wait3A_1982] : memref<128x64xf32, #tpu.memory_space<vmem>> -> memref<1x64xf32, #tpu.memory_space<vmem>>
    %dma_wait3A_1984 = arith.constant 0 : i32
    %dma_wait3A_1985 = tpu.memref_slice %arg3[%squeeze3A_92, %dma_wait3A_1984] : memref<1000000x64xf32, #tpu.memory_space<hbm>> -> memref<1x64xf32, #tpu.memory_space<hbm>>
    tpu.wait_dma2 semaphore(%arg9 : memref<!tpu.dma_semaphore, #tpu.memory_space<semaphore_mem>>) src(%dma_wait3A_1985 : memref<1x64xf32, #tpu.memory_space<hbm>>) dst(%dma_wait3A_1983 : memref<1x64xf32, #tpu.memory_space<vmem>>)
    %dma_wait3A_1986 = arith.constant 43 : i32
    %dma_wait3A_1987 = arith.constant 0 : i32
    %dma_wait3A_1988 = tpu.memref_slice %arg6[%dma_wait3A_1986, %dma_wait3A_1987] : memref<128x64xf32, #tpu.memory_space<vmem>> -> memref<1x64xf32, #tpu.memory_space<vmem>>
    %dma_wait3A_1989 = arith.constant 0 : i32
    %dma_wait3A_1990 = tpu.memref_slice %arg3[%squeeze3A_94, %dma_wait3A_1989] : memref<1000000x64xf32, #tpu.memory_space<hbm>> -> memref<1x64xf32, #tpu.memory_space<hbm>>
    %dma_wait3A_1991 = arith.constant 43 : i32
    %dma_wait3A_1992 = arith.constant 0 : i32
    %dma_wait3A_1993 = tpu.memref_slice %arg6[%dma_wait3A_1991, %dma_wait3A_1992] : memref<128x64xf32, #tpu.memory_space<vmem>> -> memref<1x64xf32, #tpu.memory_space<vmem>>
    %dma_wait3A_1994 = arith.constant 0 : i32
    %dma_wait3A_1995 = tpu.memref_slice %arg3[%squeeze3A_94, %dma_wait3A_1994] : memref<1000000x64xf32, #tpu.memory_space<hbm>> -> memref<1x64xf32, #tpu.memory_space<hbm>>
    tpu.wait_dma2 semaphore(%arg10 : memref<!tpu.dma_semaphore, #tpu.memory_space<semaphore_mem>>) src(%dma_wait3A_1995 : memref<1x64xf32, #tpu.memory_space<hbm>>) dst(%dma_wait3A_1993 : memref<1x64xf32, #tpu.memory_space<vmem>>)
    %dma_wait3A_1996 = arith.constant 44 : i32
    %dma_wait3A_1997 = arith.constant 0 : i32
    %dma_wait3A_1998 = tpu.memref_slice %arg6[%dma_wait3A_1996, %dma_wait3A_1997] : memref<128x64xf32, #tpu.memory_space<vmem>> -> memref<1x64xf32, #tpu.memory_space<vmem>>
    %dma_wait3A_1999 = arith.constant 0 : i32
    %dma_wait3A_2000 = tpu.memref_slice %arg3[%squeeze3A_96, %dma_wait3A_1999] : memref<1000000x64xf32, #tpu.memory_space<hbm>> -> memref<1x64xf32, #tpu.memory_space<hbm>>
    %dma_wait3A_2001 = arith.constant 44 : i32
    %dma_wait3A_2002 = arith.constant 0 : i32
    %dma_wait3A_2003 = tpu.memref_slice %arg6[%dma_wait3A_2001, %dma_wait3A_2002] : memref<128x64xf32, #tpu.memory_space<vmem>> -> memref<1x64xf32, #tpu.memory_space<vmem>>
    %dma_wait3A_2004 = arith.constant 0 : i32
    %dma_wait3A_2005 = tpu.memref_slice %arg3[%squeeze3A_96, %dma_wait3A_2004] : memref<1000000x64xf32, #tpu.memory_space<hbm>> -> memref<1x64xf32, #tpu.memory_space<hbm>>
    tpu.wait_dma2 semaphore(%arg11 : memref<!tpu.dma_semaphore, #tpu.memory_space<semaphore_mem>>) src(%dma_wait3A_2005 : memref<1x64xf32, #tpu.memory_space<hbm>>) dst(%dma_wait3A_2003 : memref<1x64xf32, #tpu.memory_space<vmem>>)
    %dma_wait3A_2006 = arith.constant 45 : i32
    %dma_wait3A_2007 = arith.constant 0 : i32
    %dma_wait3A_2008 = tpu.memref_slice %arg6[%dma_wait3A_2006, %dma_wait3A_2007] : memref<128x64xf32, #tpu.memory_space<vmem>> -> memref<1x64xf32, #tpu.memory_space<vmem>>
    %dma_wait3A_2009 = arith.constant 0 : i32
    %dma_wait3A_2010 = tpu.memref_slice %arg3[%squeeze3A_98, %dma_wait3A_2009] : memref<1000000x64xf32, #tpu.memory_space<hbm>> -> memref<1x64xf32, #tpu.memory_space<hbm>>
    %dma_wait3A_2011 = arith.constant 45 : i32
    %dma_wait3A_2012 = arith.constant 0 : i32
    %dma_wait3A_2013 = tpu.memref_slice %arg6[%dma_wait3A_2011, %dma_wait3A_2012] : memref<128x64xf32, #tpu.memory_space<vmem>> -> memref<1x64xf32, #tpu.memory_space<vmem>>
    %dma_wait3A_2014 = arith.constant 0 : i32
    %dma_wait3A_2015 = tpu.memref_slice %arg3[%squeeze3A_98, %dma_wait3A_2014] : memref<1000000x64xf32, #tpu.memory_space<hbm>> -> memref<1x64xf32, #tpu.memory_space<hbm>>
    tpu.wait_dma2 semaphore(%arg12 : memref<!tpu.dma_semaphore, #tpu.memory_space<semaphore_mem>>) src(%dma_wait3A_2015 : memref<1x64xf32, #tpu.memory_space<hbm>>) dst(%dma_wait3A_2013 : memref<1x64xf32, #tpu.memory_space<vmem>>)
    %dma_wait3A_2016 = arith.constant 46 : i32
    %dma_wait3A_2017 = arith.constant 0 : i32
    %dma_wait3A_2018 = tpu.memref_slice %arg6[%dma_wait3A_2016, %dma_wait3A_2017] : memref<128x64xf32, #tpu.memory_space<vmem>> -> memref<1x64xf32, #tpu.memory_space<vmem>>
    %dma_wait3A_2019 = arith.constant 0 : i32
    %dma_wait3A_2020 = tpu.memref_slice %arg3[%squeeze3A_100, %dma_wait3A_2019] : memref<1000000x64xf32, #tpu.memory_space<hbm>> -> memref<1x64xf32, #tpu.memory_space<hbm>>
    %dma_wait3A_2021 = arith.constant 46 : i32
    %dma_wait3A_2022 = arith.constant 0 : i32
    %dma_wait3A_2023 = tpu.memref_slice %arg6[%dma_wait3A_2021, %dma_wait3A_2022] : memref<128x64xf32, #tpu.memory_space<vmem>> -> memref<1x64xf32, #tpu.memory_space<vmem>>
    %dma_wait3A_2024 = arith.constant 0 : i32
    %dma_wait3A_2025 = tpu.memref_slice %arg3[%squeeze3A_100, %dma_wait3A_2024] : memref<1000000x64xf32, #tpu.memory_space<hbm>> -> memref<1x64xf32, #tpu.memory_space<hbm>>
    tpu.wait_dma2 semaphore(%arg13 : memref<!tpu.dma_semaphore, #tpu.memory_space<semaphore_mem>>) src(%dma_wait3A_2025 : memref<1x64xf32, #tpu.memory_space<hbm>>) dst(%dma_wait3A_2023 : memref<1x64xf32, #tpu.memory_space<vmem>>)
    %dma_wait3A_2026 = arith.constant 47 : i32
    %dma_wait3A_2027 = arith.constant 0 : i32
    %dma_wait3A_2028 = tpu.memref_slice %arg6[%dma_wait3A_2026, %dma_wait3A_2027] : memref<128x64xf32, #tpu.memory_space<vmem>> -> memref<1x64xf32, #tpu.memory_space<vmem>>
    %dma_wait3A_2029 = arith.constant 0 : i32
    %dma_wait3A_2030 = tpu.memref_slice %arg3[%squeeze3A_102, %dma_wait3A_2029] : memref<1000000x64xf32, #tpu.memory_space<hbm>> -> memref<1x64xf32, #tpu.memory_space<hbm>>
    %dma_wait3A_2031 = arith.constant 47 : i32
    %dma_wait3A_2032 = arith.constant 0 : i32
    %dma_wait3A_2033 = tpu.memref_slice %arg6[%dma_wait3A_2031, %dma_wait3A_2032] : memref<128x64xf32, #tpu.memory_space<vmem>> -> memref<1x64xf32, #tpu.memory_space<vmem>>
    %dma_wait3A_2034 = arith.constant 0 : i32
    %dma_wait3A_2035 = tpu.memref_slice %arg3[%squeeze3A_102, %dma_wait3A_2034] : memref<1000000x64xf32, #tpu.memory_space<hbm>> -> memref<1x64xf32, #tpu.memory_space<hbm>>
    tpu.wait_dma2 semaphore(%arg14 : memref<!tpu.dma_semaphore, #tpu.memory_space<semaphore_mem>>) src(%dma_wait3A_2035 : memref<1x64xf32, #tpu.memory_space<hbm>>) dst(%dma_wait3A_2033 : memref<1x64xf32, #tpu.memory_space<vmem>>)
    %dma_wait3A_2036 = arith.constant 48 : i32
    %dma_wait3A_2037 = arith.constant 0 : i32
    %dma_wait3A_2038 = tpu.memref_slice %arg6[%dma_wait3A_2036, %dma_wait3A_2037] : memref<128x64xf32, #tpu.memory_space<vmem>> -> memref<1x64xf32, #tpu.memory_space<vmem>>
    %dma_wait3A_2039 = arith.constant 0 : i32
    %dma_wait3A_2040 = tpu.memref_slice %arg3[%squeeze3A_107, %dma_wait3A_2039] : memref<1000000x64xf32, #tpu.memory_space<hbm>> -> memref<1x64xf32, #tpu.memory_space<hbm>>
    %dma_wait3A_2041 = arith.constant 48 : i32
    %dma_wait3A_2042 = arith.constant 0 : i32
    %dma_wait3A_2043 = tpu.memref_slice %arg6[%dma_wait3A_2041, %dma_wait3A_2042] : memref<128x64xf32, #tpu.memory_space<vmem>> -> memref<1x64xf32, #tpu.memory_space<vmem>>
    %dma_wait3A_2044 = arith.constant 0 : i32
    %dma_wait3A_2045 = tpu.memref_slice %arg3[%squeeze3A_107, %dma_wait3A_2044] : memref<1000000x64xf32, #tpu.memory_space<hbm>> -> memref<1x64xf32, #tpu.memory_space<hbm>>
    tpu.wait_dma2 semaphore(%arg7 : memref<!tpu.dma_semaphore, #tpu.memory_space<semaphore_mem>>) src(%dma_wait3A_2045 : memref<1x64xf32, #tpu.memory_space<hbm>>) dst(%dma_wait3A_2043 : memref<1x64xf32, #tpu.memory_space<vmem>>)
    %dma_wait3A_2046 = arith.constant 49 : i32
    %dma_wait3A_2047 = arith.constant 0 : i32
    %dma_wait3A_2048 = tpu.memref_slice %arg6[%dma_wait3A_2046, %dma_wait3A_2047] : memref<128x64xf32, #tpu.memory_space<vmem>> -> memref<1x64xf32, #tpu.memory_space<vmem>>
    %dma_wait3A_2049 = arith.constant 0 : i32
    %dma_wait3A_2050 = tpu.memref_slice %arg3[%squeeze3A_109, %dma_wait3A_2049] : memref<1000000x64xf32, #tpu.memory_space<hbm>> -> memref<1x64xf32, #tpu.memory_space<hbm>>
    %dma_wait3A_2051 = arith.constant 49 : i32
    %dma_wait3A_2052 = arith.constant 0 : i32
    %dma_wait3A_2053 = tpu.memref_slice %arg6[%dma_wait3A_2051, %dma_wait3A_2052] : memref<128x64xf32, #tpu.memory_space<vmem>> -> memref<1x64xf32, #tpu.memory_space<vmem>>
    %dma_wait3A_2054 = arith.constant 0 : i32
    %dma_wait3A_2055 = tpu.memref_slice %arg3[%squeeze3A_109, %dma_wait3A_2054] : memref<1000000x64xf32, #tpu.memory_space<hbm>> -> memref<1x64xf32, #tpu.memory_space<hbm>>
    tpu.wait_dma2 semaphore(%arg8 : memref<!tpu.dma_semaphore, #tpu.memory_space<semaphore_mem>>) src(%dma_wait3A_2055 : memref<1x64xf32, #tpu.memory_space<hbm>>) dst(%dma_wait3A_2053 : memref<1x64xf32, #tpu.memory_space<vmem>>)
    %dma_wait3A_2056 = arith.constant 50 : i32
    %dma_wait3A_2057 = arith.constant 0 : i32
    %dma_wait3A_2058 = tpu.memref_slice %arg6[%dma_wait3A_2056, %dma_wait3A_2057] : memref<128x64xf32, #tpu.memory_space<vmem>> -> memref<1x64xf32, #tpu.memory_space<vmem>>
    %dma_wait3A_2059 = arith.constant 0 : i32
    %dma_wait3A_2060 = tpu.memref_slice %arg3[%squeeze3A_111, %dma_wait3A_2059] : memref<1000000x64xf32, #tpu.memory_space<hbm>> -> memref<1x64xf32, #tpu.memory_space<hbm>>
    %dma_wait3A_2061 = arith.constant 50 : i32
    %dma_wait3A_2062 = arith.constant 0 : i32
    %dma_wait3A_2063 = tpu.memref_slice %arg6[%dma_wait3A_2061, %dma_wait3A_2062] : memref<128x64xf32, #tpu.memory_space<vmem>> -> memref<1x64xf32, #tpu.memory_space<vmem>>
    %dma_wait3A_2064 = arith.constant 0 : i32
    %dma_wait3A_2065 = tpu.memref_slice %arg3[%squeeze3A_111, %dma_wait3A_2064] : memref<1000000x64xf32, #tpu.memory_space<hbm>> -> memref<1x64xf32, #tpu.memory_space<hbm>>
    tpu.wait_dma2 semaphore(%arg9 : memref<!tpu.dma_semaphore, #tpu.memory_space<semaphore_mem>>) src(%dma_wait3A_2065 : memref<1x64xf32, #tpu.memory_space<hbm>>) dst(%dma_wait3A_2063 : memref<1x64xf32, #tpu.memory_space<vmem>>)
    %dma_wait3A_2066 = arith.constant 51 : i32
    %dma_wait3A_2067 = arith.constant 0 : i32
    %dma_wait3A_2068 = tpu.memref_slice %arg6[%dma_wait3A_2066, %dma_wait3A_2067] : memref<128x64xf32, #tpu.memory_space<vmem>> -> memref<1x64xf32, #tpu.memory_space<vmem>>
    %dma_wait3A_2069 = arith.constant 0 : i32
    %dma_wait3A_2070 = tpu.memref_slice %arg3[%squeeze3A_113, %dma_wait3A_2069] : memref<1000000x64xf32, #tpu.memory_space<hbm>> -> memref<1x64xf32, #tpu.memory_space<hbm>>
    %dma_wait3A_2071 = arith.constant 51 : i32
    %dma_wait3A_2072 = arith.constant 0 : i32
    %dma_wait3A_2073 = tpu.memref_slice %arg6[%dma_wait3A_2071, %dma_wait3A_2072] : memref<128x64xf32, #tpu.memory_space<vmem>> -> memref<1x64xf32, #tpu.memory_space<vmem>>
    %dma_wait3A_2074 = arith.constant 0 : i32
    %dma_wait3A_2075 = tpu.memref_slice %arg3[%squeeze3A_113, %dma_wait3A_2074] : memref<1000000x64xf32, #tpu.memory_space<hbm>> -> memref<1x64xf32, #tpu.memory_space<hbm>>
    tpu.wait_dma2 semaphore(%arg10 : memref<!tpu.dma_semaphore, #tpu.memory_space<semaphore_mem>>) src(%dma_wait3A_2075 : memref<1x64xf32, #tpu.memory_space<hbm>>) dst(%dma_wait3A_2073 : memref<1x64xf32, #tpu.memory_space<vmem>>)
    %dma_wait3A_2076 = arith.constant 52 : i32
    %dma_wait3A_2077 = arith.constant 0 : i32
    %dma_wait3A_2078 = tpu.memref_slice %arg6[%dma_wait3A_2076, %dma_wait3A_2077] : memref<128x64xf32, #tpu.memory_space<vmem>> -> memref<1x64xf32, #tpu.memory_space<vmem>>
    %dma_wait3A_2079 = arith.constant 0 : i32
    %dma_wait3A_2080 = tpu.memref_slice %arg3[%squeeze3A_115, %dma_wait3A_2079] : memref<1000000x64xf32, #tpu.memory_space<hbm>> -> memref<1x64xf32, #tpu.memory_space<hbm>>
    %dma_wait3A_2081 = arith.constant 52 : i32
    %dma_wait3A_2082 = arith.constant 0 : i32
    %dma_wait3A_2083 = tpu.memref_slice %arg6[%dma_wait3A_2081, %dma_wait3A_2082] : memref<128x64xf32, #tpu.memory_space<vmem>> -> memref<1x64xf32, #tpu.memory_space<vmem>>
    %dma_wait3A_2084 = arith.constant 0 : i32
    %dma_wait3A_2085 = tpu.memref_slice %arg3[%squeeze3A_115, %dma_wait3A_2084] : memref<1000000x64xf32, #tpu.memory_space<hbm>> -> memref<1x64xf32, #tpu.memory_space<hbm>>
    tpu.wait_dma2 semaphore(%arg11 : memref<!tpu.dma_semaphore, #tpu.memory_space<semaphore_mem>>) src(%dma_wait3A_2085 : memref<1x64xf32, #tpu.memory_space<hbm>>) dst(%dma_wait3A_2083 : memref<1x64xf32, #tpu.memory_space<vmem>>)
    %dma_wait3A_2086 = arith.constant 53 : i32
    %dma_wait3A_2087 = arith.constant 0 : i32
    %dma_wait3A_2088 = tpu.memref_slice %arg6[%dma_wait3A_2086, %dma_wait3A_2087] : memref<128x64xf32, #tpu.memory_space<vmem>> -> memref<1x64xf32, #tpu.memory_space<vmem>>
    %dma_wait3A_2089 = arith.constant 0 : i32
    %dma_wait3A_2090 = tpu.memref_slice %arg3[%squeeze3A_117, %dma_wait3A_2089] : memref<1000000x64xf32, #tpu.memory_space<hbm>> -> memref<1x64xf32, #tpu.memory_space<hbm>>
    %dma_wait3A_2091 = arith.constant 53 : i32
    %dma_wait3A_2092 = arith.constant 0 : i32
    %dma_wait3A_2093 = tpu.memref_slice %arg6[%dma_wait3A_2091, %dma_wait3A_2092] : memref<128x64xf32, #tpu.memory_space<vmem>> -> memref<1x64xf32, #tpu.memory_space<vmem>>
    %dma_wait3A_2094 = arith.constant 0 : i32
    %dma_wait3A_2095 = tpu.memref_slice %arg3[%squeeze3A_117, %dma_wait3A_2094] : memref<1000000x64xf32, #tpu.memory_space<hbm>> -> memref<1x64xf32, #tpu.memory_space<hbm>>
    tpu.wait_dma2 semaphore(%arg12 : memref<!tpu.dma_semaphore, #tpu.memory_space<semaphore_mem>>) src(%dma_wait3A_2095 : memref<1x64xf32, #tpu.memory_space<hbm>>) dst(%dma_wait3A_2093 : memref<1x64xf32, #tpu.memory_space<vmem>>)
    %dma_wait3A_2096 = arith.constant 54 : i32
    %dma_wait3A_2097 = arith.constant 0 : i32
    %dma_wait3A_2098 = tpu.memref_slice %arg6[%dma_wait3A_2096, %dma_wait3A_2097] : memref<128x64xf32, #tpu.memory_space<vmem>> -> memref<1x64xf32, #tpu.memory_space<vmem>>
    %dma_wait3A_2099 = arith.constant 0 : i32
    %dma_wait3A_2100 = tpu.memref_slice %arg3[%squeeze3A_119, %dma_wait3A_2099] : memref<1000000x64xf32, #tpu.memory_space<hbm>> -> memref<1x64xf32, #tpu.memory_space<hbm>>
    %dma_wait3A_2101 = arith.constant 54 : i32
    %dma_wait3A_2102 = arith.constant 0 : i32
    %dma_wait3A_2103 = tpu.memref_slice %arg6[%dma_wait3A_2101, %dma_wait3A_2102] : memref<128x64xf32, #tpu.memory_space<vmem>> -> memref<1x64xf32, #tpu.memory_space<vmem>>
    %dma_wait3A_2104 = arith.constant 0 : i32
    %dma_wait3A_2105 = tpu.memref_slice %arg3[%squeeze3A_119, %dma_wait3A_2104] : memref<1000000x64xf32, #tpu.memory_space<hbm>> -> memref<1x64xf32, #tpu.memory_space<hbm>>
    tpu.wait_dma2 semaphore(%arg13 : memref<!tpu.dma_semaphore, #tpu.memory_space<semaphore_mem>>) src(%dma_wait3A_2105 : memref<1x64xf32, #tpu.memory_space<hbm>>) dst(%dma_wait3A_2103 : memref<1x64xf32, #tpu.memory_space<vmem>>)
    %dma_wait3A_2106 = arith.constant 55 : i32
    %dma_wait3A_2107 = arith.constant 0 : i32
    %dma_wait3A_2108 = tpu.memref_slice %arg6[%dma_wait3A_2106, %dma_wait3A_2107] : memref<128x64xf32, #tpu.memory_space<vmem>> -> memref<1x64xf32, #tpu.memory_space<vmem>>
    %dma_wait3A_2109 = arith.constant 0 : i32
    %dma_wait3A_2110 = tpu.memref_slice %arg3[%squeeze3A_121, %dma_wait3A_2109] : memref<1000000x64xf32, #tpu.memory_space<hbm>> -> memref<1x64xf32, #tpu.memory_space<hbm>>
    %dma_wait3A_2111 = arith.constant 55 : i32
    %dma_wait3A_2112 = arith.constant 0 : i32
    %dma_wait3A_2113 = tpu.memref_slice %arg6[%dma_wait3A_2111, %dma_wait3A_2112] : memref<128x64xf32, #tpu.memory_space<vmem>> -> memref<1x64xf32, #tpu.memory_space<vmem>>
    %dma_wait3A_2114 = arith.constant 0 : i32
    %dma_wait3A_2115 = tpu.memref_slice %arg3[%squeeze3A_121, %dma_wait3A_2114] : memref<1000000x64xf32, #tpu.memory_space<hbm>> -> memref<1x64xf32, #tpu.memory_space<hbm>>
    tpu.wait_dma2 semaphore(%arg14 : memref<!tpu.dma_semaphore, #tpu.memory_space<semaphore_mem>>) src(%dma_wait3A_2115 : memref<1x64xf32, #tpu.memory_space<hbm>>) dst(%dma_wait3A_2113 : memref<1x64xf32, #tpu.memory_space<vmem>>)
    %dma_wait3A_2116 = arith.constant 56 : i32
    %dma_wait3A_2117 = arith.constant 0 : i32
    %dma_wait3A_2118 = tpu.memref_slice %arg6[%dma_wait3A_2116, %dma_wait3A_2117] : memref<128x64xf32, #tpu.memory_space<vmem>> -> memref<1x64xf32, #tpu.memory_space<vmem>>
    %dma_wait3A_2119 = arith.constant 0 : i32
    %dma_wait3A_2120 = tpu.memref_slice %arg3[%squeeze3A_123, %dma_wait3A_2119] : memref<1000000x64xf32, #tpu.memory_space<hbm>> -> memref<1x64xf32, #tpu.memory_space<hbm>>
    %dma_wait3A_2121 = arith.constant 56 : i32
    %dma_wait3A_2122 = arith.constant 0 : i32
    %dma_wait3A_2123 = tpu.memref_slice %arg6[%dma_wait3A_2121, %dma_wait3A_2122] : memref<128x64xf32, #tpu.memory_space<vmem>> -> memref<1x64xf32, #tpu.memory_space<vmem>>
    %dma_wait3A_2124 = arith.constant 0 : i32
    %dma_wait3A_2125 = tpu.memref_slice %arg3[%squeeze3A_123, %dma_wait3A_2124] : memref<1000000x64xf32, #tpu.memory_space<hbm>> -> memref<1x64xf32, #tpu.memory_space<hbm>>
    tpu.wait_dma2 semaphore(%arg7 : memref<!tpu.dma_semaphore, #tpu.memory_space<semaphore_mem>>) src(%dma_wait3A_2125 : memref<1x64xf32, #tpu.memory_space<hbm>>) dst(%dma_wait3A_2123 : memref<1x64xf32, #tpu.memory_space<vmem>>)
    %dma_wait3A_2126 = arith.constant 57 : i32
    %dma_wait3A_2127 = arith.constant 0 : i32
    %dma_wait3A_2128 = tpu.memref_slice %arg6[%dma_wait3A_2126, %dma_wait3A_2127] : memref<128x64xf32, #tpu.memory_space<vmem>> -> memref<1x64xf32, #tpu.memory_space<vmem>>
    %dma_wait3A_2129 = arith.constant 0 : i32
    %dma_wait3A_2130 = tpu.memref_slice %arg3[%squeeze3A_125, %dma_wait3A_2129] : memref<1000000x64xf32, #tpu.memory_space<hbm>> -> memref<1x64xf32, #tpu.memory_space<hbm>>
    %dma_wait3A_2131 = arith.constant 57 : i32
    %dma_wait3A_2132 = arith.constant 0 : i32
    %dma_wait3A_2133 = tpu.memref_slice %arg6[%dma_wait3A_2131, %dma_wait3A_2132] : memref<128x64xf32, #tpu.memory_space<vmem>> -> memref<1x64xf32, #tpu.memory_space<vmem>>
    %dma_wait3A_2134 = arith.constant 0 : i32
    %dma_wait3A_2135 = tpu.memref_slice %arg3[%squeeze3A_125, %dma_wait3A_2134] : memref<1000000x64xf32, #tpu.memory_space<hbm>> -> memref<1x64xf32, #tpu.memory_space<hbm>>
    tpu.wait_dma2 semaphore(%arg8 : memref<!tpu.dma_semaphore, #tpu.memory_space<semaphore_mem>>) src(%dma_wait3A_2135 : memref<1x64xf32, #tpu.memory_space<hbm>>) dst(%dma_wait3A_2133 : memref<1x64xf32, #tpu.memory_space<vmem>>)
    %dma_wait3A_2136 = arith.constant 58 : i32
    %dma_wait3A_2137 = arith.constant 0 : i32
    %dma_wait3A_2138 = tpu.memref_slice %arg6[%dma_wait3A_2136, %dma_wait3A_2137] : memref<128x64xf32, #tpu.memory_space<vmem>> -> memref<1x64xf32, #tpu.memory_space<vmem>>
    %dma_wait3A_2139 = arith.constant 0 : i32
    %dma_wait3A_2140 = tpu.memref_slice %arg3[%squeeze3A_127, %dma_wait3A_2139] : memref<1000000x64xf32, #tpu.memory_space<hbm>> -> memref<1x64xf32, #tpu.memory_space<hbm>>
    %dma_wait3A_2141 = arith.constant 58 : i32
    %dma_wait3A_2142 = arith.constant 0 : i32
    %dma_wait3A_2143 = tpu.memref_slice %arg6[%dma_wait3A_2141, %dma_wait3A_2142] : memref<128x64xf32, #tpu.memory_space<vmem>> -> memref<1x64xf32, #tpu.memory_space<vmem>>
    %dma_wait3A_2144 = arith.constant 0 : i32
    %dma_wait3A_2145 = tpu.memref_slice %arg3[%squeeze3A_127, %dma_wait3A_2144] : memref<1000000x64xf32, #tpu.memory_space<hbm>> -> memref<1x64xf32, #tpu.memory_space<hbm>>
    tpu.wait_dma2 semaphore(%arg9 : memref<!tpu.dma_semaphore, #tpu.memory_space<semaphore_mem>>) src(%dma_wait3A_2145 : memref<1x64xf32, #tpu.memory_space<hbm>>) dst(%dma_wait3A_2143 : memref<1x64xf32, #tpu.memory_space<vmem>>)
    %dma_wait3A_2146 = arith.constant 59 : i32
    %dma_wait3A_2147 = arith.constant 0 : i32
    %dma_wait3A_2148 = tpu.memref_slice %arg6[%dma_wait3A_2146, %dma_wait3A_2147] : memref<128x64xf32, #tpu.memory_space<vmem>> -> memref<1x64xf32, #tpu.memory_space<vmem>>
    %dma_wait3A_2149 = arith.constant 0 : i32
    %dma_wait3A_2150 = tpu.memref_slice %arg3[%squeeze3A_129, %dma_wait3A_2149] : memref<1000000x64xf32, #tpu.memory_space<hbm>> -> memref<1x64xf32, #tpu.memory_space<hbm>>
    %dma_wait3A_2151 = arith.constant 59 : i32
    %dma_wait3A_2152 = arith.constant 0 : i32
    %dma_wait3A_2153 = tpu.memref_slice %arg6[%dma_wait3A_2151, %dma_wait3A_2152] : memref<128x64xf32, #tpu.memory_space<vmem>> -> memref<1x64xf32, #tpu.memory_space<vmem>>
    %dma_wait3A_2154 = arith.constant 0 : i32
    %dma_wait3A_2155 = tpu.memref_slice %arg3[%squeeze3A_129, %dma_wait3A_2154] : memref<1000000x64xf32, #tpu.memory_space<hbm>> -> memref<1x64xf32, #tpu.memory_space<hbm>>
    tpu.wait_dma2 semaphore(%arg10 : memref<!tpu.dma_semaphore, #tpu.memory_space<semaphore_mem>>) src(%dma_wait3A_2155 : memref<1x64xf32, #tpu.memory_space<hbm>>) dst(%dma_wait3A_2153 : memref<1x64xf32, #tpu.memory_space<vmem>>)
    %dma_wait3A_2156 = arith.constant 60 : i32
    %dma_wait3A_2157 = arith.constant 0 : i32
    %dma_wait3A_2158 = tpu.memref_slice %arg6[%dma_wait3A_2156, %dma_wait3A_2157] : memref<128x64xf32, #tpu.memory_space<vmem>> -> memref<1x64xf32, #tpu.memory_space<vmem>>
    %dma_wait3A_2159 = arith.constant 0 : i32
    %dma_wait3A_2160 = tpu.memref_slice %arg3[%squeeze3A_131, %dma_wait3A_2159] : memref<1000000x64xf32, #tpu.memory_space<hbm>> -> memref<1x64xf32, #tpu.memory_space<hbm>>
    %dma_wait3A_2161 = arith.constant 60 : i32
    %dma_wait3A_2162 = arith.constant 0 : i32
    %dma_wait3A_2163 = tpu.memref_slice %arg6[%dma_wait3A_2161, %dma_wait3A_2162] : memref<128x64xf32, #tpu.memory_space<vmem>> -> memref<1x64xf32, #tpu.memory_space<vmem>>
    %dma_wait3A_2164 = arith.constant 0 : i32
    %dma_wait3A_2165 = tpu.memref_slice %arg3[%squeeze3A_131, %dma_wait3A_2164] : memref<1000000x64xf32, #tpu.memory_space<hbm>> -> memref<1x64xf32, #tpu.memory_space<hbm>>
    tpu.wait_dma2 semaphore(%arg11 : memref<!tpu.dma_semaphore, #tpu.memory_space<semaphore_mem>>) src(%dma_wait3A_2165 : memref<1x64xf32, #tpu.memory_space<hbm>>) dst(%dma_wait3A_2163 : memref<1x64xf32, #tpu.memory_space<vmem>>)
    %dma_wait3A_2166 = arith.constant 61 : i32
    %dma_wait3A_2167 = arith.constant 0 : i32
    %dma_wait3A_2168 = tpu.memref_slice %arg6[%dma_wait3A_2166, %dma_wait3A_2167] : memref<128x64xf32, #tpu.memory_space<vmem>> -> memref<1x64xf32, #tpu.memory_space<vmem>>
    %dma_wait3A_2169 = arith.constant 0 : i32
    %dma_wait3A_2170 = tpu.memref_slice %arg3[%squeeze3A_133, %dma_wait3A_2169] : memref<1000000x64xf32, #tpu.memory_space<hbm>> -> memref<1x64xf32, #tpu.memory_space<hbm>>
    %dma_wait3A_2171 = arith.constant 61 : i32
    %dma_wait3A_2172 = arith.constant 0 : i32
    %dma_wait3A_2173 = tpu.memref_slice %arg6[%dma_wait3A_2171, %dma_wait3A_2172] : memref<128x64xf32, #tpu.memory_space<vmem>> -> memref<1x64xf32, #tpu.memory_space<vmem>>
    %dma_wait3A_2174 = arith.constant 0 : i32
    %dma_wait3A_2175 = tpu.memref_slice %arg3[%squeeze3A_133, %dma_wait3A_2174] : memref<1000000x64xf32, #tpu.memory_space<hbm>> -> memref<1x64xf32, #tpu.memory_space<hbm>>
    tpu.wait_dma2 semaphore(%arg12 : memref<!tpu.dma_semaphore, #tpu.memory_space<semaphore_mem>>) src(%dma_wait3A_2175 : memref<1x64xf32, #tpu.memory_space<hbm>>) dst(%dma_wait3A_2173 : memref<1x64xf32, #tpu.memory_space<vmem>>)
    %dma_wait3A_2176 = arith.constant 62 : i32
    %dma_wait3A_2177 = arith.constant 0 : i32
    %dma_wait3A_2178 = tpu.memref_slice %arg6[%dma_wait3A_2176, %dma_wait3A_2177] : memref<128x64xf32, #tpu.memory_space<vmem>> -> memref<1x64xf32, #tpu.memory_space<vmem>>
    %dma_wait3A_2179 = arith.constant 0 : i32
    %dma_wait3A_2180 = tpu.memref_slice %arg3[%squeeze3A_135, %dma_wait3A_2179] : memref<1000000x64xf32, #tpu.memory_space<hbm>> -> memref<1x64xf32, #tpu.memory_space<hbm>>
    %dma_wait3A_2181 = arith.constant 62 : i32
    %dma_wait3A_2182 = arith.constant 0 : i32
    %dma_wait3A_2183 = tpu.memref_slice %arg6[%dma_wait3A_2181, %dma_wait3A_2182] : memref<128x64xf32, #tpu.memory_space<vmem>> -> memref<1x64xf32, #tpu.memory_space<vmem>>
    %dma_wait3A_2184 = arith.constant 0 : i32
    %dma_wait3A_2185 = tpu.memref_slice %arg3[%squeeze3A_135, %dma_wait3A_2184] : memref<1000000x64xf32, #tpu.memory_space<hbm>> -> memref<1x64xf32, #tpu.memory_space<hbm>>
    tpu.wait_dma2 semaphore(%arg13 : memref<!tpu.dma_semaphore, #tpu.memory_space<semaphore_mem>>) src(%dma_wait3A_2185 : memref<1x64xf32, #tpu.memory_space<hbm>>) dst(%dma_wait3A_2183 : memref<1x64xf32, #tpu.memory_space<vmem>>)
    %dma_wait3A_2186 = arith.constant 63 : i32
    %dma_wait3A_2187 = arith.constant 0 : i32
    %dma_wait3A_2188 = tpu.memref_slice %arg6[%dma_wait3A_2186, %dma_wait3A_2187] : memref<128x64xf32, #tpu.memory_space<vmem>> -> memref<1x64xf32, #tpu.memory_space<vmem>>
    %dma_wait3A_2189 = arith.constant 0 : i32
    %dma_wait3A_2190 = tpu.memref_slice %arg3[%squeeze3A_137, %dma_wait3A_2189] : memref<1000000x64xf32, #tpu.memory_space<hbm>> -> memref<1x64xf32, #tpu.memory_space<hbm>>
    %dma_wait3A_2191 = arith.constant 63 : i32
    %dma_wait3A_2192 = arith.constant 0 : i32
    %dma_wait3A_2193 = tpu.memref_slice %arg6[%dma_wait3A_2191, %dma_wait3A_2192] : memref<128x64xf32, #tpu.memory_space<vmem>> -> memref<1x64xf32, #tpu.memory_space<vmem>>
    %dma_wait3A_2194 = arith.constant 0 : i32
    %dma_wait3A_2195 = tpu.memref_slice %arg3[%squeeze3A_137, %dma_wait3A_2194] : memref<1000000x64xf32, #tpu.memory_space<hbm>> -> memref<1x64xf32, #tpu.memory_space<hbm>>
    tpu.wait_dma2 semaphore(%arg14 : memref<!tpu.dma_semaphore, #tpu.memory_space<semaphore_mem>>) src(%dma_wait3A_2195 : memref<1x64xf32, #tpu.memory_space<hbm>>) dst(%dma_wait3A_2193 : memref<1x64xf32, #tpu.memory_space<vmem>>)
    %dma_wait3A_2196 = arith.constant 64 : i32
    %dma_wait3A_2197 = arith.constant 0 : i32
    %dma_wait3A_2198 = tpu.memref_slice %arg6[%dma_wait3A_2196, %dma_wait3A_2197] : memref<128x64xf32, #tpu.memory_space<vmem>> -> memref<1x64xf32, #tpu.memory_space<vmem>>
    %dma_wait3A_2199 = arith.constant 0 : i32
    %dma_wait3A_2200 = tpu.memref_slice %arg3[%squeeze3A_142, %dma_wait3A_2199] : memref<1000000x64xf32, #tpu.memory_space<hbm>> -> memref<1x64xf32, #tpu.memory_space<hbm>>
    %dma_wait3A_2201 = arith.constant 64 : i32
    %dma_wait3A_2202 = arith.constant 0 : i32
    %dma_wait3A_2203 = tpu.memref_slice %arg6[%dma_wait3A_2201, %dma_wait3A_2202] : memref<128x64xf32, #tpu.memory_space<vmem>> -> memref<1x64xf32, #tpu.memory_space<vmem>>
    %dma_wait3A_2204 = arith.constant 0 : i32
    %dma_wait3A_2205 = tpu.memref_slice %arg3[%squeeze3A_142, %dma_wait3A_2204] : memref<1000000x64xf32, #tpu.memory_space<hbm>> -> memref<1x64xf32, #tpu.memory_space<hbm>>
    tpu.wait_dma2 semaphore(%arg7 : memref<!tpu.dma_semaphore, #tpu.memory_space<semaphore_mem>>) src(%dma_wait3A_2205 : memref<1x64xf32, #tpu.memory_space<hbm>>) dst(%dma_wait3A_2203 : memref<1x64xf32, #tpu.memory_space<vmem>>)
    %dma_wait3A_2206 = arith.constant 65 : i32
    %dma_wait3A_2207 = arith.constant 0 : i32
    %dma_wait3A_2208 = tpu.memref_slice %arg6[%dma_wait3A_2206, %dma_wait3A_2207] : memref<128x64xf32, #tpu.memory_space<vmem>> -> memref<1x64xf32, #tpu.memory_space<vmem>>
    %dma_wait3A_2209 = arith.constant 0 : i32
    %dma_wait3A_2210 = tpu.memref_slice %arg3[%squeeze3A_144, %dma_wait3A_2209] : memref<1000000x64xf32, #tpu.memory_space<hbm>> -> memref<1x64xf32, #tpu.memory_space<hbm>>
    %dma_wait3A_2211 = arith.constant 65 : i32
    %dma_wait3A_2212 = arith.constant 0 : i32
    %dma_wait3A_2213 = tpu.memref_slice %arg6[%dma_wait3A_2211, %dma_wait3A_2212] : memref<128x64xf32, #tpu.memory_space<vmem>> -> memref<1x64xf32, #tpu.memory_space<vmem>>
    %dma_wait3A_2214 = arith.constant 0 : i32
    %dma_wait3A_2215 = tpu.memref_slice %arg3[%squeeze3A_144, %dma_wait3A_2214] : memref<1000000x64xf32, #tpu.memory_space<hbm>> -> memref<1x64xf32, #tpu.memory_space<hbm>>
    tpu.wait_dma2 semaphore(%arg8 : memref<!tpu.dma_semaphore, #tpu.memory_space<semaphore_mem>>) src(%dma_wait3A_2215 : memref<1x64xf32, #tpu.memory_space<hbm>>) dst(%dma_wait3A_2213 : memref<1x64xf32, #tpu.memory_space<vmem>>)
    %dma_wait3A_2216 = arith.constant 66 : i32
    %dma_wait3A_2217 = arith.constant 0 : i32
    %dma_wait3A_2218 = tpu.memref_slice %arg6[%dma_wait3A_2216, %dma_wait3A_2217] : memref<128x64xf32, #tpu.memory_space<vmem>> -> memref<1x64xf32, #tpu.memory_space<vmem>>
    %dma_wait3A_2219 = arith.constant 0 : i32
    %dma_wait3A_2220 = tpu.memref_slice %arg3[%squeeze3A_146, %dma_wait3A_2219] : memref<1000000x64xf32, #tpu.memory_space<hbm>> -> memref<1x64xf32, #tpu.memory_space<hbm>>
    %dma_wait3A_2221 = arith.constant 66 : i32
    %dma_wait3A_2222 = arith.constant 0 : i32
    %dma_wait3A_2223 = tpu.memref_slice %arg6[%dma_wait3A_2221, %dma_wait3A_2222] : memref<128x64xf32, #tpu.memory_space<vmem>> -> memref<1x64xf32, #tpu.memory_space<vmem>>
    %dma_wait3A_2224 = arith.constant 0 : i32
    %dma_wait3A_2225 = tpu.memref_slice %arg3[%squeeze3A_146, %dma_wait3A_2224] : memref<1000000x64xf32, #tpu.memory_space<hbm>> -> memref<1x64xf32, #tpu.memory_space<hbm>>
    tpu.wait_dma2 semaphore(%arg9 : memref<!tpu.dma_semaphore, #tpu.memory_space<semaphore_mem>>) src(%dma_wait3A_2225 : memref<1x64xf32, #tpu.memory_space<hbm>>) dst(%dma_wait3A_2223 : memref<1x64xf32, #tpu.memory_space<vmem>>)
    %dma_wait3A_2226 = arith.constant 67 : i32
    %dma_wait3A_2227 = arith.constant 0 : i32
    %dma_wait3A_2228 = tpu.memref_slice %arg6[%dma_wait3A_2226, %dma_wait3A_2227] : memref<128x64xf32, #tpu.memory_space<vmem>> -> memref<1x64xf32, #tpu.memory_space<vmem>>
    %dma_wait3A_2229 = arith.constant 0 : i32
    %dma_wait3A_2230 = tpu.memref_slice %arg3[%squeeze3A_148, %dma_wait3A_2229] : memref<1000000x64xf32, #tpu.memory_space<hbm>> -> memref<1x64xf32, #tpu.memory_space<hbm>>
    %dma_wait3A_2231 = arith.constant 67 : i32
    %dma_wait3A_2232 = arith.constant 0 : i32
    %dma_wait3A_2233 = tpu.memref_slice %arg6[%dma_wait3A_2231, %dma_wait3A_2232] : memref<128x64xf32, #tpu.memory_space<vmem>> -> memref<1x64xf32, #tpu.memory_space<vmem>>
    %dma_wait3A_2234 = arith.constant 0 : i32
    %dma_wait3A_2235 = tpu.memref_slice %arg3[%squeeze3A_148, %dma_wait3A_2234] : memref<1000000x64xf32, #tpu.memory_space<hbm>> -> memref<1x64xf32, #tpu.memory_space<hbm>>
    tpu.wait_dma2 semaphore(%arg10 : memref<!tpu.dma_semaphore, #tpu.memory_space<semaphore_mem>>) src(%dma_wait3A_2235 : memref<1x64xf32, #tpu.memory_space<hbm>>) dst(%dma_wait3A_2233 : memref<1x64xf32, #tpu.memory_space<vmem>>)
    %dma_wait3A_2236 = arith.constant 68 : i32
    %dma_wait3A_2237 = arith.constant 0 : i32
    %dma_wait3A_2238 = tpu.memref_slice %arg6[%dma_wait3A_2236, %dma_wait3A_2237] : memref<128x64xf32, #tpu.memory_space<vmem>> -> memref<1x64xf32, #tpu.memory_space<vmem>>
    %dma_wait3A_2239 = arith.constant 0 : i32
    %dma_wait3A_2240 = tpu.memref_slice %arg3[%squeeze3A_150, %dma_wait3A_2239] : memref<1000000x64xf32, #tpu.memory_space<hbm>> -> memref<1x64xf32, #tpu.memory_space<hbm>>
    %dma_wait3A_2241 = arith.constant 68 : i32
    %dma_wait3A_2242 = arith.constant 0 : i32
    %dma_wait3A_2243 = tpu.memref_slice %arg6[%dma_wait3A_2241, %dma_wait3A_2242] : memref<128x64xf32, #tpu.memory_space<vmem>> -> memref<1x64xf32, #tpu.memory_space<vmem>>
    %dma_wait3A_2244 = arith.constant 0 : i32
    %dma_wait3A_2245 = tpu.memref_slice %arg3[%squeeze3A_150, %dma_wait3A_2244] : memref<1000000x64xf32, #tpu.memory_space<hbm>> -> memref<1x64xf32, #tpu.memory_space<hbm>>
    tpu.wait_dma2 semaphore(%arg11 : memref<!tpu.dma_semaphore, #tpu.memory_space<semaphore_mem>>) src(%dma_wait3A_2245 : memref<1x64xf32, #tpu.memory_space<hbm>>) dst(%dma_wait3A_2243 : memref<1x64xf32, #tpu.memory_space<vmem>>)
    %dma_wait3A_2246 = arith.constant 69 : i32
    %dma_wait3A_2247 = arith.constant 0 : i32
    %dma_wait3A_2248 = tpu.memref_slice %arg6[%dma_wait3A_2246, %dma_wait3A_2247] : memref<128x64xf32, #tpu.memory_space<vmem>> -> memref<1x64xf32, #tpu.memory_space<vmem>>
    %dma_wait3A_2249 = arith.constant 0 : i32
    %dma_wait3A_2250 = tpu.memref_slice %arg3[%squeeze3A_152, %dma_wait3A_2249] : memref<1000000x64xf32, #tpu.memory_space<hbm>> -> memref<1x64xf32, #tpu.memory_space<hbm>>
    %dma_wait3A_2251 = arith.constant 69 : i32
    %dma_wait3A_2252 = arith.constant 0 : i32
    %dma_wait3A_2253 = tpu.memref_slice %arg6[%dma_wait3A_2251, %dma_wait3A_2252] : memref<128x64xf32, #tpu.memory_space<vmem>> -> memref<1x64xf32, #tpu.memory_space<vmem>>
    %dma_wait3A_2254 = arith.constant 0 : i32
    %dma_wait3A_2255 = tpu.memref_slice %arg3[%squeeze3A_152, %dma_wait3A_2254] : memref<1000000x64xf32, #tpu.memory_space<hbm>> -> memref<1x64xf32, #tpu.memory_space<hbm>>
    tpu.wait_dma2 semaphore(%arg12 : memref<!tpu.dma_semaphore, #tpu.memory_space<semaphore_mem>>) src(%dma_wait3A_2255 : memref<1x64xf32, #tpu.memory_space<hbm>>) dst(%dma_wait3A_2253 : memref<1x64xf32, #tpu.memory_space<vmem>>)
    %dma_wait3A_2256 = arith.constant 70 : i32
    %dma_wait3A_2257 = arith.constant 0 : i32
    %dma_wait3A_2258 = tpu.memref_slice %arg6[%dma_wait3A_2256, %dma_wait3A_2257] : memref<128x64xf32, #tpu.memory_space<vmem>> -> memref<1x64xf32, #tpu.memory_space<vmem>>
    %dma_wait3A_2259 = arith.constant 0 : i32
    %dma_wait3A_2260 = tpu.memref_slice %arg3[%squeeze3A_154, %dma_wait3A_2259] : memref<1000000x64xf32, #tpu.memory_space<hbm>> -> memref<1x64xf32, #tpu.memory_space<hbm>>
    %dma_wait3A_2261 = arith.constant 70 : i32
    %dma_wait3A_2262 = arith.constant 0 : i32
    %dma_wait3A_2263 = tpu.memref_slice %arg6[%dma_wait3A_2261, %dma_wait3A_2262] : memref<128x64xf32, #tpu.memory_space<vmem>> -> memref<1x64xf32, #tpu.memory_space<vmem>>
    %dma_wait3A_2264 = arith.constant 0 : i32
    %dma_wait3A_2265 = tpu.memref_slice %arg3[%squeeze3A_154, %dma_wait3A_2264] : memref<1000000x64xf32, #tpu.memory_space<hbm>> -> memref<1x64xf32, #tpu.memory_space<hbm>>
    tpu.wait_dma2 semaphore(%arg13 : memref<!tpu.dma_semaphore, #tpu.memory_space<semaphore_mem>>) src(%dma_wait3A_2265 : memref<1x64xf32, #tpu.memory_space<hbm>>) dst(%dma_wait3A_2263 : memref<1x64xf32, #tpu.memory_space<vmem>>)
    %dma_wait3A_2266 = arith.constant 71 : i32
    %dma_wait3A_2267 = arith.constant 0 : i32
    %dma_wait3A_2268 = tpu.memref_slice %arg6[%dma_wait3A_2266, %dma_wait3A_2267] : memref<128x64xf32, #tpu.memory_space<vmem>> -> memref<1x64xf32, #tpu.memory_space<vmem>>
    %dma_wait3A_2269 = arith.constant 0 : i32
    %dma_wait3A_2270 = tpu.memref_slice %arg3[%squeeze3A_156, %dma_wait3A_2269] : memref<1000000x64xf32, #tpu.memory_space<hbm>> -> memref<1x64xf32, #tpu.memory_space<hbm>>
    %dma_wait3A_2271 = arith.constant 71 : i32
    %dma_wait3A_2272 = arith.constant 0 : i32
    %dma_wait3A_2273 = tpu.memref_slice %arg6[%dma_wait3A_2271, %dma_wait3A_2272] : memref<128x64xf32, #tpu.memory_space<vmem>> -> memref<1x64xf32, #tpu.memory_space<vmem>>
    %dma_wait3A_2274 = arith.constant 0 : i32
    %dma_wait3A_2275 = tpu.memref_slice %arg3[%squeeze3A_156, %dma_wait3A_2274] : memref<1000000x64xf32, #tpu.memory_space<hbm>> -> memref<1x64xf32, #tpu.memory_space<hbm>>
    tpu.wait_dma2 semaphore(%arg14 : memref<!tpu.dma_semaphore, #tpu.memory_space<semaphore_mem>>) src(%dma_wait3A_2275 : memref<1x64xf32, #tpu.memory_space<hbm>>) dst(%dma_wait3A_2273 : memref<1x64xf32, #tpu.memory_space<vmem>>)
    %dma_wait3A_2276 = arith.constant 72 : i32
    %dma_wait3A_2277 = arith.constant 0 : i32
    %dma_wait3A_2278 = tpu.memref_slice %arg6[%dma_wait3A_2276, %dma_wait3A_2277] : memref<128x64xf32, #tpu.memory_space<vmem>> -> memref<1x64xf32, #tpu.memory_space<vmem>>
    %dma_wait3A_2279 = arith.constant 0 : i32
    %dma_wait3A_2280 = tpu.memref_slice %arg3[%squeeze3A_158, %dma_wait3A_2279] : memref<1000000x64xf32, #tpu.memory_space<hbm>> -> memref<1x64xf32, #tpu.memory_space<hbm>>
    %dma_wait3A_2281 = arith.constant 72 : i32
    %dma_wait3A_2282 = arith.constant 0 : i32
    %dma_wait3A_2283 = tpu.memref_slice %arg6[%dma_wait3A_2281, %dma_wait3A_2282] : memref<128x64xf32, #tpu.memory_space<vmem>> -> memref<1x64xf32, #tpu.memory_space<vmem>>
    %dma_wait3A_2284 = arith.constant 0 : i32
    %dma_wait3A_2285 = tpu.memref_slice %arg3[%squeeze3A_158, %dma_wait3A_2284] : memref<1000000x64xf32, #tpu.memory_space<hbm>> -> memref<1x64xf32, #tpu.memory_space<hbm>>
    tpu.wait_dma2 semaphore(%arg7 : memref<!tpu.dma_semaphore, #tpu.memory_space<semaphore_mem>>) src(%dma_wait3A_2285 : memref<1x64xf32, #tpu.memory_space<hbm>>) dst(%dma_wait3A_2283 : memref<1x64xf32, #tpu.memory_space<vmem>>)
    %dma_wait3A_2286 = arith.constant 73 : i32
    %dma_wait3A_2287 = arith.constant 0 : i32
    %dma_wait3A_2288 = tpu.memref_slice %arg6[%dma_wait3A_2286, %dma_wait3A_2287] : memref<128x64xf32, #tpu.memory_space<vmem>> -> memref<1x64xf32, #tpu.memory_space<vmem>>
    %dma_wait3A_2289 = arith.constant 0 : i32
    %dma_wait3A_2290 = tpu.memref_slice %arg3[%squeeze3A_160, %dma_wait3A_2289] : memref<1000000x64xf32, #tpu.memory_space<hbm>> -> memref<1x64xf32, #tpu.memory_space<hbm>>
    %dma_wait3A_2291 = arith.constant 73 : i32
    %dma_wait3A_2292 = arith.constant 0 : i32
    %dma_wait3A_2293 = tpu.memref_slice %arg6[%dma_wait3A_2291, %dma_wait3A_2292] : memref<128x64xf32, #tpu.memory_space<vmem>> -> memref<1x64xf32, #tpu.memory_space<vmem>>
    %dma_wait3A_2294 = arith.constant 0 : i32
    %dma_wait3A_2295 = tpu.memref_slice %arg3[%squeeze3A_160, %dma_wait3A_2294] : memref<1000000x64xf32, #tpu.memory_space<hbm>> -> memref<1x64xf32, #tpu.memory_space<hbm>>
    tpu.wait_dma2 semaphore(%arg8 : memref<!tpu.dma_semaphore, #tpu.memory_space<semaphore_mem>>) src(%dma_wait3A_2295 : memref<1x64xf32, #tpu.memory_space<hbm>>) dst(%dma_wait3A_2293 : memref<1x64xf32, #tpu.memory_space<vmem>>)
    %dma_wait3A_2296 = arith.constant 74 : i32
    %dma_wait3A_2297 = arith.constant 0 : i32
    %dma_wait3A_2298 = tpu.memref_slice %arg6[%dma_wait3A_2296, %dma_wait3A_2297] : memref<128x64xf32, #tpu.memory_space<vmem>> -> memref<1x64xf32, #tpu.memory_space<vmem>>
    %dma_wait3A_2299 = arith.constant 0 : i32
    %dma_wait3A_2300 = tpu.memref_slice %arg3[%squeeze3A_162, %dma_wait3A_2299] : memref<1000000x64xf32, #tpu.memory_space<hbm>> -> memref<1x64xf32, #tpu.memory_space<hbm>>
    %dma_wait3A_2301 = arith.constant 74 : i32
    %dma_wait3A_2302 = arith.constant 0 : i32
    %dma_wait3A_2303 = tpu.memref_slice %arg6[%dma_wait3A_2301, %dma_wait3A_2302] : memref<128x64xf32, #tpu.memory_space<vmem>> -> memref<1x64xf32, #tpu.memory_space<vmem>>
    %dma_wait3A_2304 = arith.constant 0 : i32
    %dma_wait3A_2305 = tpu.memref_slice %arg3[%squeeze3A_162, %dma_wait3A_2304] : memref<1000000x64xf32, #tpu.memory_space<hbm>> -> memref<1x64xf32, #tpu.memory_space<hbm>>
    tpu.wait_dma2 semaphore(%arg9 : memref<!tpu.dma_semaphore, #tpu.memory_space<semaphore_mem>>) src(%dma_wait3A_2305 : memref<1x64xf32, #tpu.memory_space<hbm>>) dst(%dma_wait3A_2303 : memref<1x64xf32, #tpu.memory_space<vmem>>)
    %dma_wait3A_2306 = arith.constant 75 : i32
    %dma_wait3A_2307 = arith.constant 0 : i32
    %dma_wait3A_2308 = tpu.memref_slice %arg6[%dma_wait3A_2306, %dma_wait3A_2307] : memref<128x64xf32, #tpu.memory_space<vmem>> -> memref<1x64xf32, #tpu.memory_space<vmem>>
    %dma_wait3A_2309 = arith.constant 0 : i32
    %dma_wait3A_2310 = tpu.memref_slice %arg3[%squeeze3A_164, %dma_wait3A_2309] : memref<1000000x64xf32, #tpu.memory_space<hbm>> -> memref<1x64xf32, #tpu.memory_space<hbm>>
    %dma_wait3A_2311 = arith.constant 75 : i32
    %dma_wait3A_2312 = arith.constant 0 : i32
    %dma_wait3A_2313 = tpu.memref_slice %arg6[%dma_wait3A_2311, %dma_wait3A_2312] : memref<128x64xf32, #tpu.memory_space<vmem>> -> memref<1x64xf32, #tpu.memory_space<vmem>>
    %dma_wait3A_2314 = arith.constant 0 : i32
    %dma_wait3A_2315 = tpu.memref_slice %arg3[%squeeze3A_164, %dma_wait3A_2314] : memref<1000000x64xf32, #tpu.memory_space<hbm>> -> memref<1x64xf32, #tpu.memory_space<hbm>>
    tpu.wait_dma2 semaphore(%arg10 : memref<!tpu.dma_semaphore, #tpu.memory_space<semaphore_mem>>) src(%dma_wait3A_2315 : memref<1x64xf32, #tpu.memory_space<hbm>>) dst(%dma_wait3A_2313 : memref<1x64xf32, #tpu.memory_space<vmem>>)
    %dma_wait3A_2316 = arith.constant 76 : i32
    %dma_wait3A_2317 = arith.constant 0 : i32
    %dma_wait3A_2318 = tpu.memref_slice %arg6[%dma_wait3A_2316, %dma_wait3A_2317] : memref<128x64xf32, #tpu.memory_space<vmem>> -> memref<1x64xf32, #tpu.memory_space<vmem>>
    %dma_wait3A_2319 = arith.constant 0 : i32
    %dma_wait3A_2320 = tpu.memref_slice %arg3[%squeeze3A_166, %dma_wait3A_2319] : memref<1000000x64xf32, #tpu.memory_space<hbm>> -> memref<1x64xf32, #tpu.memory_space<hbm>>
    %dma_wait3A_2321 = arith.constant 76 : i32
    %dma_wait3A_2322 = arith.constant 0 : i32
    %dma_wait3A_2323 = tpu.memref_slice %arg6[%dma_wait3A_2321, %dma_wait3A_2322] : memref<128x64xf32, #tpu.memory_space<vmem>> -> memref<1x64xf32, #tpu.memory_space<vmem>>
    %dma_wait3A_2324 = arith.constant 0 : i32
    %dma_wait3A_2325 = tpu.memref_slice %arg3[%squeeze3A_166, %dma_wait3A_2324] : memref<1000000x64xf32, #tpu.memory_space<hbm>> -> memref<1x64xf32, #tpu.memory_space<hbm>>
    tpu.wait_dma2 semaphore(%arg11 : memref<!tpu.dma_semaphore, #tpu.memory_space<semaphore_mem>>) src(%dma_wait3A_2325 : memref<1x64xf32, #tpu.memory_space<hbm>>) dst(%dma_wait3A_2323 : memref<1x64xf32, #tpu.memory_space<vmem>>)
    %dma_wait3A_2326 = arith.constant 77 : i32
    %dma_wait3A_2327 = arith.constant 0 : i32
    %dma_wait3A_2328 = tpu.memref_slice %arg6[%dma_wait3A_2326, %dma_wait3A_2327] : memref<128x64xf32, #tpu.memory_space<vmem>> -> memref<1x64xf32, #tpu.memory_space<vmem>>
    %dma_wait3A_2329 = arith.constant 0 : i32
    %dma_wait3A_2330 = tpu.memref_slice %arg3[%squeeze3A_168, %dma_wait3A_2329] : memref<1000000x64xf32, #tpu.memory_space<hbm>> -> memref<1x64xf32, #tpu.memory_space<hbm>>
    %dma_wait3A_2331 = arith.constant 77 : i32
    %dma_wait3A_2332 = arith.constant 0 : i32
    %dma_wait3A_2333 = tpu.memref_slice %arg6[%dma_wait3A_2331, %dma_wait3A_2332] : memref<128x64xf32, #tpu.memory_space<vmem>> -> memref<1x64xf32, #tpu.memory_space<vmem>>
    %dma_wait3A_2334 = arith.constant 0 : i32
    %dma_wait3A_2335 = tpu.memref_slice %arg3[%squeeze3A_168, %dma_wait3A_2334] : memref<1000000x64xf32, #tpu.memory_space<hbm>> -> memref<1x64xf32, #tpu.memory_space<hbm>>
    tpu.wait_dma2 semaphore(%arg12 : memref<!tpu.dma_semaphore, #tpu.memory_space<semaphore_mem>>) src(%dma_wait3A_2335 : memref<1x64xf32, #tpu.memory_space<hbm>>) dst(%dma_wait3A_2333 : memref<1x64xf32, #tpu.memory_space<vmem>>)
    %dma_wait3A_2336 = arith.constant 78 : i32
    %dma_wait3A_2337 = arith.constant 0 : i32
    %dma_wait3A_2338 = tpu.memref_slice %arg6[%dma_wait3A_2336, %dma_wait3A_2337] : memref<128x64xf32, #tpu.memory_space<vmem>> -> memref<1x64xf32, #tpu.memory_space<vmem>>
    %dma_wait3A_2339 = arith.constant 0 : i32
    %dma_wait3A_2340 = tpu.memref_slice %arg3[%squeeze3A_170, %dma_wait3A_2339] : memref<1000000x64xf32, #tpu.memory_space<hbm>> -> memref<1x64xf32, #tpu.memory_space<hbm>>
    %dma_wait3A_2341 = arith.constant 78 : i32
    %dma_wait3A_2342 = arith.constant 0 : i32
    %dma_wait3A_2343 = tpu.memref_slice %arg6[%dma_wait3A_2341, %dma_wait3A_2342] : memref<128x64xf32, #tpu.memory_space<vmem>> -> memref<1x64xf32, #tpu.memory_space<vmem>>
    %dma_wait3A_2344 = arith.constant 0 : i32
    %dma_wait3A_2345 = tpu.memref_slice %arg3[%squeeze3A_170, %dma_wait3A_2344] : memref<1000000x64xf32, #tpu.memory_space<hbm>> -> memref<1x64xf32, #tpu.memory_space<hbm>>
    tpu.wait_dma2 semaphore(%arg13 : memref<!tpu.dma_semaphore, #tpu.memory_space<semaphore_mem>>) src(%dma_wait3A_2345 : memref<1x64xf32, #tpu.memory_space<hbm>>) dst(%dma_wait3A_2343 : memref<1x64xf32, #tpu.memory_space<vmem>>)
    %dma_wait3A_2346 = arith.constant 79 : i32
    %dma_wait3A_2347 = arith.constant 0 : i32
    %dma_wait3A_2348 = tpu.memref_slice %arg6[%dma_wait3A_2346, %dma_wait3A_2347] : memref<128x64xf32, #tpu.memory_space<vmem>> -> memref<1x64xf32, #tpu.memory_space<vmem>>
    %dma_wait3A_2349 = arith.constant 0 : i32
    %dma_wait3A_2350 = tpu.memref_slice %arg3[%squeeze3A_172, %dma_wait3A_2349] : memref<1000000x64xf32, #tpu.memory_space<hbm>> -> memref<1x64xf32, #tpu.memory_space<hbm>>
    %dma_wait3A_2351 = arith.constant 79 : i32
    %dma_wait3A_2352 = arith.constant 0 : i32
    %dma_wait3A_2353 = tpu.memref_slice %arg6[%dma_wait3A_2351, %dma_wait3A_2352] : memref<128x64xf32, #tpu.memory_space<vmem>> -> memref<1x64xf32, #tpu.memory_space<vmem>>
    %dma_wait3A_2354 = arith.constant 0 : i32
    %dma_wait3A_2355 = tpu.memref_slice %arg3[%squeeze3A_172, %dma_wait3A_2354] : memref<1000000x64xf32, #tpu.memory_space<hbm>> -> memref<1x64xf32, #tpu.memory_space<hbm>>
    tpu.wait_dma2 semaphore(%arg14 : memref<!tpu.dma_semaphore, #tpu.memory_space<semaphore_mem>>) src(%dma_wait3A_2355 : memref<1x64xf32, #tpu.memory_space<hbm>>) dst(%dma_wait3A_2353 : memref<1x64xf32, #tpu.memory_space<vmem>>)
    %dma_wait3A_2356 = arith.constant 80 : i32
    %dma_wait3A_2357 = arith.constant 0 : i32
    %dma_wait3A_2358 = tpu.memref_slice %arg6[%dma_wait3A_2356, %dma_wait3A_2357] : memref<128x64xf32, #tpu.memory_space<vmem>> -> memref<1x64xf32, #tpu.memory_space<vmem>>
    %dma_wait3A_2359 = arith.constant 0 : i32
    %dma_wait3A_2360 = tpu.memref_slice %arg3[%squeeze3A_177, %dma_wait3A_2359] : memref<1000000x64xf32, #tpu.memory_space<hbm>> -> memref<1x64xf32, #tpu.memory_space<hbm>>
    %dma_wait3A_2361 = arith.constant 80 : i32
    %dma_wait3A_2362 = arith.constant 0 : i32
    %dma_wait3A_2363 = tpu.memref_slice %arg6[%dma_wait3A_2361, %dma_wait3A_2362] : memref<128x64xf32, #tpu.memory_space<vmem>> -> memref<1x64xf32, #tpu.memory_space<vmem>>
    %dma_wait3A_2364 = arith.constant 0 : i32
    %dma_wait3A_2365 = tpu.memref_slice %arg3[%squeeze3A_177, %dma_wait3A_2364] : memref<1000000x64xf32, #tpu.memory_space<hbm>> -> memref<1x64xf32, #tpu.memory_space<hbm>>
    tpu.wait_dma2 semaphore(%arg7 : memref<!tpu.dma_semaphore, #tpu.memory_space<semaphore_mem>>) src(%dma_wait3A_2365 : memref<1x64xf32, #tpu.memory_space<hbm>>) dst(%dma_wait3A_2363 : memref<1x64xf32, #tpu.memory_space<vmem>>)
    %dma_wait3A_2366 = arith.constant 81 : i32
    %dma_wait3A_2367 = arith.constant 0 : i32
    %dma_wait3A_2368 = tpu.memref_slice %arg6[%dma_wait3A_2366, %dma_wait3A_2367] : memref<128x64xf32, #tpu.memory_space<vmem>> -> memref<1x64xf32, #tpu.memory_space<vmem>>
    %dma_wait3A_2369 = arith.constant 0 : i32
    %dma_wait3A_2370 = tpu.memref_slice %arg3[%squeeze3A_179, %dma_wait3A_2369] : memref<1000000x64xf32, #tpu.memory_space<hbm>> -> memref<1x64xf32, #tpu.memory_space<hbm>>
    %dma_wait3A_2371 = arith.constant 81 : i32
    %dma_wait3A_2372 = arith.constant 0 : i32
    %dma_wait3A_2373 = tpu.memref_slice %arg6[%dma_wait3A_2371, %dma_wait3A_2372] : memref<128x64xf32, #tpu.memory_space<vmem>> -> memref<1x64xf32, #tpu.memory_space<vmem>>
    %dma_wait3A_2374 = arith.constant 0 : i32
    %dma_wait3A_2375 = tpu.memref_slice %arg3[%squeeze3A_179, %dma_wait3A_2374] : memref<1000000x64xf32, #tpu.memory_space<hbm>> -> memref<1x64xf32, #tpu.memory_space<hbm>>
    tpu.wait_dma2 semaphore(%arg8 : memref<!tpu.dma_semaphore, #tpu.memory_space<semaphore_mem>>) src(%dma_wait3A_2375 : memref<1x64xf32, #tpu.memory_space<hbm>>) dst(%dma_wait3A_2373 : memref<1x64xf32, #tpu.memory_space<vmem>>)
    %dma_wait3A_2376 = arith.constant 82 : i32
    %dma_wait3A_2377 = arith.constant 0 : i32
    %dma_wait3A_2378 = tpu.memref_slice %arg6[%dma_wait3A_2376, %dma_wait3A_2377] : memref<128x64xf32, #tpu.memory_space<vmem>> -> memref<1x64xf32, #tpu.memory_space<vmem>>
    %dma_wait3A_2379 = arith.constant 0 : i32
    %dma_wait3A_2380 = tpu.memref_slice %arg3[%squeeze3A_181, %dma_wait3A_2379] : memref<1000000x64xf32, #tpu.memory_space<hbm>> -> memref<1x64xf32, #tpu.memory_space<hbm>>
    %dma_wait3A_2381 = arith.constant 82 : i32
    %dma_wait3A_2382 = arith.constant 0 : i32
    %dma_wait3A_2383 = tpu.memref_slice %arg6[%dma_wait3A_2381, %dma_wait3A_2382] : memref<128x64xf32, #tpu.memory_space<vmem>> -> memref<1x64xf32, #tpu.memory_space<vmem>>
    %dma_wait3A_2384 = arith.constant 0 : i32
    %dma_wait3A_2385 = tpu.memref_slice %arg3[%squeeze3A_181, %dma_wait3A_2384] : memref<1000000x64xf32, #tpu.memory_space<hbm>> -> memref<1x64xf32, #tpu.memory_space<hbm>>
    tpu.wait_dma2 semaphore(%arg9 : memref<!tpu.dma_semaphore, #tpu.memory_space<semaphore_mem>>) src(%dma_wait3A_2385 : memref<1x64xf32, #tpu.memory_space<hbm>>) dst(%dma_wait3A_2383 : memref<1x64xf32, #tpu.memory_space<vmem>>)
    %dma_wait3A_2386 = arith.constant 83 : i32
    %dma_wait3A_2387 = arith.constant 0 : i32
    %dma_wait3A_2388 = tpu.memref_slice %arg6[%dma_wait3A_2386, %dma_wait3A_2387] : memref<128x64xf32, #tpu.memory_space<vmem>> -> memref<1x64xf32, #tpu.memory_space<vmem>>
    %dma_wait3A_2389 = arith.constant 0 : i32
    %dma_wait3A_2390 = tpu.memref_slice %arg3[%squeeze3A_183, %dma_wait3A_2389] : memref<1000000x64xf32, #tpu.memory_space<hbm>> -> memref<1x64xf32, #tpu.memory_space<hbm>>
    %dma_wait3A_2391 = arith.constant 83 : i32
    %dma_wait3A_2392 = arith.constant 0 : i32
    %dma_wait3A_2393 = tpu.memref_slice %arg6[%dma_wait3A_2391, %dma_wait3A_2392] : memref<128x64xf32, #tpu.memory_space<vmem>> -> memref<1x64xf32, #tpu.memory_space<vmem>>
    %dma_wait3A_2394 = arith.constant 0 : i32
    %dma_wait3A_2395 = tpu.memref_slice %arg3[%squeeze3A_183, %dma_wait3A_2394] : memref<1000000x64xf32, #tpu.memory_space<hbm>> -> memref<1x64xf32, #tpu.memory_space<hbm>>
    tpu.wait_dma2 semaphore(%arg10 : memref<!tpu.dma_semaphore, #tpu.memory_space<semaphore_mem>>) src(%dma_wait3A_2395 : memref<1x64xf32, #tpu.memory_space<hbm>>) dst(%dma_wait3A_2393 : memref<1x64xf32, #tpu.memory_space<vmem>>)
    %dma_wait3A_2396 = arith.constant 84 : i32
    %dma_wait3A_2397 = arith.constant 0 : i32
    %dma_wait3A_2398 = tpu.memref_slice %arg6[%dma_wait3A_2396, %dma_wait3A_2397] : memref<128x64xf32, #tpu.memory_space<vmem>> -> memref<1x64xf32, #tpu.memory_space<vmem>>
    %dma_wait3A_2399 = arith.constant 0 : i32
    %dma_wait3A_2400 = tpu.memref_slice %arg3[%squeeze3A_185, %dma_wait3A_2399] : memref<1000000x64xf32, #tpu.memory_space<hbm>> -> memref<1x64xf32, #tpu.memory_space<hbm>>
    %dma_wait3A_2401 = arith.constant 84 : i32
    %dma_wait3A_2402 = arith.constant 0 : i32
    %dma_wait3A_2403 = tpu.memref_slice %arg6[%dma_wait3A_2401, %dma_wait3A_2402] : memref<128x64xf32, #tpu.memory_space<vmem>> -> memref<1x64xf32, #tpu.memory_space<vmem>>
    %dma_wait3A_2404 = arith.constant 0 : i32
    %dma_wait3A_2405 = tpu.memref_slice %arg3[%squeeze3A_185, %dma_wait3A_2404] : memref<1000000x64xf32, #tpu.memory_space<hbm>> -> memref<1x64xf32, #tpu.memory_space<hbm>>
    tpu.wait_dma2 semaphore(%arg11 : memref<!tpu.dma_semaphore, #tpu.memory_space<semaphore_mem>>) src(%dma_wait3A_2405 : memref<1x64xf32, #tpu.memory_space<hbm>>) dst(%dma_wait3A_2403 : memref<1x64xf32, #tpu.memory_space<vmem>>)
    %dma_wait3A_2406 = arith.constant 85 : i32
    %dma_wait3A_2407 = arith.constant 0 : i32
    %dma_wait3A_2408 = tpu.memref_slice %arg6[%dma_wait3A_2406, %dma_wait3A_2407] : memref<128x64xf32, #tpu.memory_space<vmem>> -> memref<1x64xf32, #tpu.memory_space<vmem>>
    %dma_wait3A_2409 = arith.constant 0 : i32
    %dma_wait3A_2410 = tpu.memref_slice %arg3[%squeeze3A_187, %dma_wait3A_2409] : memref<1000000x64xf32, #tpu.memory_space<hbm>> -> memref<1x64xf32, #tpu.memory_space<hbm>>
    %dma_wait3A_2411 = arith.constant 85 : i32
    %dma_wait3A_2412 = arith.constant 0 : i32
    %dma_wait3A_2413 = tpu.memref_slice %arg6[%dma_wait3A_2411, %dma_wait3A_2412] : memref<128x64xf32, #tpu.memory_space<vmem>> -> memref<1x64xf32, #tpu.memory_space<vmem>>
    %dma_wait3A_2414 = arith.constant 0 : i32
    %dma_wait3A_2415 = tpu.memref_slice %arg3[%squeeze3A_187, %dma_wait3A_2414] : memref<1000000x64xf32, #tpu.memory_space<hbm>> -> memref<1x64xf32, #tpu.memory_space<hbm>>
    tpu.wait_dma2 semaphore(%arg12 : memref<!tpu.dma_semaphore, #tpu.memory_space<semaphore_mem>>) src(%dma_wait3A_2415 : memref<1x64xf32, #tpu.memory_space<hbm>>) dst(%dma_wait3A_2413 : memref<1x64xf32, #tpu.memory_space<vmem>>)
    %dma_wait3A_2416 = arith.constant 86 : i32
    %dma_wait3A_2417 = arith.constant 0 : i32
    %dma_wait3A_2418 = tpu.memref_slice %arg6[%dma_wait3A_2416, %dma_wait3A_2417] : memref<128x64xf32, #tpu.memory_space<vmem>> -> memref<1x64xf32, #tpu.memory_space<vmem>>
    %dma_wait3A_2419 = arith.constant 0 : i32
    %dma_wait3A_2420 = tpu.memref_slice %arg3[%squeeze3A_189, %dma_wait3A_2419] : memref<1000000x64xf32, #tpu.memory_space<hbm>> -> memref<1x64xf32, #tpu.memory_space<hbm>>
    %dma_wait3A_2421 = arith.constant 86 : i32
    %dma_wait3A_2422 = arith.constant 0 : i32
    %dma_wait3A_2423 = tpu.memref_slice %arg6[%dma_wait3A_2421, %dma_wait3A_2422] : memref<128x64xf32, #tpu.memory_space<vmem>> -> memref<1x64xf32, #tpu.memory_space<vmem>>
    %dma_wait3A_2424 = arith.constant 0 : i32
    %dma_wait3A_2425 = tpu.memref_slice %arg3[%squeeze3A_189, %dma_wait3A_2424] : memref<1000000x64xf32, #tpu.memory_space<hbm>> -> memref<1x64xf32, #tpu.memory_space<hbm>>
    tpu.wait_dma2 semaphore(%arg13 : memref<!tpu.dma_semaphore, #tpu.memory_space<semaphore_mem>>) src(%dma_wait3A_2425 : memref<1x64xf32, #tpu.memory_space<hbm>>) dst(%dma_wait3A_2423 : memref<1x64xf32, #tpu.memory_space<vmem>>)
    %dma_wait3A_2426 = arith.constant 87 : i32
    %dma_wait3A_2427 = arith.constant 0 : i32
    %dma_wait3A_2428 = tpu.memref_slice %arg6[%dma_wait3A_2426, %dma_wait3A_2427] : memref<128x64xf32, #tpu.memory_space<vmem>> -> memref<1x64xf32, #tpu.memory_space<vmem>>
    %dma_wait3A_2429 = arith.constant 0 : i32
    %dma_wait3A_2430 = tpu.memref_slice %arg3[%squeeze3A_191, %dma_wait3A_2429] : memref<1000000x64xf32, #tpu.memory_space<hbm>> -> memref<1x64xf32, #tpu.memory_space<hbm>>
    %dma_wait3A_2431 = arith.constant 87 : i32
    %dma_wait3A_2432 = arith.constant 0 : i32
    %dma_wait3A_2433 = tpu.memref_slice %arg6[%dma_wait3A_2431, %dma_wait3A_2432] : memref<128x64xf32, #tpu.memory_space<vmem>> -> memref<1x64xf32, #tpu.memory_space<vmem>>
    %dma_wait3A_2434 = arith.constant 0 : i32
    %dma_wait3A_2435 = tpu.memref_slice %arg3[%squeeze3A_191, %dma_wait3A_2434] : memref<1000000x64xf32, #tpu.memory_space<hbm>> -> memref<1x64xf32, #tpu.memory_space<hbm>>
    tpu.wait_dma2 semaphore(%arg14 : memref<!tpu.dma_semaphore, #tpu.memory_space<semaphore_mem>>) src(%dma_wait3A_2435 : memref<1x64xf32, #tpu.memory_space<hbm>>) dst(%dma_wait3A_2433 : memref<1x64xf32, #tpu.memory_space<vmem>>)
    %dma_wait3A_2436 = arith.constant 88 : i32
    %dma_wait3A_2437 = arith.constant 0 : i32
    %dma_wait3A_2438 = tpu.memref_slice %arg6[%dma_wait3A_2436, %dma_wait3A_2437] : memref<128x64xf32, #tpu.memory_space<vmem>> -> memref<1x64xf32, #tpu.memory_space<vmem>>
    %dma_wait3A_2439 = arith.constant 0 : i32
    %dma_wait3A_2440 = tpu.memref_slice %arg3[%squeeze3A_193, %dma_wait3A_2439] : memref<1000000x64xf32, #tpu.memory_space<hbm>> -> memref<1x64xf32, #tpu.memory_space<hbm>>
    %dma_wait3A_2441 = arith.constant 88 : i32
    %dma_wait3A_2442 = arith.constant 0 : i32
    %dma_wait3A_2443 = tpu.memref_slice %arg6[%dma_wait3A_2441, %dma_wait3A_2442] : memref<128x64xf32, #tpu.memory_space<vmem>> -> memref<1x64xf32, #tpu.memory_space<vmem>>
    %dma_wait3A_2444 = arith.constant 0 : i32
    %dma_wait3A_2445 = tpu.memref_slice %arg3[%squeeze3A_193, %dma_wait3A_2444] : memref<1000000x64xf32, #tpu.memory_space<hbm>> -> memref<1x64xf32, #tpu.memory_space<hbm>>
    tpu.wait_dma2 semaphore(%arg7 : memref<!tpu.dma_semaphore, #tpu.memory_space<semaphore_mem>>) src(%dma_wait3A_2445 : memref<1x64xf32, #tpu.memory_space<hbm>>) dst(%dma_wait3A_2443 : memref<1x64xf32, #tpu.memory_space<vmem>>)
    %dma_wait3A_2446 = arith.constant 89 : i32
    %dma_wait3A_2447 = arith.constant 0 : i32
    %dma_wait3A_2448 = tpu.memref_slice %arg6[%dma_wait3A_2446, %dma_wait3A_2447] : memref<128x64xf32, #tpu.memory_space<vmem>> -> memref<1x64xf32, #tpu.memory_space<vmem>>
    %dma_wait3A_2449 = arith.constant 0 : i32
    %dma_wait3A_2450 = tpu.memref_slice %arg3[%squeeze3A_195, %dma_wait3A_2449] : memref<1000000x64xf32, #tpu.memory_space<hbm>> -> memref<1x64xf32, #tpu.memory_space<hbm>>
    %dma_wait3A_2451 = arith.constant 89 : i32
    %dma_wait3A_2452 = arith.constant 0 : i32
    %dma_wait3A_2453 = tpu.memref_slice %arg6[%dma_wait3A_2451, %dma_wait3A_2452] : memref<128x64xf32, #tpu.memory_space<vmem>> -> memref<1x64xf32, #tpu.memory_space<vmem>>
    %dma_wait3A_2454 = arith.constant 0 : i32
    %dma_wait3A_2455 = tpu.memref_slice %arg3[%squeeze3A_195, %dma_wait3A_2454] : memref<1000000x64xf32, #tpu.memory_space<hbm>> -> memref<1x64xf32, #tpu.memory_space<hbm>>
    tpu.wait_dma2 semaphore(%arg8 : memref<!tpu.dma_semaphore, #tpu.memory_space<semaphore_mem>>) src(%dma_wait3A_2455 : memref<1x64xf32, #tpu.memory_space<hbm>>) dst(%dma_wait3A_2453 : memref<1x64xf32, #tpu.memory_space<vmem>>)
    %dma_wait3A_2456 = arith.constant 90 : i32
    %dma_wait3A_2457 = arith.constant 0 : i32
    %dma_wait3A_2458 = tpu.memref_slice %arg6[%dma_wait3A_2456, %dma_wait3A_2457] : memref<128x64xf32, #tpu.memory_space<vmem>> -> memref<1x64xf32, #tpu.memory_space<vmem>>
    %dma_wait3A_2459 = arith.constant 0 : i32
    %dma_wait3A_2460 = tpu.memref_slice %arg3[%squeeze3A_197, %dma_wait3A_2459] : memref<1000000x64xf32, #tpu.memory_space<hbm>> -> memref<1x64xf32, #tpu.memory_space<hbm>>
    %dma_wait3A_2461 = arith.constant 90 : i32
    %dma_wait3A_2462 = arith.constant 0 : i32
    %dma_wait3A_2463 = tpu.memref_slice %arg6[%dma_wait3A_2461, %dma_wait3A_2462] : memref<128x64xf32, #tpu.memory_space<vmem>> -> memref<1x64xf32, #tpu.memory_space<vmem>>
    %dma_wait3A_2464 = arith.constant 0 : i32
    %dma_wait3A_2465 = tpu.memref_slice %arg3[%squeeze3A_197, %dma_wait3A_2464] : memref<1000000x64xf32, #tpu.memory_space<hbm>> -> memref<1x64xf32, #tpu.memory_space<hbm>>
    tpu.wait_dma2 semaphore(%arg9 : memref<!tpu.dma_semaphore, #tpu.memory_space<semaphore_mem>>) src(%dma_wait3A_2465 : memref<1x64xf32, #tpu.memory_space<hbm>>) dst(%dma_wait3A_2463 : memref<1x64xf32, #tpu.memory_space<vmem>>)
    %dma_wait3A_2466 = arith.constant 91 : i32
    %dma_wait3A_2467 = arith.constant 0 : i32
    %dma_wait3A_2468 = tpu.memref_slice %arg6[%dma_wait3A_2466, %dma_wait3A_2467] : memref<128x64xf32, #tpu.memory_space<vmem>> -> memref<1x64xf32, #tpu.memory_space<vmem>>
    %dma_wait3A_2469 = arith.constant 0 : i32
    %dma_wait3A_2470 = tpu.memref_slice %arg3[%squeeze3A_199, %dma_wait3A_2469] : memref<1000000x64xf32, #tpu.memory_space<hbm>> -> memref<1x64xf32, #tpu.memory_space<hbm>>
    %dma_wait3A_2471 = arith.constant 91 : i32
    %dma_wait3A_2472 = arith.constant 0 : i32
    %dma_wait3A_2473 = tpu.memref_slice %arg6[%dma_wait3A_2471, %dma_wait3A_2472] : memref<128x64xf32, #tpu.memory_space<vmem>> -> memref<1x64xf32, #tpu.memory_space<vmem>>
    %dma_wait3A_2474 = arith.constant 0 : i32
    %dma_wait3A_2475 = tpu.memref_slice %arg3[%squeeze3A_199, %dma_wait3A_2474] : memref<1000000x64xf32, #tpu.memory_space<hbm>> -> memref<1x64xf32, #tpu.memory_space<hbm>>
    tpu.wait_dma2 semaphore(%arg10 : memref<!tpu.dma_semaphore, #tpu.memory_space<semaphore_mem>>) src(%dma_wait3A_2475 : memref<1x64xf32, #tpu.memory_space<hbm>>) dst(%dma_wait3A_2473 : memref<1x64xf32, #tpu.memory_space<vmem>>)
    %dma_wait3A_2476 = arith.constant 92 : i32
    %dma_wait3A_2477 = arith.constant 0 : i32
    %dma_wait3A_2478 = tpu.memref_slice %arg6[%dma_wait3A_2476, %dma_wait3A_2477] : memref<128x64xf32, #tpu.memory_space<vmem>> -> memref<1x64xf32, #tpu.memory_space<vmem>>
    %dma_wait3A_2479 = arith.constant 0 : i32
    %dma_wait3A_2480 = tpu.memref_slice %arg3[%squeeze3A_201, %dma_wait3A_2479] : memref<1000000x64xf32, #tpu.memory_space<hbm>> -> memref<1x64xf32, #tpu.memory_space<hbm>>
    %dma_wait3A_2481 = arith.constant 92 : i32
    %dma_wait3A_2482 = arith.constant 0 : i32
    %dma_wait3A_2483 = tpu.memref_slice %arg6[%dma_wait3A_2481, %dma_wait3A_2482] : memref<128x64xf32, #tpu.memory_space<vmem>> -> memref<1x64xf32, #tpu.memory_space<vmem>>
    %dma_wait3A_2484 = arith.constant 0 : i32
    %dma_wait3A_2485 = tpu.memref_slice %arg3[%squeeze3A_201, %dma_wait3A_2484] : memref<1000000x64xf32, #tpu.memory_space<hbm>> -> memref<1x64xf32, #tpu.memory_space<hbm>>
    tpu.wait_dma2 semaphore(%arg11 : memref<!tpu.dma_semaphore, #tpu.memory_space<semaphore_mem>>) src(%dma_wait3A_2485 : memref<1x64xf32, #tpu.memory_space<hbm>>) dst(%dma_wait3A_2483 : memref<1x64xf32, #tpu.memory_space<vmem>>)
    %dma_wait3A_2486 = arith.constant 93 : i32
    %dma_wait3A_2487 = arith.constant 0 : i32
    %dma_wait3A_2488 = tpu.memref_slice %arg6[%dma_wait3A_2486, %dma_wait3A_2487] : memref<128x64xf32, #tpu.memory_space<vmem>> -> memref<1x64xf32, #tpu.memory_space<vmem>>
    %dma_wait3A_2489 = arith.constant 0 : i32
    %dma_wait3A_2490 = tpu.memref_slice %arg3[%squeeze3A_203, %dma_wait3A_2489] : memref<1000000x64xf32, #tpu.memory_space<hbm>> -> memref<1x64xf32, #tpu.memory_space<hbm>>
    %dma_wait3A_2491 = arith.constant 93 : i32
    %dma_wait3A_2492 = arith.constant 0 : i32
    %dma_wait3A_2493 = tpu.memref_slice %arg6[%dma_wait3A_2491, %dma_wait3A_2492] : memref<128x64xf32, #tpu.memory_space<vmem>> -> memref<1x64xf32, #tpu.memory_space<vmem>>
    %dma_wait3A_2494 = arith.constant 0 : i32
    %dma_wait3A_2495 = tpu.memref_slice %arg3[%squeeze3A_203, %dma_wait3A_2494] : memref<1000000x64xf32, #tpu.memory_space<hbm>> -> memref<1x64xf32, #tpu.memory_space<hbm>>
    tpu.wait_dma2 semaphore(%arg12 : memref<!tpu.dma_semaphore, #tpu.memory_space<semaphore_mem>>) src(%dma_wait3A_2495 : memref<1x64xf32, #tpu.memory_space<hbm>>) dst(%dma_wait3A_2493 : memref<1x64xf32, #tpu.memory_space<vmem>>)
    %dma_wait3A_2496 = arith.constant 94 : i32
    %dma_wait3A_2497 = arith.constant 0 : i32
    %dma_wait3A_2498 = tpu.memref_slice %arg6[%dma_wait3A_2496, %dma_wait3A_2497] : memref<128x64xf32, #tpu.memory_space<vmem>> -> memref<1x64xf32, #tpu.memory_space<vmem>>
    %dma_wait3A_2499 = arith.constant 0 : i32
    %dma_wait3A_2500 = tpu.memref_slice %arg3[%squeeze3A_205, %dma_wait3A_2499] : memref<1000000x64xf32, #tpu.memory_space<hbm>> -> memref<1x64xf32, #tpu.memory_space<hbm>>
    %dma_wait3A_2501 = arith.constant 94 : i32
    %dma_wait3A_2502 = arith.constant 0 : i32
    %dma_wait3A_2503 = tpu.memref_slice %arg6[%dma_wait3A_2501, %dma_wait3A_2502] : memref<128x64xf32, #tpu.memory_space<vmem>> -> memref<1x64xf32, #tpu.memory_space<vmem>>
    %dma_wait3A_2504 = arith.constant 0 : i32
    %dma_wait3A_2505 = tpu.memref_slice %arg3[%squeeze3A_205, %dma_wait3A_2504] : memref<1000000x64xf32, #tpu.memory_space<hbm>> -> memref<1x64xf32, #tpu.memory_space<hbm>>
    tpu.wait_dma2 semaphore(%arg13 : memref<!tpu.dma_semaphore, #tpu.memory_space<semaphore_mem>>) src(%dma_wait3A_2505 : memref<1x64xf32, #tpu.memory_space<hbm>>) dst(%dma_wait3A_2503 : memref<1x64xf32, #tpu.memory_space<vmem>>)
    %dma_wait3A_2506 = arith.constant 95 : i32
    %dma_wait3A_2507 = arith.constant 0 : i32
    %dma_wait3A_2508 = tpu.memref_slice %arg6[%dma_wait3A_2506, %dma_wait3A_2507] : memref<128x64xf32, #tpu.memory_space<vmem>> -> memref<1x64xf32, #tpu.memory_space<vmem>>
    %dma_wait3A_2509 = arith.constant 0 : i32
    %dma_wait3A_2510 = tpu.memref_slice %arg3[%squeeze3A_207, %dma_wait3A_2509] : memref<1000000x64xf32, #tpu.memory_space<hbm>> -> memref<1x64xf32, #tpu.memory_space<hbm>>
    %dma_wait3A_2511 = arith.constant 95 : i32
    %dma_wait3A_2512 = arith.constant 0 : i32
    %dma_wait3A_2513 = tpu.memref_slice %arg6[%dma_wait3A_2511, %dma_wait3A_2512] : memref<128x64xf32, #tpu.memory_space<vmem>> -> memref<1x64xf32, #tpu.memory_space<vmem>>
    %dma_wait3A_2514 = arith.constant 0 : i32
    %dma_wait3A_2515 = tpu.memref_slice %arg3[%squeeze3A_207, %dma_wait3A_2514] : memref<1000000x64xf32, #tpu.memory_space<hbm>> -> memref<1x64xf32, #tpu.memory_space<hbm>>
    tpu.wait_dma2 semaphore(%arg14 : memref<!tpu.dma_semaphore, #tpu.memory_space<semaphore_mem>>) src(%dma_wait3A_2515 : memref<1x64xf32, #tpu.memory_space<hbm>>) dst(%dma_wait3A_2513 : memref<1x64xf32, #tpu.memory_space<vmem>>)
    %dma_wait3A_2516 = arith.constant 96 : i32
    %dma_wait3A_2517 = arith.constant 0 : i32
    %dma_wait3A_2518 = tpu.memref_slice %arg6[%dma_wait3A_2516, %dma_wait3A_2517] : memref<128x64xf32, #tpu.memory_space<vmem>> -> memref<1x64xf32, #tpu.memory_space<vmem>>
    %dma_wait3A_2519 = arith.constant 0 : i32
    %dma_wait3A_2520 = tpu.memref_slice %arg3[%squeeze3A_212, %dma_wait3A_2519] : memref<1000000x64xf32, #tpu.memory_space<hbm>> -> memref<1x64xf32, #tpu.memory_space<hbm>>
    %dma_wait3A_2521 = arith.constant 96 : i32
    %dma_wait3A_2522 = arith.constant 0 : i32
    %dma_wait3A_2523 = tpu.memref_slice %arg6[%dma_wait3A_2521, %dma_wait3A_2522] : memref<128x64xf32, #tpu.memory_space<vmem>> -> memref<1x64xf32, #tpu.memory_space<vmem>>
    %dma_wait3A_2524 = arith.constant 0 : i32
    %dma_wait3A_2525 = tpu.memref_slice %arg3[%squeeze3A_212, %dma_wait3A_2524] : memref<1000000x64xf32, #tpu.memory_space<hbm>> -> memref<1x64xf32, #tpu.memory_space<hbm>>
    tpu.wait_dma2 semaphore(%arg7 : memref<!tpu.dma_semaphore, #tpu.memory_space<semaphore_mem>>) src(%dma_wait3A_2525 : memref<1x64xf32, #tpu.memory_space<hbm>>) dst(%dma_wait3A_2523 : memref<1x64xf32, #tpu.memory_space<vmem>>)
    %dma_wait3A_2526 = arith.constant 97 : i32
    %dma_wait3A_2527 = arith.constant 0 : i32
    %dma_wait3A_2528 = tpu.memref_slice %arg6[%dma_wait3A_2526, %dma_wait3A_2527] : memref<128x64xf32, #tpu.memory_space<vmem>> -> memref<1x64xf32, #tpu.memory_space<vmem>>
    %dma_wait3A_2529 = arith.constant 0 : i32
    %dma_wait3A_2530 = tpu.memref_slice %arg3[%squeeze3A_214, %dma_wait3A_2529] : memref<1000000x64xf32, #tpu.memory_space<hbm>> -> memref<1x64xf32, #tpu.memory_space<hbm>>
    %dma_wait3A_2531 = arith.constant 97 : i32
    %dma_wait3A_2532 = arith.constant 0 : i32
    %dma_wait3A_2533 = tpu.memref_slice %arg6[%dma_wait3A_2531, %dma_wait3A_2532] : memref<128x64xf32, #tpu.memory_space<vmem>> -> memref<1x64xf32, #tpu.memory_space<vmem>>
    %dma_wait3A_2534 = arith.constant 0 : i32
    %dma_wait3A_2535 = tpu.memref_slice %arg3[%squeeze3A_214, %dma_wait3A_2534] : memref<1000000x64xf32, #tpu.memory_space<hbm>> -> memref<1x64xf32, #tpu.memory_space<hbm>>
    tpu.wait_dma2 semaphore(%arg8 : memref<!tpu.dma_semaphore, #tpu.memory_space<semaphore_mem>>) src(%dma_wait3A_2535 : memref<1x64xf32, #tpu.memory_space<hbm>>) dst(%dma_wait3A_2533 : memref<1x64xf32, #tpu.memory_space<vmem>>)
    %dma_wait3A_2536 = arith.constant 98 : i32
    %dma_wait3A_2537 = arith.constant 0 : i32
    %dma_wait3A_2538 = tpu.memref_slice %arg6[%dma_wait3A_2536, %dma_wait3A_2537] : memref<128x64xf32, #tpu.memory_space<vmem>> -> memref<1x64xf32, #tpu.memory_space<vmem>>
    %dma_wait3A_2539 = arith.constant 0 : i32
    %dma_wait3A_2540 = tpu.memref_slice %arg3[%squeeze3A_216, %dma_wait3A_2539] : memref<1000000x64xf32, #tpu.memory_space<hbm>> -> memref<1x64xf32, #tpu.memory_space<hbm>>
    %dma_wait3A_2541 = arith.constant 98 : i32
    %dma_wait3A_2542 = arith.constant 0 : i32
    %dma_wait3A_2543 = tpu.memref_slice %arg6[%dma_wait3A_2541, %dma_wait3A_2542] : memref<128x64xf32, #tpu.memory_space<vmem>> -> memref<1x64xf32, #tpu.memory_space<vmem>>
    %dma_wait3A_2544 = arith.constant 0 : i32
    %dma_wait3A_2545 = tpu.memref_slice %arg3[%squeeze3A_216, %dma_wait3A_2544] : memref<1000000x64xf32, #tpu.memory_space<hbm>> -> memref<1x64xf32, #tpu.memory_space<hbm>>
    tpu.wait_dma2 semaphore(%arg9 : memref<!tpu.dma_semaphore, #tpu.memory_space<semaphore_mem>>) src(%dma_wait3A_2545 : memref<1x64xf32, #tpu.memory_space<hbm>>) dst(%dma_wait3A_2543 : memref<1x64xf32, #tpu.memory_space<vmem>>)
    %dma_wait3A_2546 = arith.constant 99 : i32
    %dma_wait3A_2547 = arith.constant 0 : i32
    %dma_wait3A_2548 = tpu.memref_slice %arg6[%dma_wait3A_2546, %dma_wait3A_2547] : memref<128x64xf32, #tpu.memory_space<vmem>> -> memref<1x64xf32, #tpu.memory_space<vmem>>
    %dma_wait3A_2549 = arith.constant 0 : i32
    %dma_wait3A_2550 = tpu.memref_slice %arg3[%squeeze3A_218, %dma_wait3A_2549] : memref<1000000x64xf32, #tpu.memory_space<hbm>> -> memref<1x64xf32, #tpu.memory_space<hbm>>
    %dma_wait3A_2551 = arith.constant 99 : i32
    %dma_wait3A_2552 = arith.constant 0 : i32
    %dma_wait3A_2553 = tpu.memref_slice %arg6[%dma_wait3A_2551, %dma_wait3A_2552] : memref<128x64xf32, #tpu.memory_space<vmem>> -> memref<1x64xf32, #tpu.memory_space<vmem>>
    %dma_wait3A_2554 = arith.constant 0 : i32
    %dma_wait3A_2555 = tpu.memref_slice %arg3[%squeeze3A_218, %dma_wait3A_2554] : memref<1000000x64xf32, #tpu.memory_space<hbm>> -> memref<1x64xf32, #tpu.memory_space<hbm>>
    tpu.wait_dma2 semaphore(%arg10 : memref<!tpu.dma_semaphore, #tpu.memory_space<semaphore_mem>>) src(%dma_wait3A_2555 : memref<1x64xf32, #tpu.memory_space<hbm>>) dst(%dma_wait3A_2553 : memref<1x64xf32, #tpu.memory_space<vmem>>)
    %dma_wait3A_2556 = arith.constant 100 : i32
    %dma_wait3A_2557 = arith.constant 0 : i32
    %dma_wait3A_2558 = tpu.memref_slice %arg6[%dma_wait3A_2556, %dma_wait3A_2557] : memref<128x64xf32, #tpu.memory_space<vmem>> -> memref<1x64xf32, #tpu.memory_space<vmem>>
    %dma_wait3A_2559 = arith.constant 0 : i32
    %dma_wait3A_2560 = tpu.memref_slice %arg3[%squeeze3A_220, %dma_wait3A_2559] : memref<1000000x64xf32, #tpu.memory_space<hbm>> -> memref<1x64xf32, #tpu.memory_space<hbm>>
    %dma_wait3A_2561 = arith.constant 100 : i32
    %dma_wait3A_2562 = arith.constant 0 : i32
    %dma_wait3A_2563 = tpu.memref_slice %arg6[%dma_wait3A_2561, %dma_wait3A_2562] : memref<128x64xf32, #tpu.memory_space<vmem>> -> memref<1x64xf32, #tpu.memory_space<vmem>>
    %dma_wait3A_2564 = arith.constant 0 : i32
    %dma_wait3A_2565 = tpu.memref_slice %arg3[%squeeze3A_220, %dma_wait3A_2564] : memref<1000000x64xf32, #tpu.memory_space<hbm>> -> memref<1x64xf32, #tpu.memory_space<hbm>>
    tpu.wait_dma2 semaphore(%arg11 : memref<!tpu.dma_semaphore, #tpu.memory_space<semaphore_mem>>) src(%dma_wait3A_2565 : memref<1x64xf32, #tpu.memory_space<hbm>>) dst(%dma_wait3A_2563 : memref<1x64xf32, #tpu.memory_space<vmem>>)
    %dma_wait3A_2566 = arith.constant 101 : i32
    %dma_wait3A_2567 = arith.constant 0 : i32
    %dma_wait3A_2568 = tpu.memref_slice %arg6[%dma_wait3A_2566, %dma_wait3A_2567] : memref<128x64xf32, #tpu.memory_space<vmem>> -> memref<1x64xf32, #tpu.memory_space<vmem>>
    %dma_wait3A_2569 = arith.constant 0 : i32
    %dma_wait3A_2570 = tpu.memref_slice %arg3[%squeeze3A_222, %dma_wait3A_2569] : memref<1000000x64xf32, #tpu.memory_space<hbm>> -> memref<1x64xf32, #tpu.memory_space<hbm>>
    %dma_wait3A_2571 = arith.constant 101 : i32
    %dma_wait3A_2572 = arith.constant 0 : i32
    %dma_wait3A_2573 = tpu.memref_slice %arg6[%dma_wait3A_2571, %dma_wait3A_2572] : memref<128x64xf32, #tpu.memory_space<vmem>> -> memref<1x64xf32, #tpu.memory_space<vmem>>
    %dma_wait3A_2574 = arith.constant 0 : i32
    %dma_wait3A_2575 = tpu.memref_slice %arg3[%squeeze3A_222, %dma_wait3A_2574] : memref<1000000x64xf32, #tpu.memory_space<hbm>> -> memref<1x64xf32, #tpu.memory_space<hbm>>
    tpu.wait_dma2 semaphore(%arg12 : memref<!tpu.dma_semaphore, #tpu.memory_space<semaphore_mem>>) src(%dma_wait3A_2575 : memref<1x64xf32, #tpu.memory_space<hbm>>) dst(%dma_wait3A_2573 : memref<1x64xf32, #tpu.memory_space<vmem>>)
    %dma_wait3A_2576 = arith.constant 102 : i32
    %dma_wait3A_2577 = arith.constant 0 : i32
    %dma_wait3A_2578 = tpu.memref_slice %arg6[%dma_wait3A_2576, %dma_wait3A_2577] : memref<128x64xf32, #tpu.memory_space<vmem>> -> memref<1x64xf32, #tpu.memory_space<vmem>>
    %dma_wait3A_2579 = arith.constant 0 : i32
    %dma_wait3A_2580 = tpu.memref_slice %arg3[%squeeze3A_224, %dma_wait3A_2579] : memref<1000000x64xf32, #tpu.memory_space<hbm>> -> memref<1x64xf32, #tpu.memory_space<hbm>>
    %dma_wait3A_2581 = arith.constant 102 : i32
    %dma_wait3A_2582 = arith.constant 0 : i32
    %dma_wait3A_2583 = tpu.memref_slice %arg6[%dma_wait3A_2581, %dma_wait3A_2582] : memref<128x64xf32, #tpu.memory_space<vmem>> -> memref<1x64xf32, #tpu.memory_space<vmem>>
    %dma_wait3A_2584 = arith.constant 0 : i32
    %dma_wait3A_2585 = tpu.memref_slice %arg3[%squeeze3A_224, %dma_wait3A_2584] : memref<1000000x64xf32, #tpu.memory_space<hbm>> -> memref<1x64xf32, #tpu.memory_space<hbm>>
    tpu.wait_dma2 semaphore(%arg13 : memref<!tpu.dma_semaphore, #tpu.memory_space<semaphore_mem>>) src(%dma_wait3A_2585 : memref<1x64xf32, #tpu.memory_space<hbm>>) dst(%dma_wait3A_2583 : memref<1x64xf32, #tpu.memory_space<vmem>>)
    %dma_wait3A_2586 = arith.constant 103 : i32
    %dma_wait3A_2587 = arith.constant 0 : i32
    %dma_wait3A_2588 = tpu.memref_slice %arg6[%dma_wait3A_2586, %dma_wait3A_2587] : memref<128x64xf32, #tpu.memory_space<vmem>> -> memref<1x64xf32, #tpu.memory_space<vmem>>
    %dma_wait3A_2589 = arith.constant 0 : i32
    %dma_wait3A_2590 = tpu.memref_slice %arg3[%squeeze3A_226, %dma_wait3A_2589] : memref<1000000x64xf32, #tpu.memory_space<hbm>> -> memref<1x64xf32, #tpu.memory_space<hbm>>
    %dma_wait3A_2591 = arith.constant 103 : i32
    %dma_wait3A_2592 = arith.constant 0 : i32
    %dma_wait3A_2593 = tpu.memref_slice %arg6[%dma_wait3A_2591, %dma_wait3A_2592] : memref<128x64xf32, #tpu.memory_space<vmem>> -> memref<1x64xf32, #tpu.memory_space<vmem>>
    %dma_wait3A_2594 = arith.constant 0 : i32
    %dma_wait3A_2595 = tpu.memref_slice %arg3[%squeeze3A_226, %dma_wait3A_2594] : memref<1000000x64xf32, #tpu.memory_space<hbm>> -> memref<1x64xf32, #tpu.memory_space<hbm>>
    tpu.wait_dma2 semaphore(%arg14 : memref<!tpu.dma_semaphore, #tpu.memory_space<semaphore_mem>>) src(%dma_wait3A_2595 : memref<1x64xf32, #tpu.memory_space<hbm>>) dst(%dma_wait3A_2593 : memref<1x64xf32, #tpu.memory_space<vmem>>)
    %dma_wait3A_2596 = arith.constant 104 : i32
    %dma_wait3A_2597 = arith.constant 0 : i32
    %dma_wait3A_2598 = tpu.memref_slice %arg6[%dma_wait3A_2596, %dma_wait3A_2597] : memref<128x64xf32, #tpu.memory_space<vmem>> -> memref<1x64xf32, #tpu.memory_space<vmem>>
    %dma_wait3A_2599 = arith.constant 0 : i32
    %dma_wait3A_2600 = tpu.memref_slice %arg3[%squeeze3A_228, %dma_wait3A_2599] : memref<1000000x64xf32, #tpu.memory_space<hbm>> -> memref<1x64xf32, #tpu.memory_space<hbm>>
    %dma_wait3A_2601 = arith.constant 104 : i32
    %dma_wait3A_2602 = arith.constant 0 : i32
    %dma_wait3A_2603 = tpu.memref_slice %arg6[%dma_wait3A_2601, %dma_wait3A_2602] : memref<128x64xf32, #tpu.memory_space<vmem>> -> memref<1x64xf32, #tpu.memory_space<vmem>>
    %dma_wait3A_2604 = arith.constant 0 : i32
    %dma_wait3A_2605 = tpu.memref_slice %arg3[%squeeze3A_228, %dma_wait3A_2604] : memref<1000000x64xf32, #tpu.memory_space<hbm>> -> memref<1x64xf32, #tpu.memory_space<hbm>>
    tpu.wait_dma2 semaphore(%arg7 : memref<!tpu.dma_semaphore, #tpu.memory_space<semaphore_mem>>) src(%dma_wait3A_2605 : memref<1x64xf32, #tpu.memory_space<hbm>>) dst(%dma_wait3A_2603 : memref<1x64xf32, #tpu.memory_space<vmem>>)
    %dma_wait3A_2606 = arith.constant 105 : i32
    %dma_wait3A_2607 = arith.constant 0 : i32
    %dma_wait3A_2608 = tpu.memref_slice %arg6[%dma_wait3A_2606, %dma_wait3A_2607] : memref<128x64xf32, #tpu.memory_space<vmem>> -> memref<1x64xf32, #tpu.memory_space<vmem>>
    %dma_wait3A_2609 = arith.constant 0 : i32
    %dma_wait3A_2610 = tpu.memref_slice %arg3[%squeeze3A_230, %dma_wait3A_2609] : memref<1000000x64xf32, #tpu.memory_space<hbm>> -> memref<1x64xf32, #tpu.memory_space<hbm>>
    %dma_wait3A_2611 = arith.constant 105 : i32
    %dma_wait3A_2612 = arith.constant 0 : i32
    %dma_wait3A_2613 = tpu.memref_slice %arg6[%dma_wait3A_2611, %dma_wait3A_2612] : memref<128x64xf32, #tpu.memory_space<vmem>> -> memref<1x64xf32, #tpu.memory_space<vmem>>
    %dma_wait3A_2614 = arith.constant 0 : i32
    %dma_wait3A_2615 = tpu.memref_slice %arg3[%squeeze3A_230, %dma_wait3A_2614] : memref<1000000x64xf32, #tpu.memory_space<hbm>> -> memref<1x64xf32, #tpu.memory_space<hbm>>
    tpu.wait_dma2 semaphore(%arg8 : memref<!tpu.dma_semaphore, #tpu.memory_space<semaphore_mem>>) src(%dma_wait3A_2615 : memref<1x64xf32, #tpu.memory_space<hbm>>) dst(%dma_wait3A_2613 : memref<1x64xf32, #tpu.memory_space<vmem>>)
    %dma_wait3A_2616 = arith.constant 106 : i32
    %dma_wait3A_2617 = arith.constant 0 : i32
    %dma_wait3A_2618 = tpu.memref_slice %arg6[%dma_wait3A_2616, %dma_wait3A_2617] : memref<128x64xf32, #tpu.memory_space<vmem>> -> memref<1x64xf32, #tpu.memory_space<vmem>>
    %dma_wait3A_2619 = arith.constant 0 : i32
    %dma_wait3A_2620 = tpu.memref_slice %arg3[%squeeze3A_232, %dma_wait3A_2619] : memref<1000000x64xf32, #tpu.memory_space<hbm>> -> memref<1x64xf32, #tpu.memory_space<hbm>>
    %dma_wait3A_2621 = arith.constant 106 : i32
    %dma_wait3A_2622 = arith.constant 0 : i32
    %dma_wait3A_2623 = tpu.memref_slice %arg6[%dma_wait3A_2621, %dma_wait3A_2622] : memref<128x64xf32, #tpu.memory_space<vmem>> -> memref<1x64xf32, #tpu.memory_space<vmem>>
    %dma_wait3A_2624 = arith.constant 0 : i32
    %dma_wait3A_2625 = tpu.memref_slice %arg3[%squeeze3A_232, %dma_wait3A_2624] : memref<1000000x64xf32, #tpu.memory_space<hbm>> -> memref<1x64xf32, #tpu.memory_space<hbm>>
    tpu.wait_dma2 semaphore(%arg9 : memref<!tpu.dma_semaphore, #tpu.memory_space<semaphore_mem>>) src(%dma_wait3A_2625 : memref<1x64xf32, #tpu.memory_space<hbm>>) dst(%dma_wait3A_2623 : memref<1x64xf32, #tpu.memory_space<vmem>>)
    %dma_wait3A_2626 = arith.constant 107 : i32
    %dma_wait3A_2627 = arith.constant 0 : i32
    %dma_wait3A_2628 = tpu.memref_slice %arg6[%dma_wait3A_2626, %dma_wait3A_2627] : memref<128x64xf32, #tpu.memory_space<vmem>> -> memref<1x64xf32, #tpu.memory_space<vmem>>
    %dma_wait3A_2629 = arith.constant 0 : i32
    %dma_wait3A_2630 = tpu.memref_slice %arg3[%squeeze3A_234, %dma_wait3A_2629] : memref<1000000x64xf32, #tpu.memory_space<hbm>> -> memref<1x64xf32, #tpu.memory_space<hbm>>
    %dma_wait3A_2631 = arith.constant 107 : i32
    %dma_wait3A_2632 = arith.constant 0 : i32
    %dma_wait3A_2633 = tpu.memref_slice %arg6[%dma_wait3A_2631, %dma_wait3A_2632] : memref<128x64xf32, #tpu.memory_space<vmem>> -> memref<1x64xf32, #tpu.memory_space<vmem>>
    %dma_wait3A_2634 = arith.constant 0 : i32
    %dma_wait3A_2635 = tpu.memref_slice %arg3[%squeeze3A_234, %dma_wait3A_2634] : memref<1000000x64xf32, #tpu.memory_space<hbm>> -> memref<1x64xf32, #tpu.memory_space<hbm>>
    tpu.wait_dma2 semaphore(%arg10 : memref<!tpu.dma_semaphore, #tpu.memory_space<semaphore_mem>>) src(%dma_wait3A_2635 : memref<1x64xf32, #tpu.memory_space<hbm>>) dst(%dma_wait3A_2633 : memref<1x64xf32, #tpu.memory_space<vmem>>)
    %dma_wait3A_2636 = arith.constant 108 : i32
    %dma_wait3A_2637 = arith.constant 0 : i32
    %dma_wait3A_2638 = tpu.memref_slice %arg6[%dma_wait3A_2636, %dma_wait3A_2637] : memref<128x64xf32, #tpu.memory_space<vmem>> -> memref<1x64xf32, #tpu.memory_space<vmem>>
    %dma_wait3A_2639 = arith.constant 0 : i32
    %dma_wait3A_2640 = tpu.memref_slice %arg3[%squeeze3A_236, %dma_wait3A_2639] : memref<1000000x64xf32, #tpu.memory_space<hbm>> -> memref<1x64xf32, #tpu.memory_space<hbm>>
    %dma_wait3A_2641 = arith.constant 108 : i32
    %dma_wait3A_2642 = arith.constant 0 : i32
    %dma_wait3A_2643 = tpu.memref_slice %arg6[%dma_wait3A_2641, %dma_wait3A_2642] : memref<128x64xf32, #tpu.memory_space<vmem>> -> memref<1x64xf32, #tpu.memory_space<vmem>>
    %dma_wait3A_2644 = arith.constant 0 : i32
    %dma_wait3A_2645 = tpu.memref_slice %arg3[%squeeze3A_236, %dma_wait3A_2644] : memref<1000000x64xf32, #tpu.memory_space<hbm>> -> memref<1x64xf32, #tpu.memory_space<hbm>>
    tpu.wait_dma2 semaphore(%arg11 : memref<!tpu.dma_semaphore, #tpu.memory_space<semaphore_mem>>) src(%dma_wait3A_2645 : memref<1x64xf32, #tpu.memory_space<hbm>>) dst(%dma_wait3A_2643 : memref<1x64xf32, #tpu.memory_space<vmem>>)
    %dma_wait3A_2646 = arith.constant 109 : i32
    %dma_wait3A_2647 = arith.constant 0 : i32
    %dma_wait3A_2648 = tpu.memref_slice %arg6[%dma_wait3A_2646, %dma_wait3A_2647] : memref<128x64xf32, #tpu.memory_space<vmem>> -> memref<1x64xf32, #tpu.memory_space<vmem>>
    %dma_wait3A_2649 = arith.constant 0 : i32
    %dma_wait3A_2650 = tpu.memref_slice %arg3[%squeeze3A_238, %dma_wait3A_2649] : memref<1000000x64xf32, #tpu.memory_space<hbm>> -> memref<1x64xf32, #tpu.memory_space<hbm>>
    %dma_wait3A_2651 = arith.constant 109 : i32
    %dma_wait3A_2652 = arith.constant 0 : i32
    %dma_wait3A_2653 = tpu.memref_slice %arg6[%dma_wait3A_2651, %dma_wait3A_2652] : memref<128x64xf32, #tpu.memory_space<vmem>> -> memref<1x64xf32, #tpu.memory_space<vmem>>
    %dma_wait3A_2654 = arith.constant 0 : i32
    %dma_wait3A_2655 = tpu.memref_slice %arg3[%squeeze3A_238, %dma_wait3A_2654] : memref<1000000x64xf32, #tpu.memory_space<hbm>> -> memref<1x64xf32, #tpu.memory_space<hbm>>
    tpu.wait_dma2 semaphore(%arg12 : memref<!tpu.dma_semaphore, #tpu.memory_space<semaphore_mem>>) src(%dma_wait3A_2655 : memref<1x64xf32, #tpu.memory_space<hbm>>) dst(%dma_wait3A_2653 : memref<1x64xf32, #tpu.memory_space<vmem>>)
    %dma_wait3A_2656 = arith.constant 110 : i32
    %dma_wait3A_2657 = arith.constant 0 : i32
    %dma_wait3A_2658 = tpu.memref_slice %arg6[%dma_wait3A_2656, %dma_wait3A_2657] : memref<128x64xf32, #tpu.memory_space<vmem>> -> memref<1x64xf32, #tpu.memory_space<vmem>>
    %dma_wait3A_2659 = arith.constant 0 : i32
    %dma_wait3A_2660 = tpu.memref_slice %arg3[%squeeze3A_240, %dma_wait3A_2659] : memref<1000000x64xf32, #tpu.memory_space<hbm>> -> memref<1x64xf32, #tpu.memory_space<hbm>>
    %dma_wait3A_2661 = arith.constant 110 : i32
    %dma_wait3A_2662 = arith.constant 0 : i32
    %dma_wait3A_2663 = tpu.memref_slice %arg6[%dma_wait3A_2661, %dma_wait3A_2662] : memref<128x64xf32, #tpu.memory_space<vmem>> -> memref<1x64xf32, #tpu.memory_space<vmem>>
    %dma_wait3A_2664 = arith.constant 0 : i32
    %dma_wait3A_2665 = tpu.memref_slice %arg3[%squeeze3A_240, %dma_wait3A_2664] : memref<1000000x64xf32, #tpu.memory_space<hbm>> -> memref<1x64xf32, #tpu.memory_space<hbm>>
    tpu.wait_dma2 semaphore(%arg13 : memref<!tpu.dma_semaphore, #tpu.memory_space<semaphore_mem>>) src(%dma_wait3A_2665 : memref<1x64xf32, #tpu.memory_space<hbm>>) dst(%dma_wait3A_2663 : memref<1x64xf32, #tpu.memory_space<vmem>>)
    %dma_wait3A_2666 = arith.constant 111 : i32
    %dma_wait3A_2667 = arith.constant 0 : i32
    %dma_wait3A_2668 = tpu.memref_slice %arg6[%dma_wait3A_2666, %dma_wait3A_2667] : memref<128x64xf32, #tpu.memory_space<vmem>> -> memref<1x64xf32, #tpu.memory_space<vmem>>
    %dma_wait3A_2669 = arith.constant 0 : i32
    %dma_wait3A_2670 = tpu.memref_slice %arg3[%squeeze3A_242, %dma_wait3A_2669] : memref<1000000x64xf32, #tpu.memory_space<hbm>> -> memref<1x64xf32, #tpu.memory_space<hbm>>
    %dma_wait3A_2671 = arith.constant 111 : i32
    %dma_wait3A_2672 = arith.constant 0 : i32
    %dma_wait3A_2673 = tpu.memref_slice %arg6[%dma_wait3A_2671, %dma_wait3A_2672] : memref<128x64xf32, #tpu.memory_space<vmem>> -> memref<1x64xf32, #tpu.memory_space<vmem>>
    %dma_wait3A_2674 = arith.constant 0 : i32
    %dma_wait3A_2675 = tpu.memref_slice %arg3[%squeeze3A_242, %dma_wait3A_2674] : memref<1000000x64xf32, #tpu.memory_space<hbm>> -> memref<1x64xf32, #tpu.memory_space<hbm>>
    tpu.wait_dma2 semaphore(%arg14 : memref<!tpu.dma_semaphore, #tpu.memory_space<semaphore_mem>>) src(%dma_wait3A_2675 : memref<1x64xf32, #tpu.memory_space<hbm>>) dst(%dma_wait3A_2673 : memref<1x64xf32, #tpu.memory_space<vmem>>)
    %dma_wait3A_2676 = arith.constant 112 : i32
    %dma_wait3A_2677 = arith.constant 0 : i32
    %dma_wait3A_2678 = tpu.memref_slice %arg6[%dma_wait3A_2676, %dma_wait3A_2677] : memref<128x64xf32, #tpu.memory_space<vmem>> -> memref<1x64xf32, #tpu.memory_space<vmem>>
    %dma_wait3A_2679 = arith.constant 0 : i32
    %dma_wait3A_2680 = tpu.memref_slice %arg3[%squeeze3A_247, %dma_wait3A_2679] : memref<1000000x64xf32, #tpu.memory_space<hbm>> -> memref<1x64xf32, #tpu.memory_space<hbm>>
    %dma_wait3A_2681 = arith.constant 112 : i32
    %dma_wait3A_2682 = arith.constant 0 : i32
    %dma_wait3A_2683 = tpu.memref_slice %arg6[%dma_wait3A_2681, %dma_wait3A_2682] : memref<128x64xf32, #tpu.memory_space<vmem>> -> memref<1x64xf32, #tpu.memory_space<vmem>>
    %dma_wait3A_2684 = arith.constant 0 : i32
    %dma_wait3A_2685 = tpu.memref_slice %arg3[%squeeze3A_247, %dma_wait3A_2684] : memref<1000000x64xf32, #tpu.memory_space<hbm>> -> memref<1x64xf32, #tpu.memory_space<hbm>>
    tpu.wait_dma2 semaphore(%arg7 : memref<!tpu.dma_semaphore, #tpu.memory_space<semaphore_mem>>) src(%dma_wait3A_2685 : memref<1x64xf32, #tpu.memory_space<hbm>>) dst(%dma_wait3A_2683 : memref<1x64xf32, #tpu.memory_space<vmem>>)
    %dma_wait3A_2686 = arith.constant 113 : i32
    %dma_wait3A_2687 = arith.constant 0 : i32
    %dma_wait3A_2688 = tpu.memref_slice %arg6[%dma_wait3A_2686, %dma_wait3A_2687] : memref<128x64xf32, #tpu.memory_space<vmem>> -> memref<1x64xf32, #tpu.memory_space<vmem>>
    %dma_wait3A_2689 = arith.constant 0 : i32
    %dma_wait3A_2690 = tpu.memref_slice %arg3[%squeeze3A_249, %dma_wait3A_2689] : memref<1000000x64xf32, #tpu.memory_space<hbm>> -> memref<1x64xf32, #tpu.memory_space<hbm>>
    %dma_wait3A_2691 = arith.constant 113 : i32
    %dma_wait3A_2692 = arith.constant 0 : i32
    %dma_wait3A_2693 = tpu.memref_slice %arg6[%dma_wait3A_2691, %dma_wait3A_2692] : memref<128x64xf32, #tpu.memory_space<vmem>> -> memref<1x64xf32, #tpu.memory_space<vmem>>
    %dma_wait3A_2694 = arith.constant 0 : i32
    %dma_wait3A_2695 = tpu.memref_slice %arg3[%squeeze3A_249, %dma_wait3A_2694] : memref<1000000x64xf32, #tpu.memory_space<hbm>> -> memref<1x64xf32, #tpu.memory_space<hbm>>
    tpu.wait_dma2 semaphore(%arg8 : memref<!tpu.dma_semaphore, #tpu.memory_space<semaphore_mem>>) src(%dma_wait3A_2695 : memref<1x64xf32, #tpu.memory_space<hbm>>) dst(%dma_wait3A_2693 : memref<1x64xf32, #tpu.memory_space<vmem>>)
    %dma_wait3A_2696 = arith.constant 114 : i32
    %dma_wait3A_2697 = arith.constant 0 : i32
    %dma_wait3A_2698 = tpu.memref_slice %arg6[%dma_wait3A_2696, %dma_wait3A_2697] : memref<128x64xf32, #tpu.memory_space<vmem>> -> memref<1x64xf32, #tpu.memory_space<vmem>>
    %dma_wait3A_2699 = arith.constant 0 : i32
    %dma_wait3A_2700 = tpu.memref_slice %arg3[%squeeze3A_251, %dma_wait3A_2699] : memref<1000000x64xf32, #tpu.memory_space<hbm>> -> memref<1x64xf32, #tpu.memory_space<hbm>>
    %dma_wait3A_2701 = arith.constant 114 : i32
    %dma_wait3A_2702 = arith.constant 0 : i32
    %dma_wait3A_2703 = tpu.memref_slice %arg6[%dma_wait3A_2701, %dma_wait3A_2702] : memref<128x64xf32, #tpu.memory_space<vmem>> -> memref<1x64xf32, #tpu.memory_space<vmem>>
    %dma_wait3A_2704 = arith.constant 0 : i32
    %dma_wait3A_2705 = tpu.memref_slice %arg3[%squeeze3A_251, %dma_wait3A_2704] : memref<1000000x64xf32, #tpu.memory_space<hbm>> -> memref<1x64xf32, #tpu.memory_space<hbm>>
    tpu.wait_dma2 semaphore(%arg9 : memref<!tpu.dma_semaphore, #tpu.memory_space<semaphore_mem>>) src(%dma_wait3A_2705 : memref<1x64xf32, #tpu.memory_space<hbm>>) dst(%dma_wait3A_2703 : memref<1x64xf32, #tpu.memory_space<vmem>>)
    %dma_wait3A_2706 = arith.constant 115 : i32
    %dma_wait3A_2707 = arith.constant 0 : i32
    %dma_wait3A_2708 = tpu.memref_slice %arg6[%dma_wait3A_2706, %dma_wait3A_2707] : memref<128x64xf32, #tpu.memory_space<vmem>> -> memref<1x64xf32, #tpu.memory_space<vmem>>
    %dma_wait3A_2709 = arith.constant 0 : i32
    %dma_wait3A_2710 = tpu.memref_slice %arg3[%squeeze3A_253, %dma_wait3A_2709] : memref<1000000x64xf32, #tpu.memory_space<hbm>> -> memref<1x64xf32, #tpu.memory_space<hbm>>
    %dma_wait3A_2711 = arith.constant 115 : i32
    %dma_wait3A_2712 = arith.constant 0 : i32
    %dma_wait3A_2713 = tpu.memref_slice %arg6[%dma_wait3A_2711, %dma_wait3A_2712] : memref<128x64xf32, #tpu.memory_space<vmem>> -> memref<1x64xf32, #tpu.memory_space<vmem>>
    %dma_wait3A_2714 = arith.constant 0 : i32
    %dma_wait3A_2715 = tpu.memref_slice %arg3[%squeeze3A_253, %dma_wait3A_2714] : memref<1000000x64xf32, #tpu.memory_space<hbm>> -> memref<1x64xf32, #tpu.memory_space<hbm>>
    tpu.wait_dma2 semaphore(%arg10 : memref<!tpu.dma_semaphore, #tpu.memory_space<semaphore_mem>>) src(%dma_wait3A_2715 : memref<1x64xf32, #tpu.memory_space<hbm>>) dst(%dma_wait3A_2713 : memref<1x64xf32, #tpu.memory_space<vmem>>)
    %dma_wait3A_2716 = arith.constant 116 : i32
    %dma_wait3A_2717 = arith.constant 0 : i32
    %dma_wait3A_2718 = tpu.memref_slice %arg6[%dma_wait3A_2716, %dma_wait3A_2717] : memref<128x64xf32, #tpu.memory_space<vmem>> -> memref<1x64xf32, #tpu.memory_space<vmem>>
    %dma_wait3A_2719 = arith.constant 0 : i32
    %dma_wait3A_2720 = tpu.memref_slice %arg3[%squeeze3A_255, %dma_wait3A_2719] : memref<1000000x64xf32, #tpu.memory_space<hbm>> -> memref<1x64xf32, #tpu.memory_space<hbm>>
    %dma_wait3A_2721 = arith.constant 116 : i32
    %dma_wait3A_2722 = arith.constant 0 : i32
    %dma_wait3A_2723 = tpu.memref_slice %arg6[%dma_wait3A_2721, %dma_wait3A_2722] : memref<128x64xf32, #tpu.memory_space<vmem>> -> memref<1x64xf32, #tpu.memory_space<vmem>>
    %dma_wait3A_2724 = arith.constant 0 : i32
    %dma_wait3A_2725 = tpu.memref_slice %arg3[%squeeze3A_255, %dma_wait3A_2724] : memref<1000000x64xf32, #tpu.memory_space<hbm>> -> memref<1x64xf32, #tpu.memory_space<hbm>>
    tpu.wait_dma2 semaphore(%arg11 : memref<!tpu.dma_semaphore, #tpu.memory_space<semaphore_mem>>) src(%dma_wait3A_2725 : memref<1x64xf32, #tpu.memory_space<hbm>>) dst(%dma_wait3A_2723 : memref<1x64xf32, #tpu.memory_space<vmem>>)
    %dma_wait3A_2726 = arith.constant 117 : i32
    %dma_wait3A_2727 = arith.constant 0 : i32
    %dma_wait3A_2728 = tpu.memref_slice %arg6[%dma_wait3A_2726, %dma_wait3A_2727] : memref<128x64xf32, #tpu.memory_space<vmem>> -> memref<1x64xf32, #tpu.memory_space<vmem>>
    %dma_wait3A_2729 = arith.constant 0 : i32
    %dma_wait3A_2730 = tpu.memref_slice %arg3[%squeeze3A_257, %dma_wait3A_2729] : memref<1000000x64xf32, #tpu.memory_space<hbm>> -> memref<1x64xf32, #tpu.memory_space<hbm>>
    %dma_wait3A_2731 = arith.constant 117 : i32
    %dma_wait3A_2732 = arith.constant 0 : i32
    %dma_wait3A_2733 = tpu.memref_slice %arg6[%dma_wait3A_2731, %dma_wait3A_2732] : memref<128x64xf32, #tpu.memory_space<vmem>> -> memref<1x64xf32, #tpu.memory_space<vmem>>
    %dma_wait3A_2734 = arith.constant 0 : i32
    %dma_wait3A_2735 = tpu.memref_slice %arg3[%squeeze3A_257, %dma_wait3A_2734] : memref<1000000x64xf32, #tpu.memory_space<hbm>> -> memref<1x64xf32, #tpu.memory_space<hbm>>
    tpu.wait_dma2 semaphore(%arg12 : memref<!tpu.dma_semaphore, #tpu.memory_space<semaphore_mem>>) src(%dma_wait3A_2735 : memref<1x64xf32, #tpu.memory_space<hbm>>) dst(%dma_wait3A_2733 : memref<1x64xf32, #tpu.memory_space<vmem>>)
    %dma_wait3A_2736 = arith.constant 118 : i32
    %dma_wait3A_2737 = arith.constant 0 : i32
    %dma_wait3A_2738 = tpu.memref_slice %arg6[%dma_wait3A_2736, %dma_wait3A_2737] : memref<128x64xf32, #tpu.memory_space<vmem>> -> memref<1x64xf32, #tpu.memory_space<vmem>>
    %dma_wait3A_2739 = arith.constant 0 : i32
    %dma_wait3A_2740 = tpu.memref_slice %arg3[%squeeze3A_259, %dma_wait3A_2739] : memref<1000000x64xf32, #tpu.memory_space<hbm>> -> memref<1x64xf32, #tpu.memory_space<hbm>>
    %dma_wait3A_2741 = arith.constant 118 : i32
    %dma_wait3A_2742 = arith.constant 0 : i32
    %dma_wait3A_2743 = tpu.memref_slice %arg6[%dma_wait3A_2741, %dma_wait3A_2742] : memref<128x64xf32, #tpu.memory_space<vmem>> -> memref<1x64xf32, #tpu.memory_space<vmem>>
    %dma_wait3A_2744 = arith.constant 0 : i32
    %dma_wait3A_2745 = tpu.memref_slice %arg3[%squeeze3A_259, %dma_wait3A_2744] : memref<1000000x64xf32, #tpu.memory_space<hbm>> -> memref<1x64xf32, #tpu.memory_space<hbm>>
    tpu.wait_dma2 semaphore(%arg13 : memref<!tpu.dma_semaphore, #tpu.memory_space<semaphore_mem>>) src(%dma_wait3A_2745 : memref<1x64xf32, #tpu.memory_space<hbm>>) dst(%dma_wait3A_2743 : memref<1x64xf32, #tpu.memory_space<vmem>>)
    %dma_wait3A_2746 = arith.constant 119 : i32
    %dma_wait3A_2747 = arith.constant 0 : i32
    %dma_wait3A_2748 = tpu.memref_slice %arg6[%dma_wait3A_2746, %dma_wait3A_2747] : memref<128x64xf32, #tpu.memory_space<vmem>> -> memref<1x64xf32, #tpu.memory_space<vmem>>
    %dma_wait3A_2749 = arith.constant 0 : i32
    %dma_wait3A_2750 = tpu.memref_slice %arg3[%squeeze3A_261, %dma_wait3A_2749] : memref<1000000x64xf32, #tpu.memory_space<hbm>> -> memref<1x64xf32, #tpu.memory_space<hbm>>
    %dma_wait3A_2751 = arith.constant 119 : i32
    %dma_wait3A_2752 = arith.constant 0 : i32
    %dma_wait3A_2753 = tpu.memref_slice %arg6[%dma_wait3A_2751, %dma_wait3A_2752] : memref<128x64xf32, #tpu.memory_space<vmem>> -> memref<1x64xf32, #tpu.memory_space<vmem>>
    %dma_wait3A_2754 = arith.constant 0 : i32
    %dma_wait3A_2755 = tpu.memref_slice %arg3[%squeeze3A_261, %dma_wait3A_2754] : memref<1000000x64xf32, #tpu.memory_space<hbm>> -> memref<1x64xf32, #tpu.memory_space<hbm>>
    tpu.wait_dma2 semaphore(%arg14 : memref<!tpu.dma_semaphore, #tpu.memory_space<semaphore_mem>>) src(%dma_wait3A_2755 : memref<1x64xf32, #tpu.memory_space<hbm>>) dst(%dma_wait3A_2753 : memref<1x64xf32, #tpu.memory_space<vmem>>)
    %dma_wait3A_2756 = arith.constant 120 : i32
    %dma_wait3A_2757 = arith.constant 0 : i32
    %dma_wait3A_2758 = tpu.memref_slice %arg6[%dma_wait3A_2756, %dma_wait3A_2757] : memref<128x64xf32, #tpu.memory_space<vmem>> -> memref<1x64xf32, #tpu.memory_space<vmem>>
    %dma_wait3A_2759 = arith.constant 0 : i32
    %dma_wait3A_2760 = tpu.memref_slice %arg3[%squeeze3A_263, %dma_wait3A_2759] : memref<1000000x64xf32, #tpu.memory_space<hbm>> -> memref<1x64xf32, #tpu.memory_space<hbm>>
    %dma_wait3A_2761 = arith.constant 120 : i32
    %dma_wait3A_2762 = arith.constant 0 : i32
    %dma_wait3A_2763 = tpu.memref_slice %arg6[%dma_wait3A_2761, %dma_wait3A_2762] : memref<128x64xf32, #tpu.memory_space<vmem>> -> memref<1x64xf32, #tpu.memory_space<vmem>>
    %dma_wait3A_2764 = arith.constant 0 : i32
    %dma_wait3A_2765 = tpu.memref_slice %arg3[%squeeze3A_263, %dma_wait3A_2764] : memref<1000000x64xf32, #tpu.memory_space<hbm>> -> memref<1x64xf32, #tpu.memory_space<hbm>>
    tpu.wait_dma2 semaphore(%arg7 : memref<!tpu.dma_semaphore, #tpu.memory_space<semaphore_mem>>) src(%dma_wait3A_2765 : memref<1x64xf32, #tpu.memory_space<hbm>>) dst(%dma_wait3A_2763 : memref<1x64xf32, #tpu.memory_space<vmem>>)
    %dma_wait3A_2766 = arith.constant 121 : i32
    %dma_wait3A_2767 = arith.constant 0 : i32
    %dma_wait3A_2768 = tpu.memref_slice %arg6[%dma_wait3A_2766, %dma_wait3A_2767] : memref<128x64xf32, #tpu.memory_space<vmem>> -> memref<1x64xf32, #tpu.memory_space<vmem>>
    %dma_wait3A_2769 = arith.constant 0 : i32
    %dma_wait3A_2770 = tpu.memref_slice %arg3[%squeeze3A_265, %dma_wait3A_2769] : memref<1000000x64xf32, #tpu.memory_space<hbm>> -> memref<1x64xf32, #tpu.memory_space<hbm>>
    %dma_wait3A_2771 = arith.constant 121 : i32
    %dma_wait3A_2772 = arith.constant 0 : i32
    %dma_wait3A_2773 = tpu.memref_slice %arg6[%dma_wait3A_2771, %dma_wait3A_2772] : memref<128x64xf32, #tpu.memory_space<vmem>> -> memref<1x64xf32, #tpu.memory_space<vmem>>
    %dma_wait3A_2774 = arith.constant 0 : i32
    %dma_wait3A_2775 = tpu.memref_slice %arg3[%squeeze3A_265, %dma_wait3A_2774] : memref<1000000x64xf32, #tpu.memory_space<hbm>> -> memref<1x64xf32, #tpu.memory_space<hbm>>
    tpu.wait_dma2 semaphore(%arg8 : memref<!tpu.dma_semaphore, #tpu.memory_space<semaphore_mem>>) src(%dma_wait3A_2775 : memref<1x64xf32, #tpu.memory_space<hbm>>) dst(%dma_wait3A_2773 : memref<1x64xf32, #tpu.memory_space<vmem>>)
    %dma_wait3A_2776 = arith.constant 122 : i32
    %dma_wait3A_2777 = arith.constant 0 : i32
    %dma_wait3A_2778 = tpu.memref_slice %arg6[%dma_wait3A_2776, %dma_wait3A_2777] : memref<128x64xf32, #tpu.memory_space<vmem>> -> memref<1x64xf32, #tpu.memory_space<vmem>>
    %dma_wait3A_2779 = arith.constant 0 : i32
    %dma_wait3A_2780 = tpu.memref_slice %arg3[%squeeze3A_267, %dma_wait3A_2779] : memref<1000000x64xf32, #tpu.memory_space<hbm>> -> memref<1x64xf32, #tpu.memory_space<hbm>>
    %dma_wait3A_2781 = arith.constant 122 : i32
    %dma_wait3A_2782 = arith.constant 0 : i32
    %dma_wait3A_2783 = tpu.memref_slice %arg6[%dma_wait3A_2781, %dma_wait3A_2782] : memref<128x64xf32, #tpu.memory_space<vmem>> -> memref<1x64xf32, #tpu.memory_space<vmem>>
    %dma_wait3A_2784 = arith.constant 0 : i32
    %dma_wait3A_2785 = tpu.memref_slice %arg3[%squeeze3A_267, %dma_wait3A_2784] : memref<1000000x64xf32, #tpu.memory_space<hbm>> -> memref<1x64xf32, #tpu.memory_space<hbm>>
    tpu.wait_dma2 semaphore(%arg9 : memref<!tpu.dma_semaphore, #tpu.memory_space<semaphore_mem>>) src(%dma_wait3A_2785 : memref<1x64xf32, #tpu.memory_space<hbm>>) dst(%dma_wait3A_2783 : memref<1x64xf32, #tpu.memory_space<vmem>>)
    %dma_wait3A_2786 = arith.constant 123 : i32
    %dma_wait3A_2787 = arith.constant 0 : i32
    %dma_wait3A_2788 = tpu.memref_slice %arg6[%dma_wait3A_2786, %dma_wait3A_2787] : memref<128x64xf32, #tpu.memory_space<vmem>> -> memref<1x64xf32, #tpu.memory_space<vmem>>
    %dma_wait3A_2789 = arith.constant 0 : i32
    %dma_wait3A_2790 = tpu.memref_slice %arg3[%squeeze3A_269, %dma_wait3A_2789] : memref<1000000x64xf32, #tpu.memory_space<hbm>> -> memref<1x64xf32, #tpu.memory_space<hbm>>
    %dma_wait3A_2791 = arith.constant 123 : i32
    %dma_wait3A_2792 = arith.constant 0 : i32
    %dma_wait3A_2793 = tpu.memref_slice %arg6[%dma_wait3A_2791, %dma_wait3A_2792] : memref<128x64xf32, #tpu.memory_space<vmem>> -> memref<1x64xf32, #tpu.memory_space<vmem>>
    %dma_wait3A_2794 = arith.constant 0 : i32
    %dma_wait3A_2795 = tpu.memref_slice %arg3[%squeeze3A_269, %dma_wait3A_2794] : memref<1000000x64xf32, #tpu.memory_space<hbm>> -> memref<1x64xf32, #tpu.memory_space<hbm>>
    tpu.wait_dma2 semaphore(%arg10 : memref<!tpu.dma_semaphore, #tpu.memory_space<semaphore_mem>>) src(%dma_wait3A_2795 : memref<1x64xf32, #tpu.memory_space<hbm>>) dst(%dma_wait3A_2793 : memref<1x64xf32, #tpu.memory_space<vmem>>)
    %dma_wait3A_2796 = arith.constant 124 : i32
    %dma_wait3A_2797 = arith.constant 0 : i32
    %dma_wait3A_2798 = tpu.memref_slice %arg6[%dma_wait3A_2796, %dma_wait3A_2797] : memref<128x64xf32, #tpu.memory_space<vmem>> -> memref<1x64xf32, #tpu.memory_space<vmem>>
    %dma_wait3A_2799 = arith.constant 0 : i32
    %dma_wait3A_2800 = tpu.memref_slice %arg3[%squeeze3A_271, %dma_wait3A_2799] : memref<1000000x64xf32, #tpu.memory_space<hbm>> -> memref<1x64xf32, #tpu.memory_space<hbm>>
    %dma_wait3A_2801 = arith.constant 124 : i32
    %dma_wait3A_2802 = arith.constant 0 : i32
    %dma_wait3A_2803 = tpu.memref_slice %arg6[%dma_wait3A_2801, %dma_wait3A_2802] : memref<128x64xf32, #tpu.memory_space<vmem>> -> memref<1x64xf32, #tpu.memory_space<vmem>>
    %dma_wait3A_2804 = arith.constant 0 : i32
    %dma_wait3A_2805 = tpu.memref_slice %arg3[%squeeze3A_271, %dma_wait3A_2804] : memref<1000000x64xf32, #tpu.memory_space<hbm>> -> memref<1x64xf32, #tpu.memory_space<hbm>>
    tpu.wait_dma2 semaphore(%arg11 : memref<!tpu.dma_semaphore, #tpu.memory_space<semaphore_mem>>) src(%dma_wait3A_2805 : memref<1x64xf32, #tpu.memory_space<hbm>>) dst(%dma_wait3A_2803 : memref<1x64xf32, #tpu.memory_space<vmem>>)
    %dma_wait3A_2806 = arith.constant 125 : i32
    %dma_wait3A_2807 = arith.constant 0 : i32
    %dma_wait3A_2808 = tpu.memref_slice %arg6[%dma_wait3A_2806, %dma_wait3A_2807] : memref<128x64xf32, #tpu.memory_space<vmem>> -> memref<1x64xf32, #tpu.memory_space<vmem>>
    %dma_wait3A_2809 = arith.constant 0 : i32
    %dma_wait3A_2810 = tpu.memref_slice %arg3[%squeeze3A_273, %dma_wait3A_2809] : memref<1000000x64xf32, #tpu.memory_space<hbm>> -> memref<1x64xf32, #tpu.memory_space<hbm>>
    %dma_wait3A_2811 = arith.constant 125 : i32
    %dma_wait3A_2812 = arith.constant 0 : i32
    %dma_wait3A_2813 = tpu.memref_slice %arg6[%dma_wait3A_2811, %dma_wait3A_2812] : memref<128x64xf32, #tpu.memory_space<vmem>> -> memref<1x64xf32, #tpu.memory_space<vmem>>
    %dma_wait3A_2814 = arith.constant 0 : i32
    %dma_wait3A_2815 = tpu.memref_slice %arg3[%squeeze3A_273, %dma_wait3A_2814] : memref<1000000x64xf32, #tpu.memory_space<hbm>> -> memref<1x64xf32, #tpu.memory_space<hbm>>
    tpu.wait_dma2 semaphore(%arg12 : memref<!tpu.dma_semaphore, #tpu.memory_space<semaphore_mem>>) src(%dma_wait3A_2815 : memref<1x64xf32, #tpu.memory_space<hbm>>) dst(%dma_wait3A_2813 : memref<1x64xf32, #tpu.memory_space<vmem>>)
    %dma_wait3A_2816 = arith.constant 126 : i32
    %dma_wait3A_2817 = arith.constant 0 : i32
    %dma_wait3A_2818 = tpu.memref_slice %arg6[%dma_wait3A_2816, %dma_wait3A_2817] : memref<128x64xf32, #tpu.memory_space<vmem>> -> memref<1x64xf32, #tpu.memory_space<vmem>>
    %dma_wait3A_2819 = arith.constant 0 : i32
    %dma_wait3A_2820 = tpu.memref_slice %arg3[%squeeze3A_275, %dma_wait3A_2819] : memref<1000000x64xf32, #tpu.memory_space<hbm>> -> memref<1x64xf32, #tpu.memory_space<hbm>>
    %dma_wait3A_2821 = arith.constant 126 : i32
    %dma_wait3A_2822 = arith.constant 0 : i32
    %dma_wait3A_2823 = tpu.memref_slice %arg6[%dma_wait3A_2821, %dma_wait3A_2822] : memref<128x64xf32, #tpu.memory_space<vmem>> -> memref<1x64xf32, #tpu.memory_space<vmem>>
    %dma_wait3A_2824 = arith.constant 0 : i32
    %dma_wait3A_2825 = tpu.memref_slice %arg3[%squeeze3A_275, %dma_wait3A_2824] : memref<1000000x64xf32, #tpu.memory_space<hbm>> -> memref<1x64xf32, #tpu.memory_space<hbm>>
    tpu.wait_dma2 semaphore(%arg13 : memref<!tpu.dma_semaphore, #tpu.memory_space<semaphore_mem>>) src(%dma_wait3A_2825 : memref<1x64xf32, #tpu.memory_space<hbm>>) dst(%dma_wait3A_2823 : memref<1x64xf32, #tpu.memory_space<vmem>>)
    %dma_wait3A_2826 = arith.constant 127 : i32
    %dma_wait3A_2827 = arith.constant 0 : i32
    %dma_wait3A_2828 = tpu.memref_slice %arg6[%dma_wait3A_2826, %dma_wait3A_2827] : memref<128x64xf32, #tpu.memory_space<vmem>> -> memref<1x64xf32, #tpu.memory_space<vmem>>
    %dma_wait3A_2829 = arith.constant 0 : i32
    %dma_wait3A_2830 = tpu.memref_slice %arg3[%squeeze3A_277, %dma_wait3A_2829] : memref<1000000x64xf32, #tpu.memory_space<hbm>> -> memref<1x64xf32, #tpu.memory_space<hbm>>
    %dma_wait3A_2831 = arith.constant 127 : i32
    %dma_wait3A_2832 = arith.constant 0 : i32
    %dma_wait3A_2833 = tpu.memref_slice %arg6[%dma_wait3A_2831, %dma_wait3A_2832] : memref<128x64xf32, #tpu.memory_space<vmem>> -> memref<1x64xf32, #tpu.memory_space<vmem>>
    %dma_wait3A_2834 = arith.constant 0 : i32
    %dma_wait3A_2835 = tpu.memref_slice %arg3[%squeeze3A_277, %dma_wait3A_2834] : memref<1000000x64xf32, #tpu.memory_space<hbm>> -> memref<1x64xf32, #tpu.memory_space<hbm>>
    tpu.wait_dma2 semaphore(%arg14 : memref<!tpu.dma_semaphore, #tpu.memory_space<semaphore_mem>>) src(%dma_wait3A_2835 : memref<1x64xf32, #tpu.memory_space<hbm>>) dst(%dma_wait3A_2833 : memref<1x64xf32, #tpu.memory_space<vmem>>)
    "tpu.region"() ({
      %run_scoped3A = tpu.sem_alloc : memref<!tpu.dma_semaphore, #tpu.memory_space<semaphore_mem>>
      %dma_start3A_2836 = arith.constant 0 : i32
      %dma_start3A_2837 = arith.constant 0 : i32
      %dma_start3A_2838 = tpu.memref_slice %arg4[%add3A, %dma_start3A_2836, %dma_start3A_2837] : memref<32x128x64xf32, #tpu.memory_space<hbm>> -> memref<1x128x64xf32, #tpu.memory_space<hbm>>
      %dma_start3A_2839 = tpu.memref_squeeze %dma_start3A_2838 : memref<1x128x64xf32, #tpu.memory_space<hbm>> -> memref<128x64xf32, #tpu.memory_space<hbm>>
      %dma_start3A_2840 = arith.constant 0 : i32
      %dma_start3A_2841 = arith.constant 0 : i32
      %dma_start3A_2842 = tpu.memref_slice %arg4[%add3A, %dma_start3A_2840, %dma_start3A_2841] : memref<32x128x64xf32, #tpu.memory_space<hbm>> -> memref<1x128x64xf32, #tpu.memory_space<hbm>>
      %dma_start3A_2843 = tpu.memref_squeeze %dma_start3A_2842 : memref<1x128x64xf32, #tpu.memory_space<hbm>> -> memref<128x64xf32, #tpu.memory_space<hbm>>
      tpu.enqueue_dma source(%arg6 : memref<128x64xf32, #tpu.memory_space<vmem>>) target(%dma_start3A_2843 : memref<128x64xf32, #tpu.memory_space<hbm>>) target_semaphore(%run_scoped3A : memref<!tpu.dma_semaphore, #tpu.memory_space<semaphore_mem>>)
      %dma_wait3A_2844 = arith.constant 0 : i32
      %dma_wait3A_2845 = arith.constant 0 : i32
      %dma_wait3A_2846 = tpu.memref_slice %arg4[%add3A, %dma_wait3A_2844, %dma_wait3A_2845] : memref<32x128x64xf32, #tpu.memory_space<hbm>> -> memref<1x128x64xf32, #tpu.memory_space<hbm>>
      %dma_wait3A_2847 = tpu.memref_squeeze %dma_wait3A_2846 : memref<1x128x64xf32, #tpu.memory_space<hbm>> -> memref<128x64xf32, #tpu.memory_space<hbm>>
      %dma_wait3A_2848 = arith.constant 0 : i32
      %dma_wait3A_2849 = arith.constant 0 : i32
      %dma_wait3A_2850 = tpu.memref_slice %arg4[%add3A, %dma_wait3A_2848, %dma_wait3A_2849] : memref<32x128x64xf32, #tpu.memory_space<hbm>> -> memref<1x128x64xf32, #tpu.memory_space<hbm>>
      %dma_wait3A_2851 = tpu.memref_squeeze %dma_wait3A_2850 : memref<1x128x64xf32, #tpu.memory_space<hbm>> -> memref<128x64xf32, #tpu.memory_space<hbm>>
      tpu.wait_dma2 semaphore(%run_scoped3A : memref<!tpu.dma_semaphore, #tpu.memory_space<semaphore_mem>>) src(%arg6 : memref<128x64xf32, #tpu.memory_space<vmem>>) dst(%dma_wait3A_2851 : memref<128x64xf32, #tpu.memory_space<hbm>>)
      tpu.yield
    }) : () -> ()
    return
  }
}

module attributes {stable_mosaic.version = 14 : i64} {
  func.func @_tc_body(%arg0: i32, %arg1: memref<12288xi32, #tpu.memory_space<smem>>, %arg2: memref<1000000x64xf32, #tpu.memory_space<hbm>>, %arg3: memref<12288x64xf32, #tpu.memory_space<hbm>>, %arg4: memref<!tpu.dma_semaphore, #tpu.memory_space<semaphore_mem>>) attributes {dimension_semantics = [#tpu.dimension_semantics<arbitrary>], iteration_bounds = array<i64: 1>, scalar_prefetch = 1 : i64, scratch_operands = 1 : i64, tpu.core_type = #tpu.core_type<tc>, window_params = [{}, {}]} {
    %scan3A = arith.constant 0 : i32
    %scan3A_0 = arith.constant 1536 : i32
    %scan3A_1 = arith.addi %scan3A, %scan3A_0 : i32
    %scan3A_2 = arith.constant 1 : i32
    scf.for %scan3A_6 = %scan3A to %scan3A_1 step %scan3A_2  : i32 {
      %mul3A = arith.constant 8 : i32
      %mul3A_7 = arith.muli %scan3A_6, %mul3A : i32
      %add3A = arith.constant 0 : i32
      %add3A_8 = arith.addi %mul3A_7, %add3A : i32
      %get3A = arith.index_cast %add3A_8 : i32 to index
      %get3A_9 = memref.load %arg1[%get3A] : memref<12288xi32, #tpu.memory_space<smem>>
      %add3A_10 = arith.constant 0 : i32
      %add3A_11 = arith.addi %mul3A_7, %add3A_10 : i32
      %dma_start3A = arith.constant 0 : i32
      %dma_start3A_12 = tpu.memref_slice %arg3[%add3A_11, %dma_start3A] : memref<12288x64xf32, #tpu.memory_space<hbm>> -> memref<1x64xf32, #tpu.memory_space<hbm>>
      %dma_start3A_13 = arith.constant 0 : i32
      %dma_start3A_14 = tpu.memref_slice %arg2[%get3A_9, %dma_start3A_13] : memref<1000000x64xf32, #tpu.memory_space<hbm>> -> memref<1x64xf32, #tpu.memory_space<hbm>>
      tpu.enqueue_dma source(%dma_start3A_14 : memref<1x64xf32, #tpu.memory_space<hbm>>) target(%dma_start3A_12 : memref<1x64xf32, #tpu.memory_space<hbm>>) target_semaphore(%arg4 : memref<!tpu.dma_semaphore, #tpu.memory_space<semaphore_mem>>)
      %add3A_15 = arith.constant 1 : i32
      %add3A_16 = arith.addi %mul3A_7, %add3A_15 : i32
      %get3A_17 = arith.index_cast %add3A_16 : i32 to index
      %get3A_18 = memref.load %arg1[%get3A_17] : memref<12288xi32, #tpu.memory_space<smem>>
      %add3A_19 = arith.constant 1 : i32
      %add3A_20 = arith.addi %mul3A_7, %add3A_19 : i32
      %dma_start3A_21 = arith.constant 0 : i32
      %dma_start3A_22 = tpu.memref_slice %arg3[%add3A_20, %dma_start3A_21] : memref<12288x64xf32, #tpu.memory_space<hbm>> -> memref<1x64xf32, #tpu.memory_space<hbm>>
      %dma_start3A_23 = arith.constant 0 : i32
      %dma_start3A_24 = tpu.memref_slice %arg2[%get3A_18, %dma_start3A_23] : memref<1000000x64xf32, #tpu.memory_space<hbm>> -> memref<1x64xf32, #tpu.memory_space<hbm>>
      tpu.enqueue_dma source(%dma_start3A_24 : memref<1x64xf32, #tpu.memory_space<hbm>>) target(%dma_start3A_22 : memref<1x64xf32, #tpu.memory_space<hbm>>) target_semaphore(%arg4 : memref<!tpu.dma_semaphore, #tpu.memory_space<semaphore_mem>>)
      %add3A_25 = arith.constant 2 : i32
      %add3A_26 = arith.addi %mul3A_7, %add3A_25 : i32
      %get3A_27 = arith.index_cast %add3A_26 : i32 to index
      %get3A_28 = memref.load %arg1[%get3A_27] : memref<12288xi32, #tpu.memory_space<smem>>
      %add3A_29 = arith.constant 2 : i32
      %add3A_30 = arith.addi %mul3A_7, %add3A_29 : i32
      %dma_start3A_31 = arith.constant 0 : i32
      %dma_start3A_32 = tpu.memref_slice %arg3[%add3A_30, %dma_start3A_31] : memref<12288x64xf32, #tpu.memory_space<hbm>> -> memref<1x64xf32, #tpu.memory_space<hbm>>
      %dma_start3A_33 = arith.constant 0 : i32
      %dma_start3A_34 = tpu.memref_slice %arg2[%get3A_28, %dma_start3A_33] : memref<1000000x64xf32, #tpu.memory_space<hbm>> -> memref<1x64xf32, #tpu.memory_space<hbm>>
      tpu.enqueue_dma source(%dma_start3A_34 : memref<1x64xf32, #tpu.memory_space<hbm>>) target(%dma_start3A_32 : memref<1x64xf32, #tpu.memory_space<hbm>>) target_semaphore(%arg4 : memref<!tpu.dma_semaphore, #tpu.memory_space<semaphore_mem>>)
      %add3A_35 = arith.constant 3 : i32
      %add3A_36 = arith.addi %mul3A_7, %add3A_35 : i32
      %get3A_37 = arith.index_cast %add3A_36 : i32 to index
      %get3A_38 = memref.load %arg1[%get3A_37] : memref<12288xi32, #tpu.memory_space<smem>>
      %add3A_39 = arith.constant 3 : i32
      %add3A_40 = arith.addi %mul3A_7, %add3A_39 : i32
      %dma_start3A_41 = arith.constant 0 : i32
      %dma_start3A_42 = tpu.memref_slice %arg3[%add3A_40, %dma_start3A_41] : memref<12288x64xf32, #tpu.memory_space<hbm>> -> memref<1x64xf32, #tpu.memory_space<hbm>>
      %dma_start3A_43 = arith.constant 0 : i32
      %dma_start3A_44 = tpu.memref_slice %arg2[%get3A_38, %dma_start3A_43] : memref<1000000x64xf32, #tpu.memory_space<hbm>> -> memref<1x64xf32, #tpu.memory_space<hbm>>
      tpu.enqueue_dma source(%dma_start3A_44 : memref<1x64xf32, #tpu.memory_space<hbm>>) target(%dma_start3A_42 : memref<1x64xf32, #tpu.memory_space<hbm>>) target_semaphore(%arg4 : memref<!tpu.dma_semaphore, #tpu.memory_space<semaphore_mem>>)
      %add3A_45 = arith.constant 4 : i32
      %add3A_46 = arith.addi %mul3A_7, %add3A_45 : i32
      %get3A_47 = arith.index_cast %add3A_46 : i32 to index
      %get3A_48 = memref.load %arg1[%get3A_47] : memref<12288xi32, #tpu.memory_space<smem>>
      %add3A_49 = arith.constant 4 : i32
      %add3A_50 = arith.addi %mul3A_7, %add3A_49 : i32
      %dma_start3A_51 = arith.constant 0 : i32
      %dma_start3A_52 = tpu.memref_slice %arg3[%add3A_50, %dma_start3A_51] : memref<12288x64xf32, #tpu.memory_space<hbm>> -> memref<1x64xf32, #tpu.memory_space<hbm>>
      %dma_start3A_53 = arith.constant 0 : i32
      %dma_start3A_54 = tpu.memref_slice %arg2[%get3A_48, %dma_start3A_53] : memref<1000000x64xf32, #tpu.memory_space<hbm>> -> memref<1x64xf32, #tpu.memory_space<hbm>>
      tpu.enqueue_dma source(%dma_start3A_54 : memref<1x64xf32, #tpu.memory_space<hbm>>) target(%dma_start3A_52 : memref<1x64xf32, #tpu.memory_space<hbm>>) target_semaphore(%arg4 : memref<!tpu.dma_semaphore, #tpu.memory_space<semaphore_mem>>)
      %add3A_55 = arith.constant 5 : i32
      %add3A_56 = arith.addi %mul3A_7, %add3A_55 : i32
      %get3A_57 = arith.index_cast %add3A_56 : i32 to index
      %get3A_58 = memref.load %arg1[%get3A_57] : memref<12288xi32, #tpu.memory_space<smem>>
      %add3A_59 = arith.constant 5 : i32
      %add3A_60 = arith.addi %mul3A_7, %add3A_59 : i32
      %dma_start3A_61 = arith.constant 0 : i32
      %dma_start3A_62 = tpu.memref_slice %arg3[%add3A_60, %dma_start3A_61] : memref<12288x64xf32, #tpu.memory_space<hbm>> -> memref<1x64xf32, #tpu.memory_space<hbm>>
      %dma_start3A_63 = arith.constant 0 : i32
      %dma_start3A_64 = tpu.memref_slice %arg2[%get3A_58, %dma_start3A_63] : memref<1000000x64xf32, #tpu.memory_space<hbm>> -> memref<1x64xf32, #tpu.memory_space<hbm>>
      tpu.enqueue_dma source(%dma_start3A_64 : memref<1x64xf32, #tpu.memory_space<hbm>>) target(%dma_start3A_62 : memref<1x64xf32, #tpu.memory_space<hbm>>) target_semaphore(%arg4 : memref<!tpu.dma_semaphore, #tpu.memory_space<semaphore_mem>>)
      %add3A_65 = arith.constant 6 : i32
      %add3A_66 = arith.addi %mul3A_7, %add3A_65 : i32
      %get3A_67 = arith.index_cast %add3A_66 : i32 to index
      %get3A_68 = memref.load %arg1[%get3A_67] : memref<12288xi32, #tpu.memory_space<smem>>
      %add3A_69 = arith.constant 6 : i32
      %add3A_70 = arith.addi %mul3A_7, %add3A_69 : i32
      %dma_start3A_71 = arith.constant 0 : i32
      %dma_start3A_72 = tpu.memref_slice %arg3[%add3A_70, %dma_start3A_71] : memref<12288x64xf32, #tpu.memory_space<hbm>> -> memref<1x64xf32, #tpu.memory_space<hbm>>
      %dma_start3A_73 = arith.constant 0 : i32
      %dma_start3A_74 = tpu.memref_slice %arg2[%get3A_68, %dma_start3A_73] : memref<1000000x64xf32, #tpu.memory_space<hbm>> -> memref<1x64xf32, #tpu.memory_space<hbm>>
      tpu.enqueue_dma source(%dma_start3A_74 : memref<1x64xf32, #tpu.memory_space<hbm>>) target(%dma_start3A_72 : memref<1x64xf32, #tpu.memory_space<hbm>>) target_semaphore(%arg4 : memref<!tpu.dma_semaphore, #tpu.memory_space<semaphore_mem>>)
      %add3A_75 = arith.constant 7 : i32
      %add3A_76 = arith.addi %mul3A_7, %add3A_75 : i32
      %get3A_77 = arith.index_cast %add3A_76 : i32 to index
      %get3A_78 = memref.load %arg1[%get3A_77] : memref<12288xi32, #tpu.memory_space<smem>>
      %add3A_79 = arith.constant 7 : i32
      %add3A_80 = arith.addi %mul3A_7, %add3A_79 : i32
      %dma_start3A_81 = arith.constant 0 : i32
      %dma_start3A_82 = tpu.memref_slice %arg3[%add3A_80, %dma_start3A_81] : memref<12288x64xf32, #tpu.memory_space<hbm>> -> memref<1x64xf32, #tpu.memory_space<hbm>>
      %dma_start3A_83 = arith.constant 0 : i32
      %dma_start3A_84 = tpu.memref_slice %arg2[%get3A_78, %dma_start3A_83] : memref<1000000x64xf32, #tpu.memory_space<hbm>> -> memref<1x64xf32, #tpu.memory_space<hbm>>
      tpu.enqueue_dma source(%dma_start3A_84 : memref<1x64xf32, #tpu.memory_space<hbm>>) target(%dma_start3A_82 : memref<1x64xf32, #tpu.memory_space<hbm>>) target_semaphore(%arg4 : memref<!tpu.dma_semaphore, #tpu.memory_space<semaphore_mem>>)
    }
    %scan3A_3 = arith.constant 1536 : i32
    %dma_wait3A = arith.constant 0 : i32
    %dma_wait3A_4 = arith.constant 0 : i32
    %dma_wait3A_5 = tpu.memref_slice %arg2[%dma_wait3A, %dma_wait3A_4] : memref<1000000x64xf32, #tpu.memory_space<hbm>> -> memref<12288x64xf32, #tpu.memory_space<hbm>>
    tpu.wait_dma2 semaphore(%arg4 : memref<!tpu.dma_semaphore, #tpu.memory_space<semaphore_mem>>) src(%dma_wait3A_5 : memref<12288x64xf32, #tpu.memory_space<hbm>>) dst(%arg3 : memref<12288x64xf32, #tpu.memory_space<hbm>>)
    return
  }
}

</mosaic_0001>

<sc_bundles>
// kernel: kernel.4.cloned.1.call-start
scs
__scs_entry_jumppad:
0x0: {  	(pc) =	sbr.rel $0x88, $3  }
0x1: {  	(tag) =	ssettag $0x0;
	lr =	simm.s32 $0x1  }
0x2: {  	[smem:$0x3F9F] =	sst lr;
	_ =	strace $0xD0000000  }
0x3: {  	_ = 	snop  }
0x4: {  	_ = 	snop  }
0x5: {  	_ = 	snop  }
0x6: {  	_ = 	snop  }
0x7: {  	_ = 	snop  }
__scs_overlays_trampoline_lowered:
0x8: {  	[smem:$0x3FAE] =	sst s0  }
0x9: {  	[smem:$0x3FAF] =	sst s1  }
0xa: {  	[smem:$0x3FB0] =	sst s2  }
0xb: {  	[smem:$0x3FB1] =	sst s3  }
0xc: {  	[smem:$0x3FB2] =	sst s4  }
0xd: {  	[smem:$0x3FB3] =	sst s5  }
0xe: {  	[smem:$0x3FB4] =	sst s6  }
0xf: {  	[smem:$0x3FB5] =	sst s7  }
0x10: {  	[smem:$0x3FB6] =	sst s8  }
0x11: {  	[smem:$0x3FB7] =	sst s9;
	s0 =	simm.s32 @!p0 $0x0  }
0x12: {  	s1 =	sld [smem:$0x3F9D];
	s0 =	simm.s32 @p0 $0x1  }
0x13: {  	[smem:$0x3FB8] =	sst s0;
	s0 =	simm.s32 @!p1 $0x0  }
0x14: {  	s2 =	sld [smem:$0x3F9C];
	s0 =	simm.s32 @p1 $0x1  }
0x15: {  	[smem:$0x3FB9] =	sst s0;
	s0 =	simm.s32 @!p2 $0x0  }
0x16: {  	s3 =	sld [smem:$0x3FDB];
	s0 =	simm.s32 @p2 $0x1  }
0x17: {  	s4 =	simm.s32 $0x1BF5;
	[smem:$0x3FBB] =	sst s0  }
0x18: {  	s0 =	sld [smem:$0x3F9E];
	_ =	swait.ge [sflag:s4], $0x0  }
0x19: {  	s7 =	sld [smem:$0x3F9F]  }
0x1a: {  	s8 =	sadd.s32 $0xFFFFE003, lr  }
0x1b: {  	s9 =	sadd.s32 $0xFFFFFEF7, lr;
	s5 =	simm.s32 $0xFFFFFFFF;
	p2 =	slt.u32 s8, $0xFFFFF086  }
0x1c: {  	p1 =	slt.u32 s9, $0xF7A;
	s5 =	simm.s32 @!p2 $0x0  }
0x1d: {  	s5 =	simm.s32 @p1 $0x1;
	p0 =	seq.s32 s7, s2  }
0x1e: {  	s7 =	smul.u32 @!p0 $0xF7A, s2;
	p2 =	seq.s32 @!p0 s5, $0x0  }
0x1f: {  	s9 =	smul.u32 $0xF7A, s1;
	s8 =	simm.s32 @!p0 $0x1BF5;
	p2 =	por !p2, p0  }
0x20: {  	[sflag:s8] =	ssyncset.s32 @!p0 $0xFFFFF086;
	s6 =	sadd.s32 @!p0 s3, s7;
	s7 =	simm.s32 @!p0 $0x108  }
0x21: {  	s3 =	sadd.s32 s3, s9;
	s6 =	sadd.s32 @!p0 $0x88, s6;
	s7 =	simm.s32 @p2 $0x1082  }
0x22: {  	[simem:s7], [sflag:s8] =	dma.local @!p0 [hbm:s6], $0xF7A  }
0x23: {  	s9 =	sor.u32 $0xD0000000, s2;
	s6 =	simm.s32 $0x108;
	_ =	swait.ge @!p0 [sflag:s8], $0x0  }
0x24: {  	s3 =	sadd.s32 $0x88, s3;
	s6 =	simm.s32 @!p1 $0x1082;
	[sflag:s4] =	ssyncset.s32 $0xFFFFF086  }
0x25: {  	[simem:s6], [sflag:s4] =	dma.local [hbm:s3], $0xF7A  }
0x26: {  	[smem:$0x3F9F] =	sst s1;
	(tag) =	ssettag s2;
	_ =	strace s9  }
0x27: {  	s1 =	sld [smem:$0x3FAF]  }
0x28: {  	s2 =	sld [smem:$0x3FB0]  }
0x29: {  	s4 =	sld [smem:$0x3FB2]  }
0x2a: {  	p0 =	seq.s32 s5, $0x0;
	s5 =	sld [smem:$0x3FB3]  }
0x2b: {  	s6 =	sld [smem:$0x3FB4]  }
0x2c: {  	s7 =	sld [smem:$0x3FB5]  }
0x2d: {  	s3 =	simm.s32 $0x108;
	s8 =	sld [smem:$0x3FB6]  }
0x2e: {  	s3 =	simm.s32 @!p0 $0x1082;
	s9 =	sld [smem:$0x3FB7]  }
0x2f: {  	lr =	sadd.s32 s0, s3;
	s0 =	sld [smem:$0x3FAE]  }
0x30: {  	s3 =	sld [smem:$0x3FB1]  }
0x31: {  	[smem:$0x3FBA] =	sst s10  }
0x32: {  	s10 =	sld [smem:$0x3FB8];
	_ =	sdelay $0x3  }
0x33: {  	p0 =	seq.s32 s10, $0x1;
	s10 =	sld [smem:$0x3FBA];
	_ =	sdelay $0x3  }
0x34: {  	[smem:$0x3FBA] =	sst s10  }
0x35: {  	s10 =	sld [smem:$0x3FB9];
	_ =	sdelay $0x3  }
0x36: {  	p1 =	seq.s32 s10, $0x1;
	s10 =	sld [smem:$0x3FBA];
	_ =	sdelay $0x3  }
0x37: {  	[smem:$0x3FBA] =	sst s10  }
0x38: {  	s10 =	sld [smem:$0x3FBB]  }
0x39: {  	_ = 	snop;
	(pc) =	sbr.ind lr, $3  }
0x3a: {  	_ = 	snop  }
0x3b: {  	_ = 	snop  }
0x3c: {  	p2 =	seq.s32 s10, $0x1;
	s10 =	sld [smem:$0x3FBA]  }
0x3d: {  	_ =	shalt  }
0x3e: {  	_ =	shalt  }
0x3f: {  	_ =	shalt  }
0x40: {  	_ =	shalt  }
0x41: {  	_ =	shalt  }
0x42: {  	_ =	shalt  }
0x43: {  	_ =	shalt  }
0x44: {  	_ =	shalt  }
0x45: {  	_ =	shalt  }
0x46: {  	_ =	shalt  }
0x47: {  	_ =	shalt  }
0x48: {  	_ =	shalt  }
0x49: {  	_ =	shalt  }
0x4a: {  	_ =	shalt  }
0x4b: {  	_ =	shalt  }
0x4c: {  	_ =	shalt  }
0x4d: {  	_ =	shalt  }
0x4e: {  	_ =	shalt  }
0x4f: {  	_ =	shalt  }
0x50: {  	_ =	shalt  }
0x51: {  	_ =	shalt  }
0x52: {  	_ =	shalt  }
0x53: {  	_ =	shalt  }
0x54: {  	_ =	shalt  }
0x55: {  	_ =	shalt  }
0x56: {  	_ =	shalt  }
0x57: {  	_ =	shalt  }
0x58: {  	_ =	shalt  }
0x59: {  	_ =	shalt  }
0x5a: {  	_ =	shalt  }
0x5b: {  	_ =	shalt  }
0x5c: {  	_ =	shalt  }
0x5d: {  	_ =	shalt  }
0x5e: {  	_ =	shalt  }
0x5f: {  	_ =	shalt  }
0x60: {  	_ =	shalt  }
0x61: {  	_ =	shalt  }
0x62: {  	_ =	shalt  }
0x63: {  	_ =	shalt  }
0x64: {  	_ =	shalt  }
0x65: {  	_ =	shalt  }
0x66: {  	_ =	shalt  }
0x67: {  	_ =	shalt  }
0x68: {  	_ =	shalt  }
0x69: {  	_ =	shalt  }
0x6a: {  	_ =	shalt  }
0x6b: {  	_ =	shalt  }
0x6c: {  	_ =	shalt  }
0x6d: {  	_ =	shalt  }
0x6e: {  	_ =	shalt  }
0x6f: {  	_ =	shalt  }
0x70: {  	_ =	shalt  }
0x71: {  	_ =	shalt  }
0x72: {  	_ =	shalt  }
0x73: {  	_ =	shalt  }
0x74: {  	_ =	shalt  }
0x75: {  	_ =	shalt  }
0x76: {  	_ =	shalt  }
0x77: {  	_ =	shalt  }
0x78: {  	_ =	shalt  }
0x79: {  	_ =	shalt  }
0x7a: {  	_ =	shalt  }
0x7b: {  	_ =	shalt  }
0x7c: {  	_ =	shalt  }
0x7d: {  	_ =	shalt  }
0x7e: {  	_ =	shalt  }
0x7f: {  	_ =	shalt  }
0x80: {  	_ =	shalt  }
0x81: {  	_ =	shalt  }
0x82: {  	_ =	shalt  }
0x83: {  	_ =	shalt  }
0x84: {  	_ =	shalt  }
0x85: {  	_ =	shalt  }
0x86: {  	_ =	shalt  }
0x87: {  	_ =	shalt  }
.Lfunc_end0:
.L_simem_size_0:
called_computation_lowered:
.L_overlay_start_0:
0x88: {  	s2 =	sld [smem:$0x3FD9]  }
0x89: {  	s3 =	sld [smem:$0x3FFE];
	_ =	sdelay $0x1  }
0x8a: {  	s1 =	srdreg.scid  }
0x8b: {  	s0 =	sand.u32 $0x1, s1  }
0x8c: {  	s17 =	sshll.u32 s0, $0xA;
	s2 =	sadd.s32 s3, s2  }
0x8d: {  	s2 =	sadd.s32 s2, s17  }
0x8e: {  	[smem:$0x3FC6] =	sst s2  }
0x8f: {  	_ = 	snop  }
0x90: {  	s2 =	sld [smem:$0x3FD0];
	(tm) =	ssettm $0x1  }
0x91: {  	s18 =	sld [smem:$0x3FFB];
	_ =	sdelay $0x3  }
0x92: {  	_ =	strace s18  }
0x93: {  	s3 =	sld [smem:$0x3FFC];
	_ =	sdelay $0x3  }
0x94: {  	_ =	strace s3  }
0x95: {  	s3 =	sld [smem:$0x3FFD];
	_ =	sdelay $0x3  }
0x96: {  	_ =	strace s3  }
0x97: {  	_ =	strace $0x8FFFFFFF  }
0x98: {  	s19 =	sld [smem:$0x3FDB];
	_ =	sdelay $0x1  }
0x99: {  	s4 =	simm.s32 $_scs_section_size  }
0x9a: {  	s5 =	simm.s32 $_size__tile_overlayer_lowered;
	s6 =	simm.s32 $_tile_overlayer_lowered  }
0x9b: {  	s22 =	simm.s32 $0x1BFF;
	s21 =	sshll.u32 s6, $0x1;
	s3 =	sadd.s32 s4, s19  }
0x9c: {  	s7 =	simm.s32 $0x0;
	s20 =	sshll.u32 s5, $0x1;
	s5 =	sadd.s32 s21, s3  }
0x9d: {  	[timem:s7], [sflag:s22] =	dma.local [hbm:s5], s20  }
0x9e: {  	_ =	swait.ge [sflag:s22], s20  }
0x9f: {  	s4 =	ssub.s32 $0x0, s20;
	[sflag:s22] =	ssyncset.done $0x0  }
0xa0: {  	[sflag:s22] =	ssyncadd.s32 s4;
	_ =	sdelay $0x1  }
0xa1: {  	s23 =	simm.s32 $0x1B8B  }
0xa2: {  	_ =	swait.ge [sflag:s23], $0x1  }
0xa3: {  	[sflag:s23] =	ssyncset.done $0x0  }
0xa4: {  	s25 =	simm.s32 $0x1B8E;
	s24 =	sld [smem:$0x3FFE];
	[sflag:s23] =	ssyncadd.s32 $0xFFFFFFFF  }
0xa5: {  	s26 =	simm.s32 $execute0_lowered;
	[smem:$0x3FD2] =	sst s25  }
0xa6: {  	s5 =	sshll.u32 s26, $0x1;
	_ =	strace $0x80000046;
	[dreg:$0x1] =	wrdreg $0xFFFFFFFF  }
0xa7: {  	s28 =	simm.s32 $_size_execute0_lowered;
	s3 =	sadd.s32 s3, s5;
	[dreg:$0x0] =	wrdreg $0x0  }
0xa8: {  	s5 =	sshll.u32 s28, $0x1;
	[dreg:$0x2] =	wrdreg s3  }
0xa9: {  	[dreg:$0x3] =	wrdreg s5  }
0xaa: {  	[dreg:$0x4] =	wrdreg $0xC0  }
0xab: {  	_ =	task [dreg:s7], $0x5FFFF  }
0xac: {  	[dreg:$0x1] =	wrdreg $0xFFFFFFFF  }
0xad: {  	[dreg:$0x0] =	wrdreg $0x60  }
0xae: {  	[dreg:$0x2] =	wrdreg s24  }
0xaf: {  	[dreg:$0x3] =	wrdreg s2  }
0xb0: {  	[dreg:$0x4] =	wrdreg $0x9  }
0xb1: {  	_ =	task.clear_ibuf [dreg:s7], $0x5FFFF;
	_ =	strace $0x90000046  }
0xb2: {  	s29 =	simm.s32 $0x9;
	_ =	strace $0x80000048  }
0xb3: {  	_ =	swait.ge [sflag:s29], $0x1  }
0xb4: {  	[sflag:s29] =	ssyncadd.s32 $0xFFFFFFFF  }
0xb5: {  	_ =	strace $0x90000048  }
0xb6: {  	_ =	sfence  }
0xb7: {  	s30 =	sld [smem:$0x0];
	_ =	sdelay $0x2  }
0xb8: {  	s31 =	sshll.u32 s1, $0xD;
	s1 =	sshrl.u32 s1, $0x2  }
0xb9: {  	s3 =	sand.u32 $0x4000, s31;
	s1 =	sadd.s32 s1, s30  }
0xba: {  	s0 =	sor.u32 s3, s0;
	s1 =	sshll.u32 s1, $0x11  }
0xbb: {  	s0 =	sor.u32 s1, s0  }
0xbc: {  	s0 =	sadd.s32 $0x8F2B, s0  }
0xbd: {  	[sflag:s0] =	ssyncadd.remote.s32 $0x1  }
0xbe: {  	_ =	sfence.sel $0xFFFF  }
0xbf: {  	[dreg:$0x0] =	wrdreg $0xFFFFFFFF;
	(pc) =	sbr.abs _section_cstart, $3  }
0xc0: {  	[dreg:$0x1] =	wrdreg $0xFFFFFFFF  }
0xc1: {  	_ =	task.clear_ibuf [dreg:s7], $0x2FFFF;
	_ =	strace $0x9FFFFFFF  }
0xc2: {  	(tm) =	ssettm $0x7FFFFFFF  }
0xc3: {  	_ =	shalt  }
tec
execute0_lowered:
.L_overlay_start_1:
0x0: {  	(tag) =	ssettag $0x1  }
0x1: {  	s3 =	rddreg [dreg:$0x0]  }
0x2: {  	s1 =	srdreg.scid;
	s5 =	rddreg [dreg:$0x1]  }
0x3: {  	s2 =	simm.s32 $0x0;
	s4 =	sand.u32 $0x1, s1;
	s1 =	rddreg [dreg:$0x2]  }
0x4: {  	s29 =	simm.s32 $0x100;
	[smem:$0x7FF] =	sst s2  }
0x5: {  	s30 =	simm.s32 $0x180;
	_ =	strace $0x80000047;
	[dreg:$0x5] =	wrdreg s29  }
0x6: {  	s31 =	simm.s32 $0x200;
	[dreg:$0x6] =	wrdreg s30  }
0x7: {  	s8 =	simm.s32 $0x380;
	[dreg:$0x7] =	wrdreg s31  }
0x8: {  	s9 =	simm.s32 $0x400;
	[dreg:$0xa] =	wrdreg s8  }
0x9: {  	s10 =	simm.s32 $0x480;
	[dreg:$0xb] =	wrdreg s9  }
0xa: {  	s11 =	simm.s32 $0x500;
	[dreg:$0xc] =	wrdreg s10  }
0xb: {  	s12 =	simm.s32 $0x580;
	[dreg:$0xd] =	wrdreg s11  }
0xc: {  	s13 =	simm.s32 $0x600;
	[dreg:$0xe] =	wrdreg s12  }
0xd: {  	s14 =	simm.s32 $0x680;
	[dreg:$0xf] =	wrdreg s13  }
0xe: {  	s15 =	simm.s32 $0x700;
	[dreg:$0x10] =	wrdreg s14  }
0xf: {  	s16 =	simm.s32 $0x780;
	[dreg:$0x11] =	wrdreg s15  }
0x10: {  	s17 =	simm.s32 $0x800;
	[dreg:$0x12] =	wrdreg s16  }
0x11: {  	s18 =	simm.s32 $0x880;
	[dreg:$0x13] =	wrdreg s17  }
0x12: {  	s19 =	simm.s32 $0x900;
	[dreg:$0x14] =	wrdreg s18  }
0x13: {  	s20 =	simm.s32 $0x980;
	[dreg:$0x15] =	wrdreg s19  }
0x14: {  	s21 =	simm.s32 $0xA00;
	[dreg:$0x16] =	wrdreg s20  }
0x15: {  	s22 =	simm.s32 $0xA80;
	[dreg:$0x17] =	wrdreg s21  }
0x16: {  	s23 =	simm.s32 $0xB00;
	[dreg:$0x18] =	wrdreg s22  }
0x17: {  	s24 =	simm.s32 $0xB80;
	[dreg:$0x19] =	wrdreg s23  }
0x18: {  	s25 =	simm.s32 $0xC00;
	[dreg:$0x1a] =	wrdreg s24  }
0x19: {  	s26 =	simm.s32 $0xC80;
	[dreg:$0x1b] =	wrdreg s25  }
0x1a: {  	s28 =	simm.s32 $0xD00;
	[dreg:$0x1c] =	wrdreg s26  }
0x1b: {  	[dreg:$0x1d] =	wrdreg s28;
	s29 =	simm.s32 $0xD80  }
0x1c: {  	s30 =	simm.s32 $0xE00;
	[dreg:$0x1e] =	wrdreg s29  }
0x1d: {  	s31 =	simm.s32 $0xE80;
	[dreg:$0x1f] =	wrdreg s30  }
0x1e: {  	s8 =	simm.s32 $0x1000;
	[smem:$0x79A] =	sst s31  }
0x1f: {  	s9 =	simm.s32 $0x1080;
	[smem:$0x79D] =	sst s8  }
0x20: {  	s10 =	simm.s32 $0x1100;
	[smem:$0x79E] =	sst s9  }
0x21: {  	s11 =	simm.s32 $0x1180;
	[smem:$0x79F] =	sst s10  }
0x22: {  	s12 =	simm.s32 $0x1200;
	[smem:$0x7A0] =	sst s11  }
0x23: {  	s13 =	simm.s32 $0x1280;
	[smem:$0x7A1] =	sst s12  }
0x24: {  	s14 =	simm.s32 $0x1300;
	[smem:$0x7A2] =	sst s13  }
0x25: {  	s15 =	simm.s32 $0x1380;
	[smem:$0x7A3] =	sst s14  }
0x26: {  	s16 =	simm.s32 $0x1400;
	[smem:$0x7A4] =	sst s15  }
0x27: {  	s17 =	simm.s32 $0x1480;
	[smem:$0x7A5] =	sst s16  }
0x28: {  	s18 =	simm.s32 $0x1500;
	[smem:$0x7A6] =	sst s17  }
0x29: {  	s19 =	simm.s32 $0x1580;
	[smem:$0x7A7] =	sst s18  }
0x2a: {  	s20 =	simm.s32 $0x1600;
	[smem:$0x7A8] =	sst s19  }
0x2b: {  	s21 =	simm.s32 $0x1680;
	[smem:$0x7A9] =	sst s20  }
0x2c: {  	s22 =	simm.s32 $0x1700;
	[smem:$0x7AA] =	sst s21  }
0x2d: {  	s23 =	simm.s32 $0x1780;
	[smem:$0x7AB] =	sst s22  }
0x2e: {  	s24 =	simm.s32 $0x1800;
	[smem:$0x7AC] =	sst s23  }
0x2f: {  	s25 =	simm.s32 $0x1880;
	[smem:$0x7AD] =	sst s24  }
0x30: {  	s26 =	simm.s32 $0x1900;
	[smem:$0x7AE] =	sst s25  }
0x31: {  	s28 =	simm.s32 $0x1980;
	[smem:$0x7AF] =	sst s26  }
0x32: {  	[smem:$0x7B0] =	sst s28;
	s29 =	simm.s32 $0x1A00  }
0x33: {  	s30 =	simm.s32 $0x1A80;
	[smem:$0x7B1] =	sst s29  }
0x34: {  	s31 =	simm.s32 $0x1B00;
	[smem:$0x7B2] =	sst s30  }
0x35: {  	s8 =	simm.s32 $0x1C80;
	[smem:$0x7B3] =	sst s31  }
0x36: {  	s9 =	simm.s32 $0x1D00;
	[smem:$0x7B6] =	sst s8  }
0x37: {  	s10 =	simm.s32 $0x1D80;
	[smem:$0x7B7] =	sst s9  }
0x38: {  	s11 =	simm.s32 $0x1E00;
	[smem:$0x7B8] =	sst s10  }
0x39: {  	s12 =	simm.s32 $0x1E80;
	[smem:$0x7B9] =	sst s11  }
0x3a: {  	s13 =	simm.s32 $0x1F00;
	[smem:$0x7BA] =	sst s12  }
0x3b: {  	s14 =	simm.s32 $0x1F80;
	[smem:$0x7BB] =	sst s13  }
0x3c: {  	s15 =	simm.s32 $0x2000;
	[smem:$0x7BC] =	sst s14  }
0x3d: {  	s16 =	simm.s32 $0x2080;
	[smem:$0x7BD] =	sst s15  }
0x3e: {  	s17 =	simm.s32 $0x2100;
	[smem:$0x7BE] =	sst s16  }
0x3f: {  	s18 =	simm.s32 $0x2180;
	[smem:$0x7BF] =	sst s17  }
0x40: {  	s19 =	simm.s32 $0x2200;
	[smem:$0x7C0] =	sst s18  }
0x41: {  	s20 =	simm.s32 $0x2280;
	[smem:$0x7C1] =	sst s19  }
0x42: {  	s21 =	simm.s32 $0x2300;
	[smem:$0x7C2] =	sst s20  }
0x43: {  	s22 =	simm.s32 $0x2380;
	[smem:$0x7C3] =	sst s21  }
0x44: {  	s0 =	stileid.u32;
	s23 =	simm.s32 $0x2400;
	[smem:$0x7C4] =	sst s22  }
0x45: {  	s6 =	sshll.u32 s0, $0x1;
	s24 =	simm.s32 $0x2480;
	[smem:$0x7C5] =	sst s23  }
0x46: {  	s6 =	sor.u32 s4, s6;
	s25 =	simm.s32 $0x2500;
	[smem:$0x7C6] =	sst s24  }
0x47: {  	s7 =	sshll.u32 s6, $0x4;
	s26 =	simm.s32 $0x2580;
	[smem:$0x7C7] =	sst s25  }
0x48: {  	s6 =	sshll.u32 s6, $0xB;
	s28 =	simm.s32 $0x2600;
	[smem:$0x7C8] =	sst s26  }
0x49: {  	s5 =	sadd.s32 s5, s6;
	[smem:$0x7C9] =	sst s28  }
0x4a: {  	s6 =	simm.s32 $0x280;
	[dreg:$0x4] =	wrdreg s5  }
0x4b: {  	s29 =	simm.s32 $0x2680;
	[dreg:$0x8] =	wrdreg s6  }
0x4c: {  	s30 =	simm.s32 $0x2700;
	[smem:$0x7CA] =	sst s29  }
0x4d: {  	s31 =	simm.s32 $0x2780;
	[smem:$0x7CB] =	sst s30  }
0x4e: {  	s8 =	simm.s32 $0x2900;
	[smem:$0x7CC] =	sst s31  }
0x4f: {  	s9 =	simm.s32 $0x2980;
	[smem:$0x7CF] =	sst s8  }
0x50: {  	s10 =	simm.s32 $0x2A00;
	[smem:$0x7D0] =	sst s9  }
0x51: {  	s11 =	simm.s32 $0x2A80;
	[smem:$0x7D1] =	sst s10  }
0x52: {  	s12 =	simm.s32 $0x2B00;
	[smem:$0x7D2] =	sst s11  }
0x53: {  	s13 =	simm.s32 $0x2B80;
	[smem:$0x7D3] =	sst s12  }
0x54: {  	s14 =	simm.s32 $0x2C00;
	[smem:$0x7D4] =	sst s13  }
0x55: {  	s15 =	simm.s32 $0x2C80;
	[smem:$0x7D5] =	sst s14  }
0x56: {  	s16 =	simm.s32 $0x2D00;
	[smem:$0x7D6] =	sst s15  }
0x57: {  	s17 =	simm.s32 $0x2D80;
	[smem:$0x7D7] =	sst s16  }
0x58: {  	s18 =	simm.s32 $0x2E00;
	[smem:$0x7D8] =	sst s17  }
0x59: {  	s19 =	simm.s32 $0x2E80;
	[smem:$0x7D9] =	sst s18  }
0x5a: {  	s20 =	simm.s32 $0x2F00;
	[smem:$0x7DA] =	sst s19  }
0x5b: {  	s21 =	simm.s32 $0x2F80;
	[smem:$0x7DB] =	sst s20  }
0x5c: {  	s22 =	simm.s32 $0x3000;
	[smem:$0x7DC] =	sst s21  }
0x5d: {  	s23 =	simm.s32 $0x3080;
	[smem:$0x7DD] =	sst s22  }
0x5e: {  	s24 =	simm.s32 $0x3100;
	[smem:$0x7DE] =	sst s23  }
0x5f: {  	s25 =	simm.s32 $0x3180;
	[smem:$0x7DF] =	sst s24  }
0x60: {  	s26 =	simm.s32 $0x3200;
	[smem:$0x7E0] =	sst s25  }
0x61: {  	s7 =	sadd.s32 s7, s3;
	s28 =	simm.s32 $0x3280;
	[smem:$0x7E1] =	sst s26  }
0x62: {  	s7 =	sadd.s32 $0xF42A00, s7;
	[smem:$0x7E2] =	sst s28  }
0x63: {  	s6 =	simm.s32 $0xF00;
	[dreg:$0x3] =	wrdreg s7  }
0x64: {  	s29 =	simm.s32 $0x3300;
	[smem:$0x79B] =	sst s6  }
0x65: {  	s30 =	simm.s32 $0x3380;
	[smem:$0x7E3] =	sst s29  }
0x66: {  	s31 =	simm.s32 $0x3400;
	[smem:$0x7E4] =	sst s30  }
0x67: {  	s8 =	simm.s32 $0x3580;
	[smem:$0x7E5] =	sst s31  }
0x68: {  	s9 =	simm.s32 $0x3600;
	[smem:$0x7E8] =	sst s8  }
0x69: {  	s10 =	simm.s32 $0x3680;
	[smem:$0x7E9] =	sst s9  }
0x6a: {  	s11 =	simm.s32 $0x3700;
	[smem:$0x7EA] =	sst s10  }
0x6b: {  	s12 =	simm.s32 $0x3780;
	[smem:$0x7EB] =	sst s11  }
0x6c: {  	s13 =	simm.s32 $0x3800;
	[smem:$0x7EC] =	sst s12  }
0x6d: {  	s14 =	simm.s32 $0x3880;
	[smem:$0x7ED] =	sst s13  }
0x6e: {  	s15 =	simm.s32 $0x3900;
	[smem:$0x7EE] =	sst s14  }
0x6f: {  	s16 =	simm.s32 $0x3980;
	[smem:$0x7EF] =	sst s15  }
0x70: {  	s17 =	simm.s32 $0x3A00;
	[smem:$0x7F0] =	sst s16  }
0x71: {  	s18 =	simm.s32 $0x3A80;
	[smem:$0x7F1] =	sst s17  }
0x72: {  	s19 =	simm.s32 $0x3B00;
	[smem:$0x7F2] =	sst s18  }
0x73: {  	s20 =	simm.s32 $0x3B80;
	[smem:$0x7F3] =	sst s19  }
0x74: {  	s21 =	simm.s32 $0x3C00;
	[smem:$0x7F4] =	sst s20  }
0x75: {  	s22 =	simm.s32 $0x3C80;
	[smem:$0x7F5] =	sst s21  }
0x76: {  	s23 =	simm.s32 $0x3D00;
	[smem:$0x7F6] =	sst s22  }
0x77: {  	s24 =	simm.s32 $0x3D80;
	[smem:$0x7F7] =	sst s23  }
0x78: {  	s4 =	ssub.s32 $0x2, s4;
	s26 =	simm.s32 $0x3E00;
	[smem:$0x7F8] =	sst s24  }
0x79: {  	s3 =	sadd.s32 $0x600, s3;
	s28 =	simm.s32 $0x3E80;
	[smem:$0x7F9] =	sst s26  }
0x7a: {  	s25 =	sshrl.u32 s4, $0x1;
	s7 =	simm.s32 $0x300;
	[smem:$0x7FA] =	sst s28  }
0x7b: {  	s5 =	simm.s32 $0x9;
	s6 =	simm.s32 $0x1B80;
	[dreg:$0x9] =	wrdreg s7  }
0x7c: {  	s4 =	ssub.s32 s4, s25;
	s29 =	simm.s32 $0x3F00;
	[smem:$0x7B4] =	sst s6  }
0x7d: {  	s30 =	simm.s32 $0x3F80;
	s31 =	simm.s32 $0x4000;
	[smem:$0x7FB] =	sst s29  }
0x7e: {  	s8 =	simm.s32 $0x2;
	s9 =	simm.s32 $0x3;
	[smem:$0x7FC] =	sst s30  }
0x7f: {  	s10 =	simm.s32 $0x4;
	s7 =	simm.s32 $0xF80;
	[smem:$0x7FD] =	sst s31  }
0x80: {  	s11 =	simm.s32 $0x5;
	s6 =	simm.s32 $0x2800;
	[smem:$0x79C] =	sst s7  }
0x81: {  	s12 =	simm.s32 $0x6;
	s7 =	simm.s32 $0x1C00;
	[smem:$0x7CD] =	sst s6  }
0x82: {  	s13 =	simm.s32 $0x7;
	s6 =	simm.s32 $0x3480;
	[smem:$0x7B5] =	sst s7  }
0x83: {  	s14 =	simm.s32 $0x8;
	s7 =	simm.s32 $0x2880;
	[smem:$0x7E6] =	sst s6  }
0x84: {  	s4 =	smax.u32 s4, $0x1;
	[smem:$0x7CE] =	sst s7;
	s7 =	simm.s32 $0x3500  }
0x85: {  	s6 =	simm.s32 $0x80;
	[smem:$0x7E7] =	sst s7;
	s7 =	simm.s32 $0x1  }
.LBB2_1:
0x86: {  	s15 =	rddreg [dreg:$0x3]  }
0x87: {  	[tilespmem:s2], [sflag:$0x9] =	stream.linear.gather [hbm4b:s15+s2], $0x80, $0x38;
	[tilespmem:$0x4080] =	vst v63  }
0x88: {  	_ =	swait.ge [sflag:s5], $0x80  }
0x89: {  	[sflag:s5] =	ssyncset.done $0x0  }
0x8a: {  	[sflag:s5] =	ssyncadd.s32 $0xFFFFFF80  }
0x8b: {  	v0 =	vld [tilespmem:$0x0];
	_ =	sdelay $0x4  }
0x8c: {  	v6 =	vshll.u32 v0, $0x4  }
0x8d: {  	(v2sf) =	vpush v6, $0x0;
	_ =	sdelay $0x1  }
0x8e: {  	(v2sf) =	vpush v6, $0x1;
	_ =	sdelay $0x1  }
0x8f: {  	(v2sf) =	vpush v6, $0x2;
	_ =	sdelay $0x2  }
0x90: {  	(v2sf) =	vpush v6, $0x3;
	_ =	sdelay $0x7  }
0x91: {  	s30 =	spop (v2sf);
	(v2sf) =	vpush v6, $0x4;
	_ =	sdelay $0x1  }
0x92: {  	s31 =	spop (v2sf);
	(v2sf) =	vpush v6, $0x5;
	_ =	sdelay $0x1  }
0x93: {  	s17 =	spop (v2sf);
	(v2sf) =	vpush v6, $0x6;
	_ =	sdelay $0x2  }
0x94: {  	s19 =	spop (v2sf);
	(v2sf) =	vpush v6, $0x7;
	_ =	sdelay $0x7  }
0x95: {  	s21 =	spop (v2sf);
	(v2sf) =	vpush v6, $0x8;
	_ =	sdelay $0x1  }
0x96: {  	s23 =	spop (v2sf);
	(v2sf) =	vpush v6, $0x9;
	_ =	sdelay $0x1  }
0x97: {  	s25 =	spop (v2sf);
	(v2sf) =	vpush v6, $0xA  }
0x98: {  	v7 =	vld [tilespmem:$0x10]  }
0x99: {  	v5 =	vld [tilespmem:$0x20]  }
0x9a: {  	v4 =	vld [tilespmem:$0x30];
	s28 =	spop (v2sf);
	(v2sf) =	vpush v6, $0xB  }
0x9b: {  	v3 =	vld [tilespmem:$0x40]  }
0x9c: {  	v2 =	vld [tilespmem:$0x50];
	s15 =	sand.u32 $0x1FFFFFF0, s30  }
0x9d: {  	v1 =	vld [tilespmem:$0x60];
	s15 =	sadd.s32 s3, s15  }
0x9e: {  	v62 =	vld [tilespmem:$0x70];
	[tilespmem:s6], [sflag:$0x1] =	stream.linear.gather [hbm4b:s15+s2], $0x80, $0x38  }
0x9f: {  	s15 =	sand.u32 $0x1FFFFFF0, s31  }
0xa0: {  	s16 =	rddreg [dreg:$0x5];
	s15 =	sadd.s32 s3, s15  }
0xa1: {  	[tilespmem:s16], [sflag:$0x2] =	stream.linear.gather [hbm4b:s15+s2], $0x80, $0x38;
	[tilespmem:$0x4080] =	vst v63  }
0xa2: {  	s30 =	spop (v2sf);
	(v2sf) =	vpush v6, $0xC  }
0xa3: {  	s15 =	sand.u32 $0x1FFFFFF0, s17  }
0xa4: {  	s18 =	rddreg [dreg:$0x6];
	s15 =	sadd.s32 s3, s15;
	s17 =	spop (v2sf);
	(v2sf) =	vpush v6, $0xD  }
0xa5: {  	[tilespmem:s18], [sflag:$0x3] =	stream.linear.gather [hbm4b:s15+s2], $0x80, $0x38;
	[tilespmem:$0x4080] =	vst v63  }
0xa6: {  	s15 =	sand.u32 $0x1FFFFFF0, s19;
	s19 =	spop (v2sf);
	(v2sf) =	vpush v6, $0xE  }
0xa7: {  	s20 =	rddreg [dreg:$0x7];
	s15 =	sadd.s32 s3, s15  }
0xa8: {  	[tilespmem:s20], [sflag:$0x4] =	stream.linear.gather [hbm4b:s15+s2], $0x80, $0x38;
	[tilespmem:$0x4080] =	vst v63  }
0xa9: {  	s15 =	sand.u32 $0x1FFFFFF0, s21;
	s21 =	spop (v2sf);
	(v2sf) =	vpush v6, $0xF;
	_ =	sdelay $0x2  }
0xaa: {  	s22 =	rddreg [dreg:$0x8];
	s15 =	sadd.s32 s3, s15  }
0xab: {  	[tilespmem:s22], [sflag:$0x5] =	stream.linear.gather [hbm4b:s15+s2], $0x80, $0x38;
	[tilespmem:$0x4080] =	vst v63  }
0xac: {  	s15 =	sand.u32 $0x1FFFFFF0, s23  }
0xad: {  	s24 =	rddreg [dreg:$0x9];
	s15 =	sadd.s32 s3, s15  }
0xae: {  	v63 =	vshll.u32 v7, $0x4;
	[tilespmem:s24], [sflag:$0x6] =	stream.linear.gather [hbm4b:s15+s2], $0x80, $0x38;
	[tilespmem:$0x4080] =	vst v63  }
0xaf: {  	s23 =	spop (v2sf);
	(v2sf) =	vpush v63, $0x0  }
0xb0: {  	s15 =	sand.u32 $0x1FFFFFF0, s25  }
0xb1: {  	s26 =	rddreg [dreg:$0xa];
	s15 =	sadd.s32 s3, s15;
	s25 =	spop (v2sf);
	(v2sf) =	vpush v63, $0x1  }
0xb2: {  	[tilespmem:s26], [sflag:$0x7] =	stream.linear.gather [hbm4b:s15+s2], $0x80, $0x38;
	[tilespmem:$0x4080] =	vst v63  }
0xb3: {  	s15 =	sand.u32 $0x1FFFFFF0, s28;
	s28 =	spop (v2sf);
	(v2sf) =	vpush v63, $0x2  }
0xb4: {  	s29 =	rddreg [dreg:$0xb];
	s15 =	sadd.s32 s3, s15  }
0xb5: {  	[tilespmem:s29], [sflag:$0x8] =	stream.linear.gather [hbm4b:s15+s2], $0x80, $0x38;
	[tilespmem:$0x4080] =	vst v63  }
0xb6: {  	s15 =	sand.u32 $0x1FFFFFF0, s30;
	s30 =	spop (v2sf);
	(v2sf) =	vpush v63, $0x3;
	_ =	sdelay $0x2  }
0xb7: {  	s31 =	rddreg [dreg:$0xc];
	s15 =	sadd.s32 s3, s15  }
0xb8: {  	[tilespmem:s31], [sflag:$0x1] =	stream.linear.gather [hbm4b:s15+s2], $0x80, $0x38;
	[tilespmem:$0x4080] =	vst v63  }
0xb9: {  	s15 =	sand.u32 $0x1FFFFFF0, s17  }
0xba: {  	s18 =	rddreg [dreg:$0xd];
	s15 =	sadd.s32 s3, s15  }
0xbb: {  	[tilespmem:s18], [sflag:$0x2] =	stream.linear.gather [hbm4b:s15+s2], $0x80, $0x38;
	[tilespmem:$0x4080] =	vst v63  }
0xbc: {  	s17 =	spop (v2sf);
	(v2sf) =	vpush v63, $0x4  }
0xbd: {  	s15 =	sand.u32 $0x1FFFFFF0, s19  }
0xbe: {  	s20 =	rddreg [dreg:$0xe];
	s15 =	sadd.s32 s3, s15;
	s19 =	spop (v2sf);
	(v2sf) =	vpush v63, $0x5  }
0xbf: {  	[tilespmem:s20], [sflag:$0x3] =	stream.linear.gather [hbm4b:s15+s2], $0x80, $0x38;
	[tilespmem:$0x4080] =	vst v63  }
0xc0: {  	s15 =	sand.u32 $0x1FFFFFF0, s21;
	s21 =	spop (v2sf);
	(v2sf) =	vpush v63, $0x6  }
0xc1: {  	s22 =	rddreg [dreg:$0xf];
	s15 =	sadd.s32 s3, s15  }
0xc2: {  	[tilespmem:s22], [sflag:$0x4] =	stream.linear.gather [hbm4b:s15+s2], $0x80, $0x38;
	[tilespmem:$0x4080] =	vst v63  }
0xc3: {  	s15 =	sand.u32 $0x1FFFFFF0, s23;
	s23 =	spop (v2sf);
	(v2sf) =	vpush v63, $0x7;
	_ =	sdelay $0x1  }
0xc4: {  	s24 =	rddreg [dreg:$0x10];
	s15 =	sadd.s32 s3, s15  }
0xc5: {  	[tilespmem:s24], [sflag:$0x5] =	stream.linear.gather [hbm4b:s15+s2], $0x80, $0x38;
	[tilespmem:$0x4080] =	vst v63  }
0xc6: {  	s15 =	sand.u32 $0x1FFFFFF0, s25  }
0xc7: {  	s26 =	rddreg [dreg:$0x11];
	s15 =	sadd.s32 s3, s15  }
0xc8: {  	[tilespmem:s26], [sflag:$0x6] =	stream.linear.gather [hbm4b:s15+s2], $0x80, $0x38;
	[tilespmem:$0x4080] =	vst v63  }
0xc9: {  	s15 =	sand.u32 $0x1FFFFFF0, s28  }
0xca: {  	s29 =	rddreg [dreg:$0x12];
	s15 =	sadd.s32 s3, s15;
	s25 =	spop (v2sf);
	(v2sf) =	vpush v63, $0x8  }
0xcb: {  	[tilespmem:s29], [sflag:$0x7] =	stream.linear.gather [hbm4b:s15+s2], $0x80, $0x38;
	[tilespmem:$0x4080] =	vst v63  }
0xcc: {  	s28 =	spop (v2sf);
	(v2sf) =	vpush v63, $0x9  }
0xcd: {  	s15 =	sand.u32 $0x1FFFFFF0, s30  }
0xce: {  	s31 =	rddreg [dreg:$0x13];
	s15 =	sadd.s32 s3, s15;
	s30 =	spop (v2sf);
	(v2sf) =	vpush v63, $0xA  }
0xcf: {  	[tilespmem:s31], [sflag:$0x8] =	stream.linear.gather [hbm4b:s15+s2], $0x80, $0x38;
	[tilespmem:$0x4080] =	vst v63  }
0xd0: {  	s15 =	sand.u32 $0x1FFFFFF0, s17  }
0xd1: {  	s18 =	rddreg [dreg:$0x14];
	s15 =	sadd.s32 s3, s15;
	s17 =	spop (v2sf);
	(v2sf) =	vpush v63, $0xB  }
0xd2: {  	[tilespmem:s18], [sflag:$0x1] =	stream.linear.gather [hbm4b:s15+s2], $0x80, $0x38;
	[tilespmem:$0x4080] =	vst v63  }
0xd3: {  	s15 =	sand.u32 $0x1FFFFFF0, s19  }
0xd4: {  	s20 =	rddreg [dreg:$0x15];
	s15 =	sadd.s32 s3, s15  }
0xd5: {  	[tilespmem:s20], [sflag:$0x2] =	stream.linear.gather [hbm4b:s15+s2], $0x80, $0x38;
	[tilespmem:$0x4080] =	vst v63  }
0xd6: {  	s15 =	sand.u32 $0x1FFFFFF0, s21  }
0xd7: {  	s22 =	rddreg [dreg:$0x16];
	s15 =	sadd.s32 s3, s15  }
0xd8: {  	[tilespmem:s22], [sflag:$0x3] =	stream.linear.gather [hbm4b:s15+s2], $0x80, $0x38;
	[tilespmem:$0x4080] =	vst v63  }
0xd9: {  	s19 =	spop (v2sf);
	(v2sf) =	vpush v63, $0xC  }
0xda: {  	s15 =	sand.u32 $0x1FFFFFF0, s23  }
0xdb: {  	s24 =	rddreg [dreg:$0x17];
	s15 =	sadd.s32 s3, s15;
	s21 =	spop (v2sf);
	(v2sf) =	vpush v63, $0xD  }
0xdc: {  	[tilespmem:s24], [sflag:$0x4] =	stream.linear.gather [hbm4b:s15+s2], $0x80, $0x38;
	[tilespmem:$0x4080] =	vst v63  }
0xdd: {  	s15 =	sand.u32 $0x1FFFFFF0, s25;
	s23 =	spop (v2sf);
	(v2sf) =	vpush v63, $0xE  }
0xde: {  	s26 =	rddreg [dreg:$0x18];
	s15 =	sadd.s32 s3, s15  }
0xdf: {  	[tilespmem:s26], [sflag:$0x5] =	stream.linear.gather [hbm4b:s15+s2], $0x80, $0x38;
	[tilespmem:$0x4080] =	vst v63  }
0xe0: {  	s25 =	spop (v2sf);
	(v2sf) =	vpush v63, $0xF  }
0xe1: {  	s15 =	sand.u32 $0x1FFFFFF0, s28  }
0xe2: {  	s29 =	rddreg [dreg:$0x19];
	s15 =	sadd.s32 s3, s15  }
0xe3: {  	[tilespmem:s29], [sflag:$0x6] =	stream.linear.gather [hbm4b:s15+s2], $0x80, $0x38;
	[tilespmem:$0x4080] =	vst v63  }
0xe4: {  	s15 =	sand.u32 $0x1FFFFFF0, s30  }
0xe5: {  	s31 =	rddreg [dreg:$0x1a];
	s15 =	sadd.s32 s3, s15  }
0xe6: {  	[tilespmem:s31], [sflag:$0x7] =	stream.linear.gather [hbm4b:s15+s2], $0x80, $0x38;
	[tilespmem:$0x4080] =	vst v63  }
0xe7: {  	v5 =	vshll.u32 v5, $0x4;
	s15 =	sand.u32 $0x1FFFFFF0, s17  }
0xe8: {  	s18 =	rddreg [dreg:$0x1b];
	s15 =	sadd.s32 s3, s15;
	s28 =	spop (v2sf);
	(v2sf) =	vpush v5, $0x0  }
0xe9: {  	[tilespmem:s18], [sflag:$0x8] =	stream.linear.gather [hbm4b:s15+s2], $0x80, $0x38;
	[tilespmem:$0x4080] =	vst v63  }
0xea: {  	s30 =	spop (v2sf);
	(v2sf) =	vpush v5, $0x1  }
0xeb: {  	s15 =	sand.u32 $0x1FFFFFF0, s19  }
0xec: {  	s20 =	rddreg [dreg:$0x1c];
	s15 =	sadd.s32 s3, s15;
	s17 =	spop (v2sf);
	(v2sf) =	vpush v5, $0x2  }
0xed: {  	[tilespmem:s20], [sflag:$0x1] =	stream.linear.gather [hbm4b:s15+s2], $0x80, $0x38;
	[tilespmem:$0x4080] =	vst v63  }
0xee: {  	s15 =	sand.u32 $0x1FFFFFF0, s21  }
0xef: {  	s22 =	rddreg [dreg:$0x1d];
	s15 =	sadd.s32 s3, s15;
	s19 =	spop (v2sf);
	(v2sf) =	vpush v5, $0x3  }
0xf0: {  	[tilespmem:s22], [sflag:$0x2] =	stream.linear.gather [hbm4b:s15+s2], $0x80, $0x38;
	[tilespmem:$0x4080] =	vst v63  }
0xf1: {  	s15 =	sand.u32 $0x1FFFFFF0, s23  }
0xf2: {  	s24 =	rddreg [dreg:$0x1e];
	s15 =	sadd.s32 s3, s15  }
0xf3: {  	[tilespmem:s24], [sflag:$0x3] =	stream.linear.gather [hbm4b:s15+s2], $0x80, $0x38;
	[tilespmem:$0x4080] =	vst v63  }
0xf4: {  	s15 =	sand.u32 $0x1FFFFFF0, s25  }
0xf5: {  	s26 =	rddreg [dreg:$0x1f];
	s15 =	sadd.s32 s3, s15  }
0xf6: {  	[tilespmem:s26], [sflag:$0x4] =	stream.linear.gather [hbm4b:s15+s2], $0x80, $0x38;
	[tilespmem:$0x4080] =	vst v63  }
0xf7: {  	s29 =	sld [smem:$0x79A];
	s21 =	spop (v2sf);
	(v2sf) =	vpush v5, $0x4  }
0xf8: {  	s15 =	sand.u32 $0x1FFFFFF0, s28  }
0xf9: {  	s31 =	sld [smem:$0x79B];
	s15 =	sadd.s32 s3, s15;
	s23 =	spop (v2sf);
	(v2sf) =	vpush v5, $0x5  }
0xfa: {  	[tilespmem:s29], [sflag:$0x5] =	stream.linear.gather [hbm4b:s15+s2], $0x80, $0x38;
	[tilespmem:$0x4080] =	vst v63  }
0xfb: {  	s15 =	sand.u32 $0x1FFFFFF0, s30;
	s25 =	spop (v2sf);
	(v2sf) =	vpush v5, $0x6  }
0xfc: {  	s15 =	sadd.s32 s3, s15  }
0xfd: {  	[tilespmem:s31], [sflag:$0x6] =	stream.linear.gather [hbm4b:s15+s2], $0x80, $0x38;
	[tilespmem:$0x4080] =	vst v63  }
0xfe: {  	s18 =	sld [smem:$0x79C];
	s28 =	spop (v2sf);
	(v2sf) =	vpush v5, $0x7  }
0xff: {  	s15 =	sand.u32 $0x1FFFFFF0, s17  }
0x100: {  	s20 =	sld [smem:$0x79D];
	s15 =	sadd.s32 s3, s15  }
0x101: {  	[tilespmem:s18], [sflag:$0x7] =	stream.linear.gather [hbm4b:s15+s2], $0x80, $0x38;
	[tilespmem:$0x4080] =	vst v63  }
0x102: {  	s15 =	sand.u32 $0x1FFFFFF0, s19  }
0x103: {  	s22 =	sld [smem:$0x79E];
	s15 =	sadd.s32 s3, s15  }
0x104: {  	[tilespmem:s20], [sflag:$0x8] =	stream.linear.gather [hbm4b:s15+s2], $0x80, $0x38;
	[tilespmem:$0x4080] =	vst v63  }
0x105: {  	s15 =	sand.u32 $0x1FFFFFF0, s21  }
0x106: {  	s15 =	sadd.s32 s3, s15;
	s30 =	spop (v2sf);
	(v2sf) =	vpush v5, $0x8  }
0x107: {  	[tilespmem:s22], [sflag:$0x1] =	stream.linear.gather [hbm4b:s15+s2], $0x80, $0x38;
	[tilespmem:$0x4080] =	vst v63  }
0x108: {  	s24 =	sld [smem:$0x79F];
	s17 =	spop (v2sf);
	(v2sf) =	vpush v5, $0x9  }
0x109: {  	s15 =	sand.u32 $0x1FFFFFF0, s23  }
0x10a: {  	s26 =	sld [smem:$0x7A0];
	s15 =	sadd.s32 s3, s15;
	s19 =	spop (v2sf);
	(v2sf) =	vpush v5, $0xA  }
0x10b: {  	[tilespmem:s24], [sflag:$0x2] =	stream.linear.gather [hbm4b:s15+s2], $0x80, $0x38;
	[tilespmem:$0x4080] =	vst v63  }
0x10c: {  	s15 =	sand.u32 $0x1FFFFFF0, s25  }
0x10d: {  	s29 =	sld [smem:$0x7A1];
	s15 =	sadd.s32 s3, s15;
	s21 =	spop (v2sf);
	(v2sf) =	vpush v5, $0xB  }
0x10e: {  	[tilespmem:s26], [sflag:$0x3] =	stream.linear.gather [hbm4b:s15+s2], $0x80, $0x38;
	[tilespmem:$0x4080] =	vst v63  }
0x10f: {  	s15 =	sand.u32 $0x1FFFFFF0, s28  }
0x110: {  	s31 =	sld [smem:$0x7A2];
	s15 =	sadd.s32 s3, s15  }
0x111: {  	[tilespmem:s29], [sflag:$0x4] =	stream.linear.gather [hbm4b:s15+s2], $0x80, $0x38;
	[tilespmem:$0x4080] =	vst v63  }
0x112: {  	s15 =	sand.u32 $0x1FFFFFF0, s30  }
0x113: {  	s15 =	sadd.s32 s3, s15  }
0x114: {  	[tilespmem:s31], [sflag:$0x5] =	stream.linear.gather [hbm4b:s15+s2], $0x80, $0x38;
	[tilespmem:$0x4080] =	vst v63  }
0x115: {  	s18 =	sld [smem:$0x7A3];
	s23 =	spop (v2sf);
	(v2sf) =	vpush v5, $0xC  }
0x116: {  	s15 =	sand.u32 $0x1FFFFFF0, s17  }
0x117: {  	s20 =	sld [smem:$0x7A4];
	s15 =	sadd.s32 s3, s15;
	s25 =	spop (v2sf);
	(v2sf) =	vpush v5, $0xD  }
0x118: {  	[tilespmem:s18], [sflag:$0x6] =	stream.linear.gather [hbm4b:s15+s2], $0x80, $0x38;
	[tilespmem:$0x4080] =	vst v63  }
0x119: {  	s15 =	sand.u32 $0x1FFFFFF0, s19;
	s28 =	spop (v2sf);
	(v2sf) =	vpush v5, $0xE  }
0x11a: {  	s15 =	sadd.s32 s3, s15  }
0x11b: {  	[tilespmem:s20], [sflag:$0x7] =	stream.linear.gather [hbm4b:s15+s2], $0x80, $0x38;
	[tilespmem:$0x4080] =	vst v63  }
0x11c: {  	s22 =	sld [smem:$0x7A5];
	s30 =	spop (v2sf);
	(v2sf) =	vpush v5, $0xF  }
0x11d: {  	s15 =	sand.u32 $0x1FFFFFF0, s21  }
0x11e: {  	s24 =	sld [smem:$0x7A6];
	s15 =	sadd.s32 s3, s15  }
0x11f: {  	[tilespmem:s22], [sflag:$0x8] =	stream.linear.gather [hbm4b:s15+s2], $0x80, $0x38;
	[tilespmem:$0x4080] =	vst v63  }
0x120: {  	s15 =	sand.u32 $0x1FFFFFF0, s23  }
0x121: {  	s26 =	sld [smem:$0x7A7];
	s15 =	sadd.s32 s3, s15  }
0x122: {  	[tilespmem:s24], [sflag:$0x1] =	stream.linear.gather [hbm4b:s15+s2], $0x80, $0x38;
	[tilespmem:$0x4080] =	vst v63  }
0x123: {  	v4 =	vshll.u32 v4, $0x4;
	s15 =	sand.u32 $0x1FFFFFF0, s25  }
0x124: {  	s15 =	sadd.s32 s3, s15;
	s17 =	spop (v2sf);
	(v2sf) =	vpush v4, $0x0  }
0x125: {  	[tilespmem:s26], [sflag:$0x2] =	stream.linear.gather [hbm4b:s15+s2], $0x80, $0x38;
	[tilespmem:$0x4080] =	vst v63  }
0x126: {  	s29 =	sld [smem:$0x7A8];
	s19 =	spop (v2sf);
	(v2sf) =	vpush v4, $0x1  }
0x127: {  	s15 =	sand.u32 $0x1FFFFFF0, s28  }
0x128: {  	s31 =	sld [smem:$0x7A9];
	s15 =	sadd.s32 s3, s15;
	s21 =	spop (v2sf);
	(v2sf) =	vpush v4, $0x2  }
0x129: {  	[tilespmem:s29], [sflag:$0x3] =	stream.linear.gather [hbm4b:s15+s2], $0x80, $0x38;
	[tilespmem:$0x4080] =	vst v63  }
0x12a: {  	s15 =	sand.u32 $0x1FFFFFF0, s30  }
0x12b: {  	s18 =	sld [smem:$0x7AA];
	s15 =	sadd.s32 s3, s15;
	s23 =	spop (v2sf);
	(v2sf) =	vpush v4, $0x3  }
0x12c: {  	[tilespmem:s31], [sflag:$0x4] =	stream.linear.gather [hbm4b:s15+s2], $0x80, $0x38;
	[tilespmem:$0x4080] =	vst v63  }
0x12d: {  	s15 =	sand.u32 $0x1FFFFFF0, s17  }
0x12e: {  	s20 =	sld [smem:$0x7AB];
	s15 =	sadd.s32 s3, s15  }
0x12f: {  	[tilespmem:s18], [sflag:$0x5] =	stream.linear.gather [hbm4b:s15+s2], $0x80, $0x38;
	[tilespmem:$0x4080] =	vst v63  }
0x130: {  	s15 =	sand.u32 $0x1FFFFFF0, s19  }
0x131: {  	s15 =	sadd.s32 s3, s15  }
0x132: {  	[tilespmem:s20], [sflag:$0x6] =	stream.linear.gather [hbm4b:s15+s2], $0x80, $0x38;
	[tilespmem:$0x4080] =	vst v63  }
0x133: {  	s22 =	sld [smem:$0x7AC];
	s25 =	spop (v2sf);
	(v2sf) =	vpush v4, $0x4  }
0x134: {  	s15 =	sand.u32 $0x1FFFFFF0, s21  }
0x135: {  	s24 =	sld [smem:$0x7AD];
	s15 =	sadd.s32 s3, s15;
	s28 =	spop (v2sf);
	(v2sf) =	vpush v4, $0x5  }
0x136: {  	[tilespmem:s22], [sflag:$0x7] =	stream.linear.gather [hbm4b:s15+s2], $0x80, $0x38;
	[tilespmem:$0x4080] =	vst v63  }
0x137: {  	s15 =	sand.u32 $0x1FFFFFF0, s23;
	s30 =	spop (v2sf);
	(v2sf) =	vpush v4, $0x6  }
0x138: {  	s15 =	sadd.s32 s3, s15  }
0x139: {  	[tilespmem:s24], [sflag:$0x8] =	stream.linear.gather [hbm4b:s15+s2], $0x80, $0x38;
	[tilespmem:$0x4080] =	vst v63  }
0x13a: {  	s26 =	sld [smem:$0x7AE];
	s17 =	spop (v2sf);
	(v2sf) =	vpush v4, $0x7  }
0x13b: {  	s15 =	sand.u32 $0x1FFFFFF0, s25  }
0x13c: {  	s29 =	sld [smem:$0x7AF];
	s15 =	sadd.s32 s3, s15  }
0x13d: {  	[tilespmem:s26], [sflag:$0x1] =	stream.linear.gather [hbm4b:s15+s2], $0x80, $0x38;
	[tilespmem:$0x4080] =	vst v63  }
0x13e: {  	s15 =	sand.u32 $0x1FFFFFF0, s28  }
0x13f: {  	s31 =	sld [smem:$0x7B0];
	s15 =	sadd.s32 s3, s15  }
0x140: {  	[tilespmem:s29], [sflag:$0x2] =	stream.linear.gather [hbm4b:s15+s2], $0x80, $0x38;
	[tilespmem:$0x4080] =	vst v63  }
0x141: {  	s15 =	sand.u32 $0x1FFFFFF0, s30  }
0x142: {  	s15 =	sadd.s32 s3, s15;
	s19 =	spop (v2sf);
	(v2sf) =	vpush v4, $0x8  }
0x143: {  	[tilespmem:s31], [sflag:$0x3] =	stream.linear.gather [hbm4b:s15+s2], $0x80, $0x38;
	[tilespmem:$0x4080] =	vst v63  }
0x144: {  	s18 =	sld [smem:$0x7B1];
	s21 =	spop (v2sf);
	(v2sf) =	vpush v4, $0x9  }
0x145: {  	s15 =	sand.u32 $0x1FFFFFF0, s17  }
0x146: {  	s20 =	sld [smem:$0x7B2];
	s15 =	sadd.s32 s3, s15;
	s23 =	spop (v2sf);
	(v2sf) =	vpush v4, $0xA  }
0x147: {  	[tilespmem:s18], [sflag:$0x4] =	stream.linear.gather [hbm4b:s15+s2], $0x80, $0x38;
	[tilespmem:$0x4080] =	vst v63  }
0x148: {  	s15 =	sand.u32 $0x1FFFFFF0, s19  }
0x149: {  	s22 =	sld [smem:$0x7B3];
	s15 =	sadd.s32 s3, s15;
	s25 =	spop (v2sf);
	(v2sf) =	vpush v4, $0xB  }
0x14a: {  	[tilespmem:s20], [sflag:$0x5] =	stream.linear.gather [hbm4b:s15+s2], $0x80, $0x38;
	[tilespmem:$0x4080] =	vst v63  }
0x14b: {  	s15 =	sand.u32 $0x1FFFFFF0, s21  }
0x14c: {  	s24 =	sld [smem:$0x7B4];
	s15 =	sadd.s32 s3, s15  }
0x14d: {  	[tilespmem:s22], [sflag:$0x6] =	stream.linear.gather [hbm4b:s15+s2], $0x80, $0x38;
	[tilespmem:$0x4080] =	vst v63  }
0x14e: {  	s15 =	sand.u32 $0x1FFFFFF0, s23  }
0x14f: {  	s15 =	sadd.s32 s3, s15  }
0x150: {  	[tilespmem:s24], [sflag:$0x7] =	stream.linear.gather [hbm4b:s15+s2], $0x80, $0x38;
	[tilespmem:$0x4080] =	vst v63  }
0x151: {  	s26 =	sld [smem:$0x7B5];
	s28 =	spop (v2sf);
	(v2sf) =	vpush v4, $0xC  }
0x152: {  	s15 =	sand.u32 $0x1FFFFFF0, s25  }
0x153: {  	s29 =	sld [smem:$0x7B6];
	s15 =	sadd.s32 s3, s15;
	s30 =	spop (v2sf);
	(v2sf) =	vpush v4, $0xD  }
0x154: {  	[tilespmem:s26], [sflag:$0x8] =	stream.linear.gather [hbm4b:s15+s2], $0x80, $0x38;
	[tilespmem:$0x4080] =	vst v63  }
0x155: {  	s15 =	sand.u32 $0x1FFFFFF0, s28;
	s17 =	spop (v2sf);
	(v2sf) =	vpush v4, $0xE  }
0x156: {  	s15 =	sadd.s32 s3, s15  }
0x157: {  	[tilespmem:s29], [sflag:$0x1] =	stream.linear.gather [hbm4b:s15+s2], $0x80, $0x38;
	[tilespmem:$0x4080] =	vst v63  }
0x158: {  	s31 =	sld [smem:$0x7B7];
	s19 =	spop (v2sf);
	(v2sf) =	vpush v4, $0xF  }
0x159: {  	s15 =	sand.u32 $0x1FFFFFF0, s30  }
0x15a: {  	s18 =	sld [smem:$0x7B8];
	s15 =	sadd.s32 s3, s15  }
0x15b: {  	[tilespmem:s31], [sflag:$0x2] =	stream.linear.gather [hbm4b:s15+s2], $0x80, $0x38;
	[tilespmem:$0x4080] =	vst v63  }
0x15c: {  	s15 =	sand.u32 $0x1FFFFFF0, s17  }
0x15d: {  	s20 =	sld [smem:$0x7B9];
	s15 =	sadd.s32 s3, s15  }
0x15e: {  	[tilespmem:s18], [sflag:$0x3] =	stream.linear.gather [hbm4b:s15+s2], $0x80, $0x38;
	[tilespmem:$0x4080] =	vst v63  }
0x15f: {  	v3 =	vshll.u32 v3, $0x4;
	s15 =	sand.u32 $0x1FFFFFF0, s19  }
0x160: {  	s15 =	sadd.s32 s3, s15;
	s21 =	spop (v2sf);
	(v2sf) =	vpush v3, $0x0  }
0x161: {  	[tilespmem:s20], [sflag:$0x4] =	stream.linear.gather [hbm4b:s15+s2], $0x80, $0x38;
	[tilespmem:$0x4080] =	vst v63  }
0x162: {  	s22 =	sld [smem:$0x7BA];
	s23 =	spop (v2sf);
	(v2sf) =	vpush v3, $0x1  }
0x163: {  	s15 =	sand.u32 $0x1FFFFFF0, s21  }
0x164: {  	s24 =	sld [smem:$0x7BB];
	s15 =	sadd.s32 s3, s15;
	s25 =	spop (v2sf)  }
0x165: {  	(v2sf) =	vpush v3, $0x2;
	[tilespmem:s22], [sflag:$0x5] =	stream.linear.gather [hbm4b:s15+s2], $0x80, $0x38;
	[tilespmem:$0x4080] =	vst v63  }
0x166: {  	s15 =	sand.u32 $0x1FFFFFF0, s23  }
0x167: {  	s26 =	sld [smem:$0x7BC];
	s28 =	spop (v2sf);
	s15 =	sadd.s32 s3, s15  }
0x168: {  	(v2sf) =	vpush v3, $0x3;
	[tilespmem:s24], [sflag:$0x6] =	stream.linear.gather [hbm4b:s15+s2], $0x80, $0x38;
	[tilespmem:$0x4080] =	vst v63  }
0x169: {  	s15 =	sand.u32 $0x1FFFFFF0, s25  }
0x16a: {  	s29 =	sld [smem:$0x7BD];
	s15 =	sadd.s32 s3, s15  }
0x16b: {  	[tilespmem:s26], [sflag:$0x7] =	stream.linear.gather [hbm4b:s15+s2], $0x80, $0x38;
	[tilespmem:$0x4080] =	vst v63  }
0x16c: {  	s15 =	sand.u32 $0x1FFFFFF0, s28  }
0x16d: {  	s15 =	sadd.s32 s3, s15  }
0x16e: {  	[tilespmem:s29], [sflag:$0x8] =	stream.linear.gather [hbm4b:s15+s2], $0x80, $0x38;
	[tilespmem:$0x4080] =	vst v63  }
0x16f: {  	s31 =	sld [smem:$0x7BE];
	s30 =	spop (v2sf)  }
0x170: {  	s15 =	sand.u32 $0x1FFFFFF0, s30  }
0x171: {  	s18 =	sld [smem:$0x7BF];
	s17 =	spop (v2sf);
	s15 =	sadd.s32 s3, s15  }
0x172: {  	[tilespmem:s31], [sflag:$0x1] =	stream.linear.gather [hbm4b:s15+s2], $0x80, $0x38;
	[tilespmem:$0x4080] =	vst v63  }
0x173: {  	s15 =	sand.u32 $0x1FFFFFF0, s17  }
0x174: {  	s20 =	sld [smem:$0x7C0];
	s19 =	spop (v2sf);
	s15 =	sadd.s32 s3, s15  }
0x175: {  	[tilespmem:s18], [sflag:$0x2] =	stream.linear.gather [hbm4b:s15+s2], $0x80, $0x38;
	[tilespmem:$0x4080] =	vst v63  }
0x176: {  	s15 =	sand.u32 $0x1FFFFFF0, s19  }
0x177: {  	s22 =	sld [smem:$0x7C1];
	s21 =	spop (v2sf);
	s15 =	sadd.s32 s3, s15  }
0x178: {  	[tilespmem:s20], [sflag:$0x3] =	stream.linear.gather [hbm4b:s15+s2], $0x80, $0x38;
	[tilespmem:$0x4080] =	vst v63  }
0x179: {  	s15 =	sand.u32 $0x1FFFFFF0, s21  }
0x17a: {  	s15 =	sadd.s32 s3, s15  }
0x17b: {  	[tilespmem:s22], [sflag:$0x4] =	stream.linear.gather [hbm4b:s15+s2], $0x80, $0x38;
	[tilespmem:$0x4080] =	vst v63  }
0x17c: {  	(v2sf) =	vpush v3, $0x4;
	_ =	sdelay $0x1  }
0x17d: {  	(v2sf) =	vpush v3, $0x5;
	_ =	sdelay $0x1  }
0x17e: {  	(v2sf) =	vpush v3, $0x6;
	_ =	sdelay $0x2  }
0x17f: {  	(v2sf) =	vpush v3, $0x7;
	_ =	sdelay $0x7  }
0x180: {  	s23 =	spop (v2sf);
	(v2sf) =	vpush v3, $0x8;
	_ =	sdelay $0x1  }
0x181: {  	s25 =	spop (v2sf);
	(v2sf) =	vpush v3, $0x9;
	_ =	sdelay $0x1  }
0x182: {  	s28 =	spop (v2sf);
	(v2sf) =	vpush v3, $0xA;
	_ =	sdelay $0x2  }
0x183: {  	s30 =	spop (v2sf);
	(v2sf) =	vpush v3, $0xB;
	_ =	sdelay $0x7  }
0x184: {  	s17 =	spop (v2sf);
	(v2sf) =	vpush v3, $0xC;
	_ =	sdelay $0x1  }
0x185: {  	s19 =	spop (v2sf);
	(v2sf) =	vpush v3, $0xD;
	_ =	sdelay $0x1  }
0x186: {  	s21 =	spop (v2sf);
	(v2sf) =	vpush v3, $0xE;
	_ =	sdelay $0x2  }
0x187: {  	s15 =	sand.u32 $0x1FFFFFF0, s23;
	s23 =	spop (v2sf);
	(v2sf) =	vpush v3, $0xF  }
0x188: {  	s24 =	sld [smem:$0x7C2];
	_ =	sdelay $0x1  }
0x189: {  	s26 =	sld [smem:$0x7C3];
	s15 =	sadd.s32 s3, s15  }
0x18a: {  	[tilespmem:s24], [sflag:$0x5] =	stream.linear.gather [hbm4b:s15+s2], $0x80, $0x38;
	[tilespmem:$0x4080] =	vst v63  }
0x18b: {  	s15 =	sand.u32 $0x1FFFFFF0, s25  }
0x18c: {  	s15 =	sadd.s32 s3, s15  }
0x18d: {  	v2 =	vshll.u32 v2, $0x4;
	[tilespmem:s26], [sflag:$0x6] =	stream.linear.gather [hbm4b:s15+s2], $0x80, $0x38;
	[tilespmem:$0x4080] =	vst v63  }
0x18e: {  	s29 =	sld [smem:$0x7C4];
	s25 =	spop (v2sf);
	(v2sf) =	vpush v2, $0x0  }
0x18f: {  	s15 =	sand.u32 $0x1FFFFFF0, s28  }
0x190: {  	s31 =	sld [smem:$0x7C5];
	s15 =	sadd.s32 s3, s15;
	s28 =	spop (v2sf);
	(v2sf) =	vpush v2, $0x1  }
0x191: {  	[tilespmem:s29], [sflag:$0x7] =	stream.linear.gather [hbm4b:s15+s2], $0x80, $0x38;
	[tilespmem:$0x4080] =	vst v63  }
0x192: {  	s15 =	sand.u32 $0x1FFFFFF0, s30;
	s30 =	spop (v2sf);
	(v2sf) =	vpush v2, $0x2  }
0x193: {  	s15 =	sadd.s32 s3, s15  }
0x194: {  	[tilespmem:s31], [sflag:$0x8] =	stream.linear.gather [hbm4b:s15+s2], $0x80, $0x38;
	[tilespmem:$0x4080] =	vst v63  }
0x195: {  	s18 =	sld [smem:$0x7C6];
	s15 =	sand.u32 $0x1FFFFFF0, s17;
	s17 =	spop (v2sf);
	(v2sf) =	vpush v2, $0x3  }
0x196: {  	_ = 	snop  }
0x197: {  	s20 =	sld [smem:$0x7C7];
	s15 =	sadd.s32 s3, s15  }
0x198: {  	[tilespmem:s18], [sflag:$0x1] =	stream.linear.gather [hbm4b:s15+s2], $0x80, $0x38;
	[tilespmem:$0x4080] =	vst v63  }
0x199: {  	s15 =	sand.u32 $0x1FFFFFF0, s19  }
0x19a: {  	s22 =	sld [smem:$0x7C8];
	s15 =	sadd.s32 s3, s15  }
0x19b: {  	[tilespmem:s20], [sflag:$0x2] =	stream.linear.gather [hbm4b:s15+s2], $0x80, $0x38;
	[tilespmem:$0x4080] =	vst v63  }
0x19c: {  	s15 =	sand.u32 $0x1FFFFFF0, s21  }
0x19d: {  	s15 =	sadd.s32 s3, s15;
	s19 =	spop (v2sf);
	(v2sf) =	vpush v2, $0x4  }
0x19e: {  	[tilespmem:s22], [sflag:$0x3] =	stream.linear.gather [hbm4b:s15+s2], $0x80, $0x38;
	[tilespmem:$0x4080] =	vst v63  }
0x19f: {  	s24 =	sld [smem:$0x7C9];
	s21 =	spop (v2sf);
	(v2sf) =	vpush v2, $0x5  }
0x1a0: {  	s15 =	sand.u32 $0x1FFFFFF0, s23  }
0x1a1: {  	s26 =	sld [smem:$0x7CA];
	s15 =	sadd.s32 s3, s15;
	s23 =	spop (v2sf);
	(v2sf) =	vpush v2, $0x6  }
0x1a2: {  	[tilespmem:s24], [sflag:$0x4] =	stream.linear.gather [hbm4b:s15+s2], $0x80, $0x38;
	[tilespmem:$0x4080] =	vst v63  }
0x1a3: {  	s15 =	sand.u32 $0x1FFFFFF0, s25  }
0x1a4: {  	s29 =	sld [smem:$0x7CB];
	s15 =	sadd.s32 s3, s15;
	s25 =	spop (v2sf);
	(v2sf) =	vpush v2, $0x7  }
0x1a5: {  	[tilespmem:s26], [sflag:$0x5] =	stream.linear.gather [hbm4b:s15+s2], $0x80, $0x38;
	[tilespmem:$0x4080] =	vst v63  }
0x1a6: {  	s15 =	sand.u32 $0x1FFFFFF0, s28  }
0x1a7: {  	s31 =	sld [smem:$0x7CC];
	s15 =	sadd.s32 s3, s15  }
0x1a8: {  	[tilespmem:s29], [sflag:$0x6] =	stream.linear.gather [hbm4b:s15+s2], $0x80, $0x38;
	[tilespmem:$0x4080] =	vst v63  }
0x1a9: {  	s15 =	sand.u32 $0x1FFFFFF0, s30  }
0x1aa: {  	s15 =	sadd.s32 s3, s15  }
0x1ab: {  	[tilespmem:s31], [sflag:$0x7] =	stream.linear.gather [hbm4b:s15+s2], $0x80, $0x38;
	[tilespmem:$0x4080] =	vst v63  }
0x1ac: {  	s18 =	sld [smem:$0x7CD];
	s28 =	spop (v2sf);
	(v2sf) =	vpush v2, $0x8  }
0x1ad: {  	s15 =	sand.u32 $0x1FFFFFF0, s17  }
0x1ae: {  	s20 =	sld [smem:$0x7CE];
	s15 =	sadd.s32 s3, s15;
	s30 =	spop (v2sf);
	(v2sf) =	vpush v2, $0x9  }
0x1af: {  	[tilespmem:s18], [sflag:$0x8] =	stream.linear.gather [hbm4b:s15+s2], $0x80, $0x38;
	[tilespmem:$0x4080] =	vst v63  }
0x1b0: {  	s15 =	sand.u32 $0x1FFFFFF0, s19;
	s17 =	spop (v2sf);
	(v2sf) =	vpush v2, $0xA  }
0x1b1: {  	s15 =	sadd.s32 s3, s15  }
0x1b2: {  	[tilespmem:s20], [sflag:$0x1] =	stream.linear.gather [hbm4b:s15+s2], $0x80, $0x38;
	[tilespmem:$0x4080] =	vst v63  }
0x1b3: {  	s22 =	sld [smem:$0x7CF];
	s19 =	spop (v2sf);
	(v2sf) =	vpush v2, $0xB  }
0x1b4: {  	s15 =	sand.u32 $0x1FFFFFF0, s21  }
0x1b5: {  	s24 =	sld [smem:$0x7D0];
	s15 =	sadd.s32 s3, s15  }
0x1b6: {  	[tilespmem:s22], [sflag:$0x2] =	stream.linear.gather [hbm4b:s15+s2], $0x80, $0x38;
	[tilespmem:$0x4080] =	vst v63  }
0x1b7: {  	s15 =	sand.u32 $0x1FFFFFF0, s23  }
0x1b8: {  	s26 =	sld [smem:$0x7D1];
	s15 =	sadd.s32 s3, s15  }
0x1b9: {  	[tilespmem:s24], [sflag:$0x3] =	stream.linear.gather [hbm4b:s15+s2], $0x80, $0x38;
	[tilespmem:$0x4080] =	vst v63  }
0x1ba: {  	s15 =	sand.u32 $0x1FFFFFF0, s25  }
0x1bb: {  	s15 =	sadd.s32 s3, s15;
	s21 =	spop (v2sf);
	(v2sf) =	vpush v2, $0xC  }
0x1bc: {  	[tilespmem:s26], [sflag:$0x4] =	stream.linear.gather [hbm4b:s15+s2], $0x80, $0x38;
	[tilespmem:$0x4080] =	vst v63  }
0x1bd: {  	s29 =	sld [smem:$0x7D2];
	s23 =	spop (v2sf);
	(v2sf) =	vpush v2, $0xD  }
0x1be: {  	s15 =	sand.u32 $0x1FFFFFF0, s28  }
0x1bf: {  	s31 =	sld [smem:$0x7D3];
	s15 =	sadd.s32 s3, s15;
	s25 =	spop (v2sf);
	(v2sf) =	vpush v2, $0xE  }
0x1c0: {  	[tilespmem:s29], [sflag:$0x5] =	stream.linear.gather [hbm4b:s15+s2], $0x80, $0x38;
	[tilespmem:$0x4080] =	vst v63  }
0x1c1: {  	s15 =	sand.u32 $0x1FFFFFF0, s30  }
0x1c2: {  	s18 =	sld [smem:$0x7D4];
	s15 =	sadd.s32 s3, s15;
	s28 =	spop (v2sf);
	(v2sf) =	vpush v2, $0xF  }
0x1c3: {  	[tilespmem:s31], [sflag:$0x6] =	stream.linear.gather [hbm4b:s15+s2], $0x80, $0x38;
	[tilespmem:$0x4080] =	vst v63  }
0x1c4: {  	s15 =	sand.u32 $0x1FFFFFF0, s17  }
0x1c5: {  	s20 =	sld [smem:$0x7D5];
	s15 =	sadd.s32 s3, s15  }
0x1c6: {  	[tilespmem:s18], [sflag:$0x7] =	stream.linear.gather [hbm4b:s15+s2], $0x80, $0x38;
	[tilespmem:$0x4080] =	vst v63  }
0x1c7: {  	s15 =	sand.u32 $0x1FFFFFF0, s19  }
0x1c8: {  	s15 =	sadd.s32 s3, s15  }
0x1c9: {  	v1 =	vshll.u32 v1, $0x4;
	[tilespmem:s20], [sflag:$0x8] =	stream.linear.gather [hbm4b:s15+s2], $0x80, $0x38;
	[tilespmem:$0x4080] =	vst v63  }
0x1ca: {  	s22 =	sld [smem:$0x7D6];
	s30 =	spop (v2sf);
	(v2sf) =	vpush v1, $0x0  }
0x1cb: {  	s15 =	sand.u32 $0x1FFFFFF0, s21  }
0x1cc: {  	s24 =	sld [smem:$0x7D7];
	s15 =	sadd.s32 s3, s15;
	s17 =	spop (v2sf);
	(v2sf) =	vpush v1, $0x1  }
0x1cd: {  	[tilespmem:s22], [sflag:$0x1] =	stream.linear.gather [hbm4b:s15+s2], $0x80, $0x38;
	[tilespmem:$0x4080] =	vst v63  }
0x1ce: {  	s15 =	sand.u32 $0x1FFFFFF0, s23;
	s19 =	spop (v2sf);
	(v2sf) =	vpush v1, $0x2  }
0x1cf: {  	s15 =	sadd.s32 s3, s15  }
0x1d0: {  	[tilespmem:s24], [sflag:$0x2] =	stream.linear.gather [hbm4b:s15+s2], $0x80, $0x38;
	[tilespmem:$0x4080] =	vst v63  }
0x1d1: {  	s26 =	sld [smem:$0x7D8];
	s21 =	spop (v2sf);
	(v2sf) =	vpush v1, $0x3  }
0x1d2: {  	s15 =	sand.u32 $0x1FFFFFF0, s25  }
0x1d3: {  	s29 =	sld [smem:$0x7D9];
	s15 =	sadd.s32 s3, s15  }
0x1d4: {  	[tilespmem:s26], [sflag:$0x3] =	stream.linear.gather [hbm4b:s15+s2], $0x80, $0x38;
	[tilespmem:$0x4080] =	vst v63  }
0x1d5: {  	s15 =	sand.u32 $0x1FFFFFF0, s28  }
0x1d6: {  	s31 =	sld [smem:$0x7DA];
	s15 =	sadd.s32 s3, s15  }
0x1d7: {  	[tilespmem:s29], [sflag:$0x4] =	stream.linear.gather [hbm4b:s15+s2], $0x80, $0x38;
	[tilespmem:$0x4080] =	vst v63  }
0x1d8: {  	s15 =	sand.u32 $0x1FFFFFF0, s30  }
0x1d9: {  	s15 =	sadd.s32 s3, s15;
	s23 =	spop (v2sf);
	(v2sf) =	vpush v1, $0x4  }
0x1da: {  	[tilespmem:s31], [sflag:$0x5] =	stream.linear.gather [hbm4b:s15+s2], $0x80, $0x38;
	[tilespmem:$0x4080] =	vst v63  }
0x1db: {  	s18 =	sld [smem:$0x7DB];
	s25 =	spop (v2sf);
	(v2sf) =	vpush v1, $0x5  }
0x1dc: {  	s15 =	sand.u32 $0x1FFFFFF0, s17  }
0x1dd: {  	s20 =	sld [smem:$0x7DC];
	s15 =	sadd.s32 s3, s15;
	s28 =	spop (v2sf);
	(v2sf) =	vpush v1, $0x6  }
0x1de: {  	[tilespmem:s18], [sflag:$0x6] =	stream.linear.gather [hbm4b:s15+s2], $0x80, $0x38;
	[tilespmem:$0x4080] =	vst v63  }
0x1df: {  	s15 =	sand.u32 $0x1FFFFFF0, s19  }
0x1e0: {  	s22 =	sld [smem:$0x7DD];
	s15 =	sadd.s32 s3, s15;
	s30 =	spop (v2sf);
	(v2sf) =	vpush v1, $0x7  }
0x1e1: {  	[tilespmem:s20], [sflag:$0x7] =	stream.linear.gather [hbm4b:s15+s2], $0x80, $0x38;
	[tilespmem:$0x4080] =	vst v63  }
0x1e2: {  	s15 =	sand.u32 $0x1FFFFFF0, s21  }
0x1e3: {  	s24 =	sld [smem:$0x7DE];
	s15 =	sadd.s32 s3, s15  }
0x1e4: {  	[tilespmem:s22], [sflag:$0x8] =	stream.linear.gather [hbm4b:s15+s2], $0x80, $0x38;
	[tilespmem:$0x4080] =	vst v63  }
0x1e5: {  	s15 =	sand.u32 $0x1FFFFFF0, s23  }
0x1e6: {  	s15 =	sadd.s32 s3, s15  }
0x1e7: {  	[tilespmem:s24], [sflag:$0x1] =	stream.linear.gather [hbm4b:s15+s2], $0x80, $0x38;
	[tilespmem:$0x4080] =	vst v63  }
0x1e8: {  	s26 =	sld [smem:$0x7DF];
	s17 =	spop (v2sf);
	(v2sf) =	vpush v1, $0x8  }
0x1e9: {  	s15 =	sand.u32 $0x1FFFFFF0, s25  }
0x1ea: {  	s29 =	sld [smem:$0x7E0];
	s15 =	sadd.s32 s3, s15;
	s19 =	spop (v2sf);
	(v2sf) =	vpush v1, $0x9  }
0x1eb: {  	[tilespmem:s26], [sflag:$0x2] =	stream.linear.gather [hbm4b:s15+s2], $0x80, $0x38;
	[tilespmem:$0x4080] =	vst v63  }
0x1ec: {  	s15 =	sand.u32 $0x1FFFFFF0, s28;
	s21 =	spop (v2sf);
	(v2sf) =	vpush v1, $0xA  }
0x1ed: {  	s15 =	sadd.s32 s3, s15  }
0x1ee: {  	[tilespmem:s29], [sflag:$0x3] =	stream.linear.gather [hbm4b:s15+s2], $0x80, $0x38;
	[tilespmem:$0x4080] =	vst v63  }
0x1ef: {  	s31 =	sld [smem:$0x7E1];
	s23 =	spop (v2sf);
	(v2sf) =	vpush v1, $0xB  }
0x1f0: {  	s15 =	sand.u32 $0x1FFFFFF0, s30  }
0x1f1: {  	s18 =	sld [smem:$0x7E2];
	s15 =	sadd.s32 s3, s15  }
0x1f2: {  	[tilespmem:s31], [sflag:$0x4] =	stream.linear.gather [hbm4b:s15+s2], $0x80, $0x38;
	[tilespmem:$0x4080] =	vst v63  }
0x1f3: {  	s15 =	sand.u32 $0x1FFFFFF0, s17  }
0x1f4: {  	s20 =	sld [smem:$0x7E3];
	s15 =	sadd.s32 s3, s15  }
0x1f5: {  	[tilespmem:s18], [sflag:$0x5] =	stream.linear.gather [hbm4b:s15+s2], $0x80, $0x38;
	[tilespmem:$0x4080] =	vst v63  }
0x1f6: {  	s15 =	sand.u32 $0x1FFFFFF0, s19  }
0x1f7: {  	s15 =	sadd.s32 s3, s15;
	s25 =	spop (v2sf);
	(v2sf) =	vpush v1, $0xC  }
0x1f8: {  	[tilespmem:s20], [sflag:$0x6] =	stream.linear.gather [hbm4b:s15+s2], $0x80, $0x38;
	[tilespmem:$0x4080] =	vst v63  }
0x1f9: {  	s22 =	sld [smem:$0x7E4];
	s28 =	spop (v2sf);
	(v2sf) =	vpush v1, $0xD  }
0x1fa: {  	s15 =	sand.u32 $0x1FFFFFF0, s21  }
0x1fb: {  	s24 =	sld [smem:$0x7E5];
	s15 =	sadd.s32 s3, s15;
	s30 =	spop (v2sf);
	(v2sf) =	vpush v1, $0xE  }
0x1fc: {  	[tilespmem:s22], [sflag:$0x7] =	stream.linear.gather [hbm4b:s15+s2], $0x80, $0x38;
	[tilespmem:$0x4080] =	vst v63  }
0x1fd: {  	s15 =	sand.u32 $0x1FFFFFF0, s23  }
0x1fe: {  	s26 =	sld [smem:$0x7E6];
	s15 =	sadd.s32 s3, s15;
	s17 =	spop (v2sf);
	(v2sf) =	vpush v1, $0xF  }
0x1ff: {  	[tilespmem:s24], [sflag:$0x8] =	stream.linear.gather [hbm4b:s15+s2], $0x80, $0x38;
	[tilespmem:$0x4080] =	vst v63  }
0x200: {  	s15 =	sand.u32 $0x1FFFFFF0, s25  }
0x201: {  	s29 =	sld [smem:$0x7E7];
	s15 =	sadd.s32 s3, s15  }
0x202: {  	[tilespmem:s26], [sflag:$0x1] =	stream.linear.gather [hbm4b:s15+s2], $0x80, $0x38;
	[tilespmem:$0x4080] =	vst v63  }
0x203: {  	s15 =	sand.u32 $0x1FFFFFF0, s28  }
0x204: {  	s15 =	sadd.s32 s3, s15  }
0x205: {  	v0 =	vshll.u32 v62, $0x4;
	[tilespmem:s29], [sflag:$0x2] =	stream.linear.gather [hbm4b:s15+s2], $0x80, $0x38;
	[tilespmem:$0x4080] =	vst v63  }
0x206: {  	s31 =	sld [smem:$0x7E8];
	s19 =	spop (v2sf);
	(v2sf) =	vpush v0, $0x0  }
0x207: {  	s15 =	sand.u32 $0x1FFFFFF0, s30  }
0x208: {  	s18 =	sld [smem:$0x7E9];
	s15 =	sadd.s32 s3, s15;
	s21 =	spop (v2sf);
	(v2sf) =	vpush v0, $0x1  }
0x209: {  	[tilespmem:s31], [sflag:$0x3] =	stream.linear.gather [hbm4b:s15+s2], $0x80, $0x38;
	[tilespmem:$0x4080] =	vst v63  }
0x20a: {  	s15 =	sand.u32 $0x1FFFFFF0, s17;
	s23 =	spop (v2sf);
	(v2sf) =	vpush v0, $0x2  }
0x20b: {  	s15 =	sadd.s32 s3, s15  }
0x20c: {  	[tilespmem:s18], [sflag:$0x4] =	stream.linear.gather [hbm4b:s15+s2], $0x80, $0x38;
	[tilespmem:$0x4080] =	vst v63  }
0x20d: {  	s20 =	sld [smem:$0x7EA];
	s25 =	spop (v2sf);
	(v2sf) =	vpush v0, $0x3  }
0x20e: {  	s15 =	sand.u32 $0x1FFFFFF0, s19  }
0x20f: {  	s22 =	sld [smem:$0x7EB];
	s15 =	sadd.s32 s3, s15  }
0x210: {  	[tilespmem:s20], [sflag:$0x5] =	stream.linear.gather [hbm4b:s15+s2], $0x80, $0x38;
	[tilespmem:$0x4080] =	vst v63  }
0x211: {  	s15 =	sand.u32 $0x1FFFFFF0, s21  }
0x212: {  	s24 =	sld [smem:$0x7EC];
	s15 =	sadd.s32 s3, s15  }
0x213: {  	[tilespmem:s22], [sflag:$0x6] =	stream.linear.gather [hbm4b:s15+s2], $0x80, $0x38;
	[tilespmem:$0x4080] =	vst v63  }
0x214: {  	s15 =	sand.u32 $0x1FFFFFF0, s23  }
0x215: {  	s15 =	sadd.s32 s3, s15;
	s28 =	spop (v2sf);
	(v2sf) =	vpush v0, $0x4  }
0x216: {  	[tilespmem:s24], [sflag:$0x7] =	stream.linear.gather [hbm4b:s15+s2], $0x80, $0x38;
	[tilespmem:$0x4080] =	vst v63  }
0x217: {  	s26 =	sld [smem:$0x7ED];
	s30 =	spop (v2sf);
	(v2sf) =	vpush v0, $0x5  }
0x218: {  	s15 =	sand.u32 $0x1FFFFFF0, s25  }
0x219: {  	s29 =	sld [smem:$0x7EE];
	s15 =	sadd.s32 s3, s15;
	s17 =	spop (v2sf);
	(v2sf) =	vpush v0, $0x6  }
0x21a: {  	[tilespmem:s26], [sflag:$0x8] =	stream.linear.gather [hbm4b:s15+s2], $0x80, $0x38;
	[tilespmem:$0x4080] =	vst v63  }
0x21b: {  	s15 =	sand.u32 $0x1FFFFFF0, s28  }
0x21c: {  	s31 =	sld [smem:$0x7EF];
	s15 =	sadd.s32 s3, s15;
	s19 =	spop (v2sf);
	(v2sf) =	vpush v0, $0x7  }
0x21d: {  	[tilespmem:s29], [sflag:$0x1] =	stream.linear.gather [hbm4b:s15+s2], $0x80, $0x38;
	[tilespmem:$0x4080] =	vst v63  }
0x21e: {  	s15 =	sand.u32 $0x1FFFFFF0, s30  }
0x21f: {  	s18 =	sld [smem:$0x7F0];
	s15 =	sadd.s32 s3, s15  }
0x220: {  	[tilespmem:s31], [sflag:$0x2] =	stream.linear.gather [hbm4b:s15+s2], $0x80, $0x38;
	[tilespmem:$0x4080] =	vst v63  }
0x221: {  	s15 =	sand.u32 $0x1FFFFFF0, s17  }
0x222: {  	s15 =	sadd.s32 s3, s15  }
0x223: {  	[tilespmem:s18], [sflag:$0x3] =	stream.linear.gather [hbm4b:s15+s2], $0x80, $0x38;
	[tilespmem:$0x4080] =	vst v63  }
0x224: {  	s20 =	sld [smem:$0x7F1];
	s21 =	spop (v2sf);
	(v2sf) =	vpush v0, $0x8  }
0x225: {  	s15 =	sand.u32 $0x1FFFFFF0, s19  }
0x226: {  	s22 =	sld [smem:$0x7F2];
	s15 =	sadd.s32 s3, s15;
	s23 =	spop (v2sf);
	(v2sf) =	vpush v0, $0x9  }
0x227: {  	[tilespmem:s20], [sflag:$0x4] =	stream.linear.gather [hbm4b:s15+s2], $0x80, $0x38;
	[tilespmem:$0x4080] =	vst v63  }
0x228: {  	s15 =	sand.u32 $0x1FFFFFF0, s21;
	s25 =	spop (v2sf);
	(v2sf) =	vpush v0, $0xA  }
0x229: {  	s15 =	sadd.s32 s3, s15  }
0x22a: {  	[tilespmem:s22], [sflag:$0x5] =	stream.linear.gather [hbm4b:s15+s2], $0x80, $0x38;
	[tilespmem:$0x4080] =	vst v63  }
0x22b: {  	s24 =	sld [smem:$0x7F3];
	s28 =	spop (v2sf);
	(v2sf) =	vpush v0, $0xB  }
0x22c: {  	s15 =	sand.u32 $0x1FFFFFF0, s23  }
0x22d: {  	s26 =	sld [smem:$0x7F4];
	s15 =	sadd.s32 s3, s15  }
0x22e: {  	[tilespmem:s24], [sflag:$0x6] =	stream.linear.gather [hbm4b:s15+s2], $0x80, $0x38;
	[tilespmem:$0x4080] =	vst v63  }
0x22f: {  	s15 =	sand.u32 $0x1FFFFFF0, s25  }
0x230: {  	s29 =	sld [smem:$0x7F5];
	s15 =	sadd.s32 s3, s15  }
0x231: {  	[tilespmem:s26], [sflag:$0x7] =	stream.linear.gather [hbm4b:s15+s2], $0x80, $0x38;
	[tilespmem:$0x4080] =	vst v63  }
0x232: {  	s15 =	sand.u32 $0x1FFFFFF0, s28  }
0x233: {  	s15 =	sadd.s32 s3, s15;
	s30 =	spop (v2sf);
	(v2sf) =	vpush v0, $0xC  }
0x234: {  	[tilespmem:s29], [sflag:$0x8] =	stream.linear.gather [hbm4b:s15+s2], $0x80, $0x38;
	[tilespmem:$0x4080] =	vst v63  }
0x235: {  	s31 =	sld [smem:$0x7F6];
	s16 =	spop (v2sf);
	(v2sf) =	vpush v0, $0xD  }
0x236: {  	s15 =	sand.u32 $0x1FFFFFF0, s30  }
0x237: {  	s17 =	sld [smem:$0x7F7];
	s15 =	sadd.s32 s3, s15;
	s18 =	spop (v2sf)  }
0x238: {  	(v2sf) =	vpush v0, $0xE;
	[tilespmem:s31], [sflag:$0x1] =	stream.linear.gather [hbm4b:s15+s2], $0x80, $0x38;
	[tilespmem:$0x4080] =	vst v63  }
0x239: {  	s15 =	sand.u32 $0x1FFFFFF0, s16  }
0x23a: {  	s19 =	sld [smem:$0x7F8];
	s20 =	spop (v2sf);
	s15 =	sadd.s32 s3, s15  }
0x23b: {  	(v2sf) =	vpush v0, $0xF;
	[tilespmem:s17], [sflag:$0x2] =	stream.linear.gather [hbm4b:s15+s2], $0x80, $0x38;
	[tilespmem:$0x4080] =	vst v63  }
0x23c: {  	s15 =	sand.u32 $0x1FFFFFF0, s18  }
0x23d: {  	s21 =	sld [smem:$0x7F9];
	s15 =	sadd.s32 s3, s15  }
0x23e: {  	[tilespmem:s19], [sflag:$0x3] =	stream.linear.gather [hbm4b:s15+s2], $0x80, $0x38;
	[tilespmem:$0x4080] =	vst v63  }
0x23f: {  	s15 =	sand.u32 $0x1FFFFFF0, s20  }
0x240: {  	s15 =	sadd.s32 s3, s15  }
0x241: {  	[tilespmem:s21], [sflag:$0x4] =	stream.linear.gather [hbm4b:s15+s2], $0x80, $0x38;
	[tilespmem:$0x4080] =	vst v63  }
0x242: {  	s23 =	sld [smem:$0x7FA];
	s22 =	spop (v2sf)  }
0x243: {  	s15 =	sand.u32 $0x1FFFFFF0, s22  }
0x244: {  	s25 =	sld [smem:$0x7FB];
	s24 =	spop (v2sf);
	s15 =	sadd.s32 s3, s15  }
0x245: {  	[tilespmem:s23], [sflag:$0x5] =	stream.linear.gather [hbm4b:s15+s2], $0x80, $0x38;
	[tilespmem:$0x4080] =	vst v63  }
0x246: {  	s15 =	sand.u32 $0x1FFFFFF0, s24  }
0x247: {  	s28 =	sld [smem:$0x7FC];
	s26 =	spop (v2sf);
	s15 =	sadd.s32 s3, s15  }
0x248: {  	[tilespmem:s25], [sflag:$0x6] =	stream.linear.gather [hbm4b:s15+s2], $0x80, $0x38;
	[tilespmem:$0x4080] =	vst v63  }
0x249: {  	s15 =	sand.u32 $0x1FFFFFF0, s26  }
0x24a: {  	s30 =	sld [smem:$0x7FD];
	s29 =	spop (v2sf);
	s15 =	sadd.s32 s3, s15  }
0x24b: {  	[tilespmem:s28], [sflag:$0x7] =	stream.linear.gather [hbm4b:s15+s2], $0x80, $0x38;
	[tilespmem:$0x4080] =	vst v63  }
0x24c: {  	s15 =	sand.u32 $0x1FFFFFF0, s29  }
0x24d: {  	s15 =	sadd.s32 s3, s15  }
0x24e: {  	[tilespmem:s30], [sflag:$0x8] =	stream.linear.gather [hbm4b:s15+s2], $0x80, $0x38;
	[tilespmem:$0x4080] =	vst v63  }
0x24f: {  	_ =	swait.ge [sflag:s7], $0x80  }
0x250: {  	[sflag:s7] =	ssyncset.done $0x0  }
0x251: {  	[sflag:s7] =	ssyncadd.s32 $0xFFFFFF80  }
0x252: {  	_ =	swait.ge [sflag:s8], $0x80  }
0x253: {  	[sflag:s8] =	ssyncset.done $0x0  }
0x254: {  	[sflag:s8] =	ssyncadd.s32 $0xFFFFFF80  }
0x255: {  	_ =	swait.ge [sflag:s9], $0x80  }
0x256: {  	[sflag:s9] =	ssyncset.done $0x0  }
0x257: {  	[sflag:s9] =	ssyncadd.s32 $0xFFFFFF80  }
0x258: {  	_ =	swait.ge [sflag:s10], $0x80  }
0x259: {  	[sflag:s10] =	ssyncset.done $0x0  }
0x25a: {  	[sflag:s10] =	ssyncadd.s32 $0xFFFFFF80  }
0x25b: {  	_ =	swait.ge [sflag:s11], $0x80  }
0x25c: {  	[sflag:s11] =	ssyncset.done $0x0  }
0x25d: {  	[sflag:s11] =	ssyncadd.s32 $0xFFFFFF80  }
0x25e: {  	_ =	swait.ge [sflag:s12], $0x80  }
0x25f: {  	[sflag:s12] =	ssyncset.done $0x0  }
0x260: {  	[sflag:s12] =	ssyncadd.s32 $0xFFFFFF80  }
0x261: {  	_ =	swait.ge [sflag:s13], $0x80  }
0x262: {  	[sflag:s13] =	ssyncset.done $0x0  }
0x263: {  	[sflag:s13] =	ssyncadd.s32 $0xFFFFFF80  }
0x264: {  	_ =	swait.ge [sflag:s14], $0x80  }
0x265: {  	[sflag:s14] =	ssyncset.done $0x0  }
0x266: {  	[sflag:s14] =	ssyncadd.s32 $0xFFFFFF80  }
0x267: {  	_ =	swait.ge [sflag:s7], $0x80  }
0x268: {  	[sflag:s7] =	ssyncset.done $0x0  }
0x269: {  	[sflag:s7] =	ssyncadd.s32 $0xFFFFFF80  }
0x26a: {  	_ =	swait.ge [sflag:s8], $0x80  }
0x26b: {  	[sflag:s8] =	ssyncset.done $0x0  }
0x26c: {  	[sflag:s8] =	ssyncadd.s32 $0xFFFFFF80  }
0x26d: {  	_ =	swait.ge [sflag:s9], $0x80  }
0x26e: {  	[sflag:s9] =	ssyncset.done $0x0  }
0x26f: {  	[sflag:s9] =	ssyncadd.s32 $0xFFFFFF80  }
0x270: {  	_ =	swait.ge [sflag:s10], $0x80  }
0x271: {  	[sflag:s10] =	ssyncset.done $0x0  }
0x272: {  	[sflag:s10] =	ssyncadd.s32 $0xFFFFFF80  }
0x273: {  	_ =	swait.ge [sflag:s11], $0x80  }
0x274: {  	[sflag:s11] =	ssyncset.done $0x0  }
0x275: {  	[sflag:s11] =	ssyncadd.s32 $0xFFFFFF80  }
0x276: {  	_ =	swait.ge [sflag:s12], $0x80  }
0x277: {  	[sflag:s12] =	ssyncset.done $0x0  }
0x278: {  	[sflag:s12] =	ssyncadd.s32 $0xFFFFFF80  }
0x279: {  	_ =	swait.ge [sflag:s13], $0x80  }
0x27a: {  	[sflag:s13] =	ssyncset.done $0x0  }
0x27b: {  	[sflag:s13] =	ssyncadd.s32 $0xFFFFFF80  }
0x27c: {  	_ =	swait.ge [sflag:s14], $0x80  }
0x27d: {  	[sflag:s14] =	ssyncset.done $0x0  }
0x27e: {  	[sflag:s14] =	ssyncadd.s32 $0xFFFFFF80  }
0x27f: {  	_ =	swait.ge [sflag:s7], $0x80  }
0x280: {  	[sflag:s7] =	ssyncset.done $0x0  }
0x281: {  	[sflag:s7] =	ssyncadd.s32 $0xFFFFFF80  }
0x282: {  	_ =	swait.ge [sflag:s8], $0x80  }
0x283: {  	[sflag:s8] =	ssyncset.done $0x0  }
0x284: {  	[sflag:s8] =	ssyncadd.s32 $0xFFFFFF80  }
0x285: {  	_ =	swait.ge [sflag:s9], $0x80  }
0x286: {  	[sflag:s9] =	ssyncset.done $0x0  }
0x287: {  	[sflag:s9] =	ssyncadd.s32 $0xFFFFFF80  }
0x288: {  	_ =	swait.ge [sflag:s10], $0x80  }
0x289: {  	[sflag:s10] =	ssyncset.done $0x0  }
0x28a: {  	[sflag:s10] =	ssyncadd.s32 $0xFFFFFF80  }
0x28b: {  	_ =	swait.ge [sflag:s11], $0x80  }
0x28c: {  	[sflag:s11] =	ssyncset.done $0x0  }
0x28d: {  	[sflag:s11] =	ssyncadd.s32 $0xFFFFFF80  }
0x28e: {  	_ =	swait.ge [sflag:s12], $0x80  }
0x28f: {  	[sflag:s12] =	ssyncset.done $0x0  }
0x290: {  	[sflag:s12] =	ssyncadd.s32 $0xFFFFFF80  }
0x291: {  	_ =	swait.ge [sflag:s13], $0x80  }
0x292: {  	[sflag:s13] =	ssyncset.done $0x0  }
0x293: {  	[sflag:s13] =	ssyncadd.s32 $0xFFFFFF80  }
0x294: {  	_ =	swait.ge [sflag:s14], $0x80  }
0x295: {  	[sflag:s14] =	ssyncset.done $0x0  }
0x296: {  	[sflag:s14] =	ssyncadd.s32 $0xFFFFFF80  }
0x297: {  	_ =	swait.ge [sflag:s7], $0x80  }
0x298: {  	[sflag:s7] =	ssyncset.done $0x0  }
0x299: {  	[sflag:s7] =	ssyncadd.s32 $0xFFFFFF80  }
0x29a: {  	_ =	swait.ge [sflag:s8], $0x80  }
0x29b: {  	[sflag:s8] =	ssyncset.done $0x0  }
0x29c: {  	[sflag:s8] =	ssyncadd.s32 $0xFFFFFF80  }
0x29d: {  	_ =	swait.ge [sflag:s9], $0x80  }
0x29e: {  	[sflag:s9] =	ssyncset.done $0x0  }
0x29f: {  	[sflag:s9] =	ssyncadd.s32 $0xFFFFFF80  }
0x2a0: {  	_ =	swait.ge [sflag:s10], $0x80  }
0x2a1: {  	[sflag:s10] =	ssyncset.done $0x0  }
0x2a2: {  	[sflag:s10] =	ssyncadd.s32 $0xFFFFFF80  }
0x2a3: {  	_ =	swait.ge [sflag:s11], $0x80  }
0x2a4: {  	[sflag:s11] =	ssyncset.done $0x0  }
0x2a5: {  	[sflag:s11] =	ssyncadd.s32 $0xFFFFFF80  }
0x2a6: {  	_ =	swait.ge [sflag:s12], $0x80  }
0x2a7: {  	[sflag:s12] =	ssyncset.done $0x0  }
0x2a8: {  	[sflag:s12] =	ssyncadd.s32 $0xFFFFFF80  }
0x2a9: {  	_ =	swait.ge [sflag:s13], $0x80  }
0x2aa: {  	[sflag:s13] =	ssyncset.done $0x0  }
0x2ab: {  	[sflag:s13] =	ssyncadd.s32 $0xFFFFFF80  }
0x2ac: {  	_ =	swait.ge [sflag:s14], $0x80  }
0x2ad: {  	[sflag:s14] =	ssyncset.done $0x0  }
0x2ae: {  	[sflag:s14] =	ssyncadd.s32 $0xFFFFFF80  }
0x2af: {  	_ =	swait.ge [sflag:s7], $0x80  }
0x2b0: {  	[sflag:s7] =	ssyncset.done $0x0  }
0x2b1: {  	[sflag:s7] =	ssyncadd.s32 $0xFFFFFF80  }
0x2b2: {  	_ =	swait.ge [sflag:s8], $0x80  }
0x2b3: {  	[sflag:s8] =	ssyncset.done $0x0  }
0x2b4: {  	[sflag:s8] =	ssyncadd.s32 $0xFFFFFF80  }
0x2b5: {  	_ =	swait.ge [sflag:s9], $0x80  }
0x2b6: {  	[sflag:s9] =	ssyncset.done $0x0  }
0x2b7: {  	[sflag:s9] =	ssyncadd.s32 $0xFFFFFF80  }
0x2b8: {  	_ =	swait.ge [sflag:s10], $0x80  }
0x2b9: {  	[sflag:s10] =	ssyncset.done $0x0  }
0x2ba: {  	[sflag:s10] =	ssyncadd.s32 $0xFFFFFF80  }
0x2bb: {  	_ =	swait.ge [sflag:s11], $0x80  }
0x2bc: {  	[sflag:s11] =	ssyncset.done $0x0  }
0x2bd: {  	[sflag:s11] =	ssyncadd.s32 $0xFFFFFF80  }
0x2be: {  	_ =	swait.ge [sflag:s12], $0x80  }
0x2bf: {  	[sflag:s12] =	ssyncset.done $0x0  }
0x2c0: {  	[sflag:s12] =	ssyncadd.s32 $0xFFFFFF80  }
0x2c1: {  	_ =	swait.ge [sflag:s13], $0x80  }
0x2c2: {  	[sflag:s13] =	ssyncset.done $0x0  }
0x2c3: {  	[sflag:s13] =	ssyncadd.s32 $0xFFFFFF80  }
0x2c4: {  	_ =	swait.ge [sflag:s14], $0x80  }
0x2c5: {  	[sflag:s14] =	ssyncset.done $0x0  }
0x2c6: {  	[sflag:s14] =	ssyncadd.s32 $0xFFFFFF80  }
0x2c7: {  	_ =	swait.ge [sflag:s7], $0x80  }
0x2c8: {  	[sflag:s7] =	ssyncset.done $0x0  }
0x2c9: {  	[sflag:s7] =	ssyncadd.s32 $0xFFFFFF80  }
0x2ca: {  	_ =	swait.ge [sflag:s8], $0x80  }
0x2cb: {  	[sflag:s8] =	ssyncset.done $0x0  }
0x2cc: {  	[sflag:s8] =	ssyncadd.s32 $0xFFFFFF80  }
0x2cd: {  	_ =	swait.ge [sflag:s9], $0x80  }
0x2ce: {  	[sflag:s9] =	ssyncset.done $0x0  }
0x2cf: {  	[sflag:s9] =	ssyncadd.s32 $0xFFFFFF80  }
0x2d0: {  	_ =	swait.ge [sflag:s10], $0x80  }
0x2d1: {  	[sflag:s10] =	ssyncset.done $0x0  }
0x2d2: {  	[sflag:s10] =	ssyncadd.s32 $0xFFFFFF80  }
0x2d3: {  	_ =	swait.ge [sflag:s11], $0x80  }
0x2d4: {  	[sflag:s11] =	ssyncset.done $0x0  }
0x2d5: {  	[sflag:s11] =	ssyncadd.s32 $0xFFFFFF80  }
0x2d6: {  	_ =	swait.ge [sflag:s12], $0x80  }
0x2d7: {  	[sflag:s12] =	ssyncset.done $0x0  }
0x2d8: {  	[sflag:s12] =	ssyncadd.s32 $0xFFFFFF80  }
0x2d9: {  	_ =	swait.ge [sflag:s13], $0x80  }
0x2da: {  	[sflag:s13] =	ssyncset.done $0x0  }
0x2db: {  	[sflag:s13] =	ssyncadd.s32 $0xFFFFFF80  }
0x2dc: {  	_ =	swait.ge [sflag:s14], $0x80  }
0x2dd: {  	[sflag:s14] =	ssyncset.done $0x0  }
0x2de: {  	[sflag:s14] =	ssyncadd.s32 $0xFFFFFF80  }
0x2df: {  	_ =	swait.ge [sflag:s7], $0x80  }
0x2e0: {  	[sflag:s7] =	ssyncset.done $0x0  }
0x2e1: {  	[sflag:s7] =	ssyncadd.s32 $0xFFFFFF80  }
0x2e2: {  	_ =	swait.ge [sflag:s8], $0x80  }
0x2e3: {  	[sflag:s8] =	ssyncset.done $0x0  }
0x2e4: {  	[sflag:s8] =	ssyncadd.s32 $0xFFFFFF80  }
0x2e5: {  	_ =	swait.ge [sflag:s9], $0x80  }
0x2e6: {  	[sflag:s9] =	ssyncset.done $0x0  }
0x2e7: {  	[sflag:s9] =	ssyncadd.s32 $0xFFFFFF80  }
0x2e8: {  	_ =	swait.ge [sflag:s10], $0x80  }
0x2e9: {  	[sflag:s10] =	ssyncset.done $0x0  }
0x2ea: {  	[sflag:s10] =	ssyncadd.s32 $0xFFFFFF80  }
0x2eb: {  	_ =	swait.ge [sflag:s11], $0x80  }
0x2ec: {  	[sflag:s11] =	ssyncset.done $0x0  }
0x2ed: {  	[sflag:s11] =	ssyncadd.s32 $0xFFFFFF80  }
0x2ee: {  	_ =	swait.ge [sflag:s12], $0x80  }
0x2ef: {  	[sflag:s12] =	ssyncset.done $0x0  }
0x2f0: {  	[sflag:s12] =	ssyncadd.s32 $0xFFFFFF80  }
0x2f1: {  	_ =	swait.ge [sflag:s13], $0x80  }
0x2f2: {  	[sflag:s13] =	ssyncset.done $0x0  }
0x2f3: {  	[sflag:s13] =	ssyncadd.s32 $0xFFFFFF80  }
0x2f4: {  	_ =	swait.ge [sflag:s14], $0x80  }
0x2f5: {  	[sflag:s14] =	ssyncset.done $0x0  }
0x2f6: {  	[sflag:s14] =	ssyncadd.s32 $0xFFFFFF80  }
0x2f7: {  	_ =	swait.ge [sflag:s7], $0x80  }
0x2f8: {  	[sflag:s7] =	ssyncset.done $0x0  }
0x2f9: {  	[sflag:s7] =	ssyncadd.s32 $0xFFFFFF80  }
0x2fa: {  	_ =	swait.ge [sflag:s8], $0x80  }
0x2fb: {  	[sflag:s8] =	ssyncset.done $0x0  }
0x2fc: {  	[sflag:s8] =	ssyncadd.s32 $0xFFFFFF80  }
0x2fd: {  	_ =	swait.ge [sflag:s9], $0x80  }
0x2fe: {  	[sflag:s9] =	ssyncset.done $0x0  }
0x2ff: {  	[sflag:s9] =	ssyncadd.s32 $0xFFFFFF80  }
0x300: {  	_ =	swait.ge [sflag:s10], $0x80  }
0x301: {  	[sflag:s10] =	ssyncset.done $0x0  }
0x302: {  	[sflag:s10] =	ssyncadd.s32 $0xFFFFFF80  }
0x303: {  	_ =	swait.ge [sflag:s11], $0x80  }
0x304: {  	[sflag:s11] =	ssyncset.done $0x0  }
0x305: {  	[sflag:s11] =	ssyncadd.s32 $0xFFFFFF80  }
0x306: {  	_ =	swait.ge [sflag:s12], $0x80  }
0x307: {  	[sflag:s12] =	ssyncset.done $0x0  }
0x308: {  	[sflag:s12] =	ssyncadd.s32 $0xFFFFFF80  }
0x309: {  	_ =	swait.ge [sflag:s13], $0x80  }
0x30a: {  	[sflag:s13] =	ssyncset.done $0x0  }
0x30b: {  	[sflag:s13] =	ssyncadd.s32 $0xFFFFFF80  }
0x30c: {  	_ =	swait.ge [sflag:s14], $0x80  }
0x30d: {  	[sflag:s14] =	ssyncset.done $0x0  }
0x30e: {  	[sflag:s14] =	ssyncadd.s32 $0xFFFFFF80  }
0x30f: {  	_ =	swait.ge [sflag:s7], $0x80  }
0x310: {  	[sflag:s7] =	ssyncset.done $0x0  }
0x311: {  	[sflag:s7] =	ssyncadd.s32 $0xFFFFFF80  }
0x312: {  	_ =	swait.ge [sflag:s8], $0x80  }
0x313: {  	[sflag:s8] =	ssyncset.done $0x0  }
0x314: {  	[sflag:s8] =	ssyncadd.s32 $0xFFFFFF80  }
0x315: {  	_ =	swait.ge [sflag:s9], $0x80  }
0x316: {  	[sflag:s9] =	ssyncset.done $0x0  }
0x317: {  	[sflag:s9] =	ssyncadd.s32 $0xFFFFFF80  }
0x318: {  	_ =	swait.ge [sflag:s10], $0x80  }
0x319: {  	[sflag:s10] =	ssyncset.done $0x0  }
0x31a: {  	[sflag:s10] =	ssyncadd.s32 $0xFFFFFF80  }
0x31b: {  	_ =	swait.ge [sflag:s11], $0x80  }
0x31c: {  	[sflag:s11] =	ssyncset.done $0x0  }
0x31d: {  	[sflag:s11] =	ssyncadd.s32 $0xFFFFFF80  }
0x31e: {  	_ =	swait.ge [sflag:s12], $0x80  }
0x31f: {  	[sflag:s12] =	ssyncset.done $0x0  }
0x320: {  	[sflag:s12] =	ssyncadd.s32 $0xFFFFFF80  }
0x321: {  	_ =	swait.ge [sflag:s13], $0x80  }
0x322: {  	[sflag:s13] =	ssyncset.done $0x0  }
0x323: {  	[sflag:s13] =	ssyncadd.s32 $0xFFFFFF80  }
0x324: {  	_ =	swait.ge [sflag:s14], $0x80  }
0x325: {  	[sflag:s14] =	ssyncset.done $0x0  }
0x326: {  	[sflag:s14] =	ssyncadd.s32 $0xFFFFFF80  }
0x327: {  	_ =	swait.ge [sflag:s7], $0x80  }
0x328: {  	[sflag:s7] =	ssyncset.done $0x0  }
0x329: {  	[sflag:s7] =	ssyncadd.s32 $0xFFFFFF80  }
0x32a: {  	_ =	swait.ge [sflag:s8], $0x80  }
0x32b: {  	[sflag:s8] =	ssyncset.done $0x0  }
0x32c: {  	[sflag:s8] =	ssyncadd.s32 $0xFFFFFF80  }
0x32d: {  	_ =	swait.ge [sflag:s9], $0x80  }
0x32e: {  	[sflag:s9] =	ssyncset.done $0x0  }
0x32f: {  	[sflag:s9] =	ssyncadd.s32 $0xFFFFFF80  }
0x330: {  	_ =	swait.ge [sflag:s10], $0x80  }
0x331: {  	[sflag:s10] =	ssyncset.done $0x0  }
0x332: {  	[sflag:s10] =	ssyncadd.s32 $0xFFFFFF80  }
0x333: {  	_ =	swait.ge [sflag:s11], $0x80  }
0x334: {  	[sflag:s11] =	ssyncset.done $0x0  }
0x335: {  	[sflag:s11] =	ssyncadd.s32 $0xFFFFFF80  }
0x336: {  	_ =	swait.ge [sflag:s12], $0x80  }
0x337: {  	[sflag:s12] =	ssyncset.done $0x0  }
0x338: {  	[sflag:s12] =	ssyncadd.s32 $0xFFFFFF80  }
0x339: {  	_ =	swait.ge [sflag:s13], $0x80  }
0x33a: {  	[sflag:s13] =	ssyncset.done $0x0  }
0x33b: {  	[sflag:s13] =	ssyncadd.s32 $0xFFFFFF80  }
0x33c: {  	_ =	swait.ge [sflag:s14], $0x80  }
0x33d: {  	[sflag:s14] =	ssyncset.done $0x0  }
0x33e: {  	[sflag:s14] =	ssyncadd.s32 $0xFFFFFF80  }
0x33f: {  	_ =	swait.ge [sflag:s7], $0x80  }
0x340: {  	[sflag:s7] =	ssyncset.done $0x0  }
0x341: {  	[sflag:s7] =	ssyncadd.s32 $0xFFFFFF80  }
0x342: {  	_ =	swait.ge [sflag:s8], $0x80  }
0x343: {  	[sflag:s8] =	ssyncset.done $0x0  }
0x344: {  	[sflag:s8] =	ssyncadd.s32 $0xFFFFFF80  }
0x345: {  	_ =	swait.ge [sflag:s9], $0x80  }
0x346: {  	[sflag:s9] =	ssyncset.done $0x0  }
0x347: {  	[sflag:s9] =	ssyncadd.s32 $0xFFFFFF80  }
0x348: {  	_ =	swait.ge [sflag:s10], $0x80  }
0x349: {  	[sflag:s10] =	ssyncset.done $0x0  }
0x34a: {  	[sflag:s10] =	ssyncadd.s32 $0xFFFFFF80  }
0x34b: {  	_ =	swait.ge [sflag:s11], $0x80  }
0x34c: {  	[sflag:s11] =	ssyncset.done $0x0  }
0x34d: {  	[sflag:s11] =	ssyncadd.s32 $0xFFFFFF80  }
0x34e: {  	_ =	swait.ge [sflag:s12], $0x80  }
0x34f: {  	[sflag:s12] =	ssyncset.done $0x0  }
0x350: {  	[sflag:s12] =	ssyncadd.s32 $0xFFFFFF80  }
0x351: {  	_ =	swait.ge [sflag:s13], $0x80  }
0x352: {  	[sflag:s13] =	ssyncset.done $0x0  }
0x353: {  	[sflag:s13] =	ssyncadd.s32 $0xFFFFFF80  }
0x354: {  	_ =	swait.ge [sflag:s14], $0x80  }
0x355: {  	[sflag:s14] =	ssyncset.done $0x0  }
0x356: {  	[sflag:s14] =	ssyncadd.s32 $0xFFFFFF80  }
0x357: {  	_ =	swait.ge [sflag:s7], $0x80  }
0x358: {  	[sflag:s7] =	ssyncset.done $0x0  }
0x359: {  	[sflag:s7] =	ssyncadd.s32 $0xFFFFFF80  }
0x35a: {  	_ =	swait.ge [sflag:s8], $0x80  }
0x35b: {  	[sflag:s8] =	ssyncset.done $0x0  }
0x35c: {  	[sflag:s8] =	ssyncadd.s32 $0xFFFFFF80  }
0x35d: {  	_ =	swait.ge [sflag:s9], $0x80  }
0x35e: {  	[sflag:s9] =	ssyncset.done $0x0  }
0x35f: {  	[sflag:s9] =	ssyncadd.s32 $0xFFFFFF80  }
0x360: {  	_ =	swait.ge [sflag:s10], $0x80  }
0x361: {  	[sflag:s10] =	ssyncset.done $0x0  }
0x362: {  	[sflag:s10] =	ssyncadd.s32 $0xFFFFFF80  }
0x363: {  	_ =	swait.ge [sflag:s11], $0x80  }
0x364: {  	[sflag:s11] =	ssyncset.done $0x0  }
0x365: {  	[sflag:s11] =	ssyncadd.s32 $0xFFFFFF80  }
0x366: {  	_ =	swait.ge [sflag:s12], $0x80  }
0x367: {  	[sflag:s12] =	ssyncset.done $0x0  }
0x368: {  	[sflag:s12] =	ssyncadd.s32 $0xFFFFFF80  }
0x369: {  	_ =	swait.ge [sflag:s13], $0x80  }
0x36a: {  	[sflag:s13] =	ssyncset.done $0x0  }
0x36b: {  	[sflag:s13] =	ssyncadd.s32 $0xFFFFFF80  }
0x36c: {  	_ =	swait.ge [sflag:s14], $0x80  }
0x36d: {  	[sflag:s14] =	ssyncset.done $0x0  }
0x36e: {  	[sflag:s14] =	ssyncadd.s32 $0xFFFFFF80  }
0x36f: {  	_ =	swait.ge [sflag:s7], $0x80  }
0x370: {  	[sflag:s7] =	ssyncset.done $0x0  }
0x371: {  	[sflag:s7] =	ssyncadd.s32 $0xFFFFFF80  }
0x372: {  	_ =	swait.ge [sflag:s8], $0x80  }
0x373: {  	[sflag:s8] =	ssyncset.done $0x0  }
0x374: {  	[sflag:s8] =	ssyncadd.s32 $0xFFFFFF80  }
0x375: {  	_ =	swait.ge [sflag:s9], $0x80  }
0x376: {  	[sflag:s9] =	ssyncset.done $0x0  }
0x377: {  	[sflag:s9] =	ssyncadd.s32 $0xFFFFFF80  }
0x378: {  	_ =	swait.ge [sflag:s10], $0x80  }
0x379: {  	[sflag:s10] =	ssyncset.done $0x0  }
0x37a: {  	[sflag:s10] =	ssyncadd.s32 $0xFFFFFF80  }
0x37b: {  	_ =	swait.ge [sflag:s11], $0x80  }
0x37c: {  	[sflag:s11] =	ssyncset.done $0x0  }
0x37d: {  	[sflag:s11] =	ssyncadd.s32 $0xFFFFFF80  }
0x37e: {  	_ =	swait.ge [sflag:s12], $0x80  }
0x37f: {  	[sflag:s12] =	ssyncset.done $0x0  }
0x380: {  	[sflag:s12] =	ssyncadd.s32 $0xFFFFFF80  }
0x381: {  	_ =	swait.ge [sflag:s13], $0x80  }
0x382: {  	[sflag:s13] =	ssyncset.done $0x0  }
0x383: {  	[sflag:s13] =	ssyncadd.s32 $0xFFFFFF80  }
0x384: {  	_ =	swait.ge [sflag:s14], $0x80  }
0x385: {  	[sflag:s14] =	ssyncset.done $0x0  }
0x386: {  	[sflag:s14] =	ssyncadd.s32 $0xFFFFFF80  }
0x387: {  	_ =	swait.ge [sflag:s7], $0x80  }
0x388: {  	[sflag:s7] =	ssyncset.done $0x0  }
0x389: {  	[sflag:s7] =	ssyncadd.s32 $0xFFFFFF80  }
0x38a: {  	_ =	swait.ge [sflag:s8], $0x80  }
0x38b: {  	[sflag:s8] =	ssyncset.done $0x0  }
0x38c: {  	[sflag:s8] =	ssyncadd.s32 $0xFFFFFF80  }
0x38d: {  	_ =	swait.ge [sflag:s9], $0x80  }
0x38e: {  	[sflag:s9] =	ssyncset.done $0x0  }
0x38f: {  	[sflag:s9] =	ssyncadd.s32 $0xFFFFFF80  }
0x390: {  	_ =	swait.ge [sflag:s10], $0x80  }
0x391: {  	[sflag:s10] =	ssyncset.done $0x0  }
0x392: {  	[sflag:s10] =	ssyncadd.s32 $0xFFFFFF80  }
0x393: {  	_ =	swait.ge [sflag:s11], $0x80  }
0x394: {  	[sflag:s11] =	ssyncset.done $0x0  }
0x395: {  	[sflag:s11] =	ssyncadd.s32 $0xFFFFFF80  }
0x396: {  	_ =	swait.ge [sflag:s12], $0x80  }
0x397: {  	[sflag:s12] =	ssyncset.done $0x0  }
0x398: {  	[sflag:s12] =	ssyncadd.s32 $0xFFFFFF80  }
0x399: {  	_ =	swait.ge [sflag:s13], $0x80  }
0x39a: {  	[sflag:s13] =	ssyncset.done $0x0  }
0x39b: {  	[sflag:s13] =	ssyncadd.s32 $0xFFFFFF80  }
0x39c: {  	_ =	swait.ge [sflag:s14], $0x80  }
0x39d: {  	[sflag:s14] =	ssyncset.done $0x0  }
0x39e: {  	[sflag:s14] =	ssyncadd.s32 $0xFFFFFF80  }
0x39f: {  	_ =	swait.ge [sflag:s7], $0x80  }
0x3a0: {  	[sflag:s7] =	ssyncset.done $0x0  }
0x3a1: {  	[sflag:s7] =	ssyncadd.s32 $0xFFFFFF80  }
0x3a2: {  	_ =	swait.ge [sflag:s8], $0x80  }
0x3a3: {  	[sflag:s8] =	ssyncset.done $0x0  }
0x3a4: {  	[sflag:s8] =	ssyncadd.s32 $0xFFFFFF80  }
0x3a5: {  	_ =	swait.ge [sflag:s9], $0x80  }
0x3a6: {  	[sflag:s9] =	ssyncset.done $0x0  }
0x3a7: {  	[sflag:s9] =	ssyncadd.s32 $0xFFFFFF80  }
0x3a8: {  	_ =	swait.ge [sflag:s10], $0x80  }
0x3a9: {  	[sflag:s10] =	ssyncset.done $0x0  }
0x3aa: {  	[sflag:s10] =	ssyncadd.s32 $0xFFFFFF80  }
0x3ab: {  	_ =	swait.ge [sflag:s11], $0x80  }
0x3ac: {  	[sflag:s11] =	ssyncset.done $0x0  }
0x3ad: {  	[sflag:s11] =	ssyncadd.s32 $0xFFFFFF80  }
0x3ae: {  	_ =	swait.ge [sflag:s12], $0x80  }
0x3af: {  	[sflag:s12] =	ssyncset.done $0x0  }
0x3b0: {  	[sflag:s12] =	ssyncadd.s32 $0xFFFFFF80  }
0x3b1: {  	_ =	swait.ge [sflag:s13], $0x80  }
0x3b2: {  	[sflag:s13] =	ssyncset.done $0x0  }
0x3b3: {  	[sflag:s13] =	ssyncadd.s32 $0xFFFFFF80  }
0x3b4: {  	_ =	swait.ge [sflag:s14], $0x80  }
0x3b5: {  	[sflag:s14] =	ssyncset.done $0x0  }
0x3b6: {  	[sflag:s14] =	ssyncadd.s32 $0xFFFFFF80  }
0x3b7: {  	_ =	swait.ge [sflag:s7], $0x80  }
0x3b8: {  	[sflag:s7] =	ssyncset.done $0x0  }
0x3b9: {  	[sflag:s7] =	ssyncadd.s32 $0xFFFFFF80  }
0x3ba: {  	_ =	swait.ge [sflag:s8], $0x80  }
0x3bb: {  	[sflag:s8] =	ssyncset.done $0x0  }
0x3bc: {  	[sflag:s8] =	ssyncadd.s32 $0xFFFFFF80  }
0x3bd: {  	_ =	swait.ge [sflag:s9], $0x80  }
0x3be: {  	[sflag:s9] =	ssyncset.done $0x0  }
0x3bf: {  	[sflag:s9] =	ssyncadd.s32 $0xFFFFFF80  }
0x3c0: {  	_ =	swait.ge [sflag:s10], $0x80  }
0x3c1: {  	[sflag:s10] =	ssyncset.done $0x0  }
0x3c2: {  	[sflag:s10] =	ssyncadd.s32 $0xFFFFFF80  }
0x3c3: {  	_ =	swait.ge [sflag:s11], $0x80  }
0x3c4: {  	[sflag:s11] =	ssyncset.done $0x0  }
0x3c5: {  	[sflag:s11] =	ssyncadd.s32 $0xFFFFFF80  }
0x3c6: {  	_ =	swait.ge [sflag:s12], $0x80  }
0x3c7: {  	[sflag:s12] =	ssyncset.done $0x0  }
0x3c8: {  	[sflag:s12] =	ssyncadd.s32 $0xFFFFFF80  }
0x3c9: {  	_ =	swait.ge [sflag:s13], $0x80  }
0x3ca: {  	[sflag:s13] =	ssyncset.done $0x0  }
0x3cb: {  	[sflag:s13] =	ssyncadd.s32 $0xFFFFFF80  }
0x3cc: {  	_ =	swait.ge [sflag:s14], $0x80  }
0x3cd: {  	p0 =	sne.s32 s4, $0x1;
	[sflag:s14] =	ssyncset.done $0x0  }
.Ltmp0:
0x3ce: {  	s31 =	rddreg [dreg:$0x4];
	[sflag:s14] =	ssyncadd.s32 $0xFFFFFF80;
	(pc) =	sbr.rel @p0 .LBB2_1-.Ltmp0, $4  }
0x3cf: {  	[hbm4b:s31+s2] =	stream.linear.scatter [tilespmem:s6], [sflag:$0x9], $0x4000, $0x38;
	[tilespmem:$0x4080] =	vst v63  }
0x3d0: {  	_ =	swait.ge [sflag:s5], $0x4000  }
0x3d1: {  	[sflag:s5] =	ssyncset.done $0x0  }
0x3d2: {  	s4 =	sadd.s32 $0xFFFFFFFF, s4;
	[sflag:s5] =	ssyncadd.s32 $0xFFFFC000  }
0x3d3: {  	_ =	sfence.sel $0x180000  }
0x3d4: {  	[bflag:$0x0] =	sbarrier.arrive $0xFFFF  }
0x3d5: {  	p0 =	sne.s32 s0, $0x0;
	_ =	strace $0x90000047  }
0x3d6: {  	s0 =	sadd.s32 @!p0 $0x100000, s1;
	[bflag:$0x2] =	sbarrier.arrive $0xFFFF  }
0x3d7: {  	[sflag:s0] =	ssyncadd.tile.s32 @!p0 $0x1;
	_ =	shalt  }
.Lfunc_end2:
_tile_overlayer_lowered:
.L_overlay_start_2:
0x3d8: {  	(tag) =	ssettag $0x2  }
0x3d9: {  	s0 =	rddreg [dreg:$0x0];
	s2 =	stileid.u32  }
0x3da: {  	s1 =	rddreg [dreg:$0x1];
	p0 =	sne.s32 s2, $0x0  }
0x3db: {  	s3 =	rddreg [dreg:$0x2];
	[bflag:$0x3] =	sbarrier.arrive $0xFFFF;
	s2 =	simm.s32 @!p0 $0x1C09  }
0x3dc: {  	[timem:s3], [sflag:s2] =	dma.local @!p0 [hbm:s0], s1  }
0x3dd: {  	s0 =	simm.s32 @!p0 $0x9  }
0x3de: {  	_ =	swait.ge @!p0 [sflag:s0], s1  }
0x3df: {  	s1 =	ssub.s32 @!p0 $0x0, s1;
	[sflag:s0] =	ssyncset.done @!p0 $0x0  }
0x3e0: {  	[sflag:s0] =	ssyncadd.s32 @!p0 s1  }
0x3e1: {  	[bflag:$0x3] =	sbarrier.arrive $0xFFFF  }
0x3e2: {  	_ =	shalt  }

</sc_bundles>
